<compile_context>
chip_gen: v7x
topology: tpu7x:2x2x1
jax: 0.10.2.dev20260603
libtpu: 0.0.44.dev20260713+nightly
codegen_flags: <defaults>
</compile_context>

<pallas_src>
import functools

import jax
import jax.numpy as jnp
from jax import lax
from jax.experimental import pallas as pl
from jax.experimental.pallas import tpu as pltpu
from jax.experimental.pallas import tpu_sc as plsc

N = 10000
E = 320000
R = 8
H = 64

NC = 2
NS = 16
NW = NC * NS
EPW = E // NW
S = 80
CH = EPW // S
GRP = 5
SEG = 25
N_PAD = 10240
RPT = N_PAD // NS
ZR = 128

RB = 2000



def _enc_body(nf, win, bin_, wcat, x_out, z_out):
    x = jnp.dot(nf[...], win[...], preferred_element_type=jnp.float32) + bin_[...]
    x_out[...] = x
    for q in range(R * H // 128):
        z_out[q] = jnp.dot(x, wcat[:, 128 * q:128 * (q + 1)],
                           preferred_element_type=jnp.float32)


def _encode(nf, W_in, b_in, Wcat0):
    return pl.pallas_call(
        _enc_body,
        grid=(N // RB,),
        in_specs=[
            pl.BlockSpec((RB, 128), lambda i: (i, 0)),
            pl.BlockSpec((128, H), lambda i: (0, 0)),
            pl.BlockSpec((1, H), lambda i: (0, 0)),
            pl.BlockSpec((H, R * H), lambda i: (0, 0)),
        ],
        out_specs=[
            pl.BlockSpec((RB, H), lambda i: (i, 0)),
            pl.BlockSpec((R * H // 128, RB, 128), lambda i: (0, i, 0)),
        ],
        out_shape=[
            jax.ShapeDtypeStruct((N, H), jnp.float32),
            jax.ShapeDtypeStruct((R * H // 128, N, 128), jnp.float32),
        ],
    )(nf, W_in, b_in, Wcat0)


def _layer_tail(h, s_ref, b_ref):
    mu = jnp.mean(h, axis=1, keepdims=True)
    var = jnp.mean((h - mu) ** 2, axis=1, keepdims=True)
    return (h - mu) / jnp.sqrt(var + 1e-5) * s_ref[...] + b_ref[...]


def _mid_body(a0, a1, d0, d1, x, rw, rb, lns, lnb, wcat, h_out, z_out):
    deg = d0[0][:, 0:1] + d1[0][:, 0:1]
    dinv = jnp.where(deg > 0, 1.0 / deg, 0.0)
    h = dinv * (a0[0][:, :H] + a1[0][:, :H])
    h = h + jnp.dot(x[...], rw[...], preferred_element_type=jnp.float32) + rb[...]
    h = jnp.maximum(_layer_tail(h, lns, lnb), 0.0)
    h_out[...] = h
    for q in range(R * H // 128):
        z_out[q] = jnp.dot(h, wcat[:, 128 * q:128 * (q + 1)],
                           preferred_element_type=jnp.float32)


def _mid(a0, d0, x, rootW, rootb, lns, lnb, Wcat1):
    return pl.pallas_call(
        _mid_body,
        grid=(N // RB,),
        in_specs=[
            pl.BlockSpec((1, RB, 128), lambda i: (0, i, 0)),
            pl.BlockSpec((1, RB, 128), lambda i: (1, i, 0)),
            pl.BlockSpec((1, RB, 16), lambda i: (0, i, 0)),
            pl.BlockSpec((1, RB, 16), lambda i: (1, i, 0)),
            pl.BlockSpec((RB, H), lambda i: (i, 0)),
            pl.BlockSpec((H, H), lambda i: (0, 0)),
            pl.BlockSpec((1, H), lambda i: (0, 0)),
            pl.BlockSpec((1, H), lambda i: (0, 0)),
            pl.BlockSpec((1, H), lambda i: (0, 0)),
            pl.BlockSpec((H, R * H), lambda i: (0, 0)),
        ],
        out_specs=[
            pl.BlockSpec((RB, H), lambda i: (i, 0)),
            pl.BlockSpec((R * H // 128, RB, 128), lambda i: (0, i, 0)),
        ],
        out_shape=[
            jax.ShapeDtypeStruct((N, H), jnp.float32),
            jax.ShapeDtypeStruct((R * H // 128, N, 128), jnp.float32),
        ],
    )(a0, a0, d0, d0, x, rootW, rootb, lns, lnb, Wcat1)


def _fin_body(a0, a1, d0, d1, h, rw, rb, lns, lnb, out):
    deg = d0[0][:, 0:1] + d1[0][:, 0:1]
    dinv = jnp.where(deg > 0, 1.0 / deg, 0.0)
    o = dinv * (a0[0][:, :H] + a1[0][:, :H])
    o = o + jnp.dot(h[...], rw[...], preferred_element_type=jnp.float32) + rb[...]
    out[...] = _layer_tail(o, lns, lnb)


def _final(a0, d0, h, rootW, rootb, lns, lnb):
    return pl.pallas_call(
        _fin_body,
        grid=(N // RB,),
        in_specs=[
            pl.BlockSpec((1, RB, 128), lambda i: (0, i, 0)),
            pl.BlockSpec((1, RB, 128), lambda i: (1, i, 0)),
            pl.BlockSpec((1, RB, 16), lambda i: (0, i, 0)),
            pl.BlockSpec((1, RB, 16), lambda i: (1, i, 0)),
            pl.BlockSpec((RB, H), lambda i: (i, 0)),
            pl.BlockSpec((H, H), lambda i: (0, 0)),
            pl.BlockSpec((1, H), lambda i: (0, 0)),
            pl.BlockSpec((1, H), lambda i: (0, 0)),
            pl.BlockSpec((1, H), lambda i: (0, 0)),
        ],
        out_specs=pl.BlockSpec((RB, H), lambda i: (i, 0)),
        out_shape=jax.ShapeDtypeStruct((N, H), jnp.float32),
    )(a0, a0, d0, d0, h, rootW, rootb, lns, lnb)



def _make_sc_prep():
    mesh = plsc.VectorSubcoreMesh(
        core_axis_name="c", subcore_axis_name="s", num_cores=NC)
    out_type = (
        jax.ShapeDtypeStruct((NW, CH, S), jnp.int32),
        jax.ShapeDtypeStruct((NC, N_PAD, 16), jnp.float32),
    )
    scratch = [
        pltpu.VMEM((SEG, S), jnp.int32),
        pltpu.VMEM((CH, S), jnp.int32),
        pltpu.VMEM((CH, S), jnp.int32),
        pltpu.VMEM((S, 16), jnp.float32),
        pltpu.VMEM((ZR, 16), jnp.float32),
        pltpu.VMEM_SHARED((N_PAD, 16), jnp.float32),
        pltpu.SemaphoreType.DMA,
    ]

    def body(srcs, rels, dsts, idx_out, deg_out,
             rseg_v, idx_v, dst_v, ones_v, zdeg_v, deg_sh, dsem):
        cid = lax.axis_index("c")
        sid = lax.axis_index("s")
        wid = sid * NC + cid
        base = sid * RPT

        pltpu.sync_copy(srcs.at[wid], idx_v)
        pltpu.sync_copy(dsts.at[wid], dst_v)

        z16 = jnp.zeros((16,), jnp.float32)
        o16 = jnp.ones((16,), jnp.float32)

        def fill(i, _):
            zdeg_v[i, :] = z16
            return 0

        lax.fori_loop(0, ZR, fill, 0)

        def ofill(i, _):
            ones_v[i, :] = o16
            return 0

        lax.fori_loop(0, S, ofill, 0)
        for k in range(RPT // ZR):
            pltpu.sync_copy(zdeg_v, deg_sh.at[pl.ds(base + k * ZR, ZR)])

        for sg in range(CH // SEG):
            pltpu.sync_copy(rels.at[wid, pl.ds(sg * SEG, SEG)], rseg_v)

            def ex(c, _):
                for j in range(S // 16):
                    sl = pl.ds(j * 16, 16)
                    r16 = rseg_v[c, sl]
                    idx_v[sg * SEG + c, sl] = (
                        lax.shift_right_logical(r16, 1) * (2 * N)
                        + idx_v[sg * SEG + c, sl] * 2
                        + lax.bitwise_and(r16, 1))
                return 0

            lax.fori_loop(0, SEG, ex, 0)

        pltpu.sync_copy(idx_v, idx_out.at[wid])

        plsc.subcore_barrier()

        def dgrp(g, _):
            for b in range(GRP):
                pltpu.async_copy(ones_v, deg_sh.at[dst_v.at[g * GRP + b]],
                                 dsem, add=True)

            @pl.when(g > 0)
            def _():
                for b in range(GRP):
                    pltpu.make_async_copy(deg_out.at[0, pl.ds(0, S)],
                                          ones_v, dsem).wait()
            return 0

        lax.fori_loop(0, CH // GRP, dgrp, 0)
        for b in range(GRP):
            pltpu.make_async_copy(deg_out.at[0, pl.ds(0, S)],
                                  ones_v, dsem).wait()

        plsc.subcore_barrier()
        pltpu.sync_copy(deg_sh.at[pl.ds(base, RPT)],
                        deg_out.at[cid, pl.ds(base, RPT)])

    return functools.partial(
        pl.kernel, mesh=mesh, out_type=out_type, scratch_types=scratch,
        compiler_params=pltpu.CompilerParams(use_tc_tiling_on_sc=False,
                                             needs_layout_passes=False),
    )(body)


def _make_sc_agg():
    mesh = plsc.VectorSubcoreMesh(
        core_axis_name="c", subcore_axis_name="s", num_cores=NC)
    out_type = jax.ShapeDtypeStruct((NC, N_PAD, 128), jnp.float32)
    scratch = [
        pltpu.VMEM((CH, S), jnp.int32),
        pltpu.VMEM((CH, S), jnp.int32),
        pltpu.VMEM((2 * GRP * S, H), jnp.float32),
        pltpu.VMEM_SHARED((N_PAD, H), jnp.float32),
        [pltpu.SemaphoreType.DMA] * (2 * GRP),
        [pltpu.SemaphoreType.DMA] * 2,
    ]

    def body(table, idxs, dsts, agg_out,
             idx_v, dst_v, rows_v, acc_sh, gsems, ssems):
        cid = lax.axis_index("c")
        sid = lax.axis_index("s")
        wid = sid * NC + cid
        base = sid * RPT

        pltpu.sync_copy(idxs.at[wid], idx_v)
        pltpu.sync_copy(dsts.at[wid], dst_v)

        z16 = jnp.zeros((16,), jnp.float32)

        def zfill(i, _):
            for j in range(H // 16):
                rows_v[i, pl.ds(j * 16, 16)] = z16
            return 0

        lax.fori_loop(0, ZR, zfill, 0)
        for k in range(RPT // ZR):
            pltpu.sync_copy(rows_v.at[pl.ds(0, ZR)],
                            acc_sh.at[pl.ds(base + k * ZR, ZR)])

        plsc.subcore_barrier()

        def drain_rows(half):
            for b in range(GRP):
                pltpu.make_async_copy(
                    table.at[pl.ds(0, S)],
                    rows_v.at[pl.ds((half * GRP + b) * S, S)],
                    ssems[half]).wait()

        def fire_group(g, half):
            c0 = g * GRP
            off = half * GRP * S
            gets = [
                pltpu.async_copy(table.at[idx_v.at[c0 + b]],
                                 rows_v.at[pl.ds(off + b * S, S)],
                                 gsems[half * GRP + b])
                for b in range(GRP)
            ]
            for b in range(GRP):
                gets[b].wait()
                pltpu.async_copy(rows_v.at[pl.ds(off + b * S, S)],
                                 acc_sh.at[dst_v.at[c0 + b]],
                                 ssems[half], add=True)

        def pair(p, _):
            @pl.when(p > 0)
            def _():
                drain_rows(0)
            fire_group(2 * p, 0)

            @pl.when(p > 0)
            def _():
                drain_rows(1)
            fire_group(2 * p + 1, 1)
            return 0

        npair = (CH // GRP) // 2
        lax.fori_loop(0, npair, pair, 0)
        drain_rows(0)
        fire_group(CH // GRP - 1, 0)
        drain_rows(0)
        drain_rows(1)

        plsc.subcore_barrier()

        pltpu.sync_copy(acc_sh.at[pl.ds(base, RPT)],
                        agg_out.at[cid, pl.ds(base, RPT), pl.ds(0, H)])

    return functools.partial(
        pl.kernel, mesh=mesh, out_type=out_type, scratch_types=scratch,
        compiler_params=pltpu.CompilerParams(use_tc_tiling_on_sc=False,
                                             needs_layout_passes=False),
    )(body)


_sc_cache = {}


def _sc_kernel(which):
    if which not in _sc_cache:
        _sc_cache[which] = _make_sc_prep() if which == "prep" else _make_sc_agg()
    return _sc_cache[which]



def kernel(node_features, edge_triples, num_nodes, W_in, b_in, basis0, att0,
           rootW0, rootb0, ln_s0, ln_b0, basis1, att1, rootW1, rootb1,
           ln_s1, ln_b1):
    src = edge_triples[:, 0].astype(jnp.int32).reshape(NW, CH, S)
    rel = edge_triples[:, 1].astype(jnp.int32).reshape(NW, CH, S)
    dsts = edge_triples[:, 2].astype(jnp.int32).reshape(NW, CH, S)
    Wcat0 = jnp.einsum('rb,bio->iro', att0, basis0).reshape(H, R * H)
    Wcat1 = jnp.einsum('rb,bio->iro', att1, basis1).reshape(H, R * H)

    idxs, deg = _sc_kernel("prep")(src, rel, dsts)
    x, z0 = _encode(node_features, W_in, b_in.reshape(1, H), Wcat0)
    agg0 = _sc_kernel("agg")(z0.reshape(N * R, H), idxs, dsts)
    h, z1 = _mid(agg0, deg, x, rootW0,
                 rootb0.reshape(1, H), ln_s0.reshape(1, H),
                 ln_b0.reshape(1, H), Wcat1)
    agg1 = _sc_kernel("agg")(z1.reshape(N * R, H), idxs, dsts)
    out = _final(agg1, deg, h, rootW1,
                 rootb1.reshape(1, H), ln_s1.reshape(1, H),
                 ln_b1.reshape(1, H))
    return out

# --- scband reference (transcript-rebuilt; emitter-appended) ---
"""Pipeline reference for scband-batch-relational-encoder-67044439491169 (READ-ONLY COPY).

The authoritative reference and input builder live on the scoring server;
editing this copy changes nothing except your own understanding.
"""

import jax, jax.numpy as jnp
import numpy as np

N = 10000
E = 320000
C_IN = 128
H = 64
C_OUT = 64
R = 8
NB = 4


def _xavier(k, shape, gain=1.0):
    fan_in, fan_out = shape[-2], shape[-1]
    a = gain * np.sqrt(6.0 / (fan_in + fan_out))
    return jax.random.uniform(k, shape, jnp.float32, -a, a)


def setup_inputs(seed: int = 0):
    key = jax.random.key(seed)
    ks = jax.random.split(key, 12)
    node_features = jax.random.normal(ks[0], (N, C_IN), dtype=jnp.float32)
    src = jax.random.randint(ks[1], (E,), 0, N)
    rel = jax.random.randint(ks[2], (E,), 0, R)
    dst = jax.random.randint(ks[3], (E,), 0, N)
    edge_triples = jnp.stack([src, rel, dst], axis=1)
    gain = float(np.sqrt(2.0))
    return {
        "node_features": node_features,
        "edge_triples": edge_triples,
        "num_nodes": N,
        "W_in": _xavier(ks[4], (C_IN, H)),
        "b_in": jnp.zeros((H,), jnp.float32),
        "basis0": _xavier(ks[5], (NB, H, H), gain),
        "att0": _xavier(ks[6], (R, NB), gain),
        "rootW0": _xavier(ks[7], (H, H)),
        "rootb0": jnp.zeros((H,), jnp.float32),
        "ln_s0": jnp.ones((H,), jnp.float32),
        "ln_b0": jnp.zeros((H,), jnp.float32),
        "basis1": _xavier(ks[8], (NB, H, C_OUT), gain),
        "att1": _xavier(ks[9], (R, NB), gain),
        "rootW1": _xavier(ks[10], (H, C_OUT)),
        "rootb1": jnp.zeros((C_OUT,), jnp.float32),
        "ln_s1": jnp.ones((C_OUT,), jnp.float32),
        "ln_b1": jnp.zeros((C_OUT,), jnp.float32),
    }


def _layer_norm(x, s, b):
    mu = jnp.mean(x, axis=-1, keepdims=True)
    var = jnp.var(x, axis=-1, keepdims=True)
    return (x - mu) / jnp.sqrt(var + 1e-5) * s + b


def _rel_conv(x, edge_triples, num_nodes, basis, att, rootW, rootb):
    src = edge_triples[:, 0]
    rel = edge_triples[:, 1]
    dst = edge_triples[:, 2]
    src_emb = x[src]
    # messages[e] = src_emb[e] @ (att[rel[e]] . basis); computed with reassociated
    # einsums (identical math to gathering weights[rel] and doing per-edge bmm,
    # but avoids materializing [E, in, out]).
    tmp = jnp.einsum('ei,bio->ebo', src_emb, basis)
    messages = jnp.einsum('eb,ebo->eo', att[rel], tmp)
    n_static = x.shape[0]
    deg = jnp.zeros((n_static,), jnp.float32).at[dst].add(1.0)
    deg_inv = jnp.where(deg > 0, 1.0 / deg, 0.0)
    messages = messages * deg_inv[dst][:, None]
    out = jnp.zeros((n_static, basis.shape[-1]), jnp.float32).at[dst].add(messages)
    out = out + jnp.zeros((), jnp.float32) * num_nodes
    return out + x @ rootW + rootb


def reference(node_features, edge_triples, num_nodes, W_in, b_in, basis0, att0, rootW0, rootb0, ln_s0, ln_b0, basis1, att1, rootW1, rootb1, ln_s1, ln_b1):
    x = node_features @ W_in + b_in
    x = _rel_conv(x, edge_triples, num_nodes, basis0, att0, rootW0, rootb0)
    x = _layer_norm(x, ln_s0, ln_b0)
    x = jax.nn.relu(x)
    # dropout is identity in eval mode
    x = _rel_conv(x, edge_triples, num_nodes, basis1, att1, rootW1, rootb1)
    x = _layer_norm(x, ln_s1, ln_b1)
    return x

if __name__ == "__main__":
    import jax
    _d = setup_inputs()
    print(jax.jit(kernel)(*tuple(_d.values())))

</pallas_src>

<mosaic_0001>
#map = affine_map<(d0, d1) -> (0, 0, 0)>
module attributes {stable_mosaic.version = 14 : i64} {
  func.func @body(%arg0: i32, %arg1: i32, %arg2: memref<32x125x80xi32, #tpu.memory_space<hbm>>, %arg3: memref<32x125x80xi32, #tpu.memory_space<hbm>>, %arg4: memref<32x125x80xi32, #tpu.memory_space<hbm>>, %arg5: memref<32x125x80xi32, #tpu.memory_space<hbm>>, %arg6: memref<2x10240x16xf32, #tpu.memory_space<hbm>>, %arg7: memref<25x80xi32, #tpu.memory_space<vmem>>, %arg8: memref<125x80xi32, #tpu.memory_space<vmem>>, %arg9: memref<125x80xi32, #tpu.memory_space<vmem>>, %arg10: memref<80x16xf32, #tpu.memory_space<vmem>>, %arg11: memref<128x16xf32, #tpu.memory_space<vmem>>, %arg12: memref<10240x16xf32, #tpu.memory_space<vmem_shared>>, %arg13: memref<!tpu.dma_semaphore, #tpu.memory_space<semaphore_mem>>) attributes {dimension_semantics = [#tpu.dimension_semantics<core_parallel>, #tpu.dimension_semantics<subcore_parallel>], iteration_bounds = array<i64: 2, 16>, scalar_prefetch = 0 : i64, scratch_operands = 7 : i64, tpu.core_type = #tpu.core_type<sc_vector_subcore>, window_params = [{transform_indices = #map}, {transform_indices = #map}, {transform_indices = #map}, {transform_indices = #map}, {transform_indices = #map}]} {
    %mul3A = arith.constant 2 : i32
    %mul3A_0 = arith.muli %arg1, %mul3A : i32
    %add3A = arith.addi %mul3A_0, %arg0 : i32
    %mul3A_1 = arith.constant 640 : i32
    %mul3A_2 = arith.muli %arg1, %mul3A_1 : i32
    "tpu.region"() ({
      %run_scoped3A = tpu.sem_alloc : memref<!tpu.dma_semaphore, #tpu.memory_space<semaphore_mem>>
      %dma_start3A = arith.constant 0 : i32
      %dma_start3A_116 = arith.constant 0 : i32
      %dma_start3A_117 = tpu.memref_slice %arg2[%add3A, %dma_start3A, %dma_start3A_116] : memref<32x125x80xi32, #tpu.memory_space<hbm>> -> memref<1x125x80xi32, #tpu.memory_space<hbm>>
      %dma_start3A_118 = tpu.memref_squeeze %dma_start3A_117 : memref<1x125x80xi32, #tpu.memory_space<hbm>> -> memref<125x80xi32, #tpu.memory_space<hbm>>
      %dma_start3A_119 = arith.constant 0 : i32
      %dma_start3A_120 = arith.constant 0 : i32
      %dma_start3A_121 = tpu.memref_slice %arg2[%add3A, %dma_start3A_119, %dma_start3A_120] : memref<32x125x80xi32, #tpu.memory_space<hbm>> -> memref<1x125x80xi32, #tpu.memory_space<hbm>>
      %dma_start3A_122 = tpu.memref_squeeze %dma_start3A_121 : memref<1x125x80xi32, #tpu.memory_space<hbm>> -> memref<125x80xi32, #tpu.memory_space<hbm>>
      tpu.enqueue_dma source(%dma_start3A_122 : memref<125x80xi32, #tpu.memory_space<hbm>>) target(%arg8 : memref<125x80xi32, #tpu.memory_space<vmem>>) target_semaphore(%run_scoped3A : memref<!tpu.dma_semaphore, #tpu.memory_space<semaphore_mem>>)
      %dma_wait3A_123 = arith.constant 0 : i32
      %dma_wait3A_124 = arith.constant 0 : i32
      %dma_wait3A_125 = tpu.memref_slice %arg2[%add3A, %dma_wait3A_123, %dma_wait3A_124] : memref<32x125x80xi32, #tpu.memory_space<hbm>> -> memref<1x125x80xi32, #tpu.memory_space<hbm>>
      %dma_wait3A_126 = tpu.memref_squeeze %dma_wait3A_125 : memref<1x125x80xi32, #tpu.memory_space<hbm>> -> memref<125x80xi32, #tpu.memory_space<hbm>>
      %dma_wait3A_127 = arith.constant 0 : i32
      %dma_wait3A_128 = arith.constant 0 : i32
      %dma_wait3A_129 = tpu.memref_slice %arg2[%add3A, %dma_wait3A_127, %dma_wait3A_128] : memref<32x125x80xi32, #tpu.memory_space<hbm>> -> memref<1x125x80xi32, #tpu.memory_space<hbm>>
      %dma_wait3A_130 = tpu.memref_squeeze %dma_wait3A_129 : memref<1x125x80xi32, #tpu.memory_space<hbm>> -> memref<125x80xi32, #tpu.memory_space<hbm>>
      tpu.wait_dma2 semaphore(%run_scoped3A : memref<!tpu.dma_semaphore, #tpu.memory_space<semaphore_mem>>) src(%dma_wait3A_130 : memref<125x80xi32, #tpu.memory_space<hbm>>) dst(%arg8 : memref<125x80xi32, #tpu.memory_space<vmem>>)
      tpu.yield
    }) : () -> ()
    "tpu.region"() ({
      %run_scoped3A = tpu.sem_alloc : memref<!tpu.dma_semaphore, #tpu.memory_space<semaphore_mem>>
      %dma_start3A = arith.constant 0 : i32
      %dma_start3A_116 = arith.constant 0 : i32
      %dma_start3A_117 = tpu.memref_slice %arg4[%add3A, %dma_start3A, %dma_start3A_116] : memref<32x125x80xi32, #tpu.memory_space<hbm>> -> memref<1x125x80xi32, #tpu.memory_space<hbm>>
      %dma_start3A_118 = tpu.memref_squeeze %dma_start3A_117 : memref<1x125x80xi32, #tpu.memory_space<hbm>> -> memref<125x80xi32, #tpu.memory_space<hbm>>
      %dma_start3A_119 = arith.constant 0 : i32
      %dma_start3A_120 = arith.constant 0 : i32
      %dma_start3A_121 = tpu.memref_slice %arg4[%add3A, %dma_start3A_119, %dma_start3A_120] : memref<32x125x80xi32, #tpu.memory_space<hbm>> -> memref<1x125x80xi32, #tpu.memory_space<hbm>>
      %dma_start3A_122 = tpu.memref_squeeze %dma_start3A_121 : memref<1x125x80xi32, #tpu.memory_space<hbm>> -> memref<125x80xi32, #tpu.memory_space<hbm>>
      tpu.enqueue_dma source(%dma_start3A_122 : memref<125x80xi32, #tpu.memory_space<hbm>>) target(%arg9 : memref<125x80xi32, #tpu.memory_space<vmem>>) target_semaphore(%run_scoped3A : memref<!tpu.dma_semaphore, #tpu.memory_space<semaphore_mem>>)
      %dma_wait3A_123 = arith.constant 0 : i32
      %dma_wait3A_124 = arith.constant 0 : i32
      %dma_wait3A_125 = tpu.memref_slice %arg4[%add3A, %dma_wait3A_123, %dma_wait3A_124] : memref<32x125x80xi32, #tpu.memory_space<hbm>> -> memref<1x125x80xi32, #tpu.memory_space<hbm>>
      %dma_wait3A_126 = tpu.memref_squeeze %dma_wait3A_125 : memref<1x125x80xi32, #tpu.memory_space<hbm>> -> memref<125x80xi32, #tpu.memory_space<hbm>>
      %dma_wait3A_127 = arith.constant 0 : i32
      %dma_wait3A_128 = arith.constant 0 : i32
      %dma_wait3A_129 = tpu.memref_slice %arg4[%add3A, %dma_wait3A_127, %dma_wait3A_128] : memref<32x125x80xi32, #tpu.memory_space<hbm>> -> memref<1x125x80xi32, #tpu.memory_space<hbm>>
      %dma_wait3A_130 = tpu.memref_squeeze %dma_wait3A_129 : memref<1x125x80xi32, #tpu.memory_space<hbm>> -> memref<125x80xi32, #tpu.memory_space<hbm>>
      tpu.wait_dma2 semaphore(%run_scoped3A : memref<!tpu.dma_semaphore, #tpu.memory_space<semaphore_mem>>) src(%dma_wait3A_130 : memref<125x80xi32, #tpu.memory_space<hbm>>) dst(%arg9 : memref<125x80xi32, #tpu.memory_space<vmem>>)
      tpu.yield
    }) : () -> ()
    %broadcast_in_dim3A = arith.constant 0.000000e+00 : f32
    %broadcast_in_dim3A_3 = vector.broadcast %broadcast_in_dim3A : f32 to vector<16xf32>
    %broadcast_in_dim3A_4 = arith.constant 1.000000e+00 : f32
    %broadcast_in_dim3A_5 = vector.broadcast %broadcast_in_dim3A_4 : f32 to vector<16xf32>
    %scan3A = arith.constant 0 : i32
    %scan3A_6 = arith.constant 0 : i32
    %scan3A_7 = arith.constant 128 : i32
    %scan3A_8 = arith.addi %scan3A_6, %scan3A_7 : i32
    %scan3A_9 = arith.constant 1 : i32
    %scan3A_10 = scf.for %scan3A_116 = %scan3A_6 to %scan3A_8 step %scan3A_9 iter_args(%scan3A_117 = %scan3A) -> (i32)  : i32 {
      %swap3A = arith.index_cast %scan3A_116 : i32 to index
      %swap3A_118 = arith.constant 0 : index
      %swap3A_119 = tpu.vector_load %arg11[%swap3A, %swap3A_118] {strides = array<i32>} : memref<128x16xf32, #tpu.memory_space<vmem>>, vector<16xf32>,
      tpu.vector_store %arg11[%swap3A, %swap3A_118], %broadcast_in_dim3A_3 {strides = array<i32>} : memref<128x16xf32, #tpu.memory_space<vmem>>, vector<16xf32>,
      %scan3A_120 = arith.constant 0 : i32
      scf.yield %scan3A_120 : i32
    }
    %scan3A_11 = arith.constant 128 : i32
    %scan3A_12 = arith.constant 0 : i32
    %scan3A_13 = arith.constant 0 : i32
    %scan3A_14 = arith.constant 80 : i32
    %scan3A_15 = arith.addi %scan3A_13, %scan3A_14 : i32
    %scan3A_16 = arith.constant 1 : i32
    %scan3A_17 = scf.for %scan3A_116 = %scan3A_13 to %scan3A_15 step %scan3A_16 iter_args(%scan3A_117 = %scan3A_12) -> (i32)  : i32 {
      %swap3A = arith.index_cast %scan3A_116 : i32 to index
      %swap3A_118 = arith.constant 0 : index
      %swap3A_119 = tpu.vector_load %arg10[%swap3A, %swap3A_118] {strides = array<i32>} : memref<80x16xf32, #tpu.memory_space<vmem>>, vector<16xf32>,
      tpu.vector_store %arg10[%swap3A, %swap3A_118], %broadcast_in_dim3A_5 {strides = array<i32>} : memref<80x16xf32, #tpu.memory_space<vmem>>, vector<16xf32>,
      %scan3A_120 = arith.constant 0 : i32
      scf.yield %scan3A_120 : i32
    }
    %scan3A_18 = arith.constant 80 : i32
    %add3A_19 = arith.constant 0 : i32
    %add3A_20 = arith.addi %mul3A_2, %add3A_19 : i32
    "tpu.region"() ({
      %run_scoped3A = tpu.sem_alloc : memref<!tpu.dma_semaphore, #tpu.memory_space<semaphore_mem>>
      %dma_start3A = arith.constant 0 : i32
      %dma_start3A_116 = tpu.memref_slice %arg12[%add3A_20, %dma_start3A] : memref<10240x16xf32, #tpu.memory_space<vmem_shared>> -> memref<128x16xf32, #tpu.memory_space<vmem_shared>>
      %dma_start3A_117 = arith.constant 0 : i32
      %dma_start3A_118 = tpu.memref_slice %arg12[%add3A_20, %dma_start3A_117] : memref<10240x16xf32, #tpu.memory_space<vmem_shared>> -> memref<128x16xf32, #tpu.memory_space<vmem_shared>>
      tpu.enqueue_dma source(%arg11 : memref<128x16xf32, #tpu.memory_space<vmem>>) target(%dma_start3A_118 : memref<128x16xf32, #tpu.memory_space<vmem_shared>>) target_semaphore(%run_scoped3A : memref<!tpu.dma_semaphore, #tpu.memory_space<semaphore_mem>>)
      %dma_wait3A_119 = arith.constant 0 : i32
      %dma_wait3A_120 = tpu.memref_slice %arg12[%add3A_20, %dma_wait3A_119] : memref<10240x16xf32, #tpu.memory_space<vmem_shared>> -> memref<128x16xf32, #tpu.memory_space<vmem_shared>>
      %dma_wait3A_121 = arith.constant 0 : i32
      %dma_wait3A_122 = tpu.memref_slice %arg12[%add3A_20, %dma_wait3A_121] : memref<10240x16xf32, #tpu.memory_space<vmem_shared>> -> memref<128x16xf32, #tpu.memory_space<vmem_shared>>
      tpu.wait_dma2 semaphore(%run_scoped3A : memref<!tpu.dma_semaphore, #tpu.memory_space<semaphore_mem>>) src(%arg11 : memref<128x16xf32, #tpu.memory_space<vmem>>) dst(%dma_wait3A_122 : memref<128x16xf32, #tpu.memory_space<vmem_shared>>)
      tpu.yield
    }) : () -> ()
    %add3A_21 = arith.constant 128 : i32
    %add3A_22 = arith.addi %mul3A_2, %add3A_21 : i32
    "tpu.region"() ({
      %run_scoped3A = tpu.sem_alloc : memref<!tpu.dma_semaphore, #tpu.memory_space<semaphore_mem>>
      %dma_start3A = arith.constant 0 : i32
      %dma_start3A_116 = tpu.memref_slice %arg12[%add3A_22, %dma_start3A] : memref<10240x16xf32, #tpu.memory_space<vmem_shared>> -> memref<128x16xf32, #tpu.memory_space<vmem_shared>>
      %dma_start3A_117 = arith.constant 0 : i32
      %dma_start3A_118 = tpu.memref_slice %arg12[%add3A_22, %dma_start3A_117] : memref<10240x16xf32, #tpu.memory_space<vmem_shared>> -> memref<128x16xf32, #tpu.memory_space<vmem_shared>>
      tpu.enqueue_dma source(%arg11 : memref<128x16xf32, #tpu.memory_space<vmem>>) target(%dma_start3A_118 : memref<128x16xf32, #tpu.memory_space<vmem_shared>>) target_semaphore(%run_scoped3A : memref<!tpu.dma_semaphore, #tpu.memory_space<semaphore_mem>>)
      %dma_wait3A_119 = arith.constant 0 : i32
      %dma_wait3A_120 = tpu.memref_slice %arg12[%add3A_22, %dma_wait3A_119] : memref<10240x16xf32, #tpu.memory_space<vmem_shared>> -> memref<128x16xf32, #tpu.memory_space<vmem_shared>>
      %dma_wait3A_121 = arith.constant 0 : i32
      %dma_wait3A_122 = tpu.memref_slice %arg12[%add3A_22, %dma_wait3A_121] : memref<10240x16xf32, #tpu.memory_space<vmem_shared>> -> memref<128x16xf32, #tpu.memory_space<vmem_shared>>
      tpu.wait_dma2 semaphore(%run_scoped3A : memref<!tpu.dma_semaphore, #tpu.memory_space<semaphore_mem>>) src(%arg11 : memref<128x16xf32, #tpu.memory_space<vmem>>) dst(%dma_wait3A_122 : memref<128x16xf32, #tpu.memory_space<vmem_shared>>)
      tpu.yield
    }) : () -> ()
    %add3A_23 = arith.constant 256 : i32
    %add3A_24 = arith.addi %mul3A_2, %add3A_23 : i32
    "tpu.region"() ({
      %run_scoped3A = tpu.sem_alloc : memref<!tpu.dma_semaphore, #tpu.memory_space<semaphore_mem>>
      %dma_start3A = arith.constant 0 : i32
      %dma_start3A_116 = tpu.memref_slice %arg12[%add3A_24, %dma_start3A] : memref<10240x16xf32, #tpu.memory_space<vmem_shared>> -> memref<128x16xf32, #tpu.memory_space<vmem_shared>>
      %dma_start3A_117 = arith.constant 0 : i32
      %dma_start3A_118 = tpu.memref_slice %arg12[%add3A_24, %dma_start3A_117] : memref<10240x16xf32, #tpu.memory_space<vmem_shared>> -> memref<128x16xf32, #tpu.memory_space<vmem_shared>>
      tpu.enqueue_dma source(%arg11 : memref<128x16xf32, #tpu.memory_space<vmem>>) target(%dma_start3A_118 : memref<128x16xf32, #tpu.memory_space<vmem_shared>>) target_semaphore(%run_scoped3A : memref<!tpu.dma_semaphore, #tpu.memory_space<semaphore_mem>>)
      %dma_wait3A_119 = arith.constant 0 : i32
      %dma_wait3A_120 = tpu.memref_slice %arg12[%add3A_24, %dma_wait3A_119] : memref<10240x16xf32, #tpu.memory_space<vmem_shared>> -> memref<128x16xf32, #tpu.memory_space<vmem_shared>>
      %dma_wait3A_121 = arith.constant 0 : i32
      %dma_wait3A_122 = tpu.memref_slice %arg12[%add3A_24, %dma_wait3A_121] : memref<10240x16xf32, #tpu.memory_space<vmem_shared>> -> memref<128x16xf32, #tpu.memory_space<vmem_shared>>
      tpu.wait_dma2 semaphore(%run_scoped3A : memref<!tpu.dma_semaphore, #tpu.memory_space<semaphore_mem>>) src(%arg11 : memref<128x16xf32, #tpu.memory_space<vmem>>) dst(%dma_wait3A_122 : memref<128x16xf32, #tpu.memory_space<vmem_shared>>)
      tpu.yield
    }) : () -> ()
    %add3A_25 = arith.constant 384 : i32
    %add3A_26 = arith.addi %mul3A_2, %add3A_25 : i32
    "tpu.region"() ({
      %run_scoped3A = tpu.sem_alloc : memref<!tpu.dma_semaphore, #tpu.memory_space<semaphore_mem>>
      %dma_start3A = arith.constant 0 : i32
      %dma_start3A_116 = tpu.memref_slice %arg12[%add3A_26, %dma_start3A] : memref<10240x16xf32, #tpu.memory_space<vmem_shared>> -> memref<128x16xf32, #tpu.memory_space<vmem_shared>>
      %dma_start3A_117 = arith.constant 0 : i32
      %dma_start3A_118 = tpu.memref_slice %arg12[%add3A_26, %dma_start3A_117] : memref<10240x16xf32, #tpu.memory_space<vmem_shared>> -> memref<128x16xf32, #tpu.memory_space<vmem_shared>>
      tpu.enqueue_dma source(%arg11 : memref<128x16xf32, #tpu.memory_space<vmem>>) target(%dma_start3A_118 : memref<128x16xf32, #tpu.memory_space<vmem_shared>>) target_semaphore(%run_scoped3A : memref<!tpu.dma_semaphore, #tpu.memory_space<semaphore_mem>>)
      %dma_wait3A_119 = arith.constant 0 : i32
      %dma_wait3A_120 = tpu.memref_slice %arg12[%add3A_26, %dma_wait3A_119] : memref<10240x16xf32, #tpu.memory_space<vmem_shared>> -> memref<128x16xf32, #tpu.memory_space<vmem_shared>>
      %dma_wait3A_121 = arith.constant 0 : i32
      %dma_wait3A_122 = tpu.memref_slice %arg12[%add3A_26, %dma_wait3A_121] : memref<10240x16xf32, #tpu.memory_space<vmem_shared>> -> memref<128x16xf32, #tpu.memory_space<vmem_shared>>
      tpu.wait_dma2 semaphore(%run_scoped3A : memref<!tpu.dma_semaphore, #tpu.memory_space<semaphore_mem>>) src(%arg11 : memref<128x16xf32, #tpu.memory_space<vmem>>) dst(%dma_wait3A_122 : memref<128x16xf32, #tpu.memory_space<vmem_shared>>)
      tpu.yield
    }) : () -> ()
    %add3A_27 = arith.constant 512 : i32
    %add3A_28 = arith.addi %mul3A_2, %add3A_27 : i32
    "tpu.region"() ({
      %run_scoped3A = tpu.sem_alloc : memref<!tpu.dma_semaphore, #tpu.memory_space<semaphore_mem>>
      %dma_start3A = arith.constant 0 : i32
      %dma_start3A_116 = tpu.memref_slice %arg12[%add3A_28, %dma_start3A] : memref<10240x16xf32, #tpu.memory_space<vmem_shared>> -> memref<128x16xf32, #tpu.memory_space<vmem_shared>>
      %dma_start3A_117 = arith.constant 0 : i32
      %dma_start3A_118 = tpu.memref_slice %arg12[%add3A_28, %dma_start3A_117] : memref<10240x16xf32, #tpu.memory_space<vmem_shared>> -> memref<128x16xf32, #tpu.memory_space<vmem_shared>>
      tpu.enqueue_dma source(%arg11 : memref<128x16xf32, #tpu.memory_space<vmem>>) target(%dma_start3A_118 : memref<128x16xf32, #tpu.memory_space<vmem_shared>>) target_semaphore(%run_scoped3A : memref<!tpu.dma_semaphore, #tpu.memory_space<semaphore_mem>>)
      %dma_wait3A_119 = arith.constant 0 : i32
      %dma_wait3A_120 = tpu.memref_slice %arg12[%add3A_28, %dma_wait3A_119] : memref<10240x16xf32, #tpu.memory_space<vmem_shared>> -> memref<128x16xf32, #tpu.memory_space<vmem_shared>>
      %dma_wait3A_121 = arith.constant 0 : i32
      %dma_wait3A_122 = tpu.memref_slice %arg12[%add3A_28, %dma_wait3A_121] : memref<10240x16xf32, #tpu.memory_space<vmem_shared>> -> memref<128x16xf32, #tpu.memory_space<vmem_shared>>
      tpu.wait_dma2 semaphore(%run_scoped3A : memref<!tpu.dma_semaphore, #tpu.memory_space<semaphore_mem>>) src(%arg11 : memref<128x16xf32, #tpu.memory_space<vmem>>) dst(%dma_wait3A_122 : memref<128x16xf32, #tpu.memory_space<vmem_shared>>)
      tpu.yield
    }) : () -> ()
    "tpu.region"() ({
      %run_scoped3A = tpu.sem_alloc : memref<!tpu.dma_semaphore, #tpu.memory_space<semaphore_mem>>
      %dma_start3A = arith.constant 0 : i32
      %dma_start3A_116 = arith.constant 0 : i32
      %dma_start3A_117 = tpu.memref_slice %arg3[%add3A, %dma_start3A, %dma_start3A_116] : memref<32x125x80xi32, #tpu.memory_space<hbm>> -> memref<1x25x80xi32, #tpu.memory_space<hbm>>
      %dma_start3A_118 = tpu.memref_squeeze %dma_start3A_117 : memref<1x25x80xi32, #tpu.memory_space<hbm>> -> memref<25x80xi32, #tpu.memory_space<hbm>>
      %dma_start3A_119 = arith.constant 0 : i32
      %dma_start3A_120 = arith.constant 0 : i32
      %dma_start3A_121 = tpu.memref_slice %arg3[%add3A, %dma_start3A_119, %dma_start3A_120] : memref<32x125x80xi32, #tpu.memory_space<hbm>> -> memref<1x25x80xi32, #tpu.memory_space<hbm>>
      %dma_start3A_122 = tpu.memref_squeeze %dma_start3A_121 : memref<1x25x80xi32, #tpu.memory_space<hbm>> -> memref<25x80xi32, #tpu.memory_space<hbm>>
      tpu.enqueue_dma source(%dma_start3A_122 : memref<25x80xi32, #tpu.memory_space<hbm>>) target(%arg7 : memref<25x80xi32, #tpu.memory_space<vmem>>) target_semaphore(%run_scoped3A : memref<!tpu.dma_semaphore, #tpu.memory_space<semaphore_mem>>)
      %dma_wait3A_123 = arith.constant 0 : i32
      %dma_wait3A_124 = arith.constant 0 : i32
      %dma_wait3A_125 = tpu.memref_slice %arg3[%add3A, %dma_wait3A_123, %dma_wait3A_124] : memref<32x125x80xi32, #tpu.memory_space<hbm>> -> memref<1x25x80xi32, #tpu.memory_space<hbm>>
      %dma_wait3A_126 = tpu.memref_squeeze %dma_wait3A_125 : memref<1x25x80xi32, #tpu.memory_space<hbm>> -> memref<25x80xi32, #tpu.memory_space<hbm>>
      %dma_wait3A_127 = arith.constant 0 : i32
      %dma_wait3A_128 = arith.constant 0 : i32
      %dma_wait3A_129 = tpu.memref_slice %arg3[%add3A, %dma_wait3A_127, %dma_wait3A_128] : memref<32x125x80xi32, #tpu.memory_space<hbm>> -> memref<1x25x80xi32, #tpu.memory_space<hbm>>
      %dma_wait3A_130 = tpu.memref_squeeze %dma_wait3A_129 : memref<1x25x80xi32, #tpu.memory_space<hbm>> -> memref<25x80xi32, #tpu.memory_space<hbm>>
      tpu.wait_dma2 semaphore(%run_scoped3A : memref<!tpu.dma_semaphore, #tpu.memory_space<semaphore_mem>>) src(%dma_wait3A_130 : memref<25x80xi32, #tpu.memory_space<hbm>>) dst(%arg7 : memref<25x80xi32, #tpu.memory_space<vmem>>)
      tpu.yield
    }) : () -> ()
    %scan3A_29 = arith.constant 0 : i32
    %scan3A_30 = arith.constant 0 : i32
    %scan3A_31 = arith.constant 25 : i32
    %scan3A_32 = arith.addi %scan3A_30, %scan3A_31 : i32
    %scan3A_33 = arith.constant 1 : i32
    %scan3A_34 = scf.for %scan3A_116 = %scan3A_30 to %scan3A_32 step %scan3A_33 iter_args(%scan3A_117 = %scan3A_29) -> (i32)  : i32 {
      %get3A = arith.index_cast %scan3A_116 : i32 to index
      %get3A_118 = arith.constant 0 : index
      %get3A_119 = tpu.vector_load %arg7[%get3A, %get3A_118] {strides = array<i32>} : memref<25x80xi32, #tpu.memory_space<vmem>>, vector<16xi32>,
      %shift_right_logical3A = arith.constant 1 : i32
      %shift_right_logical3A_120 = vector.broadcast %shift_right_logical3A : i32 to vector<16xi32>
      %shift_right_logical3A_121 = arith.shrui %get3A_119, %shift_right_logical3A_120 : vector<16xi32>
      %mul3A_122 = arith.constant 20000 : i32
      %mul3A_123 = vector.broadcast %mul3A_122 : i32 to vector<16xi32>
      %mul3A_124 = arith.muli %shift_right_logical3A_121, %mul3A_123 : vector<16xi32>
      %add3A_125 = arith.constant 0 : i32
      %add3A_126 = arith.addi %add3A_125, %scan3A_116 : i32
      %get3A_127 = arith.index_cast %add3A_126 : i32 to index
      %get3A_128 = arith.constant 0 : index
      %get3A_129 = tpu.vector_load %arg8[%get3A_127, %get3A_128] {strides = array<i32>} : memref<125x80xi32, #tpu.memory_space<vmem>>, vector<16xi32>,
      %mul3A_130 = arith.constant 2 : i32
      %mul3A_131 = vector.broadcast %mul3A_130 : i32 to vector<16xi32>
      %mul3A_132 = arith.muli %get3A_129, %mul3A_131 : vector<16xi32>
      %add3A_133 = arith.addi %mul3A_124, %mul3A_132 : vector<16xi32>
      %and3A = arith.constant 1 : i32
      %and3A_134 = vector.broadcast %and3A : i32 to vector<16xi32>
      %and3A_135 = arith.andi %get3A_119, %and3A_134 : vector<16xi32>
      %add3A_136 = arith.addi %add3A_133, %and3A_135 : vector<16xi32>
      %add3A_137 = arith.constant 0 : i32
      %add3A_138 = arith.addi %add3A_137, %scan3A_116 : i32
      %swap3A = arith.index_cast %add3A_138 : i32 to index
      %swap3A_139 = arith.constant 0 : index
      %swap3A_140 = tpu.vector_load %arg8[%swap3A, %swap3A_139] {strides = array<i32>} : memref<125x80xi32, #tpu.memory_space<vmem>>, vector<16xi32>,
      tpu.vector_store %arg8[%swap3A, %swap3A_139], %add3A_136 {strides = array<i32>} : memref<125x80xi32, #tpu.memory_space<vmem>>, vector<16xi32>,
      %get3A_141 = arith.index_cast %scan3A_116 : i32 to index
      %get3A_142 = arith.constant 16 : index
      %get3A_143 = tpu.vector_load %arg7[%get3A_141, %get3A_142] {strides = array<i32>} : memref<25x80xi32, #tpu.memory_space<vmem>>, vector<16xi32>,
      %shift_right_logical3A_144 = arith.constant 1 : i32
      %shift_right_logical3A_145 = vector.broadcast %shift_right_logical3A_144 : i32 to vector<16xi32>
      %shift_right_logical3A_146 = arith.shrui %get3A_143, %shift_right_logical3A_145 : vector<16xi32>
      %mul3A_147 = arith.constant 20000 : i32
      %mul3A_148 = vector.broadcast %mul3A_147 : i32 to vector<16xi32>
      %mul3A_149 = arith.muli %shift_right_logical3A_146, %mul3A_148 : vector<16xi32>
      %add3A_150 = arith.constant 0 : i32
      %add3A_151 = arith.addi %add3A_150, %scan3A_116 : i32
      %get3A_152 = arith.index_cast %add3A_151 : i32 to index
      %get3A_153 = arith.constant 16 : index
      %get3A_154 = tpu.vector_load %arg8[%get3A_152, %get3A_153] {strides = array<i32>} : memref<125x80xi32, #tpu.memory_space<vmem>>, vector<16xi32>,
      %mul3A_155 = arith.constant 2 : i32
      %mul3A_156 = vector.broadcast %mul3A_155 : i32 to vector<16xi32>
      %mul3A_157 = arith.muli %get3A_154, %mul3A_156 : vector<16xi32>
      %add3A_158 = arith.addi %mul3A_149, %mul3A_157 : vector<16xi32>
      %and3A_159 = arith.constant 1 : i32
      %and3A_160 = vector.broadcast %and3A_159 : i32 to vector<16xi32>
      %and3A_161 = arith.andi %get3A_143, %and3A_160 : vector<16xi32>
      %add3A_162 = arith.addi %add3A_158, %and3A_161 : vector<16xi32>
      %add3A_163 = arith.constant 0 : i32
      %add3A_164 = arith.addi %add3A_163, %scan3A_116 : i32
      %swap3A_165 = arith.index_cast %add3A_164 : i32 to index
      %swap3A_166 = arith.constant 16 : index
      %swap3A_167 = tpu.vector_load %arg8[%swap3A_165, %swap3A_166] {strides = array<i32>} : memref<125x80xi32, #tpu.memory_space<vmem>>, vector<16xi32>,
      tpu.vector_store %arg8[%swap3A_165, %swap3A_166], %add3A_162 {strides = array<i32>} : memref<125x80xi32, #tpu.memory_space<vmem>>, vector<16xi32>,
      %get3A_168 = arith.index_cast %scan3A_116 : i32 to index
      %get3A_169 = arith.constant 32 : index
      %get3A_170 = tpu.vector_load %arg7[%get3A_168, %get3A_169] {strides = array<i32>} : memref<25x80xi32, #tpu.memory_space<vmem>>, vector<16xi32>,
      %shift_right_logical3A_171 = arith.constant 1 : i32
      %shift_right_logical3A_172 = vector.broadcast %shift_right_logical3A_171 : i32 to vector<16xi32>
      %shift_right_logical3A_173 = arith.shrui %get3A_170, %shift_right_logical3A_172 : vector<16xi32>
      %mul3A_174 = arith.constant 20000 : i32
      %mul3A_175 = vector.broadcast %mul3A_174 : i32 to vector<16xi32>
      %mul3A_176 = arith.muli %shift_right_logical3A_173, %mul3A_175 : vector<16xi32>
      %add3A_177 = arith.constant 0 : i32
      %add3A_178 = arith.addi %add3A_177, %scan3A_116 : i32
      %get3A_179 = arith.index_cast %add3A_178 : i32 to index
      %get3A_180 = arith.constant 32 : index
      %get3A_181 = tpu.vector_load %arg8[%get3A_179, %get3A_180] {strides = array<i32>} : memref<125x80xi32, #tpu.memory_space<vmem>>, vector<16xi32>,
      %mul3A_182 = arith.constant 2 : i32
      %mul3A_183 = vector.broadcast %mul3A_182 : i32 to vector<16xi32>
      %mul3A_184 = arith.muli %get3A_181, %mul3A_183 : vector<16xi32>
      %add3A_185 = arith.addi %mul3A_176, %mul3A_184 : vector<16xi32>
      %and3A_186 = arith.constant 1 : i32
      %and3A_187 = vector.broadcast %and3A_186 : i32 to vector<16xi32>
      %and3A_188 = arith.andi %get3A_170, %and3A_187 : vector<16xi32>
      %add3A_189 = arith.addi %add3A_185, %and3A_188 : vector<16xi32>
      %add3A_190 = arith.constant 0 : i32
      %add3A_191 = arith.addi %add3A_190, %scan3A_116 : i32
      %swap3A_192 = arith.index_cast %add3A_191 : i32 to index
      %swap3A_193 = arith.constant 32 : index
      %swap3A_194 = tpu.vector_load %arg8[%swap3A_192, %swap3A_193] {strides = array<i32>} : memref<125x80xi32, #tpu.memory_space<vmem>>, vector<16xi32>,
      tpu.vector_store %arg8[%swap3A_192, %swap3A_193], %add3A_189 {strides = array<i32>} : memref<125x80xi32, #tpu.memory_space<vmem>>, vector<16xi32>,
      %get3A_195 = arith.index_cast %scan3A_116 : i32 to index
      %get3A_196 = arith.constant 48 : index
      %get3A_197 = tpu.vector_load %arg7[%get3A_195, %get3A_196] {strides = array<i32>} : memref<25x80xi32, #tpu.memory_space<vmem>>, vector<16xi32>,
      %shift_right_logical3A_198 = arith.constant 1 : i32
      %shift_right_logical3A_199 = vector.broadcast %shift_right_logical3A_198 : i32 to vector<16xi32>
      %shift_right_logical3A_200 = arith.shrui %get3A_197, %shift_right_logical3A_199 : vector<16xi32>
      %mul3A_201 = arith.constant 20000 : i32
      %mul3A_202 = vector.broadcast %mul3A_201 : i32 to vector<16xi32>
      %mul3A_203 = arith.muli %shift_right_logical3A_200, %mul3A_202 : vector<16xi32>
      %add3A_204 = arith.constant 0 : i32
      %add3A_205 = arith.addi %add3A_204, %scan3A_116 : i32
      %get3A_206 = arith.index_cast %add3A_205 : i32 to index
      %get3A_207 = arith.constant 48 : index
      %get3A_208 = tpu.vector_load %arg8[%get3A_206, %get3A_207] {strides = array<i32>} : memref<125x80xi32, #tpu.memory_space<vmem>>, vector<16xi32>,
      %mul3A_209 = arith.constant 2 : i32
      %mul3A_210 = vector.broadcast %mul3A_209 : i32 to vector<16xi32>
      %mul3A_211 = arith.muli %get3A_208, %mul3A_210 : vector<16xi32>
      %add3A_212 = arith.addi %mul3A_203, %mul3A_211 : vector<16xi32>
      %and3A_213 = arith.constant 1 : i32
      %and3A_214 = vector.broadcast %and3A_213 : i32 to vector<16xi32>
      %and3A_215 = arith.andi %get3A_197, %and3A_214 : vector<16xi32>
      %add3A_216 = arith.addi %add3A_212, %and3A_215 : vector<16xi32>
      %add3A_217 = arith.constant 0 : i32
      %add3A_218 = arith.addi %add3A_217, %scan3A_116 : i32
      %swap3A_219 = arith.index_cast %add3A_218 : i32 to index
      %swap3A_220 = arith.constant 48 : index
      %swap3A_221 = tpu.vector_load %arg8[%swap3A_219, %swap3A_220] {strides = array<i32>} : memref<125x80xi32, #tpu.memory_space<vmem>>, vector<16xi32>,
      tpu.vector_store %arg8[%swap3A_219, %swap3A_220], %add3A_216 {strides = array<i32>} : memref<125x80xi32, #tpu.memory_space<vmem>>, vector<16xi32>,
      %get3A_222 = arith.index_cast %scan3A_116 : i32 to index
      %get3A_223 = arith.constant 64 : index
      %get3A_224 = tpu.vector_load %arg7[%get3A_222, %get3A_223] {strides = array<i32>} : memref<25x80xi32, #tpu.memory_space<vmem>>, vector<16xi32>,
      %shift_right_logical3A_225 = arith.constant 1 : i32
      %shift_right_logical3A_226 = vector.broadcast %shift_right_logical3A_225 : i32 to vector<16xi32>
      %shift_right_logical3A_227 = arith.shrui %get3A_224, %shift_right_logical3A_226 : vector<16xi32>
      %mul3A_228 = arith.constant 20000 : i32
      %mul3A_229 = vector.broadcast %mul3A_228 : i32 to vector<16xi32>
      %mul3A_230 = arith.muli %shift_right_logical3A_227, %mul3A_229 : vector<16xi32>
      %add3A_231 = arith.constant 0 : i32
      %add3A_232 = arith.addi %add3A_231, %scan3A_116 : i32
      %get3A_233 = arith.index_cast %add3A_232 : i32 to index
      %get3A_234 = arith.constant 64 : index
      %get3A_235 = tpu.vector_load %arg8[%get3A_233, %get3A_234] {strides = array<i32>} : memref<125x80xi32, #tpu.memory_space<vmem>>, vector<16xi32>,
      %mul3A_236 = arith.constant 2 : i32
      %mul3A_237 = vector.broadcast %mul3A_236 : i32 to vector<16xi32>
      %mul3A_238 = arith.muli %get3A_235, %mul3A_237 : vector<16xi32>
      %add3A_239 = arith.addi %mul3A_230, %mul3A_238 : vector<16xi32>
      %and3A_240 = arith.constant 1 : i32
      %and3A_241 = vector.broadcast %and3A_240 : i32 to vector<16xi32>
      %and3A_242 = arith.andi %get3A_224, %and3A_241 : vector<16xi32>
      %add3A_243 = arith.addi %add3A_239, %and3A_242 : vector<16xi32>
      %add3A_244 = arith.constant 0 : i32
      %add3A_245 = arith.addi %add3A_244, %scan3A_116 : i32
      %swap3A_246 = arith.index_cast %add3A_245 : i32 to index
      %swap3A_247 = arith.constant 64 : index
      %swap3A_248 = tpu.vector_load %arg8[%swap3A_246, %swap3A_247] {strides = array<i32>} : memref<125x80xi32, #tpu.memory_space<vmem>>, vector<16xi32>,
      tpu.vector_store %arg8[%swap3A_246, %swap3A_247], %add3A_243 {strides = array<i32>} : memref<125x80xi32, #tpu.memory_space<vmem>>, vector<16xi32>,
      %scan3A_249 = arith.constant 0 : i32
      scf.yield %scan3A_249 : i32
    }
    %scan3A_35 = arith.constant 25 : i32
    "tpu.region"() ({
      %run_scoped3A = tpu.sem_alloc : memref<!tpu.dma_semaphore, #tpu.memory_space<semaphore_mem>>
      %dma_start3A = arith.constant 25 : i32
      %dma_start3A_116 = arith.constant 0 : i32
      %dma_start3A_117 = tpu.memref_slice %arg3[%add3A, %dma_start3A, %dma_start3A_116] : memref<32x125x80xi32, #tpu.memory_space<hbm>> -> memref<1x25x80xi32, #tpu.memory_space<hbm>>
      %dma_start3A_118 = tpu.memref_squeeze %dma_start3A_117 : memref<1x25x80xi32, #tpu.memory_space<hbm>> -> memref<25x80xi32, #tpu.memory_space<hbm>>
      %dma_start3A_119 = arith.constant 25 : i32
      %dma_start3A_120 = arith.constant 0 : i32
      %dma_start3A_121 = tpu.memref_slice %arg3[%add3A, %dma_start3A_119, %dma_start3A_120] : memref<32x125x80xi32, #tpu.memory_space<hbm>> -> memref<1x25x80xi32, #tpu.memory_space<hbm>>
      %dma_start3A_122 = tpu.memref_squeeze %dma_start3A_121 : memref<1x25x80xi32, #tpu.memory_space<hbm>> -> memref<25x80xi32, #tpu.memory_space<hbm>>
      tpu.enqueue_dma source(%dma_start3A_122 : memref<25x80xi32, #tpu.memory_space<hbm>>) target(%arg7 : memref<25x80xi32, #tpu.memory_space<vmem>>) target_semaphore(%run_scoped3A : memref<!tpu.dma_semaphore, #tpu.memory_space<semaphore_mem>>)
      %dma_wait3A_123 = arith.constant 25 : i32
      %dma_wait3A_124 = arith.constant 0 : i32
      %dma_wait3A_125 = tpu.memref_slice %arg3[%add3A, %dma_wait3A_123, %dma_wait3A_124] : memref<32x125x80xi32, #tpu.memory_space<hbm>> -> memref<1x25x80xi32, #tpu.memory_space<hbm>>
      %dma_wait3A_126 = tpu.memref_squeeze %dma_wait3A_125 : memref<1x25x80xi32, #tpu.memory_space<hbm>> -> memref<25x80xi32, #tpu.memory_space<hbm>>
      %dma_wait3A_127 = arith.constant 25 : i32
      %dma_wait3A_128 = arith.constant 0 : i32
      %dma_wait3A_129 = tpu.memref_slice %arg3[%add3A, %dma_wait3A_127, %dma_wait3A_128] : memref<32x125x80xi32, #tpu.memory_space<hbm>> -> memref<1x25x80xi32, #tpu.memory_space<hbm>>
      %dma_wait3A_130 = tpu.memref_squeeze %dma_wait3A_129 : memref<1x25x80xi32, #tpu.memory_space<hbm>> -> memref<25x80xi32, #tpu.memory_space<hbm>>
      tpu.wait_dma2 semaphore(%run_scoped3A : memref<!tpu.dma_semaphore, #tpu.memory_space<semaphore_mem>>) src(%dma_wait3A_130 : memref<25x80xi32, #tpu.memory_space<hbm>>) dst(%arg7 : memref<25x80xi32, #tpu.memory_space<vmem>>)
      tpu.yield
    }) : () -> ()
    %scan3A_36 = arith.constant 0 : i32
    %scan3A_37 = arith.constant 0 : i32
    %scan3A_38 = arith.constant 25 : i32
    %scan3A_39 = arith.addi %scan3A_37, %scan3A_38 : i32
    %scan3A_40 = arith.constant 1 : i32
    %scan3A_41 = scf.for %scan3A_116 = %scan3A_37 to %scan3A_39 step %scan3A_40 iter_args(%scan3A_117 = %scan3A_36) -> (i32)  : i32 {
      %get3A = arith.index_cast %scan3A_116 : i32 to index
      %get3A_118 = arith.constant 0 : index
      %get3A_119 = tpu.vector_load %arg7[%get3A, %get3A_118] {strides = array<i32>} : memref<25x80xi32, #tpu.memory_space<vmem>>, vector<16xi32>,
      %shift_right_logical3A = arith.constant 1 : i32
      %shift_right_logical3A_120 = vector.broadcast %shift_right_logical3A : i32 to vector<16xi32>
      %shift_right_logical3A_121 = arith.shrui %get3A_119, %shift_right_logical3A_120 : vector<16xi32>
      %mul3A_122 = arith.constant 20000 : i32
      %mul3A_123 = vector.broadcast %mul3A_122 : i32 to vector<16xi32>
      %mul3A_124 = arith.muli %shift_right_logical3A_121, %mul3A_123 : vector<16xi32>
      %add3A_125 = arith.constant 25 : i32
      %add3A_126 = arith.addi %add3A_125, %scan3A_116 : i32
      %get3A_127 = arith.index_cast %add3A_126 : i32 to index
      %get3A_128 = arith.constant 0 : index
      %get3A_129 = tpu.vector_load %arg8[%get3A_127, %get3A_128] {strides = array<i32>} : memref<125x80xi32, #tpu.memory_space<vmem>>, vector<16xi32>,
      %mul3A_130 = arith.constant 2 : i32
      %mul3A_131 = vector.broadcast %mul3A_130 : i32 to vector<16xi32>
      %mul3A_132 = arith.muli %get3A_129, %mul3A_131 : vector<16xi32>
      %add3A_133 = arith.addi %mul3A_124, %mul3A_132 : vector<16xi32>
      %and3A = arith.constant 1 : i32
      %and3A_134 = vector.broadcast %and3A : i32 to vector<16xi32>
      %and3A_135 = arith.andi %get3A_119, %and3A_134 : vector<16xi32>
      %add3A_136 = arith.addi %add3A_133, %and3A_135 : vector<16xi32>
      %add3A_137 = arith.constant 25 : i32
      %add3A_138 = arith.addi %add3A_137, %scan3A_116 : i32
      %swap3A = arith.index_cast %add3A_138 : i32 to index
      %swap3A_139 = arith.constant 0 : index
      %swap3A_140 = tpu.vector_load %arg8[%swap3A, %swap3A_139] {strides = array<i32>} : memref<125x80xi32, #tpu.memory_space<vmem>>, vector<16xi32>,
      tpu.vector_store %arg8[%swap3A, %swap3A_139], %add3A_136 {strides = array<i32>} : memref<125x80xi32, #tpu.memory_space<vmem>>, vector<16xi32>,
      %get3A_141 = arith.index_cast %scan3A_116 : i32 to index
      %get3A_142 = arith.constant 16 : index
      %get3A_143 = tpu.vector_load %arg7[%get3A_141, %get3A_142] {strides = array<i32>} : memref<25x80xi32, #tpu.memory_space<vmem>>, vector<16xi32>,
      %shift_right_logical3A_144 = arith.constant 1 : i32
      %shift_right_logical3A_145 = vector.broadcast %shift_right_logical3A_144 : i32 to vector<16xi32>
      %shift_right_logical3A_146 = arith.shrui %get3A_143, %shift_right_logical3A_145 : vector<16xi32>
      %mul3A_147 = arith.constant 20000 : i32
      %mul3A_148 = vector.broadcast %mul3A_147 : i32 to vector<16xi32>
      %mul3A_149 = arith.muli %shift_right_logical3A_146, %mul3A_148 : vector<16xi32>
      %add3A_150 = arith.constant 25 : i32
      %add3A_151 = arith.addi %add3A_150, %scan3A_116 : i32
      %get3A_152 = arith.index_cast %add3A_151 : i32 to index
      %get3A_153 = arith.constant 16 : index
      %get3A_154 = tpu.vector_load %arg8[%get3A_152, %get3A_153] {strides = array<i32>} : memref<125x80xi32, #tpu.memory_space<vmem>>, vector<16xi32>,
      %mul3A_155 = arith.constant 2 : i32
      %mul3A_156 = vector.broadcast %mul3A_155 : i32 to vector<16xi32>
      %mul3A_157 = arith.muli %get3A_154, %mul3A_156 : vector<16xi32>
      %add3A_158 = arith.addi %mul3A_149, %mul3A_157 : vector<16xi32>
      %and3A_159 = arith.constant 1 : i32
      %and3A_160 = vector.broadcast %and3A_159 : i32 to vector<16xi32>
      %and3A_161 = arith.andi %get3A_143, %and3A_160 : vector<16xi32>
      %add3A_162 = arith.addi %add3A_158, %and3A_161 : vector<16xi32>
      %add3A_163 = arith.constant 25 : i32
      %add3A_164 = arith.addi %add3A_163, %scan3A_116 : i32
      %swap3A_165 = arith.index_cast %add3A_164 : i32 to index
      %swap3A_166 = arith.constant 16 : index
      %swap3A_167 = tpu.vector_load %arg8[%swap3A_165, %swap3A_166] {strides = array<i32>} : memref<125x80xi32, #tpu.memory_space<vmem>>, vector<16xi32>,
      tpu.vector_store %arg8[%swap3A_165, %swap3A_166], %add3A_162 {strides = array<i32>} : memref<125x80xi32, #tpu.memory_space<vmem>>, vector<16xi32>,
      %get3A_168 = arith.index_cast %scan3A_116 : i32 to index
      %get3A_169 = arith.constant 32 : index
      %get3A_170 = tpu.vector_load %arg7[%get3A_168, %get3A_169] {strides = array<i32>} : memref<25x80xi32, #tpu.memory_space<vmem>>, vector<16xi32>,
      %shift_right_logical3A_171 = arith.constant 1 : i32
      %shift_right_logical3A_172 = vector.broadcast %shift_right_logical3A_171 : i32 to vector<16xi32>
      %shift_right_logical3A_173 = arith.shrui %get3A_170, %shift_right_logical3A_172 : vector<16xi32>
      %mul3A_174 = arith.constant 20000 : i32
      %mul3A_175 = vector.broadcast %mul3A_174 : i32 to vector<16xi32>
      %mul3A_176 = arith.muli %shift_right_logical3A_173, %mul3A_175 : vector<16xi32>
      %add3A_177 = arith.constant 25 : i32
      %add3A_178 = arith.addi %add3A_177, %scan3A_116 : i32
      %get3A_179 = arith.index_cast %add3A_178 : i32 to index
      %get3A_180 = arith.constant 32 : index
      %get3A_181 = tpu.vector_load %arg8[%get3A_179, %get3A_180] {strides = array<i32>} : memref<125x80xi32, #tpu.memory_space<vmem>>, vector<16xi32>,
      %mul3A_182 = arith.constant 2 : i32
      %mul3A_183 = vector.broadcast %mul3A_182 : i32 to vector<16xi32>
      %mul3A_184 = arith.muli %get3A_181, %mul3A_183 : vector<16xi32>
      %add3A_185 = arith.addi %mul3A_176, %mul3A_184 : vector<16xi32>
      %and3A_186 = arith.constant 1 : i32
      %and3A_187 = vector.broadcast %and3A_186 : i32 to vector<16xi32>
      %and3A_188 = arith.andi %get3A_170, %and3A_187 : vector<16xi32>
      %add3A_189 = arith.addi %add3A_185, %and3A_188 : vector<16xi32>
      %add3A_190 = arith.constant 25 : i32
      %add3A_191 = arith.addi %add3A_190, %scan3A_116 : i32
      %swap3A_192 = arith.index_cast %add3A_191 : i32 to index
      %swap3A_193 = arith.constant 32 : index
      %swap3A_194 = tpu.vector_load %arg8[%swap3A_192, %swap3A_193] {strides = array<i32>} : memref<125x80xi32, #tpu.memory_space<vmem>>, vector<16xi32>,
      tpu.vector_store %arg8[%swap3A_192, %swap3A_193], %add3A_189 {strides = array<i32>} : memref<125x80xi32, #tpu.memory_space<vmem>>, vector<16xi32>,
      %get3A_195 = arith.index_cast %scan3A_116 : i32 to index
      %get3A_196 = arith.constant 48 : index
      %get3A_197 = tpu.vector_load %arg7[%get3A_195, %get3A_196] {strides = array<i32>} : memref<25x80xi32, #tpu.memory_space<vmem>>, vector<16xi32>,
      %shift_right_logical3A_198 = arith.constant 1 : i32
      %shift_right_logical3A_199 = vector.broadcast %shift_right_logical3A_198 : i32 to vector<16xi32>
      %shift_right_logical3A_200 = arith.shrui %get3A_197, %shift_right_logical3A_199 : vector<16xi32>
      %mul3A_201 = arith.constant 20000 : i32
      %mul3A_202 = vector.broadcast %mul3A_201 : i32 to vector<16xi32>
      %mul3A_203 = arith.muli %shift_right_logical3A_200, %mul3A_202 : vector<16xi32>
      %add3A_204 = arith.constant 25 : i32
      %add3A_205 = arith.addi %add3A_204, %scan3A_116 : i32
      %get3A_206 = arith.index_cast %add3A_205 : i32 to index
      %get3A_207 = arith.constant 48 : index
      %get3A_208 = tpu.vector_load %arg8[%get3A_206, %get3A_207] {strides = array<i32>} : memref<125x80xi32, #tpu.memory_space<vmem>>, vector<16xi32>,
      %mul3A_209 = arith.constant 2 : i32
      %mul3A_210 = vector.broadcast %mul3A_209 : i32 to vector<16xi32>
      %mul3A_211 = arith.muli %get3A_208, %mul3A_210 : vector<16xi32>
      %add3A_212 = arith.addi %mul3A_203, %mul3A_211 : vector<16xi32>
      %and3A_213 = arith.constant 1 : i32
      %and3A_214 = vector.broadcast %and3A_213 : i32 to vector<16xi32>
      %and3A_215 = arith.andi %get3A_197, %and3A_214 : vector<16xi32>
      %add3A_216 = arith.addi %add3A_212, %and3A_215 : vector<16xi32>
      %add3A_217 = arith.constant 25 : i32
      %add3A_218 = arith.addi %add3A_217, %scan3A_116 : i32
      %swap3A_219 = arith.index_cast %add3A_218 : i32 to index
      %swap3A_220 = arith.constant 48 : index
      %swap3A_221 = tpu.vector_load %arg8[%swap3A_219, %swap3A_220] {strides = array<i32>} : memref<125x80xi32, #tpu.memory_space<vmem>>, vector<16xi32>,
      tpu.vector_store %arg8[%swap3A_219, %swap3A_220], %add3A_216 {strides = array<i32>} : memref<125x80xi32, #tpu.memory_space<vmem>>, vector<16xi32>,
      %get3A_222 = arith.index_cast %scan3A_116 : i32 to index
      %get3A_223 = arith.constant 64 : index
      %get3A_224 = tpu.vector_load %arg7[%get3A_222, %get3A_223] {strides = array<i32>} : memref<25x80xi32, #tpu.memory_space<vmem>>, vector<16xi32>,
      %shift_right_logical3A_225 = arith.constant 1 : i32
      %shift_right_logical3A_226 = vector.broadcast %shift_right_logical3A_225 : i32 to vector<16xi32>
      %shift_right_logical3A_227 = arith.shrui %get3A_224, %shift_right_logical3A_226 : vector<16xi32>
      %mul3A_228 = arith.constant 20000 : i32
      %mul3A_229 = vector.broadcast %mul3A_228 : i32 to vector<16xi32>
      %mul3A_230 = arith.muli %shift_right_logical3A_227, %mul3A_229 : vector<16xi32>
      %add3A_231 = arith.constant 25 : i32
      %add3A_232 = arith.addi %add3A_231, %scan3A_116 : i32
      %get3A_233 = arith.index_cast %add3A_232 : i32 to index
      %get3A_234 = arith.constant 64 : index
      %get3A_235 = tpu.vector_load %arg8[%get3A_233, %get3A_234] {strides = array<i32>} : memref<125x80xi32, #tpu.memory_space<vmem>>, vector<16xi32>,
      %mul3A_236 = arith.constant 2 : i32
      %mul3A_237 = vector.broadcast %mul3A_236 : i32 to vector<16xi32>
      %mul3A_238 = arith.muli %get3A_235, %mul3A_237 : vector<16xi32>
      %add3A_239 = arith.addi %mul3A_230, %mul3A_238 : vector<16xi32>
      %and3A_240 = arith.constant 1 : i32
      %and3A_241 = vector.broadcast %and3A_240 : i32 to vector<16xi32>
      %and3A_242 = arith.andi %get3A_224, %and3A_241 : vector<16xi32>
      %add3A_243 = arith.addi %add3A_239, %and3A_242 : vector<16xi32>
      %add3A_244 = arith.constant 25 : i32
      %add3A_245 = arith.addi %add3A_244, %scan3A_116 : i32
      %swap3A_246 = arith.index_cast %add3A_245 : i32 to index
      %swap3A_247 = arith.constant 64 : index
      %swap3A_248 = tpu.vector_load %arg8[%swap3A_246, %swap3A_247] {strides = array<i32>} : memref<125x80xi32, #tpu.memory_space<vmem>>, vector<16xi32>,
      tpu.vector_store %arg8[%swap3A_246, %swap3A_247], %add3A_243 {strides = array<i32>} : memref<125x80xi32, #tpu.memory_space<vmem>>, vector<16xi32>,
      %scan3A_249 = arith.constant 0 : i32
      scf.yield %scan3A_249 : i32
    }
    %scan3A_42 = arith.constant 25 : i32
    "tpu.region"() ({
      %run_scoped3A = tpu.sem_alloc : memref<!tpu.dma_semaphore, #tpu.memory_space<semaphore_mem>>
      %dma_start3A = arith.constant 50 : i32
      %dma_start3A_116 = arith.constant 0 : i32
      %dma_start3A_117 = tpu.memref_slice %arg3[%add3A, %dma_start3A, %dma_start3A_116] : memref<32x125x80xi32, #tpu.memory_space<hbm>> -> memref<1x25x80xi32, #tpu.memory_space<hbm>>
      %dma_start3A_118 = tpu.memref_squeeze %dma_start3A_117 : memref<1x25x80xi32, #tpu.memory_space<hbm>> -> memref<25x80xi32, #tpu.memory_space<hbm>>
      %dma_start3A_119 = arith.constant 50 : i32
      %dma_start3A_120 = arith.constant 0 : i32
      %dma_start3A_121 = tpu.memref_slice %arg3[%add3A, %dma_start3A_119, %dma_start3A_120] : memref<32x125x80xi32, #tpu.memory_space<hbm>> -> memref<1x25x80xi32, #tpu.memory_space<hbm>>
      %dma_start3A_122 = tpu.memref_squeeze %dma_start3A_121 : memref<1x25x80xi32, #tpu.memory_space<hbm>> -> memref<25x80xi32, #tpu.memory_space<hbm>>
      tpu.enqueue_dma source(%dma_start3A_122 : memref<25x80xi32, #tpu.memory_space<hbm>>) target(%arg7 : memref<25x80xi32, #tpu.memory_space<vmem>>) target_semaphore(%run_scoped3A : memref<!tpu.dma_semaphore, #tpu.memory_space<semaphore_mem>>)
      %dma_wait3A_123 = arith.constant 50 : i32
      %dma_wait3A_124 = arith.constant 0 : i32
      %dma_wait3A_125 = tpu.memref_slice %arg3[%add3A, %dma_wait3A_123, %dma_wait3A_124] : memref<32x125x80xi32, #tpu.memory_space<hbm>> -> memref<1x25x80xi32, #tpu.memory_space<hbm>>
      %dma_wait3A_126 = tpu.memref_squeeze %dma_wait3A_125 : memref<1x25x80xi32, #tpu.memory_space<hbm>> -> memref<25x80xi32, #tpu.memory_space<hbm>>
      %dma_wait3A_127 = arith.constant 50 : i32
      %dma_wait3A_128 = arith.constant 0 : i32
      %dma_wait3A_129 = tpu.memref_slice %arg3[%add3A, %dma_wait3A_127, %dma_wait3A_128] : memref<32x125x80xi32, #tpu.memory_space<hbm>> -> memref<1x25x80xi32, #tpu.memory_space<hbm>>
      %dma_wait3A_130 = tpu.memref_squeeze %dma_wait3A_129 : memref<1x25x80xi32, #tpu.memory_space<hbm>> -> memref<25x80xi32, #tpu.memory_space<hbm>>
      tpu.wait_dma2 semaphore(%run_scoped3A : memref<!tpu.dma_semaphore, #tpu.memory_space<semaphore_mem>>) src(%dma_wait3A_130 : memref<25x80xi32, #tpu.memory_space<hbm>>) dst(%arg7 : memref<25x80xi32, #tpu.memory_space<vmem>>)
      tpu.yield
    }) : () -> ()
    %scan3A_43 = arith.constant 0 : i32
    %scan3A_44 = arith.constant 0 : i32
    %scan3A_45 = arith.constant 25 : i32
    %scan3A_46 = arith.addi %scan3A_44, %scan3A_45 : i32
    %scan3A_47 = arith.constant 1 : i32
    %scan3A_48 = scf.for %scan3A_116 = %scan3A_44 to %scan3A_46 step %scan3A_47 iter_args(%scan3A_117 = %scan3A_43) -> (i32)  : i32 {
      %get3A = arith.index_cast %scan3A_116 : i32 to index
      %get3A_118 = arith.constant 0 : index
      %get3A_119 = tpu.vector_load %arg7[%get3A, %get3A_118] {strides = array<i32>} : memref<25x80xi32, #tpu.memory_space<vmem>>, vector<16xi32>,
      %shift_right_logical3A = arith.constant 1 : i32
      %shift_right_logical3A_120 = vector.broadcast %shift_right_logical3A : i32 to vector<16xi32>
      %shift_right_logical3A_121 = arith.shrui %get3A_119, %shift_right_logical3A_120 : vector<16xi32>
      %mul3A_122 = arith.constant 20000 : i32
      %mul3A_123 = vector.broadcast %mul3A_122 : i32 to vector<16xi32>
      %mul3A_124 = arith.muli %shift_right_logical3A_121, %mul3A_123 : vector<16xi32>
      %add3A_125 = arith.constant 50 : i32
      %add3A_126 = arith.addi %add3A_125, %scan3A_116 : i32
      %get3A_127 = arith.index_cast %add3A_126 : i32 to index
      %get3A_128 = arith.constant 0 : index
      %get3A_129 = tpu.vector_load %arg8[%get3A_127, %get3A_128] {strides = array<i32>} : memref<125x80xi32, #tpu.memory_space<vmem>>, vector<16xi32>,
      %mul3A_130 = arith.constant 2 : i32
      %mul3A_131 = vector.broadcast %mul3A_130 : i32 to vector<16xi32>
      %mul3A_132 = arith.muli %get3A_129, %mul3A_131 : vector<16xi32>
      %add3A_133 = arith.addi %mul3A_124, %mul3A_132 : vector<16xi32>
      %and3A = arith.constant 1 : i32
      %and3A_134 = vector.broadcast %and3A : i32 to vector<16xi32>
      %and3A_135 = arith.andi %get3A_119, %and3A_134 : vector<16xi32>
      %add3A_136 = arith.addi %add3A_133, %and3A_135 : vector<16xi32>
      %add3A_137 = arith.constant 50 : i32
      %add3A_138 = arith.addi %add3A_137, %scan3A_116 : i32
      %swap3A = arith.index_cast %add3A_138 : i32 to index
      %swap3A_139 = arith.constant 0 : index
      %swap3A_140 = tpu.vector_load %arg8[%swap3A, %swap3A_139] {strides = array<i32>} : memref<125x80xi32, #tpu.memory_space<vmem>>, vector<16xi32>,
      tpu.vector_store %arg8[%swap3A, %swap3A_139], %add3A_136 {strides = array<i32>} : memref<125x80xi32, #tpu.memory_space<vmem>>, vector<16xi32>,
      %get3A_141 = arith.index_cast %scan3A_116 : i32 to index
      %get3A_142 = arith.constant 16 : index
      %get3A_143 = tpu.vector_load %arg7[%get3A_141, %get3A_142] {strides = array<i32>} : memref<25x80xi32, #tpu.memory_space<vmem>>, vector<16xi32>,
      %shift_right_logical3A_144 = arith.constant 1 : i32
      %shift_right_logical3A_145 = vector.broadcast %shift_right_logical3A_144 : i32 to vector<16xi32>
      %shift_right_logical3A_146 = arith.shrui %get3A_143, %shift_right_logical3A_145 : vector<16xi32>
      %mul3A_147 = arith.constant 20000 : i32
      %mul3A_148 = vector.broadcast %mul3A_147 : i32 to vector<16xi32>
      %mul3A_149 = arith.muli %shift_right_logical3A_146, %mul3A_148 : vector<16xi32>
      %add3A_150 = arith.constant 50 : i32
      %add3A_151 = arith.addi %add3A_150, %scan3A_116 : i32
      %get3A_152 = arith.index_cast %add3A_151 : i32 to index
      %get3A_153 = arith.constant 16 : index
      %get3A_154 = tpu.vector_load %arg8[%get3A_152, %get3A_153] {strides = array<i32>} : memref<125x80xi32, #tpu.memory_space<vmem>>, vector<16xi32>,
      %mul3A_155 = arith.constant 2 : i32
      %mul3A_156 = vector.broadcast %mul3A_155 : i32 to vector<16xi32>
      %mul3A_157 = arith.muli %get3A_154, %mul3A_156 : vector<16xi32>
      %add3A_158 = arith.addi %mul3A_149, %mul3A_157 : vector<16xi32>
      %and3A_159 = arith.constant 1 : i32
      %and3A_160 = vector.broadcast %and3A_159 : i32 to vector<16xi32>
      %and3A_161 = arith.andi %get3A_143, %and3A_160 : vector<16xi32>
      %add3A_162 = arith.addi %add3A_158, %and3A_161 : vector<16xi32>
      %add3A_163 = arith.constant 50 : i32
      %add3A_164 = arith.addi %add3A_163, %scan3A_116 : i32
      %swap3A_165 = arith.index_cast %add3A_164 : i32 to index
      %swap3A_166 = arith.constant 16 : index
      %swap3A_167 = tpu.vector_load %arg8[%swap3A_165, %swap3A_166] {strides = array<i32>} : memref<125x80xi32, #tpu.memory_space<vmem>>, vector<16xi32>,
      tpu.vector_store %arg8[%swap3A_165, %swap3A_166], %add3A_162 {strides = array<i32>} : memref<125x80xi32, #tpu.memory_space<vmem>>, vector<16xi32>,
      %get3A_168 = arith.index_cast %scan3A_116 : i32 to index
      %get3A_169 = arith.constant 32 : index
      %get3A_170 = tpu.vector_load %arg7[%get3A_168, %get3A_169] {strides = array<i32>} : memref<25x80xi32, #tpu.memory_space<vmem>>, vector<16xi32>,
      %shift_right_logical3A_171 = arith.constant 1 : i32
      %shift_right_logical3A_172 = vector.broadcast %shift_right_logical3A_171 : i32 to vector<16xi32>
      %shift_right_logical3A_173 = arith.shrui %get3A_170, %shift_right_logical3A_172 : vector<16xi32>
      %mul3A_174 = arith.constant 20000 : i32
      %mul3A_175 = vector.broadcast %mul3A_174 : i32 to vector<16xi32>
      %mul3A_176 = arith.muli %shift_right_logical3A_173, %mul3A_175 : vector<16xi32>
      %add3A_177 = arith.constant 50 : i32
      %add3A_178 = arith.addi %add3A_177, %scan3A_116 : i32
      %get3A_179 = arith.index_cast %add3A_178 : i32 to index
      %get3A_180 = arith.constant 32 : index
      %get3A_181 = tpu.vector_load %arg8[%get3A_179, %get3A_180] {strides = array<i32>} : memref<125x80xi32, #tpu.memory_space<vmem>>, vector<16xi32>,
      %mul3A_182 = arith.constant 2 : i32
      %mul3A_183 = vector.broadcast %mul3A_182 : i32 to vector<16xi32>
      %mul3A_184 = arith.muli %get3A_181, %mul3A_183 : vector<16xi32>
      %add3A_185 = arith.addi %mul3A_176, %mul3A_184 : vector<16xi32>
      %and3A_186 = arith.constant 1 : i32
      %and3A_187 = vector.broadcast %and3A_186 : i32 to vector<16xi32>
      %and3A_188 = arith.andi %get3A_170, %and3A_187 : vector<16xi32>
      %add3A_189 = arith.addi %add3A_185, %and3A_188 : vector<16xi32>
      %add3A_190 = arith.constant 50 : i32
      %add3A_191 = arith.addi %add3A_190, %scan3A_116 : i32
      %swap3A_192 = arith.index_cast %add3A_191 : i32 to index
      %swap3A_193 = arith.constant 32 : index
      %swap3A_194 = tpu.vector_load %arg8[%swap3A_192, %swap3A_193] {strides = array<i32>} : memref<125x80xi32, #tpu.memory_space<vmem>>, vector<16xi32>,
      tpu.vector_store %arg8[%swap3A_192, %swap3A_193], %add3A_189 {strides = array<i32>} : memref<125x80xi32, #tpu.memory_space<vmem>>, vector<16xi32>,
      %get3A_195 = arith.index_cast %scan3A_116 : i32 to index
      %get3A_196 = arith.constant 48 : index
      %get3A_197 = tpu.vector_load %arg7[%get3A_195, %get3A_196] {strides = array<i32>} : memref<25x80xi32, #tpu.memory_space<vmem>>, vector<16xi32>,
      %shift_right_logical3A_198 = arith.constant 1 : i32
      %shift_right_logical3A_199 = vector.broadcast %shift_right_logical3A_198 : i32 to vector<16xi32>
      %shift_right_logical3A_200 = arith.shrui %get3A_197, %shift_right_logical3A_199 : vector<16xi32>
      %mul3A_201 = arith.constant 20000 : i32
      %mul3A_202 = vector.broadcast %mul3A_201 : i32 to vector<16xi32>
      %mul3A_203 = arith.muli %shift_right_logical3A_200, %mul3A_202 : vector<16xi32>
      %add3A_204 = arith.constant 50 : i32
      %add3A_205 = arith.addi %add3A_204, %scan3A_116 : i32
      %get3A_206 = arith.index_cast %add3A_205 : i32 to index
      %get3A_207 = arith.constant 48 : index
      %get3A_208 = tpu.vector_load %arg8[%get3A_206, %get3A_207] {strides = array<i32>} : memref<125x80xi32, #tpu.memory_space<vmem>>, vector<16xi32>,
      %mul3A_209 = arith.constant 2 : i32
      %mul3A_210 = vector.broadcast %mul3A_209 : i32 to vector<16xi32>
      %mul3A_211 = arith.muli %get3A_208, %mul3A_210 : vector<16xi32>
      %add3A_212 = arith.addi %mul3A_203, %mul3A_211 : vector<16xi32>
      %and3A_213 = arith.constant 1 : i32
      %and3A_214 = vector.broadcast %and3A_213 : i32 to vector<16xi32>
      %and3A_215 = arith.andi %get3A_197, %and3A_214 : vector<16xi32>
      %add3A_216 = arith.addi %add3A_212, %and3A_215 : vector<16xi32>
      %add3A_217 = arith.constant 50 : i32
      %add3A_218 = arith.addi %add3A_217, %scan3A_116 : i32
      %swap3A_219 = arith.index_cast %add3A_218 : i32 to index
      %swap3A_220 = arith.constant 48 : index
      %swap3A_221 = tpu.vector_load %arg8[%swap3A_219, %swap3A_220] {strides = array<i32>} : memref<125x80xi32, #tpu.memory_space<vmem>>, vector<16xi32>,
      tpu.vector_store %arg8[%swap3A_219, %swap3A_220], %add3A_216 {strides = array<i32>} : memref<125x80xi32, #tpu.memory_space<vmem>>, vector<16xi32>,
      %get3A_222 = arith.index_cast %scan3A_116 : i32 to index
      %get3A_223 = arith.constant 64 : index
      %get3A_224 = tpu.vector_load %arg7[%get3A_222, %get3A_223] {strides = array<i32>} : memref<25x80xi32, #tpu.memory_space<vmem>>, vector<16xi32>,
      %shift_right_logical3A_225 = arith.constant 1 : i32
      %shift_right_logical3A_226 = vector.broadcast %shift_right_logical3A_225 : i32 to vector<16xi32>
      %shift_right_logical3A_227 = arith.shrui %get3A_224, %shift_right_logical3A_226 : vector<16xi32>
      %mul3A_228 = arith.constant 20000 : i32
      %mul3A_229 = vector.broadcast %mul3A_228 : i32 to vector<16xi32>
      %mul3A_230 = arith.muli %shift_right_logical3A_227, %mul3A_229 : vector<16xi32>
      %add3A_231 = arith.constant 50 : i32
      %add3A_232 = arith.addi %add3A_231, %scan3A_116 : i32
      %get3A_233 = arith.index_cast %add3A_232 : i32 to index
      %get3A_234 = arith.constant 64 : index
      %get3A_235 = tpu.vector_load %arg8[%get3A_233, %get3A_234] {strides = array<i32>} : memref<125x80xi32, #tpu.memory_space<vmem>>, vector<16xi32>,
      %mul3A_236 = arith.constant 2 : i32
      %mul3A_237 = vector.broadcast %mul3A_236 : i32 to vector<16xi32>
      %mul3A_238 = arith.muli %get3A_235, %mul3A_237 : vector<16xi32>
      %add3A_239 = arith.addi %mul3A_230, %mul3A_238 : vector<16xi32>
      %and3A_240 = arith.constant 1 : i32
      %and3A_241 = vector.broadcast %and3A_240 : i32 to vector<16xi32>
      %and3A_242 = arith.andi %get3A_224, %and3A_241 : vector<16xi32>
      %add3A_243 = arith.addi %add3A_239, %and3A_242 : vector<16xi32>
      %add3A_244 = arith.constant 50 : i32
      %add3A_245 = arith.addi %add3A_244, %scan3A_116 : i32
      %swap3A_246 = arith.index_cast %add3A_245 : i32 to index
      %swap3A_247 = arith.constant 64 : index
      %swap3A_248 = tpu.vector_load %arg8[%swap3A_246, %swap3A_247] {strides = array<i32>} : memref<125x80xi32, #tpu.memory_space<vmem>>, vector<16xi32>,
      tpu.vector_store %arg8[%swap3A_246, %swap3A_247], %add3A_243 {strides = array<i32>} : memref<125x80xi32, #tpu.memory_space<vmem>>, vector<16xi32>,
      %scan3A_249 = arith.constant 0 : i32
      scf.yield %scan3A_249 : i32
    }
    %scan3A_49 = arith.constant 25 : i32
    "tpu.region"() ({
      %run_scoped3A = tpu.sem_alloc : memref<!tpu.dma_semaphore, #tpu.memory_space<semaphore_mem>>
      %dma_start3A = arith.constant 75 : i32
      %dma_start3A_116 = arith.constant 0 : i32
      %dma_start3A_117 = tpu.memref_slice %arg3[%add3A, %dma_start3A, %dma_start3A_116] : memref<32x125x80xi32, #tpu.memory_space<hbm>> -> memref<1x25x80xi32, #tpu.memory_space<hbm>>
      %dma_start3A_118 = tpu.memref_squeeze %dma_start3A_117 : memref<1x25x80xi32, #tpu.memory_space<hbm>> -> memref<25x80xi32, #tpu.memory_space<hbm>>
      %dma_start3A_119 = arith.constant 75 : i32
      %dma_start3A_120 = arith.constant 0 : i32
      %dma_start3A_121 = tpu.memref_slice %arg3[%add3A, %dma_start3A_119, %dma_start3A_120] : memref<32x125x80xi32, #tpu.memory_space<hbm>> -> memref<1x25x80xi32, #tpu.memory_space<hbm>>
      %dma_start3A_122 = tpu.memref_squeeze %dma_start3A_121 : memref<1x25x80xi32, #tpu.memory_space<hbm>> -> memref<25x80xi32, #tpu.memory_space<hbm>>
      tpu.enqueue_dma source(%dma_start3A_122 : memref<25x80xi32, #tpu.memory_space<hbm>>) target(%arg7 : memref<25x80xi32, #tpu.memory_space<vmem>>) target_semaphore(%run_scoped3A : memref<!tpu.dma_semaphore, #tpu.memory_space<semaphore_mem>>)
      %dma_wait3A_123 = arith.constant 75 : i32
      %dma_wait3A_124 = arith.constant 0 : i32
      %dma_wait3A_125 = tpu.memref_slice %arg3[%add3A, %dma_wait3A_123, %dma_wait3A_124] : memref<32x125x80xi32, #tpu.memory_space<hbm>> -> memref<1x25x80xi32, #tpu.memory_space<hbm>>
      %dma_wait3A_126 = tpu.memref_squeeze %dma_wait3A_125 : memref<1x25x80xi32, #tpu.memory_space<hbm>> -> memref<25x80xi32, #tpu.memory_space<hbm>>
      %dma_wait3A_127 = arith.constant 75 : i32
      %dma_wait3A_128 = arith.constant 0 : i32
      %dma_wait3A_129 = tpu.memref_slice %arg3[%add3A, %dma_wait3A_127, %dma_wait3A_128] : memref<32x125x80xi32, #tpu.memory_space<hbm>> -> memref<1x25x80xi32, #tpu.memory_space<hbm>>
      %dma_wait3A_130 = tpu.memref_squeeze %dma_wait3A_129 : memref<1x25x80xi32, #tpu.memory_space<hbm>> -> memref<25x80xi32, #tpu.memory_space<hbm>>
      tpu.wait_dma2 semaphore(%run_scoped3A : memref<!tpu.dma_semaphore, #tpu.memory_space<semaphore_mem>>) src(%dma_wait3A_130 : memref<25x80xi32, #tpu.memory_space<hbm>>) dst(%arg7 : memref<25x80xi32, #tpu.memory_space<vmem>>)
      tpu.yield
    }) : () -> ()
    %scan3A_50 = arith.constant 0 : i32
    %scan3A_51 = arith.constant 0 : i32
    %scan3A_52 = arith.constant 25 : i32
    %scan3A_53 = arith.addi %scan3A_51, %scan3A_52 : i32
    %scan3A_54 = arith.constant 1 : i32
    %scan3A_55 = scf.for %scan3A_116 = %scan3A_51 to %scan3A_53 step %scan3A_54 iter_args(%scan3A_117 = %scan3A_50) -> (i32)  : i32 {
      %get3A = arith.index_cast %scan3A_116 : i32 to index
      %get3A_118 = arith.constant 0 : index
      %get3A_119 = tpu.vector_load %arg7[%get3A, %get3A_118] {strides = array<i32>} : memref<25x80xi32, #tpu.memory_space<vmem>>, vector<16xi32>,
      %shift_right_logical3A = arith.constant 1 : i32
      %shift_right_logical3A_120 = vector.broadcast %shift_right_logical3A : i32 to vector<16xi32>
      %shift_right_logical3A_121 = arith.shrui %get3A_119, %shift_right_logical3A_120 : vector<16xi32>
      %mul3A_122 = arith.constant 20000 : i32
      %mul3A_123 = vector.broadcast %mul3A_122 : i32 to vector<16xi32>
      %mul3A_124 = arith.muli %shift_right_logical3A_121, %mul3A_123 : vector<16xi32>
      %add3A_125 = arith.constant 75 : i32
      %add3A_126 = arith.addi %add3A_125, %scan3A_116 : i32
      %get3A_127 = arith.index_cast %add3A_126 : i32 to index
      %get3A_128 = arith.constant 0 : index
      %get3A_129 = tpu.vector_load %arg8[%get3A_127, %get3A_128] {strides = array<i32>} : memref<125x80xi32, #tpu.memory_space<vmem>>, vector<16xi32>,
      %mul3A_130 = arith.constant 2 : i32
      %mul3A_131 = vector.broadcast %mul3A_130 : i32 to vector<16xi32>
      %mul3A_132 = arith.muli %get3A_129, %mul3A_131 : vector<16xi32>
      %add3A_133 = arith.addi %mul3A_124, %mul3A_132 : vector<16xi32>
      %and3A = arith.constant 1 : i32
      %and3A_134 = vector.broadcast %and3A : i32 to vector<16xi32>
      %and3A_135 = arith.andi %get3A_119, %and3A_134 : vector<16xi32>
      %add3A_136 = arith.addi %add3A_133, %and3A_135 : vector<16xi32>
      %add3A_137 = arith.constant 75 : i32
      %add3A_138 = arith.addi %add3A_137, %scan3A_116 : i32
      %swap3A = arith.index_cast %add3A_138 : i32 to index
      %swap3A_139 = arith.constant 0 : index
      %swap3A_140 = tpu.vector_load %arg8[%swap3A, %swap3A_139] {strides = array<i32>} : memref<125x80xi32, #tpu.memory_space<vmem>>, vector<16xi32>,
      tpu.vector_store %arg8[%swap3A, %swap3A_139], %add3A_136 {strides = array<i32>} : memref<125x80xi32, #tpu.memory_space<vmem>>, vector<16xi32>,
      %get3A_141 = arith.index_cast %scan3A_116 : i32 to index
      %get3A_142 = arith.constant 16 : index
      %get3A_143 = tpu.vector_load %arg7[%get3A_141, %get3A_142] {strides = array<i32>} : memref<25x80xi32, #tpu.memory_space<vmem>>, vector<16xi32>,
      %shift_right_logical3A_144 = arith.constant 1 : i32
      %shift_right_logical3A_145 = vector.broadcast %shift_right_logical3A_144 : i32 to vector<16xi32>
      %shift_right_logical3A_146 = arith.shrui %get3A_143, %shift_right_logical3A_145 : vector<16xi32>
      %mul3A_147 = arith.constant 20000 : i32
      %mul3A_148 = vector.broadcast %mul3A_147 : i32 to vector<16xi32>
      %mul3A_149 = arith.muli %shift_right_logical3A_146, %mul3A_148 : vector<16xi32>
      %add3A_150 = arith.constant 75 : i32
      %add3A_151 = arith.addi %add3A_150, %scan3A_116 : i32
      %get3A_152 = arith.index_cast %add3A_151 : i32 to index
      %get3A_153 = arith.constant 16 : index
      %get3A_154 = tpu.vector_load %arg8[%get3A_152, %get3A_153] {strides = array<i32>} : memref<125x80xi32, #tpu.memory_space<vmem>>, vector<16xi32>,
      %mul3A_155 = arith.constant 2 : i32
      %mul3A_156 = vector.broadcast %mul3A_155 : i32 to vector<16xi32>
      %mul3A_157 = arith.muli %get3A_154, %mul3A_156 : vector<16xi32>
      %add3A_158 = arith.addi %mul3A_149, %mul3A_157 : vector<16xi32>
      %and3A_159 = arith.constant 1 : i32
      %and3A_160 = vector.broadcast %and3A_159 : i32 to vector<16xi32>
      %and3A_161 = arith.andi %get3A_143, %and3A_160 : vector<16xi32>
      %add3A_162 = arith.addi %add3A_158, %and3A_161 : vector<16xi32>
      %add3A_163 = arith.constant 75 : i32
      %add3A_164 = arith.addi %add3A_163, %scan3A_116 : i32
      %swap3A_165 = arith.index_cast %add3A_164 : i32 to index
      %swap3A_166 = arith.constant 16 : index
      %swap3A_167 = tpu.vector_load %arg8[%swap3A_165, %swap3A_166] {strides = array<i32>} : memref<125x80xi32, #tpu.memory_space<vmem>>, vector<16xi32>,
      tpu.vector_store %arg8[%swap3A_165, %swap3A_166], %add3A_162 {strides = array<i32>} : memref<125x80xi32, #tpu.memory_space<vmem>>, vector<16xi32>,
      %get3A_168 = arith.index_cast %scan3A_116 : i32 to index
      %get3A_169 = arith.constant 32 : index
      %get3A_170 = tpu.vector_load %arg7[%get3A_168, %get3A_169] {strides = array<i32>} : memref<25x80xi32, #tpu.memory_space<vmem>>, vector<16xi32>,
      %shift_right_logical3A_171 = arith.constant 1 : i32
      %shift_right_logical3A_172 = vector.broadcast %shift_right_logical3A_171 : i32 to vector<16xi32>
      %shift_right_logical3A_173 = arith.shrui %get3A_170, %shift_right_logical3A_172 : vector<16xi32>
      %mul3A_174 = arith.constant 20000 : i32
      %mul3A_175 = vector.broadcast %mul3A_174 : i32 to vector<16xi32>
      %mul3A_176 = arith.muli %shift_right_logical3A_173, %mul3A_175 : vector<16xi32>
      %add3A_177 = arith.constant 75 : i32
      %add3A_178 = arith.addi %add3A_177, %scan3A_116 : i32
      %get3A_179 = arith.index_cast %add3A_178 : i32 to index
      %get3A_180 = arith.constant 32 : index
      %get3A_181 = tpu.vector_load %arg8[%get3A_179, %get3A_180] {strides = array<i32>} : memref<125x80xi32, #tpu.memory_space<vmem>>, vector<16xi32>,
      %mul3A_182 = arith.constant 2 : i32
      %mul3A_183 = vector.broadcast %mul3A_182 : i32 to vector<16xi32>
      %mul3A_184 = arith.muli %get3A_181, %mul3A_183 : vector<16xi32>
      %add3A_185 = arith.addi %mul3A_176, %mul3A_184 : vector<16xi32>
      %and3A_186 = arith.constant 1 : i32
      %and3A_187 = vector.broadcast %and3A_186 : i32 to vector<16xi32>
      %and3A_188 = arith.andi %get3A_170, %and3A_187 : vector<16xi32>
      %add3A_189 = arith.addi %add3A_185, %and3A_188 : vector<16xi32>
      %add3A_190 = arith.constant 75 : i32
      %add3A_191 = arith.addi %add3A_190, %scan3A_116 : i32
      %swap3A_192 = arith.index_cast %add3A_191 : i32 to index
      %swap3A_193 = arith.constant 32 : index
      %swap3A_194 = tpu.vector_load %arg8[%swap3A_192, %swap3A_193] {strides = array<i32>} : memref<125x80xi32, #tpu.memory_space<vmem>>, vector<16xi32>,
      tpu.vector_store %arg8[%swap3A_192, %swap3A_193], %add3A_189 {strides = array<i32>} : memref<125x80xi32, #tpu.memory_space<vmem>>, vector<16xi32>,
      %get3A_195 = arith.index_cast %scan3A_116 : i32 to index
      %get3A_196 = arith.constant 48 : index
      %get3A_197 = tpu.vector_load %arg7[%get3A_195, %get3A_196] {strides = array<i32>} : memref<25x80xi32, #tpu.memory_space<vmem>>, vector<16xi32>,
      %shift_right_logical3A_198 = arith.constant 1 : i32
      %shift_right_logical3A_199 = vector.broadcast %shift_right_logical3A_198 : i32 to vector<16xi32>
      %shift_right_logical3A_200 = arith.shrui %get3A_197, %shift_right_logical3A_199 : vector<16xi32>
      %mul3A_201 = arith.constant 20000 : i32
      %mul3A_202 = vector.broadcast %mul3A_201 : i32 to vector<16xi32>
      %mul3A_203 = arith.muli %shift_right_logical3A_200, %mul3A_202 : vector<16xi32>
      %add3A_204 = arith.constant 75 : i32
      %add3A_205 = arith.addi %add3A_204, %scan3A_116 : i32
      %get3A_206 = arith.index_cast %add3A_205 : i32 to index
      %get3A_207 = arith.constant 48 : index
      %get3A_208 = tpu.vector_load %arg8[%get3A_206, %get3A_207] {strides = array<i32>} : memref<125x80xi32, #tpu.memory_space<vmem>>, vector<16xi32>,
      %mul3A_209 = arith.constant 2 : i32
      %mul3A_210 = vector.broadcast %mul3A_209 : i32 to vector<16xi32>
      %mul3A_211 = arith.muli %get3A_208, %mul3A_210 : vector<16xi32>
      %add3A_212 = arith.addi %mul3A_203, %mul3A_211 : vector<16xi32>
      %and3A_213 = arith.constant 1 : i32
      %and3A_214 = vector.broadcast %and3A_213 : i32 to vector<16xi32>
      %and3A_215 = arith.andi %get3A_197, %and3A_214 : vector<16xi32>
      %add3A_216 = arith.addi %add3A_212, %and3A_215 : vector<16xi32>
      %add3A_217 = arith.constant 75 : i32
      %add3A_218 = arith.addi %add3A_217, %scan3A_116 : i32
      %swap3A_219 = arith.index_cast %add3A_218 : i32 to index
      %swap3A_220 = arith.constant 48 : index
      %swap3A_221 = tpu.vector_load %arg8[%swap3A_219, %swap3A_220] {strides = array<i32>} : memref<125x80xi32, #tpu.memory_space<vmem>>, vector<16xi32>,
      tpu.vector_store %arg8[%swap3A_219, %swap3A_220], %add3A_216 {strides = array<i32>} : memref<125x80xi32, #tpu.memory_space<vmem>>, vector<16xi32>,
      %get3A_222 = arith.index_cast %scan3A_116 : i32 to index
      %get3A_223 = arith.constant 64 : index
      %get3A_224 = tpu.vector_load %arg7[%get3A_222, %get3A_223] {strides = array<i32>} : memref<25x80xi32, #tpu.memory_space<vmem>>, vector<16xi32>,
      %shift_right_logical3A_225 = arith.constant 1 : i32
      %shift_right_logical3A_226 = vector.broadcast %shift_right_logical3A_225 : i32 to vector<16xi32>
      %shift_right_logical3A_227 = arith.shrui %get3A_224, %shift_right_logical3A_226 : vector<16xi32>
      %mul3A_228 = arith.constant 20000 : i32
      %mul3A_229 = vector.broadcast %mul3A_228 : i32 to vector<16xi32>
      %mul3A_230 = arith.muli %shift_right_logical3A_227, %mul3A_229 : vector<16xi32>
      %add3A_231 = arith.constant 75 : i32
      %add3A_232 = arith.addi %add3A_231, %scan3A_116 : i32
      %get3A_233 = arith.index_cast %add3A_232 : i32 to index
      %get3A_234 = arith.constant 64 : index
      %get3A_235 = tpu.vector_load %arg8[%get3A_233, %get3A_234] {strides = array<i32>} : memref<125x80xi32, #tpu.memory_space<vmem>>, vector<16xi32>,
      %mul3A_236 = arith.constant 2 : i32
      %mul3A_237 = vector.broadcast %mul3A_236 : i32 to vector<16xi32>
      %mul3A_238 = arith.muli %get3A_235, %mul3A_237 : vector<16xi32>
      %add3A_239 = arith.addi %mul3A_230, %mul3A_238 : vector<16xi32>
      %and3A_240 = arith.constant 1 : i32
      %and3A_241 = vector.broadcast %and3A_240 : i32 to vector<16xi32>
      %and3A_242 = arith.andi %get3A_224, %and3A_241 : vector<16xi32>
      %add3A_243 = arith.addi %add3A_239, %and3A_242 : vector<16xi32>
      %add3A_244 = arith.constant 75 : i32
      %add3A_245 = arith.addi %add3A_244, %scan3A_116 : i32
      %swap3A_246 = arith.index_cast %add3A_245 : i32 to index
      %swap3A_247 = arith.constant 64 : index
      %swap3A_248 = tpu.vector_load %arg8[%swap3A_246, %swap3A_247] {strides = array<i32>} : memref<125x80xi32, #tpu.memory_space<vmem>>, vector<16xi32>,
      tpu.vector_store %arg8[%swap3A_246, %swap3A_247], %add3A_243 {strides = array<i32>} : memref<125x80xi32, #tpu.memory_space<vmem>>, vector<16xi32>,
      %scan3A_249 = arith.constant 0 : i32
      scf.yield %scan3A_249 : i32
    }
    %scan3A_56 = arith.constant 25 : i32
    "tpu.region"() ({
      %run_scoped3A = tpu.sem_alloc : memref<!tpu.dma_semaphore, #tpu.memory_space<semaphore_mem>>
      %dma_start3A = arith.constant 100 : i32
      %dma_start3A_116 = arith.constant 0 : i32
      %dma_start3A_117 = tpu.memref_slice %arg3[%add3A, %dma_start3A, %dma_start3A_116] : memref<32x125x80xi32, #tpu.memory_space<hbm>> -> memref<1x25x80xi32, #tpu.memory_space<hbm>>
      %dma_start3A_118 = tpu.memref_squeeze %dma_start3A_117 : memref<1x25x80xi32, #tpu.memory_space<hbm>> -> memref<25x80xi32, #tpu.memory_space<hbm>>
      %dma_start3A_119 = arith.constant 100 : i32
      %dma_start3A_120 = arith.constant 0 : i32
      %dma_start3A_121 = tpu.memref_slice %arg3[%add3A, %dma_start3A_119, %dma_start3A_120] : memref<32x125x80xi32, #tpu.memory_space<hbm>> -> memref<1x25x80xi32, #tpu.memory_space<hbm>>
      %dma_start3A_122 = tpu.memref_squeeze %dma_start3A_121 : memref<1x25x80xi32, #tpu.memory_space<hbm>> -> memref<25x80xi32, #tpu.memory_space<hbm>>
      tpu.enqueue_dma source(%dma_start3A_122 : memref<25x80xi32, #tpu.memory_space<hbm>>) target(%arg7 : memref<25x80xi32, #tpu.memory_space<vmem>>) target_semaphore(%run_scoped3A : memref<!tpu.dma_semaphore, #tpu.memory_space<semaphore_mem>>)
      %dma_wait3A_123 = arith.constant 100 : i32
      %dma_wait3A_124 = arith.constant 0 : i32
      %dma_wait3A_125 = tpu.memref_slice %arg3[%add3A, %dma_wait3A_123, %dma_wait3A_124] : memref<32x125x80xi32, #tpu.memory_space<hbm>> -> memref<1x25x80xi32, #tpu.memory_space<hbm>>
      %dma_wait3A_126 = tpu.memref_squeeze %dma_wait3A_125 : memref<1x25x80xi32, #tpu.memory_space<hbm>> -> memref<25x80xi32, #tpu.memory_space<hbm>>
      %dma_wait3A_127 = arith.constant 100 : i32
      %dma_wait3A_128 = arith.constant 0 : i32
      %dma_wait3A_129 = tpu.memref_slice %arg3[%add3A, %dma_wait3A_127, %dma_wait3A_128] : memref<32x125x80xi32, #tpu.memory_space<hbm>> -> memref<1x25x80xi32, #tpu.memory_space<hbm>>
      %dma_wait3A_130 = tpu.memref_squeeze %dma_wait3A_129 : memref<1x25x80xi32, #tpu.memory_space<hbm>> -> memref<25x80xi32, #tpu.memory_space<hbm>>
      tpu.wait_dma2 semaphore(%run_scoped3A : memref<!tpu.dma_semaphore, #tpu.memory_space<semaphore_mem>>) src(%dma_wait3A_130 : memref<25x80xi32, #tpu.memory_space<hbm>>) dst(%arg7 : memref<25x80xi32, #tpu.memory_space<vmem>>)
      tpu.yield
    }) : () -> ()
    %scan3A_57 = arith.constant 0 : i32
    %scan3A_58 = arith.constant 0 : i32
    %scan3A_59 = arith.constant 25 : i32
    %scan3A_60 = arith.addi %scan3A_58, %scan3A_59 : i32
    %scan3A_61 = arith.constant 1 : i32
    %scan3A_62 = scf.for %scan3A_116 = %scan3A_58 to %scan3A_60 step %scan3A_61 iter_args(%scan3A_117 = %scan3A_57) -> (i32)  : i32 {
      %get3A = arith.index_cast %scan3A_116 : i32 to index
      %get3A_118 = arith.constant 0 : index
      %get3A_119 = tpu.vector_load %arg7[%get3A, %get3A_118] {strides = array<i32>} : memref<25x80xi32, #tpu.memory_space<vmem>>, vector<16xi32>,
      %shift_right_logical3A = arith.constant 1 : i32
      %shift_right_logical3A_120 = vector.broadcast %shift_right_logical3A : i32 to vector<16xi32>
      %shift_right_logical3A_121 = arith.shrui %get3A_119, %shift_right_logical3A_120 : vector<16xi32>
      %mul3A_122 = arith.constant 20000 : i32
      %mul3A_123 = vector.broadcast %mul3A_122 : i32 to vector<16xi32>
      %mul3A_124 = arith.muli %shift_right_logical3A_121, %mul3A_123 : vector<16xi32>
      %add3A_125 = arith.constant 100 : i32
      %add3A_126 = arith.addi %add3A_125, %scan3A_116 : i32
      %get3A_127 = arith.index_cast %add3A_126 : i32 to index
      %get3A_128 = arith.constant 0 : index
      %get3A_129 = tpu.vector_load %arg8[%get3A_127, %get3A_128] {strides = array<i32>} : memref<125x80xi32, #tpu.memory_space<vmem>>, vector<16xi32>,
      %mul3A_130 = arith.constant 2 : i32
      %mul3A_131 = vector.broadcast %mul3A_130 : i32 to vector<16xi32>
      %mul3A_132 = arith.muli %get3A_129, %mul3A_131 : vector<16xi32>
      %add3A_133 = arith.addi %mul3A_124, %mul3A_132 : vector<16xi32>
      %and3A = arith.constant 1 : i32
      %and3A_134 = vector.broadcast %and3A : i32 to vector<16xi32>
      %and3A_135 = arith.andi %get3A_119, %and3A_134 : vector<16xi32>
      %add3A_136 = arith.addi %add3A_133, %and3A_135 : vector<16xi32>
      %add3A_137 = arith.constant 100 : i32
      %add3A_138 = arith.addi %add3A_137, %scan3A_116 : i32
      %swap3A = arith.index_cast %add3A_138 : i32 to index
      %swap3A_139 = arith.constant 0 : index
      %swap3A_140 = tpu.vector_load %arg8[%swap3A, %swap3A_139] {strides = array<i32>} : memref<125x80xi32, #tpu.memory_space<vmem>>, vector<16xi32>,
      tpu.vector_store %arg8[%swap3A, %swap3A_139], %add3A_136 {strides = array<i32>} : memref<125x80xi32, #tpu.memory_space<vmem>>, vector<16xi32>,
      %get3A_141 = arith.index_cast %scan3A_116 : i32 to index
      %get3A_142 = arith.constant 16 : index
      %get3A_143 = tpu.vector_load %arg7[%get3A_141, %get3A_142] {strides = array<i32>} : memref<25x80xi32, #tpu.memory_space<vmem>>, vector<16xi32>,
      %shift_right_logical3A_144 = arith.constant 1 : i32
      %shift_right_logical3A_145 = vector.broadcast %shift_right_logical3A_144 : i32 to vector<16xi32>
      %shift_right_logical3A_146 = arith.shrui %get3A_143, %shift_right_logical3A_145 : vector<16xi32>
      %mul3A_147 = arith.constant 20000 : i32
      %mul3A_148 = vector.broadcast %mul3A_147 : i32 to vector<16xi32>
      %mul3A_149 = arith.muli %shift_right_logical3A_146, %mul3A_148 : vector<16xi32>
      %add3A_150 = arith.constant 100 : i32
      %add3A_151 = arith.addi %add3A_150, %scan3A_116 : i32
      %get3A_152 = arith.index_cast %add3A_151 : i32 to index
      %get3A_153 = arith.constant 16 : index
      %get3A_154 = tpu.vector_load %arg8[%get3A_152, %get3A_153] {strides = array<i32>} : memref<125x80xi32, #tpu.memory_space<vmem>>, vector<16xi32>,
      %mul3A_155 = arith.constant 2 : i32
      %mul3A_156 = vector.broadcast %mul3A_155 : i32 to vector<16xi32>
      %mul3A_157 = arith.muli %get3A_154, %mul3A_156 : vector<16xi32>
      %add3A_158 = arith.addi %mul3A_149, %mul3A_157 : vector<16xi32>
      %and3A_159 = arith.constant 1 : i32
      %and3A_160 = vector.broadcast %and3A_159 : i32 to vector<16xi32>
      %and3A_161 = arith.andi %get3A_143, %and3A_160 : vector<16xi32>
      %add3A_162 = arith.addi %add3A_158, %and3A_161 : vector<16xi32>
      %add3A_163 = arith.constant 100 : i32
      %add3A_164 = arith.addi %add3A_163, %scan3A_116 : i32
      %swap3A_165 = arith.index_cast %add3A_164 : i32 to index
      %swap3A_166 = arith.constant 16 : index
      %swap3A_167 = tpu.vector_load %arg8[%swap3A_165, %swap3A_166] {strides = array<i32>} : memref<125x80xi32, #tpu.memory_space<vmem>>, vector<16xi32>,
      tpu.vector_store %arg8[%swap3A_165, %swap3A_166], %add3A_162 {strides = array<i32>} : memref<125x80xi32, #tpu.memory_space<vmem>>, vector<16xi32>,
      %get3A_168 = arith.index_cast %scan3A_116 : i32 to index
      %get3A_169 = arith.constant 32 : index
      %get3A_170 = tpu.vector_load %arg7[%get3A_168, %get3A_169] {strides = array<i32>} : memref<25x80xi32, #tpu.memory_space<vmem>>, vector<16xi32>,
      %shift_right_logical3A_171 = arith.constant 1 : i32
      %shift_right_logical3A_172 = vector.broadcast %shift_right_logical3A_171 : i32 to vector<16xi32>
      %shift_right_logical3A_173 = arith.shrui %get3A_170, %shift_right_logical3A_172 : vector<16xi32>
      %mul3A_174 = arith.constant 20000 : i32
      %mul3A_175 = vector.broadcast %mul3A_174 : i32 to vector<16xi32>
      %mul3A_176 = arith.muli %shift_right_logical3A_173, %mul3A_175 : vector<16xi32>
      %add3A_177 = arith.constant 100 : i32
      %add3A_178 = arith.addi %add3A_177, %scan3A_116 : i32
      %get3A_179 = arith.index_cast %add3A_178 : i32 to index
      %get3A_180 = arith.constant 32 : index
      %get3A_181 = tpu.vector_load %arg8[%get3A_179, %get3A_180] {strides = array<i32>} : memref<125x80xi32, #tpu.memory_space<vmem>>, vector<16xi32>,
      %mul3A_182 = arith.constant 2 : i32
      %mul3A_183 = vector.broadcast %mul3A_182 : i32 to vector<16xi32>
      %mul3A_184 = arith.muli %get3A_181, %mul3A_183 : vector<16xi32>
      %add3A_185 = arith.addi %mul3A_176, %mul3A_184 : vector<16xi32>
      %and3A_186 = arith.constant 1 : i32
      %and3A_187 = vector.broadcast %and3A_186 : i32 to vector<16xi32>
      %and3A_188 = arith.andi %get3A_170, %and3A_187 : vector<16xi32>
      %add3A_189 = arith.addi %add3A_185, %and3A_188 : vector<16xi32>
      %add3A_190 = arith.constant 100 : i32
      %add3A_191 = arith.addi %add3A_190, %scan3A_116 : i32
      %swap3A_192 = arith.index_cast %add3A_191 : i32 to index
      %swap3A_193 = arith.constant 32 : index
      %swap3A_194 = tpu.vector_load %arg8[%swap3A_192, %swap3A_193] {strides = array<i32>} : memref<125x80xi32, #tpu.memory_space<vmem>>, vector<16xi32>,
      tpu.vector_store %arg8[%swap3A_192, %swap3A_193], %add3A_189 {strides = array<i32>} : memref<125x80xi32, #tpu.memory_space<vmem>>, vector<16xi32>,
      %get3A_195 = arith.index_cast %scan3A_116 : i32 to index
      %get3A_196 = arith.constant 48 : index
      %get3A_197 = tpu.vector_load %arg7[%get3A_195, %get3A_196] {strides = array<i32>} : memref<25x80xi32, #tpu.memory_space<vmem>>, vector<16xi32>,
      %shift_right_logical3A_198 = arith.constant 1 : i32
      %shift_right_logical3A_199 = vector.broadcast %shift_right_logical3A_198 : i32 to vector<16xi32>
      %shift_right_logical3A_200 = arith.shrui %get3A_197, %shift_right_logical3A_199 : vector<16xi32>
      %mul3A_201 = arith.constant 20000 : i32
      %mul3A_202 = vector.broadcast %mul3A_201 : i32 to vector<16xi32>
      %mul3A_203 = arith.muli %shift_right_logical3A_200, %mul3A_202 : vector<16xi32>
      %add3A_204 = arith.constant 100 : i32
      %add3A_205 = arith.addi %add3A_204, %scan3A_116 : i32
      %get3A_206 = arith.index_cast %add3A_205 : i32 to index
      %get3A_207 = arith.constant 48 : index
      %get3A_208 = tpu.vector_load %arg8[%get3A_206, %get3A_207] {strides = array<i32>} : memref<125x80xi32, #tpu.memory_space<vmem>>, vector<16xi32>,
      %mul3A_209 = arith.constant 2 : i32
      %mul3A_210 = vector.broadcast %mul3A_209 : i32 to vector<16xi32>
      %mul3A_211 = arith.muli %get3A_208, %mul3A_210 : vector<16xi32>
      %add3A_212 = arith.addi %mul3A_203, %mul3A_211 : vector<16xi32>
      %and3A_213 = arith.constant 1 : i32
      %and3A_214 = vector.broadcast %and3A_213 : i32 to vector<16xi32>
      %and3A_215 = arith.andi %get3A_197, %and3A_214 : vector<16xi32>
      %add3A_216 = arith.addi %add3A_212, %and3A_215 : vector<16xi32>
      %add3A_217 = arith.constant 100 : i32
      %add3A_218 = arith.addi %add3A_217, %scan3A_116 : i32
      %swap3A_219 = arith.index_cast %add3A_218 : i32 to index
      %swap3A_220 = arith.constant 48 : index
      %swap3A_221 = tpu.vector_load %arg8[%swap3A_219, %swap3A_220] {strides = array<i32>} : memref<125x80xi32, #tpu.memory_space<vmem>>, vector<16xi32>,
      tpu.vector_store %arg8[%swap3A_219, %swap3A_220], %add3A_216 {strides = array<i32>} : memref<125x80xi32, #tpu.memory_space<vmem>>, vector<16xi32>,
      %get3A_222 = arith.index_cast %scan3A_116 : i32 to index
      %get3A_223 = arith.constant 64 : index
      %get3A_224 = tpu.vector_load %arg7[%get3A_222, %get3A_223] {strides = array<i32>} : memref<25x80xi32, #tpu.memory_space<vmem>>, vector<16xi32>,
      %shift_right_logical3A_225 = arith.constant 1 : i32
      %shift_right_logical3A_226 = vector.broadcast %shift_right_logical3A_225 : i32 to vector<16xi32>
      %shift_right_logical3A_227 = arith.shrui %get3A_224, %shift_right_logical3A_226 : vector<16xi32>
      %mul3A_228 = arith.constant 20000 : i32
      %mul3A_229 = vector.broadcast %mul3A_228 : i32 to vector<16xi32>
      %mul3A_230 = arith.muli %shift_right_logical3A_227, %mul3A_229 : vector<16xi32>
      %add3A_231 = arith.constant 100 : i32
      %add3A_232 = arith.addi %add3A_231, %scan3A_116 : i32
      %get3A_233 = arith.index_cast %add3A_232 : i32 to index
      %get3A_234 = arith.constant 64 : index
      %get3A_235 = tpu.vector_load %arg8[%get3A_233, %get3A_234] {strides = array<i32>} : memref<125x80xi32, #tpu.memory_space<vmem>>, vector<16xi32>,
      %mul3A_236 = arith.constant 2 : i32
      %mul3A_237 = vector.broadcast %mul3A_236 : i32 to vector<16xi32>
      %mul3A_238 = arith.muli %get3A_235, %mul3A_237 : vector<16xi32>
      %add3A_239 = arith.addi %mul3A_230, %mul3A_238 : vector<16xi32>
      %and3A_240 = arith.constant 1 : i32
      %and3A_241 = vector.broadcast %and3A_240 : i32 to vector<16xi32>
      %and3A_242 = arith.andi %get3A_224, %and3A_241 : vector<16xi32>
      %add3A_243 = arith.addi %add3A_239, %and3A_242 : vector<16xi32>
      %add3A_244 = arith.constant 100 : i32
      %add3A_245 = arith.addi %add3A_244, %scan3A_116 : i32
      %swap3A_246 = arith.index_cast %add3A_245 : i32 to index
      %swap3A_247 = arith.constant 64 : index
      %swap3A_248 = tpu.vector_load %arg8[%swap3A_246, %swap3A_247] {strides = array<i32>} : memref<125x80xi32, #tpu.memory_space<vmem>>, vector<16xi32>,
      tpu.vector_store %arg8[%swap3A_246, %swap3A_247], %add3A_243 {strides = array<i32>} : memref<125x80xi32, #tpu.memory_space<vmem>>, vector<16xi32>,
      %scan3A_249 = arith.constant 0 : i32
      scf.yield %scan3A_249 : i32
    }
    %scan3A_63 = arith.constant 25 : i32
    "tpu.region"() ({
      %run_scoped3A = tpu.sem_alloc : memref<!tpu.dma_semaphore, #tpu.memory_space<semaphore_mem>>
      %dma_start3A = arith.constant 0 : i32
      %dma_start3A_116 = arith.constant 0 : i32
      %dma_start3A_117 = tpu.memref_slice %arg5[%add3A, %dma_start3A, %dma_start3A_116] : memref<32x125x80xi32, #tpu.memory_space<hbm>> -> memref<1x125x80xi32, #tpu.memory_space<hbm>>
      %dma_start3A_118 = tpu.memref_squeeze %dma_start3A_117 : memref<1x125x80xi32, #tpu.memory_space<hbm>> -> memref<125x80xi32, #tpu.memory_space<hbm>>
      %dma_start3A_119 = arith.constant 0 : i32
      %dma_start3A_120 = arith.constant 0 : i32
      %dma_start3A_121 = tpu.memref_slice %arg5[%add3A, %dma_start3A_119, %dma_start3A_120] : memref<32x125x80xi32, #tpu.memory_space<hbm>> -> memref<1x125x80xi32, #tpu.memory_space<hbm>>
      %dma_start3A_122 = tpu.memref_squeeze %dma_start3A_121 : memref<1x125x80xi32, #tpu.memory_space<hbm>> -> memref<125x80xi32, #tpu.memory_space<hbm>>
      tpu.enqueue_dma source(%arg8 : memref<125x80xi32, #tpu.memory_space<vmem>>) target(%dma_start3A_122 : memref<125x80xi32, #tpu.memory_space<hbm>>) target_semaphore(%run_scoped3A : memref<!tpu.dma_semaphore, #tpu.memory_space<semaphore_mem>>)
      %dma_wait3A_123 = arith.constant 0 : i32
      %dma_wait3A_124 = arith.constant 0 : i32
      %dma_wait3A_125 = tpu.memref_slice %arg5[%add3A, %dma_wait3A_123, %dma_wait3A_124] : memref<32x125x80xi32, #tpu.memory_space<hbm>> -> memref<1x125x80xi32, #tpu.memory_space<hbm>>
      %dma_wait3A_126 = tpu.memref_squeeze %dma_wait3A_125 : memref<1x125x80xi32, #tpu.memory_space<hbm>> -> memref<125x80xi32, #tpu.memory_space<hbm>>
      %dma_wait3A_127 = arith.constant 0 : i32
      %dma_wait3A_128 = arith.constant 0 : i32
      %dma_wait3A_129 = tpu.memref_slice %arg5[%add3A, %dma_wait3A_127, %dma_wait3A_128] : memref<32x125x80xi32, #tpu.memory_space<hbm>> -> memref<1x125x80xi32, #tpu.memory_space<hbm>>
      %dma_wait3A_130 = tpu.memref_squeeze %dma_wait3A_129 : memref<1x125x80xi32, #tpu.memory_space<hbm>> -> memref<125x80xi32, #tpu.memory_space<hbm>>
      tpu.wait_dma2 semaphore(%run_scoped3A : memref<!tpu.dma_semaphore, #tpu.memory_space<semaphore_mem>>) src(%arg8 : memref<125x80xi32, #tpu.memory_space<vmem>>) dst(%dma_wait3A_130 : memref<125x80xi32, #tpu.memory_space<hbm>>)
      tpu.yield
    }) : () -> ()
    %barrier3A = arith.constant 0 : index
    tpu.barrier barrier_id(%barrier3A)
    %scan3A_64 = arith.constant 0 : i32
    %scan3A_65 = arith.constant 0 : i32
    %scan3A_66 = arith.constant 25 : i32
    %scan3A_67 = arith.addi %scan3A_65, %scan3A_66 : i32
    %scan3A_68 = arith.constant 1 : i32
    %scan3A_69 = scf.for %scan3A_116 = %scan3A_65 to %scan3A_67 step %scan3A_68 iter_args(%scan3A_117 = %scan3A_64) -> (i32)  : i32 {
      %mul3A_118 = arith.constant 5 : i32
      %mul3A_119 = arith.muli %scan3A_116, %mul3A_118 : i32
      %add3A_120 = arith.constant 0 : i32
      %add3A_121 = arith.addi %mul3A_119, %add3A_120 : i32
      %dma_start3A = arith.constant 0 : i32
      %dma_start3A_122 = tpu.memref_slice %arg9[%add3A_121, %dma_start3A] : memref<125x80xi32, #tpu.memory_space<vmem>> -> memref<1x80xi32, #tpu.memory_space<vmem>>
      %dma_start3A_123 = tpu.memref_squeeze %dma_start3A_122 : memref<1x80xi32, #tpu.memory_space<vmem>> -> memref<80xi32, #tpu.memory_space<vmem>>
      %dma_start3A_124 = arith.constant 0 : i32
      %dma_start3A_125 = arith.constant 0 : i32
      %dma_start3A_126 = tpu.memref_slice %arg12[%dma_start3A_124, %dma_start3A_125] : memref<10240x16xf32, #tpu.memory_space<vmem_shared>> -> memref<10240x16xf32, #tpu.memory_space<vmem_shared>>
      tpu.enqueue_indirect_dma source(%arg10 : memref<80x16xf32, #tpu.memory_space<vmem>>) target(%dma_start3A_126 : memref<10240x16xf32, #tpu.memory_space<vmem_shared>>) offsets(%dma_start3A_123 : memref<80xi32, #tpu.memory_space<vmem>>) semaphore(%arg13 : memref<!tpu.dma_semaphore, #tpu.memory_space<semaphore_mem>>) {add = true}
      %mul3A_127 = arith.constant 5 : i32
      %mul3A_128 = arith.muli %scan3A_116, %mul3A_127 : i32
      %add3A_129 = arith.constant 1 : i32
      %add3A_130 = arith.addi %mul3A_128, %add3A_129 : i32
      %dma_start3A_131 = arith.constant 0 : i32
      %dma_start3A_132 = tpu.memref_slice %arg9[%add3A_130, %dma_start3A_131] : memref<125x80xi32, #tpu.memory_space<vmem>> -> memref<1x80xi32, #tpu.memory_space<vmem>>
      %dma_start3A_133 = tpu.memref_squeeze %dma_start3A_132 : memref<1x80xi32, #tpu.memory_space<vmem>> -> memref<80xi32, #tpu.memory_space<vmem>>
      %dma_start3A_134 = arith.constant 0 : i32
      %dma_start3A_135 = arith.constant 0 : i32
      %dma_start3A_136 = tpu.memref_slice %arg12[%dma_start3A_134, %dma_start3A_135] : memref<10240x16xf32, #tpu.memory_space<vmem_shared>> -> memref<10240x16xf32, #tpu.memory_space<vmem_shared>>
      tpu.enqueue_indirect_dma source(%arg10 : memref<80x16xf32, #tpu.memory_space<vmem>>) target(%dma_start3A_136 : memref<10240x16xf32, #tpu.memory_space<vmem_shared>>) offsets(%dma_start3A_133 : memref<80xi32, #tpu.memory_space<vmem>>) semaphore(%arg13 : memref<!tpu.dma_semaphore, #tpu.memory_space<semaphore_mem>>) {add = true}
      %mul3A_137 = arith.constant 5 : i32
      %mul3A_138 = arith.muli %scan3A_116, %mul3A_137 : i32
      %add3A_139 = arith.constant 2 : i32
      %add3A_140 = arith.addi %mul3A_138, %add3A_139 : i32
      %dma_start3A_141 = arith.constant 0 : i32
      %dma_start3A_142 = tpu.memref_slice %arg9[%add3A_140, %dma_start3A_141] : memref<125x80xi32, #tpu.memory_space<vmem>> -> memref<1x80xi32, #tpu.memory_space<vmem>>
      %dma_start3A_143 = tpu.memref_squeeze %dma_start3A_142 : memref<1x80xi32, #tpu.memory_space<vmem>> -> memref<80xi32, #tpu.memory_space<vmem>>
      %dma_start3A_144 = arith.constant 0 : i32
      %dma_start3A_145 = arith.constant 0 : i32
      %dma_start3A_146 = tpu.memref_slice %arg12[%dma_start3A_144, %dma_start3A_145] : memref<10240x16xf32, #tpu.memory_space<vmem_shared>> -> memref<10240x16xf32, #tpu.memory_space<vmem_shared>>
      tpu.enqueue_indirect_dma source(%arg10 : memref<80x16xf32, #tpu.memory_space<vmem>>) target(%dma_start3A_146 : memref<10240x16xf32, #tpu.memory_space<vmem_shared>>) offsets(%dma_start3A_143 : memref<80xi32, #tpu.memory_space<vmem>>) semaphore(%arg13 : memref<!tpu.dma_semaphore, #tpu.memory_space<semaphore_mem>>) {add = true}
      %mul3A_147 = arith.constant 5 : i32
      %mul3A_148 = arith.muli %scan3A_116, %mul3A_147 : i32
      %add3A_149 = arith.constant 3 : i32
      %add3A_150 = arith.addi %mul3A_148, %add3A_149 : i32
      %dma_start3A_151 = arith.constant 0 : i32
      %dma_start3A_152 = tpu.memref_slice %arg9[%add3A_150, %dma_start3A_151] : memref<125x80xi32, #tpu.memory_space<vmem>> -> memref<1x80xi32, #tpu.memory_space<vmem>>
      %dma_start3A_153 = tpu.memref_squeeze %dma_start3A_152 : memref<1x80xi32, #tpu.memory_space<vmem>> -> memref<80xi32, #tpu.memory_space<vmem>>
      %dma_start3A_154 = arith.constant 0 : i32
      %dma_start3A_155 = arith.constant 0 : i32
      %dma_start3A_156 = tpu.memref_slice %arg12[%dma_start3A_154, %dma_start3A_155] : memref<10240x16xf32, #tpu.memory_space<vmem_shared>> -> memref<10240x16xf32, #tpu.memory_space<vmem_shared>>
      tpu.enqueue_indirect_dma source(%arg10 : memref<80x16xf32, #tpu.memory_space<vmem>>) target(%dma_start3A_156 : memref<10240x16xf32, #tpu.memory_space<vmem_shared>>) offsets(%dma_start3A_153 : memref<80xi32, #tpu.memory_space<vmem>>) semaphore(%arg13 : memref<!tpu.dma_semaphore, #tpu.memory_space<semaphore_mem>>) {add = true}
      %mul3A_157 = arith.constant 5 : i32
      %mul3A_158 = arith.muli %scan3A_116, %mul3A_157 : i32
      %add3A_159 = arith.constant 4 : i32
      %add3A_160 = arith.addi %mul3A_158, %add3A_159 : i32
      %dma_start3A_161 = arith.constant 0 : i32
      %dma_start3A_162 = tpu.memref_slice %arg9[%add3A_160, %dma_start3A_161] : memref<125x80xi32, #tpu.memory_space<vmem>> -> memref<1x80xi32, #tpu.memory_space<vmem>>
      %dma_start3A_163 = tpu.memref_squeeze %dma_start3A_162 : memref<1x80xi32, #tpu.memory_space<vmem>> -> memref<80xi32, #tpu.memory_space<vmem>>
      %dma_start3A_164 = arith.constant 0 : i32
      %dma_start3A_165 = arith.constant 0 : i32
      %dma_start3A_166 = tpu.memref_slice %arg12[%dma_start3A_164, %dma_start3A_165] : memref<10240x16xf32, #tpu.memory_space<vmem_shared>> -> memref<10240x16xf32, #tpu.memory_space<vmem_shared>>
      tpu.enqueue_indirect_dma source(%arg10 : memref<80x16xf32, #tpu.memory_space<vmem>>) target(%dma_start3A_166 : memref<10240x16xf32, #tpu.memory_space<vmem_shared>>) offsets(%dma_start3A_163 : memref<80xi32, #tpu.memory_space<vmem>>) semaphore(%arg13 : memref<!tpu.dma_semaphore, #tpu.memory_space<semaphore_mem>>) {add = true}
      %gt3A = arith.constant 0 : i32
      %gt3A_167 = arith.cmpi sgt, %scan3A_116, %gt3A : i32
      %convert_element_type3A = arith.extui %gt3A_167 : i1 to i32
      %cond3A = arith.constant 0 : i32
      %cond3A_168 = arith.cmpi ne, %convert_element_type3A, %cond3A : i32
      scf.if %cond3A_168 {
        %dma_wait3A_170 = arith.constant 0 : i32
        %dma_wait3A_171 = arith.constant 0 : i32
        %dma_wait3A_172 = arith.constant 0 : i32
        %dma_wait3A_173 = tpu.memref_slice %arg6[%dma_wait3A_170, %dma_wait3A_171, %dma_wait3A_172] : memref<2x10240x16xf32, #tpu.memory_space<hbm>> -> memref<1x80x16xf32, #tpu.memory_space<hbm>>
        %dma_wait3A_174 = tpu.memref_squeeze %dma_wait3A_173 : memref<1x80x16xf32, #tpu.memory_space<hbm>> -> memref<80x16xf32, #tpu.memory_space<hbm>>
        %dma_wait3A_175 = arith.constant 0 : i32
        %dma_wait3A_176 = arith.constant 0 : i32
        %dma_wait3A_177 = tpu.memref_slice %arg6[%dma_wait3A_170, %dma_wait3A_175, %dma_wait3A_176] : memref<2x10240x16xf32, #tpu.memory_space<hbm>> -> memref<1x80x16xf32, #tpu.memory_space<hbm>>
        %dma_wait3A_178 = tpu.memref_squeeze %dma_wait3A_177 : memref<1x80x16xf32, #tpu.memory_space<hbm>> -> memref<80x16xf32, #tpu.memory_space<hbm>>
        tpu.wait_dma2 semaphore(%arg13 : memref<!tpu.dma_semaphore, #tpu.memory_space<semaphore_mem>>) src(%dma_wait3A_178 : memref<80x16xf32, #tpu.memory_space<hbm>>) dst(%arg10 : memref<80x16xf32, #tpu.memory_space<vmem>>)
        %dma_wait3A_179 = arith.constant 0 : i32
        %dma_wait3A_180 = arith.constant 0 : i32
        %dma_wait3A_181 = arith.constant 0 : i32
        %dma_wait3A_182 = tpu.memref_slice %arg6[%dma_wait3A_179, %dma_wait3A_180, %dma_wait3A_181] : memref<2x10240x16xf32, #tpu.memory_space<hbm>> -> memref<1x80x16xf32, #tpu.memory_space<hbm>>
        %dma_wait3A_183 = tpu.memref_squeeze %dma_wait3A_182 : memref<1x80x16xf32, #tpu.memory_space<hbm>> -> memref<80x16xf32, #tpu.memory_space<hbm>>
        %dma_wait3A_184 = arith.constant 0 : i32
        %dma_wait3A_185 = arith.constant 0 : i32
        %dma_wait3A_186 = tpu.memref_slice %arg6[%dma_wait3A_179, %dma_wait3A_184, %dma_wait3A_185] : memref<2x10240x16xf32, #tpu.memory_space<hbm>> -> memref<1x80x16xf32, #tpu.memory_space<hbm>>
        %dma_wait3A_187 = tpu.memref_squeeze %dma_wait3A_186 : memref<1x80x16xf32, #tpu.memory_space<hbm>> -> memref<80x16xf32, #tpu.memory_space<hbm>>
        tpu.wait_dma2 semaphore(%arg13 : memref<!tpu.dma_semaphore, #tpu.memory_space<semaphore_mem>>) src(%dma_wait3A_187 : memref<80x16xf32, #tpu.memory_space<hbm>>) dst(%arg10 : memref<80x16xf32, #tpu.memory_space<vmem>>)
        %dma_wait3A_188 = arith.constant 0 : i32
        %dma_wait3A_189 = arith.constant 0 : i32
        %dma_wait3A_190 = arith.constant 0 : i32
        %dma_wait3A_191 = tpu.memref_slice %arg6[%dma_wait3A_188, %dma_wait3A_189, %dma_wait3A_190] : memref<2x10240x16xf32, #tpu.memory_space<hbm>> -> memref<1x80x16xf32, #tpu.memory_space<hbm>>
        %dma_wait3A_192 = tpu.memref_squeeze %dma_wait3A_191 : memref<1x80x16xf32, #tpu.memory_space<hbm>> -> memref<80x16xf32, #tpu.memory_space<hbm>>
        %dma_wait3A_193 = arith.constant 0 : i32
        %dma_wait3A_194 = arith.constant 0 : i32
        %dma_wait3A_195 = tpu.memref_slice %arg6[%dma_wait3A_188, %dma_wait3A_193, %dma_wait3A_194] : memref<2x10240x16xf32, #tpu.memory_space<hbm>> -> memref<1x80x16xf32, #tpu.memory_space<hbm>>
        %dma_wait3A_196 = tpu.memref_squeeze %dma_wait3A_195 : memref<1x80x16xf32, #tpu.memory_space<hbm>> -> memref<80x16xf32, #tpu.memory_space<hbm>>
        tpu.wait_dma2 semaphore(%arg13 : memref<!tpu.dma_semaphore, #tpu.memory_space<semaphore_mem>>) src(%dma_wait3A_196 : memref<80x16xf32, #tpu.memory_space<hbm>>) dst(%arg10 : memref<80x16xf32, #tpu.memory_space<vmem>>)
        %dma_wait3A_197 = arith.constant 0 : i32
        %dma_wait3A_198 = arith.constant 0 : i32
        %dma_wait3A_199 = arith.constant 0 : i32
        %dma_wait3A_200 = tpu.memref_slice %arg6[%dma_wait3A_197, %dma_wait3A_198, %dma_wait3A_199] : memref<2x10240x16xf32, #tpu.memory_space<hbm>> -> memref<1x80x16xf32, #tpu.memory_space<hbm>>
        %dma_wait3A_201 = tpu.memref_squeeze %dma_wait3A_200 : memref<1x80x16xf32, #tpu.memory_space<hbm>> -> memref<80x16xf32, #tpu.memory_space<hbm>>
        %dma_wait3A_202 = arith.constant 0 : i32
        %dma_wait3A_203 = arith.constant 0 : i32
        %dma_wait3A_204 = tpu.memref_slice %arg6[%dma_wait3A_197, %dma_wait3A_202, %dma_wait3A_203] : memref<2x10240x16xf32, #tpu.memory_space<hbm>> -> memref<1x80x16xf32, #tpu.memory_space<hbm>>
        %dma_wait3A_205 = tpu.memref_squeeze %dma_wait3A_204 : memref<1x80x16xf32, #tpu.memory_space<hbm>> -> memref<80x16xf32, #tpu.memory_space<hbm>>
        tpu.wait_dma2 semaphore(%arg13 : memref<!tpu.dma_semaphore, #tpu.memory_space<semaphore_mem>>) src(%dma_wait3A_205 : memref<80x16xf32, #tpu.memory_space<hbm>>) dst(%arg10 : memref<80x16xf32, #tpu.memory_space<vmem>>)
        %dma_wait3A_206 = arith.constant 0 : i32
        %dma_wait3A_207 = arith.constant 0 : i32
        %dma_wait3A_208 = arith.constant 0 : i32
        %dma_wait3A_209 = tpu.memref_slice %arg6[%dma_wait3A_206, %dma_wait3A_207, %dma_wait3A_208] : memref<2x10240x16xf32, #tpu.memory_space<hbm>> -> memref<1x80x16xf32, #tpu.memory_space<hbm>>
        %dma_wait3A_210 = tpu.memref_squeeze %dma_wait3A_209 : memref<1x80x16xf32, #tpu.memory_space<hbm>> -> memref<80x16xf32, #tpu.memory_space<hbm>>
        %dma_wait3A_211 = arith.constant 0 : i32
        %dma_wait3A_212 = arith.constant 0 : i32
        %dma_wait3A_213 = tpu.memref_slice %arg6[%dma_wait3A_206, %dma_wait3A_211, %dma_wait3A_212] : memref<2x10240x16xf32, #tpu.memory_space<hbm>> -> memref<1x80x16xf32, #tpu.memory_space<hbm>>
        %dma_wait3A_214 = tpu.memref_squeeze %dma_wait3A_213 : memref<1x80x16xf32, #tpu.memory_space<hbm>> -> memref<80x16xf32, #tpu.memory_space<hbm>>
        tpu.wait_dma2 semaphore(%arg13 : memref<!tpu.dma_semaphore, #tpu.memory_space<semaphore_mem>>) src(%dma_wait3A_214 : memref<80x16xf32, #tpu.memory_space<hbm>>) dst(%arg10 : memref<80x16xf32, #tpu.memory_space<vmem>>)
      } else {
      }
      %scan3A_169 = arith.constant 0 : i32
      scf.yield %scan3A_169 : i32
    }
    %scan3A_70 = arith.constant 25 : i32
    %dma_wait3A = arith.constant 0 : i32
    %dma_wait3A_71 = arith.constant 0 : i32
    %dma_wait3A_72 = arith.constant 0 : i32
    %dma_wait3A_73 = tpu.memref_slice %arg6[%dma_wait3A, %dma_wait3A_71, %dma_wait3A_72] : memref<2x10240x16xf32, #tpu.memory_space<hbm>> -> memref<1x80x16xf32, #tpu.memory_space<hbm>>
    %dma_wait3A_74 = tpu.memref_squeeze %dma_wait3A_73 : memref<1x80x16xf32, #tpu.memory_space<hbm>> -> memref<80x16xf32, #tpu.memory_space<hbm>>
    %dma_wait3A_75 = arith.constant 0 : i32
    %dma_wait3A_76 = arith.constant 0 : i32
    %dma_wait3A_77 = tpu.memref_slice %arg6[%dma_wait3A, %dma_wait3A_75, %dma_wait3A_76] : memref<2x10240x16xf32, #tpu.memory_space<hbm>> -> memref<1x80x16xf32, #tpu.memory_space<hbm>>
    %dma_wait3A_78 = tpu.memref_squeeze %dma_wait3A_77 : memref<1x80x16xf32, #tpu.memory_space<hbm>> -> memref<80x16xf32, #tpu.memory_space<hbm>>
    tpu.wait_dma2 semaphore(%arg13 : memref<!tpu.dma_semaphore, #tpu.memory_space<semaphore_mem>>) src(%dma_wait3A_78 : memref<80x16xf32, #tpu.memory_space<hbm>>) dst(%arg10 : memref<80x16xf32, #tpu.memory_space<vmem>>)
    %dma_wait3A_79 = arith.constant 0 : i32
    %dma_wait3A_80 = arith.constant 0 : i32
    %dma_wait3A_81 = arith.constant 0 : i32
    %dma_wait3A_82 = tpu.memref_slice %arg6[%dma_wait3A_79, %dma_wait3A_80, %dma_wait3A_81] : memref<2x10240x16xf32, #tpu.memory_space<hbm>> -> memref<1x80x16xf32, #tpu.memory_space<hbm>>
    %dma_wait3A_83 = tpu.memref_squeeze %dma_wait3A_82 : memref<1x80x16xf32, #tpu.memory_space<hbm>> -> memref<80x16xf32, #tpu.memory_space<hbm>>
    %dma_wait3A_84 = arith.constant 0 : i32
    %dma_wait3A_85 = arith.constant 0 : i32
    %dma_wait3A_86 = tpu.memref_slice %arg6[%dma_wait3A_79, %dma_wait3A_84, %dma_wait3A_85] : memref<2x10240x16xf32, #tpu.memory_space<hbm>> -> memref<1x80x16xf32, #tpu.memory_space<hbm>>
    %dma_wait3A_87 = tpu.memref_squeeze %dma_wait3A_86 : memref<1x80x16xf32, #tpu.memory_space<hbm>> -> memref<80x16xf32, #tpu.memory_space<hbm>>
    tpu.wait_dma2 semaphore(%arg13 : memref<!tpu.dma_semaphore, #tpu.memory_space<semaphore_mem>>) src(%dma_wait3A_87 : memref<80x16xf32, #tpu.memory_space<hbm>>) dst(%arg10 : memref<80x16xf32, #tpu.memory_space<vmem>>)
    %dma_wait3A_88 = arith.constant 0 : i32
    %dma_wait3A_89 = arith.constant 0 : i32
    %dma_wait3A_90 = arith.constant 0 : i32
    %dma_wait3A_91 = tpu.memref_slice %arg6[%dma_wait3A_88, %dma_wait3A_89, %dma_wait3A_90] : memref<2x10240x16xf32, #tpu.memory_space<hbm>> -> memref<1x80x16xf32, #tpu.memory_space<hbm>>
    %dma_wait3A_92 = tpu.memref_squeeze %dma_wait3A_91 : memref<1x80x16xf32, #tpu.memory_space<hbm>> -> memref<80x16xf32, #tpu.memory_space<hbm>>
    %dma_wait3A_93 = arith.constant 0 : i32
    %dma_wait3A_94 = arith.constant 0 : i32
    %dma_wait3A_95 = tpu.memref_slice %arg6[%dma_wait3A_88, %dma_wait3A_93, %dma_wait3A_94] : memref<2x10240x16xf32, #tpu.memory_space<hbm>> -> memref<1x80x16xf32, #tpu.memory_space<hbm>>
    %dma_wait3A_96 = tpu.memref_squeeze %dma_wait3A_95 : memref<1x80x16xf32, #tpu.memory_space<hbm>> -> memref<80x16xf32, #tpu.memory_space<hbm>>
    tpu.wait_dma2 semaphore(%arg13 : memref<!tpu.dma_semaphore, #tpu.memory_space<semaphore_mem>>) src(%dma_wait3A_96 : memref<80x16xf32, #tpu.memory_space<hbm>>) dst(%arg10 : memref<80x16xf32, #tpu.memory_space<vmem>>)
    %dma_wait3A_97 = arith.constant 0 : i32
    %dma_wait3A_98 = arith.constant 0 : i32
    %dma_wait3A_99 = arith.constant 0 : i32
    %dma_wait3A_100 = tpu.memref_slice %arg6[%dma_wait3A_97, %dma_wait3A_98, %dma_wait3A_99] : memref<2x10240x16xf32, #tpu.memory_space<hbm>> -> memref<1x80x16xf32, #tpu.memory_space<hbm>>
    %dma_wait3A_101 = tpu.memref_squeeze %dma_wait3A_100 : memref<1x80x16xf32, #tpu.memory_space<hbm>> -> memref<80x16xf32, #tpu.memory_space<hbm>>
    %dma_wait3A_102 = arith.constant 0 : i32
    %dma_wait3A_103 = arith.constant 0 : i32
    %dma_wait3A_104 = tpu.memref_slice %arg6[%dma_wait3A_97, %dma_wait3A_102, %dma_wait3A_103] : memref<2x10240x16xf32, #tpu.memory_space<hbm>> -> memref<1x80x16xf32, #tpu.memory_space<hbm>>
    %dma_wait3A_105 = tpu.memref_squeeze %dma_wait3A_104 : memref<1x80x16xf32, #tpu.memory_space<hbm>> -> memref<80x16xf32, #tpu.memory_space<hbm>>
    tpu.wait_dma2 semaphore(%arg13 : memref<!tpu.dma_semaphore, #tpu.memory_space<semaphore_mem>>) src(%dma_wait3A_105 : memref<80x16xf32, #tpu.memory_space<hbm>>) dst(%arg10 : memref<80x16xf32, #tpu.memory_space<vmem>>)
    %dma_wait3A_106 = arith.constant 0 : i32
    %dma_wait3A_107 = arith.constant 0 : i32
    %dma_wait3A_108 = arith.constant 0 : i32
    %dma_wait3A_109 = tpu.memref_slice %arg6[%dma_wait3A_106, %dma_wait3A_107, %dma_wait3A_108] : memref<2x10240x16xf32, #tpu.memory_space<hbm>> -> memref<1x80x16xf32, #tpu.memory_space<hbm>>
    %dma_wait3A_110 = tpu.memref_squeeze %dma_wait3A_109 : memref<1x80x16xf32, #tpu.memory_space<hbm>> -> memref<80x16xf32, #tpu.memory_space<hbm>>
    %dma_wait3A_111 = arith.constant 0 : i32
    %dma_wait3A_112 = arith.constant 0 : i32
    %dma_wait3A_113 = tpu.memref_slice %arg6[%dma_wait3A_106, %dma_wait3A_111, %dma_wait3A_112] : memref<2x10240x16xf32, #tpu.memory_space<hbm>> -> memref<1x80x16xf32, #tpu.memory_space<hbm>>
    %dma_wait3A_114 = tpu.memref_squeeze %dma_wait3A_113 : memref<1x80x16xf32, #tpu.memory_space<hbm>> -> memref<80x16xf32, #tpu.memory_space<hbm>>
    tpu.wait_dma2 semaphore(%arg13 : memref<!tpu.dma_semaphore, #tpu.memory_space<semaphore_mem>>) src(%dma_wait3A_114 : memref<80x16xf32, #tpu.memory_space<hbm>>) dst(%arg10 : memref<80x16xf32, #tpu.memory_space<vmem>>)
    %barrier3A_115 = arith.constant 0 : index
    tpu.barrier barrier_id(%barrier3A_115)
    "tpu.region"() ({
      %run_scoped3A = tpu.sem_alloc : memref<!tpu.dma_semaphore, #tpu.memory_space<semaphore_mem>>
      %dma_start3A = arith.constant 0 : i32
      %dma_start3A_116 = tpu.memref_slice %arg6[%arg0, %mul3A_2, %dma_start3A] : memref<2x10240x16xf32, #tpu.memory_space<hbm>> -> memref<1x640x16xf32, #tpu.memory_space<hbm>>
      %dma_start3A_117 = tpu.memref_squeeze %dma_start3A_116 : memref<1x640x16xf32, #tpu.memory_space<hbm>> -> memref<640x16xf32, #tpu.memory_space<hbm>>
      %dma_start3A_118 = arith.constant 0 : i32
      %dma_start3A_119 = tpu.memref_slice %arg12[%mul3A_2, %dma_start3A_118] : memref<10240x16xf32, #tpu.memory_space<vmem_shared>> -> memref<640x16xf32, #tpu.memory_space<vmem_shared>>
      tpu.enqueue_dma source(%dma_start3A_119 : memref<640x16xf32, #tpu.memory_space<vmem_shared>>) target(%dma_start3A_117 : memref<640x16xf32, #tpu.memory_space<hbm>>) target_semaphore(%run_scoped3A : memref<!tpu.dma_semaphore, #tpu.memory_space<semaphore_mem>>)
      %dma_wait3A_120 = arith.constant 0 : i32
      %dma_wait3A_121 = tpu.memref_slice %arg6[%arg0, %mul3A_2, %dma_wait3A_120] : memref<2x10240x16xf32, #tpu.memory_space<hbm>> -> memref<1x640x16xf32, #tpu.memory_space<hbm>>
      %dma_wait3A_122 = tpu.memref_squeeze %dma_wait3A_121 : memref<1x640x16xf32, #tpu.memory_space<hbm>> -> memref<640x16xf32, #tpu.memory_space<hbm>>
      %dma_wait3A_123 = arith.constant 0 : i32
      %dma_wait3A_124 = tpu.memref_slice %arg12[%mul3A_2, %dma_wait3A_123] : memref<10240x16xf32, #tpu.memory_space<vmem_shared>> -> memref<640x16xf32, #tpu.memory_space<vmem_shared>>
      tpu.wait_dma2 semaphore(%run_scoped3A : memref<!tpu.dma_semaphore, #tpu.memory_space<semaphore_mem>>) src(%dma_wait3A_124 : memref<640x16xf32, #tpu.memory_space<vmem_shared>>) dst(%dma_wait3A_122 : memref<640x16xf32, #tpu.memory_space<hbm>>)
      tpu.yield
    }) : () -> ()
    return
  }
}

#map = affine_map<(d0, d1) -> (0, 0)>
#map1 = affine_map<(d0, d1) -> (0, 0, 0)>
module attributes {stable_mosaic.version = 14 : i64} {
  func.func @body(%arg0: i32, %arg1: i32, %arg2: memref<80000x64xf32, #tpu.memory_space<hbm>>, %arg3: memref<32x125x80xi32, #tpu.memory_space<hbm>>, %arg4: memref<32x125x80xi32, #tpu.memory_space<hbm>>, %arg5: memref<2x10240x128xf32, #tpu.memory_space<hbm>>, %arg6: memref<125x80xi32, #tpu.memory_space<vmem>>, %arg7: memref<125x80xi32, #tpu.memory_space<vmem>>, %arg8: memref<800x64xf32, #tpu.memory_space<vmem>>, %arg9: memref<10240x64xf32, #tpu.memory_space<vmem_shared>>, %arg10: memref<!tpu.dma_semaphore, #tpu.memory_space<semaphore_mem>>, %arg11: memref<!tpu.dma_semaphore, #tpu.memory_space<semaphore_mem>>, %arg12: memref<!tpu.dma_semaphore, #tpu.memory_space<semaphore_mem>>, %arg13: memref<!tpu.dma_semaphore, #tpu.memory_space<semaphore_mem>>, %arg14: memref<!tpu.dma_semaphore, #tpu.memory_space<semaphore_mem>>, %arg15: memref<!tpu.dma_semaphore, #tpu.memory_space<semaphore_mem>>, %arg16: memref<!tpu.dma_semaphore, #tpu.memory_space<semaphore_mem>>, %arg17: memref<!tpu.dma_semaphore, #tpu.memory_space<semaphore_mem>>, %arg18: memref<!tpu.dma_semaphore, #tpu.memory_space<semaphore_mem>>, %arg19: memref<!tpu.dma_semaphore, #tpu.memory_space<semaphore_mem>>, %arg20: memref<!tpu.dma_semaphore, #tpu.memory_space<semaphore_mem>>, %arg21: memref<!tpu.dma_semaphore, #tpu.memory_space<semaphore_mem>>) attributes {dimension_semantics = [#tpu.dimension_semantics<core_parallel>, #tpu.dimension_semantics<subcore_parallel>], iteration_bounds = array<i64: 2, 16>, scalar_prefetch = 0 : i64, scratch_operands = 16 : i64, tpu.core_type = #tpu.core_type<sc_vector_subcore>, window_params = [{transform_indices = #map}, {transform_indices = #map1}, {transform_indices = #map1}, {transform_indices = #map1}]} {
    %mul3A = arith.constant 2 : i32
    %mul3A_0 = arith.muli %arg1, %mul3A : i32
    %add3A = arith.addi %mul3A_0, %arg0 : i32
    %mul3A_1 = arith.constant 640 : i32
    %mul3A_2 = arith.muli %arg1, %mul3A_1 : i32
    "tpu.region"() ({
      %run_scoped3A = tpu.sem_alloc : memref<!tpu.dma_semaphore, #tpu.memory_space<semaphore_mem>>
      %dma_start3A_356 = arith.constant 0 : i32
      %dma_start3A_357 = arith.constant 0 : i32
      %dma_start3A_358 = tpu.memref_slice %arg3[%add3A, %dma_start3A_356, %dma_start3A_357] : memref<32x125x80xi32, #tpu.memory_space<hbm>> -> memref<1x125x80xi32, #tpu.memory_space<hbm>>
      %dma_start3A_359 = tpu.memref_squeeze %dma_start3A_358 : memref<1x125x80xi32, #tpu.memory_space<hbm>> -> memref<125x80xi32, #tpu.memory_space<hbm>>
      %dma_start3A_360 = arith.constant 0 : i32
      %dma_start3A_361 = arith.constant 0 : i32
      %dma_start3A_362 = tpu.memref_slice %arg3[%add3A, %dma_start3A_360, %dma_start3A_361] : memref<32x125x80xi32, #tpu.memory_space<hbm>> -> memref<1x125x80xi32, #tpu.memory_space<hbm>>
      %dma_start3A_363 = tpu.memref_squeeze %dma_start3A_362 : memref<1x125x80xi32, #tpu.memory_space<hbm>> -> memref<125x80xi32, #tpu.memory_space<hbm>>
      tpu.enqueue_dma source(%dma_start3A_363 : memref<125x80xi32, #tpu.memory_space<hbm>>) target(%arg6 : memref<125x80xi32, #tpu.memory_space<vmem>>) target_semaphore(%run_scoped3A : memref<!tpu.dma_semaphore, #tpu.memory_space<semaphore_mem>>)
      %dma_wait3A_364 = arith.constant 0 : i32
      %dma_wait3A_365 = arith.constant 0 : i32
      %dma_wait3A_366 = tpu.memref_slice %arg3[%add3A, %dma_wait3A_364, %dma_wait3A_365] : memref<32x125x80xi32, #tpu.memory_space<hbm>> -> memref<1x125x80xi32, #tpu.memory_space<hbm>>
      %dma_wait3A_367 = tpu.memref_squeeze %dma_wait3A_366 : memref<1x125x80xi32, #tpu.memory_space<hbm>> -> memref<125x80xi32, #tpu.memory_space<hbm>>
      %dma_wait3A_368 = arith.constant 0 : i32
      %dma_wait3A_369 = arith.constant 0 : i32
      %dma_wait3A_370 = tpu.memref_slice %arg3[%add3A, %dma_wait3A_368, %dma_wait3A_369] : memref<32x125x80xi32, #tpu.memory_space<hbm>> -> memref<1x125x80xi32, #tpu.memory_space<hbm>>
      %dma_wait3A_371 = tpu.memref_squeeze %dma_wait3A_370 : memref<1x125x80xi32, #tpu.memory_space<hbm>> -> memref<125x80xi32, #tpu.memory_space<hbm>>
      tpu.wait_dma2 semaphore(%run_scoped3A : memref<!tpu.dma_semaphore, #tpu.memory_space<semaphore_mem>>) src(%dma_wait3A_371 : memref<125x80xi32, #tpu.memory_space<hbm>>) dst(%arg6 : memref<125x80xi32, #tpu.memory_space<vmem>>)
      tpu.yield
    }) : () -> ()
    "tpu.region"() ({
      %run_scoped3A = tpu.sem_alloc : memref<!tpu.dma_semaphore, #tpu.memory_space<semaphore_mem>>
      %dma_start3A_356 = arith.constant 0 : i32
      %dma_start3A_357 = arith.constant 0 : i32
      %dma_start3A_358 = tpu.memref_slice %arg4[%add3A, %dma_start3A_356, %dma_start3A_357] : memref<32x125x80xi32, #tpu.memory_space<hbm>> -> memref<1x125x80xi32, #tpu.memory_space<hbm>>
      %dma_start3A_359 = tpu.memref_squeeze %dma_start3A_358 : memref<1x125x80xi32, #tpu.memory_space<hbm>> -> memref<125x80xi32, #tpu.memory_space<hbm>>
      %dma_start3A_360 = arith.constant 0 : i32
      %dma_start3A_361 = arith.constant 0 : i32
      %dma_start3A_362 = tpu.memref_slice %arg4[%add3A, %dma_start3A_360, %dma_start3A_361] : memref<32x125x80xi32, #tpu.memory_space<hbm>> -> memref<1x125x80xi32, #tpu.memory_space<hbm>>
      %dma_start3A_363 = tpu.memref_squeeze %dma_start3A_362 : memref<1x125x80xi32, #tpu.memory_space<hbm>> -> memref<125x80xi32, #tpu.memory_space<hbm>>
      tpu.enqueue_dma source(%dma_start3A_363 : memref<125x80xi32, #tpu.memory_space<hbm>>) target(%arg7 : memref<125x80xi32, #tpu.memory_space<vmem>>) target_semaphore(%run_scoped3A : memref<!tpu.dma_semaphore, #tpu.memory_space<semaphore_mem>>)
      %dma_wait3A_364 = arith.constant 0 : i32
      %dma_wait3A_365 = arith.constant 0 : i32
      %dma_wait3A_366 = tpu.memref_slice %arg4[%add3A, %dma_wait3A_364, %dma_wait3A_365] : memref<32x125x80xi32, #tpu.memory_space<hbm>> -> memref<1x125x80xi32, #tpu.memory_space<hbm>>
      %dma_wait3A_367 = tpu.memref_squeeze %dma_wait3A_366 : memref<1x125x80xi32, #tpu.memory_space<hbm>> -> memref<125x80xi32, #tpu.memory_space<hbm>>
      %dma_wait3A_368 = arith.constant 0 : i32
      %dma_wait3A_369 = arith.constant 0 : i32
      %dma_wait3A_370 = tpu.memref_slice %arg4[%add3A, %dma_wait3A_368, %dma_wait3A_369] : memref<32x125x80xi32, #tpu.memory_space<hbm>> -> memref<1x125x80xi32, #tpu.memory_space<hbm>>
      %dma_wait3A_371 = tpu.memref_squeeze %dma_wait3A_370 : memref<1x125x80xi32, #tpu.memory_space<hbm>> -> memref<125x80xi32, #tpu.memory_space<hbm>>
      tpu.wait_dma2 semaphore(%run_scoped3A : memref<!tpu.dma_semaphore, #tpu.memory_space<semaphore_mem>>) src(%dma_wait3A_371 : memref<125x80xi32, #tpu.memory_space<hbm>>) dst(%arg7 : memref<125x80xi32, #tpu.memory_space<vmem>>)
      tpu.yield
    }) : () -> ()
    %broadcast_in_dim3A = arith.constant 0.000000e+00 : f32
    %broadcast_in_dim3A_3 = vector.broadcast %broadcast_in_dim3A : f32 to vector<16xf32>
    %scan3A = arith.constant 0 : i32
    %scan3A_4 = arith.constant 0 : i32
    %scan3A_5 = arith.constant 128 : i32
    %scan3A_6 = arith.addi %scan3A_4, %scan3A_5 : i32
    %scan3A_7 = arith.constant 1 : i32
    %scan3A_8 = scf.for %scan3A_356 = %scan3A_4 to %scan3A_6 step %scan3A_7 iter_args(%scan3A_357 = %scan3A) -> (i32)  : i32 {
      %swap3A = arith.index_cast %scan3A_356 : i32 to index
      %swap3A_358 = arith.constant 0 : index
      %swap3A_359 = tpu.vector_load %arg8[%swap3A, %swap3A_358] {strides = array<i32>} : memref<800x64xf32, #tpu.memory_space<vmem>>, vector<16xf32>,
      tpu.vector_store %arg8[%swap3A, %swap3A_358], %broadcast_in_dim3A_3 {strides = array<i32>} : memref<800x64xf32, #tpu.memory_space<vmem>>, vector<16xf32>,
      %swap3A_360 = arith.index_cast %scan3A_356 : i32 to index
      %swap3A_361 = arith.constant 16 : index
      %swap3A_362 = tpu.vector_load %arg8[%swap3A_360, %swap3A_361] {strides = array<i32>} : memref<800x64xf32, #tpu.memory_space<vmem>>, vector<16xf32>,
      tpu.vector_store %arg8[%swap3A_360, %swap3A_361], %broadcast_in_dim3A_3 {strides = array<i32>} : memref<800x64xf32, #tpu.memory_space<vmem>>, vector<16xf32>,
      %swap3A_363 = arith.index_cast %scan3A_356 : i32 to index
      %swap3A_364 = arith.constant 32 : index
      %swap3A_365 = tpu.vector_load %arg8[%swap3A_363, %swap3A_364] {strides = array<i32>} : memref<800x64xf32, #tpu.memory_space<vmem>>, vector<16xf32>,
      tpu.vector_store %arg8[%swap3A_363, %swap3A_364], %broadcast_in_dim3A_3 {strides = array<i32>} : memref<800x64xf32, #tpu.memory_space<vmem>>, vector<16xf32>,
      %swap3A_366 = arith.index_cast %scan3A_356 : i32 to index
      %swap3A_367 = arith.constant 48 : index
      %swap3A_368 = tpu.vector_load %arg8[%swap3A_366, %swap3A_367] {strides = array<i32>} : memref<800x64xf32, #tpu.memory_space<vmem>>, vector<16xf32>,
      tpu.vector_store %arg8[%swap3A_366, %swap3A_367], %broadcast_in_dim3A_3 {strides = array<i32>} : memref<800x64xf32, #tpu.memory_space<vmem>>, vector<16xf32>,
      %scan3A_369 = arith.constant 0 : i32
      scf.yield %scan3A_369 : i32
    }
    %scan3A_9 = arith.constant 128 : i32
    %add3A_10 = arith.constant 0 : i32
    %add3A_11 = arith.addi %mul3A_2, %add3A_10 : i32
    "tpu.region"() ({
      %run_scoped3A = tpu.sem_alloc : memref<!tpu.dma_semaphore, #tpu.memory_space<semaphore_mem>>
      %dma_start3A_356 = arith.constant 0 : i32
      %dma_start3A_357 = arith.constant 0 : i32
      %dma_start3A_358 = tpu.memref_slice %arg8[%dma_start3A_356, %dma_start3A_357] : memref<800x64xf32, #tpu.memory_space<vmem>> -> memref<128x64xf32, #tpu.memory_space<vmem>>
      %dma_start3A_359 = arith.constant 0 : i32
      %dma_start3A_360 = tpu.memref_slice %arg9[%add3A_11, %dma_start3A_359] : memref<10240x64xf32, #tpu.memory_space<vmem_shared>> -> memref<128x64xf32, #tpu.memory_space<vmem_shared>>
      %dma_start3A_361 = arith.constant 0 : i32
      %dma_start3A_362 = tpu.memref_slice %arg9[%add3A_11, %dma_start3A_361] : memref<10240x64xf32, #tpu.memory_space<vmem_shared>> -> memref<128x64xf32, #tpu.memory_space<vmem_shared>>
      %dma_start3A_363 = arith.constant 0 : i32
      %dma_start3A_364 = arith.constant 0 : i32
      %dma_start3A_365 = tpu.memref_slice %arg8[%dma_start3A_363, %dma_start3A_364] : memref<800x64xf32, #tpu.memory_space<vmem>> -> memref<128x64xf32, #tpu.memory_space<vmem>>
      tpu.enqueue_dma source(%dma_start3A_365 : memref<128x64xf32, #tpu.memory_space<vmem>>) target(%dma_start3A_362 : memref<128x64xf32, #tpu.memory_space<vmem_shared>>) target_semaphore(%run_scoped3A : memref<!tpu.dma_semaphore, #tpu.memory_space<semaphore_mem>>)
      %dma_wait3A_366 = arith.constant 0 : i32
      %dma_wait3A_367 = arith.constant 0 : i32
      %dma_wait3A_368 = tpu.memref_slice %arg8[%dma_wait3A_366, %dma_wait3A_367] : memref<800x64xf32, #tpu.memory_space<vmem>> -> memref<128x64xf32, #tpu.memory_space<vmem>>
      %dma_wait3A_369 = arith.constant 0 : i32
      %dma_wait3A_370 = tpu.memref_slice %arg9[%add3A_11, %dma_wait3A_369] : memref<10240x64xf32, #tpu.memory_space<vmem_shared>> -> memref<128x64xf32, #tpu.memory_space<vmem_shared>>
      %dma_wait3A_371 = arith.constant 0 : i32
      %dma_wait3A_372 = tpu.memref_slice %arg9[%add3A_11, %dma_wait3A_371] : memref<10240x64xf32, #tpu.memory_space<vmem_shared>> -> memref<128x64xf32, #tpu.memory_space<vmem_shared>>
      %dma_wait3A_373 = arith.constant 0 : i32
      %dma_wait3A_374 = arith.constant 0 : i32
      %dma_wait3A_375 = tpu.memref_slice %arg8[%dma_wait3A_373, %dma_wait3A_374] : memref<800x64xf32, #tpu.memory_space<vmem>> -> memref<128x64xf32, #tpu.memory_space<vmem>>
      tpu.wait_dma2 semaphore(%run_scoped3A : memref<!tpu.dma_semaphore, #tpu.memory_space<semaphore_mem>>) src(%dma_wait3A_375 : memref<128x64xf32, #tpu.memory_space<vmem>>) dst(%dma_wait3A_372 : memref<128x64xf32, #tpu.memory_space<vmem_shared>>)
      tpu.yield
    }) : () -> ()
    %add3A_12 = arith.constant 128 : i32
    %add3A_13 = arith.addi %mul3A_2, %add3A_12 : i32
    "tpu.region"() ({
      %run_scoped3A = tpu.sem_alloc : memref<!tpu.dma_semaphore, #tpu.memory_space<semaphore_mem>>
      %dma_start3A_356 = arith.constant 0 : i32
      %dma_start3A_357 = arith.constant 0 : i32
      %dma_start3A_358 = tpu.memref_slice %arg8[%dma_start3A_356, %dma_start3A_357] : memref<800x64xf32, #tpu.memory_space<vmem>> -> memref<128x64xf32, #tpu.memory_space<vmem>>
      %dma_start3A_359 = arith.constant 0 : i32
      %dma_start3A_360 = tpu.memref_slice %arg9[%add3A_13, %dma_start3A_359] : memref<10240x64xf32, #tpu.memory_space<vmem_shared>> -> memref<128x64xf32, #tpu.memory_space<vmem_shared>>
      %dma_start3A_361 = arith.constant 0 : i32
      %dma_start3A_362 = tpu.memref_slice %arg9[%add3A_13, %dma_start3A_361] : memref<10240x64xf32, #tpu.memory_space<vmem_shared>> -> memref<128x64xf32, #tpu.memory_space<vmem_shared>>
      %dma_start3A_363 = arith.constant 0 : i32
      %dma_start3A_364 = arith.constant 0 : i32
      %dma_start3A_365 = tpu.memref_slice %arg8[%dma_start3A_363, %dma_start3A_364] : memref<800x64xf32, #tpu.memory_space<vmem>> -> memref<128x64xf32, #tpu.memory_space<vmem>>
      tpu.enqueue_dma source(%dma_start3A_365 : memref<128x64xf32, #tpu.memory_space<vmem>>) target(%dma_start3A_362 : memref<128x64xf32, #tpu.memory_space<vmem_shared>>) target_semaphore(%run_scoped3A : memref<!tpu.dma_semaphore, #tpu.memory_space<semaphore_mem>>)
      %dma_wait3A_366 = arith.constant 0 : i32
      %dma_wait3A_367 = arith.constant 0 : i32
      %dma_wait3A_368 = tpu.memref_slice %arg8[%dma_wait3A_366, %dma_wait3A_367] : memref<800x64xf32, #tpu.memory_space<vmem>> -> memref<128x64xf32, #tpu.memory_space<vmem>>
      %dma_wait3A_369 = arith.constant 0 : i32
      %dma_wait3A_370 = tpu.memref_slice %arg9[%add3A_13, %dma_wait3A_369] : memref<10240x64xf32, #tpu.memory_space<vmem_shared>> -> memref<128x64xf32, #tpu.memory_space<vmem_shared>>
      %dma_wait3A_371 = arith.constant 0 : i32
      %dma_wait3A_372 = tpu.memref_slice %arg9[%add3A_13, %dma_wait3A_371] : memref<10240x64xf32, #tpu.memory_space<vmem_shared>> -> memref<128x64xf32, #tpu.memory_space<vmem_shared>>
      %dma_wait3A_373 = arith.constant 0 : i32
      %dma_wait3A_374 = arith.constant 0 : i32
      %dma_wait3A_375 = tpu.memref_slice %arg8[%dma_wait3A_373, %dma_wait3A_374] : memref<800x64xf32, #tpu.memory_space<vmem>> -> memref<128x64xf32, #tpu.memory_space<vmem>>
      tpu.wait_dma2 semaphore(%run_scoped3A : memref<!tpu.dma_semaphore, #tpu.memory_space<semaphore_mem>>) src(%dma_wait3A_375 : memref<128x64xf32, #tpu.memory_space<vmem>>) dst(%dma_wait3A_372 : memref<128x64xf32, #tpu.memory_space<vmem_shared>>)
      tpu.yield
    }) : () -> ()
    %add3A_14 = arith.constant 256 : i32
    %add3A_15 = arith.addi %mul3A_2, %add3A_14 : i32
    "tpu.region"() ({
      %run_scoped3A = tpu.sem_alloc : memref<!tpu.dma_semaphore, #tpu.memory_space<semaphore_mem>>
      %dma_start3A_356 = arith.constant 0 : i32
      %dma_start3A_357 = arith.constant 0 : i32
      %dma_start3A_358 = tpu.memref_slice %arg8[%dma_start3A_356, %dma_start3A_357] : memref<800x64xf32, #tpu.memory_space<vmem>> -> memref<128x64xf32, #tpu.memory_space<vmem>>
      %dma_start3A_359 = arith.constant 0 : i32
      %dma_start3A_360 = tpu.memref_slice %arg9[%add3A_15, %dma_start3A_359] : memref<10240x64xf32, #tpu.memory_space<vmem_shared>> -> memref<128x64xf32, #tpu.memory_space<vmem_shared>>
      %dma_start3A_361 = arith.constant 0 : i32
      %dma_start3A_362 = tpu.memref_slice %arg9[%add3A_15, %dma_start3A_361] : memref<10240x64xf32, #tpu.memory_space<vmem_shared>> -> memref<128x64xf32, #tpu.memory_space<vmem_shared>>
      %dma_start3A_363 = arith.constant 0 : i32
      %dma_start3A_364 = arith.constant 0 : i32
      %dma_start3A_365 = tpu.memref_slice %arg8[%dma_start3A_363, %dma_start3A_364] : memref<800x64xf32, #tpu.memory_space<vmem>> -> memref<128x64xf32, #tpu.memory_space<vmem>>
      tpu.enqueue_dma source(%dma_start3A_365 : memref<128x64xf32, #tpu.memory_space<vmem>>) target(%dma_start3A_362 : memref<128x64xf32, #tpu.memory_space<vmem_shared>>) target_semaphore(%run_scoped3A : memref<!tpu.dma_semaphore, #tpu.memory_space<semaphore_mem>>)
      %dma_wait3A_366 = arith.constant 0 : i32
      %dma_wait3A_367 = arith.constant 0 : i32
      %dma_wait3A_368 = tpu.memref_slice %arg8[%dma_wait3A_366, %dma_wait3A_367] : memref<800x64xf32, #tpu.memory_space<vmem>> -> memref<128x64xf32, #tpu.memory_space<vmem>>
      %dma_wait3A_369 = arith.constant 0 : i32
      %dma_wait3A_370 = tpu.memref_slice %arg9[%add3A_15, %dma_wait3A_369] : memref<10240x64xf32, #tpu.memory_space<vmem_shared>> -> memref<128x64xf32, #tpu.memory_space<vmem_shared>>
      %dma_wait3A_371 = arith.constant 0 : i32
      %dma_wait3A_372 = tpu.memref_slice %arg9[%add3A_15, %dma_wait3A_371] : memref<10240x64xf32, #tpu.memory_space<vmem_shared>> -> memref<128x64xf32, #tpu.memory_space<vmem_shared>>
      %dma_wait3A_373 = arith.constant 0 : i32
      %dma_wait3A_374 = arith.constant 0 : i32
      %dma_wait3A_375 = tpu.memref_slice %arg8[%dma_wait3A_373, %dma_wait3A_374] : memref<800x64xf32, #tpu.memory_space<vmem>> -> memref<128x64xf32, #tpu.memory_space<vmem>>
      tpu.wait_dma2 semaphore(%run_scoped3A : memref<!tpu.dma_semaphore, #tpu.memory_space<semaphore_mem>>) src(%dma_wait3A_375 : memref<128x64xf32, #tpu.memory_space<vmem>>) dst(%dma_wait3A_372 : memref<128x64xf32, #tpu.memory_space<vmem_shared>>)
      tpu.yield
    }) : () -> ()
    %add3A_16 = arith.constant 384 : i32
    %add3A_17 = arith.addi %mul3A_2, %add3A_16 : i32
    "tpu.region"() ({
      %run_scoped3A = tpu.sem_alloc : memref<!tpu.dma_semaphore, #tpu.memory_space<semaphore_mem>>
      %dma_start3A_356 = arith.constant 0 : i32
      %dma_start3A_357 = arith.constant 0 : i32
      %dma_start3A_358 = tpu.memref_slice %arg8[%dma_start3A_356, %dma_start3A_357] : memref<800x64xf32, #tpu.memory_space<vmem>> -> memref<128x64xf32, #tpu.memory_space<vmem>>
      %dma_start3A_359 = arith.constant 0 : i32
      %dma_start3A_360 = tpu.memref_slice %arg9[%add3A_17, %dma_start3A_359] : memref<10240x64xf32, #tpu.memory_space<vmem_shared>> -> memref<128x64xf32, #tpu.memory_space<vmem_shared>>
      %dma_start3A_361 = arith.constant 0 : i32
      %dma_start3A_362 = tpu.memref_slice %arg9[%add3A_17, %dma_start3A_361] : memref<10240x64xf32, #tpu.memory_space<vmem_shared>> -> memref<128x64xf32, #tpu.memory_space<vmem_shared>>
      %dma_start3A_363 = arith.constant 0 : i32
      %dma_start3A_364 = arith.constant 0 : i32
      %dma_start3A_365 = tpu.memref_slice %arg8[%dma_start3A_363, %dma_start3A_364] : memref<800x64xf32, #tpu.memory_space<vmem>> -> memref<128x64xf32, #tpu.memory_space<vmem>>
      tpu.enqueue_dma source(%dma_start3A_365 : memref<128x64xf32, #tpu.memory_space<vmem>>) target(%dma_start3A_362 : memref<128x64xf32, #tpu.memory_space<vmem_shared>>) target_semaphore(%run_scoped3A : memref<!tpu.dma_semaphore, #tpu.memory_space<semaphore_mem>>)
      %dma_wait3A_366 = arith.constant 0 : i32
      %dma_wait3A_367 = arith.constant 0 : i32
      %dma_wait3A_368 = tpu.memref_slice %arg8[%dma_wait3A_366, %dma_wait3A_367] : memref<800x64xf32, #tpu.memory_space<vmem>> -> memref<128x64xf32, #tpu.memory_space<vmem>>
      %dma_wait3A_369 = arith.constant 0 : i32
      %dma_wait3A_370 = tpu.memref_slice %arg9[%add3A_17, %dma_wait3A_369] : memref<10240x64xf32, #tpu.memory_space<vmem_shared>> -> memref<128x64xf32, #tpu.memory_space<vmem_shared>>
      %dma_wait3A_371 = arith.constant 0 : i32
      %dma_wait3A_372 = tpu.memref_slice %arg9[%add3A_17, %dma_wait3A_371] : memref<10240x64xf32, #tpu.memory_space<vmem_shared>> -> memref<128x64xf32, #tpu.memory_space<vmem_shared>>
      %dma_wait3A_373 = arith.constant 0 : i32
      %dma_wait3A_374 = arith.constant 0 : i32
      %dma_wait3A_375 = tpu.memref_slice %arg8[%dma_wait3A_373, %dma_wait3A_374] : memref<800x64xf32, #tpu.memory_space<vmem>> -> memref<128x64xf32, #tpu.memory_space<vmem>>
      tpu.wait_dma2 semaphore(%run_scoped3A : memref<!tpu.dma_semaphore, #tpu.memory_space<semaphore_mem>>) src(%dma_wait3A_375 : memref<128x64xf32, #tpu.memory_space<vmem>>) dst(%dma_wait3A_372 : memref<128x64xf32, #tpu.memory_space<vmem_shared>>)
      tpu.yield
    }) : () -> ()
    %add3A_18 = arith.constant 512 : i32
    %add3A_19 = arith.addi %mul3A_2, %add3A_18 : i32
    "tpu.region"() ({
      %run_scoped3A = tpu.sem_alloc : memref<!tpu.dma_semaphore, #tpu.memory_space<semaphore_mem>>
      %dma_start3A_356 = arith.constant 0 : i32
      %dma_start3A_357 = arith.constant 0 : i32
      %dma_start3A_358 = tpu.memref_slice %arg8[%dma_start3A_356, %dma_start3A_357] : memref<800x64xf32, #tpu.memory_space<vmem>> -> memref<128x64xf32, #tpu.memory_space<vmem>>
      %dma_start3A_359 = arith.constant 0 : i32
      %dma_start3A_360 = tpu.memref_slice %arg9[%add3A_19, %dma_start3A_359] : memref<10240x64xf32, #tpu.memory_space<vmem_shared>> -> memref<128x64xf32, #tpu.memory_space<vmem_shared>>
      %dma_start3A_361 = arith.constant 0 : i32
      %dma_start3A_362 = tpu.memref_slice %arg9[%add3A_19, %dma_start3A_361] : memref<10240x64xf32, #tpu.memory_space<vmem_shared>> -> memref<128x64xf32, #tpu.memory_space<vmem_shared>>
      %dma_start3A_363 = arith.constant 0 : i32
      %dma_start3A_364 = arith.constant 0 : i32
      %dma_start3A_365 = tpu.memref_slice %arg8[%dma_start3A_363, %dma_start3A_364] : memref<800x64xf32, #tpu.memory_space<vmem>> -> memref<128x64xf32, #tpu.memory_space<vmem>>
      tpu.enqueue_dma source(%dma_start3A_365 : memref<128x64xf32, #tpu.memory_space<vmem>>) target(%dma_start3A_362 : memref<128x64xf32, #tpu.memory_space<vmem_shared>>) target_semaphore(%run_scoped3A : memref<!tpu.dma_semaphore, #tpu.memory_space<semaphore_mem>>)
      %dma_wait3A_366 = arith.constant 0 : i32
      %dma_wait3A_367 = arith.constant 0 : i32
      %dma_wait3A_368 = tpu.memref_slice %arg8[%dma_wait3A_366, %dma_wait3A_367] : memref<800x64xf32, #tpu.memory_space<vmem>> -> memref<128x64xf32, #tpu.memory_space<vmem>>
      %dma_wait3A_369 = arith.constant 0 : i32
      %dma_wait3A_370 = tpu.memref_slice %arg9[%add3A_19, %dma_wait3A_369] : memref<10240x64xf32, #tpu.memory_space<vmem_shared>> -> memref<128x64xf32, #tpu.memory_space<vmem_shared>>
      %dma_wait3A_371 = arith.constant 0 : i32
      %dma_wait3A_372 = tpu.memref_slice %arg9[%add3A_19, %dma_wait3A_371] : memref<10240x64xf32, #tpu.memory_space<vmem_shared>> -> memref<128x64xf32, #tpu.memory_space<vmem_shared>>
      %dma_wait3A_373 = arith.constant 0 : i32
      %dma_wait3A_374 = arith.constant 0 : i32
      %dma_wait3A_375 = tpu.memref_slice %arg8[%dma_wait3A_373, %dma_wait3A_374] : memref<800x64xf32, #tpu.memory_space<vmem>> -> memref<128x64xf32, #tpu.memory_space<vmem>>
      tpu.wait_dma2 semaphore(%run_scoped3A : memref<!tpu.dma_semaphore, #tpu.memory_space<semaphore_mem>>) src(%dma_wait3A_375 : memref<128x64xf32, #tpu.memory_space<vmem>>) dst(%dma_wait3A_372 : memref<128x64xf32, #tpu.memory_space<vmem_shared>>)
      tpu.yield
    }) : () -> ()
    %barrier3A = arith.constant 0 : index
    tpu.barrier barrier_id(%barrier3A)
    %scan3A_20 = arith.constant 0 : i32
    %scan3A_21 = arith.constant 0 : i32
    %scan3A_22 = arith.constant 12 : i32
    %scan3A_23 = arith.addi %scan3A_21, %scan3A_22 : i32
    %scan3A_24 = arith.constant 1 : i32
    %scan3A_25 = scf.for %scan3A_356 = %scan3A_21 to %scan3A_23 step %scan3A_24 iter_args(%scan3A_357 = %scan3A_20) -> (i32)  : i32 {
      %gt3A = arith.constant 0 : i32
      %gt3A_358 = arith.cmpi sgt, %scan3A_356, %gt3A : i32
      %convert_element_type3A = arith.extui %gt3A_358 : i1 to i32
      %cond3A = arith.constant 0 : i32
      %cond3A_359 = arith.cmpi ne, %convert_element_type3A, %cond3A : i32
      scf.if %cond3A_359 {
        %dma_wait3A_686 = arith.constant 0 : i32
        %dma_wait3A_687 = arith.constant 0 : i32
        %dma_wait3A_688 = tpu.memref_slice %arg8[%dma_wait3A_686, %dma_wait3A_687] : memref<800x64xf32, #tpu.memory_space<vmem>> -> memref<80x64xf32, #tpu.memory_space<vmem>>
        %dma_wait3A_689 = arith.constant 0 : i32
        %dma_wait3A_690 = arith.constant 0 : i32
        %dma_wait3A_691 = tpu.memref_slice %arg2[%dma_wait3A_689, %dma_wait3A_690] : memref<80000x64xf32, #tpu.memory_space<hbm>> -> memref<80x64xf32, #tpu.memory_space<hbm>>
        %dma_wait3A_692 = arith.constant 0 : i32
        %dma_wait3A_693 = arith.constant 0 : i32
        %dma_wait3A_694 = tpu.memref_slice %arg8[%dma_wait3A_692, %dma_wait3A_693] : memref<800x64xf32, #tpu.memory_space<vmem>> -> memref<80x64xf32, #tpu.memory_space<vmem>>
        %dma_wait3A_695 = arith.constant 0 : i32
        %dma_wait3A_696 = arith.constant 0 : i32
        %dma_wait3A_697 = tpu.memref_slice %arg2[%dma_wait3A_695, %dma_wait3A_696] : memref<80000x64xf32, #tpu.memory_space<hbm>> -> memref<80x64xf32, #tpu.memory_space<hbm>>
        tpu.wait_dma2 semaphore(%arg20 : memref<!tpu.dma_semaphore, #tpu.memory_space<semaphore_mem>>) src(%dma_wait3A_697 : memref<80x64xf32, #tpu.memory_space<hbm>>) dst(%dma_wait3A_694 : memref<80x64xf32, #tpu.memory_space<vmem>>)
        %dma_wait3A_698 = arith.constant 80 : i32
        %dma_wait3A_699 = arith.constant 0 : i32
        %dma_wait3A_700 = tpu.memref_slice %arg8[%dma_wait3A_698, %dma_wait3A_699] : memref<800x64xf32, #tpu.memory_space<vmem>> -> memref<80x64xf32, #tpu.memory_space<vmem>>
        %dma_wait3A_701 = arith.constant 0 : i32
        %dma_wait3A_702 = arith.constant 0 : i32
        %dma_wait3A_703 = tpu.memref_slice %arg2[%dma_wait3A_701, %dma_wait3A_702] : memref<80000x64xf32, #tpu.memory_space<hbm>> -> memref<80x64xf32, #tpu.memory_space<hbm>>
        %dma_wait3A_704 = arith.constant 80 : i32
        %dma_wait3A_705 = arith.constant 0 : i32
        %dma_wait3A_706 = tpu.memref_slice %arg8[%dma_wait3A_704, %dma_wait3A_705] : memref<800x64xf32, #tpu.memory_space<vmem>> -> memref<80x64xf32, #tpu.memory_space<vmem>>
        %dma_wait3A_707 = arith.constant 0 : i32
        %dma_wait3A_708 = arith.constant 0 : i32
        %dma_wait3A_709 = tpu.memref_slice %arg2[%dma_wait3A_707, %dma_wait3A_708] : memref<80000x64xf32, #tpu.memory_space<hbm>> -> memref<80x64xf32, #tpu.memory_space<hbm>>
        tpu.wait_dma2 semaphore(%arg20 : memref<!tpu.dma_semaphore, #tpu.memory_space<semaphore_mem>>) src(%dma_wait3A_709 : memref<80x64xf32, #tpu.memory_space<hbm>>) dst(%dma_wait3A_706 : memref<80x64xf32, #tpu.memory_space<vmem>>)
        %dma_wait3A_710 = arith.constant 160 : i32
        %dma_wait3A_711 = arith.constant 0 : i32
        %dma_wait3A_712 = tpu.memref_slice %arg8[%dma_wait3A_710, %dma_wait3A_711] : memref<800x64xf32, #tpu.memory_space<vmem>> -> memref<80x64xf32, #tpu.memory_space<vmem>>
        %dma_wait3A_713 = arith.constant 0 : i32
        %dma_wait3A_714 = arith.constant 0 : i32
        %dma_wait3A_715 = tpu.memref_slice %arg2[%dma_wait3A_713, %dma_wait3A_714] : memref<80000x64xf32, #tpu.memory_space<hbm>> -> memref<80x64xf32, #tpu.memory_space<hbm>>
        %dma_wait3A_716 = arith.constant 160 : i32
        %dma_wait3A_717 = arith.constant 0 : i32
        %dma_wait3A_718 = tpu.memref_slice %arg8[%dma_wait3A_716, %dma_wait3A_717] : memref<800x64xf32, #tpu.memory_space<vmem>> -> memref<80x64xf32, #tpu.memory_space<vmem>>
        %dma_wait3A_719 = arith.constant 0 : i32
        %dma_wait3A_720 = arith.constant 0 : i32
        %dma_wait3A_721 = tpu.memref_slice %arg2[%dma_wait3A_719, %dma_wait3A_720] : memref<80000x64xf32, #tpu.memory_space<hbm>> -> memref<80x64xf32, #tpu.memory_space<hbm>>
        tpu.wait_dma2 semaphore(%arg20 : memref<!tpu.dma_semaphore, #tpu.memory_space<semaphore_mem>>) src(%dma_wait3A_721 : memref<80x64xf32, #tpu.memory_space<hbm>>) dst(%dma_wait3A_718 : memref<80x64xf32, #tpu.memory_space<vmem>>)
        %dma_wait3A_722 = arith.constant 240 : i32
        %dma_wait3A_723 = arith.constant 0 : i32
        %dma_wait3A_724 = tpu.memref_slice %arg8[%dma_wait3A_722, %dma_wait3A_723] : memref<800x64xf32, #tpu.memory_space<vmem>> -> memref<80x64xf32, #tpu.memory_space<vmem>>
        %dma_wait3A_725 = arith.constant 0 : i32
        %dma_wait3A_726 = arith.constant 0 : i32
        %dma_wait3A_727 = tpu.memref_slice %arg2[%dma_wait3A_725, %dma_wait3A_726] : memref<80000x64xf32, #tpu.memory_space<hbm>> -> memref<80x64xf32, #tpu.memory_space<hbm>>
        %dma_wait3A_728 = arith.constant 240 : i32
        %dma_wait3A_729 = arith.constant 0 : i32
        %dma_wait3A_730 = tpu.memref_slice %arg8[%dma_wait3A_728, %dma_wait3A_729] : memref<800x64xf32, #tpu.memory_space<vmem>> -> memref<80x64xf32, #tpu.memory_space<vmem>>
        %dma_wait3A_731 = arith.constant 0 : i32
        %dma_wait3A_732 = arith.constant 0 : i32
        %dma_wait3A_733 = tpu.memref_slice %arg2[%dma_wait3A_731, %dma_wait3A_732] : memref<80000x64xf32, #tpu.memory_space<hbm>> -> memref<80x64xf32, #tpu.memory_space<hbm>>
        tpu.wait_dma2 semaphore(%arg20 : memref<!tpu.dma_semaphore, #tpu.memory_space<semaphore_mem>>) src(%dma_wait3A_733 : memref<80x64xf32, #tpu.memory_space<hbm>>) dst(%dma_wait3A_730 : memref<80x64xf32, #tpu.memory_space<vmem>>)
        %dma_wait3A_734 = arith.constant 320 : i32
        %dma_wait3A_735 = arith.constant 0 : i32
        %dma_wait3A_736 = tpu.memref_slice %arg8[%dma_wait3A_734, %dma_wait3A_735] : memref<800x64xf32, #tpu.memory_space<vmem>> -> memref<80x64xf32, #tpu.memory_space<vmem>>
        %dma_wait3A_737 = arith.constant 0 : i32
        %dma_wait3A_738 = arith.constant 0 : i32
        %dma_wait3A_739 = tpu.memref_slice %arg2[%dma_wait3A_737, %dma_wait3A_738] : memref<80000x64xf32, #tpu.memory_space<hbm>> -> memref<80x64xf32, #tpu.memory_space<hbm>>
        %dma_wait3A_740 = arith.constant 320 : i32
        %dma_wait3A_741 = arith.constant 0 : i32
        %dma_wait3A_742 = tpu.memref_slice %arg8[%dma_wait3A_740, %dma_wait3A_741] : memref<800x64xf32, #tpu.memory_space<vmem>> -> memref<80x64xf32, #tpu.memory_space<vmem>>
        %dma_wait3A_743 = arith.constant 0 : i32
        %dma_wait3A_744 = arith.constant 0 : i32
        %dma_wait3A_745 = tpu.memref_slice %arg2[%dma_wait3A_743, %dma_wait3A_744] : memref<80000x64xf32, #tpu.memory_space<hbm>> -> memref<80x64xf32, #tpu.memory_space<hbm>>
        tpu.wait_dma2 semaphore(%arg20 : memref<!tpu.dma_semaphore, #tpu.memory_space<semaphore_mem>>) src(%dma_wait3A_745 : memref<80x64xf32, #tpu.memory_space<hbm>>) dst(%dma_wait3A_742 : memref<80x64xf32, #tpu.memory_space<vmem>>)
      } else {
      }
      %mul3A_360 = arith.constant 2 : i32
      %mul3A_361 = arith.muli %mul3A_360, %scan3A_356 : i32
      %mul3A_362 = arith.constant 5 : i32
      %mul3A_363 = arith.muli %mul3A_361, %mul3A_362 : i32
      %add3A_364 = arith.constant 0 : i32
      %add3A_365 = arith.addi %mul3A_363, %add3A_364 : i32
      %dma_start3A_366 = arith.constant 0 : i32
      %dma_start3A_367 = arith.constant 0 : i32
      %dma_start3A_368 = tpu.memref_slice %arg8[%dma_start3A_366, %dma_start3A_367] : memref<800x64xf32, #tpu.memory_space<vmem>> -> memref<80x64xf32, #tpu.memory_space<vmem>>
      %dma_start3A_369 = arith.constant 0 : i32
      %dma_start3A_370 = tpu.memref_slice %arg6[%add3A_365, %dma_start3A_369] : memref<125x80xi32, #tpu.memory_space<vmem>> -> memref<1x80xi32, #tpu.memory_space<vmem>>
      %dma_start3A_371 = tpu.memref_squeeze %dma_start3A_370 : memref<1x80xi32, #tpu.memory_space<vmem>> -> memref<80xi32, #tpu.memory_space<vmem>>
      %dma_start3A_372 = arith.constant 0 : i32
      %dma_start3A_373 = arith.constant 0 : i32
      %dma_start3A_374 = tpu.memref_slice %arg2[%dma_start3A_372, %dma_start3A_373] : memref<80000x64xf32, #tpu.memory_space<hbm>> -> memref<80000x64xf32, #tpu.memory_space<hbm>>
      tpu.enqueue_indirect_dma source(%dma_start3A_374 : memref<80000x64xf32, #tpu.memory_space<hbm>>) target(%dma_start3A_368 : memref<80x64xf32, #tpu.memory_space<vmem>>) offsets(%dma_start3A_371 : memref<80xi32, #tpu.memory_space<vmem>>) semaphore(%arg10 : memref<!tpu.dma_semaphore, #tpu.memory_space<semaphore_mem>>)
      %add3A_375 = arith.constant 1 : i32
      %add3A_376 = arith.addi %mul3A_363, %add3A_375 : i32
      %dma_start3A_377 = arith.constant 80 : i32
      %dma_start3A_378 = arith.constant 0 : i32
      %dma_start3A_379 = tpu.memref_slice %arg8[%dma_start3A_377, %dma_start3A_378] : memref<800x64xf32, #tpu.memory_space<vmem>> -> memref<80x64xf32, #tpu.memory_space<vmem>>
      %dma_start3A_380 = arith.constant 0 : i32
      %dma_start3A_381 = tpu.memref_slice %arg6[%add3A_376, %dma_start3A_380] : memref<125x80xi32, #tpu.memory_space<vmem>> -> memref<1x80xi32, #tpu.memory_space<vmem>>
      %dma_start3A_382 = tpu.memref_squeeze %dma_start3A_381 : memref<1x80xi32, #tpu.memory_space<vmem>> -> memref<80xi32, #tpu.memory_space<vmem>>
      %dma_start3A_383 = arith.constant 0 : i32
      %dma_start3A_384 = arith.constant 0 : i32
      %dma_start3A_385 = tpu.memref_slice %arg2[%dma_start3A_383, %dma_start3A_384] : memref<80000x64xf32, #tpu.memory_space<hbm>> -> memref<80000x64xf32, #tpu.memory_space<hbm>>
      tpu.enqueue_indirect_dma source(%dma_start3A_385 : memref<80000x64xf32, #tpu.memory_space<hbm>>) target(%dma_start3A_379 : memref<80x64xf32, #tpu.memory_space<vmem>>) offsets(%dma_start3A_382 : memref<80xi32, #tpu.memory_space<vmem>>) semaphore(%arg11 : memref<!tpu.dma_semaphore, #tpu.memory_space<semaphore_mem>>)
      %add3A_386 = arith.constant 2 : i32
      %add3A_387 = arith.addi %mul3A_363, %add3A_386 : i32
      %dma_start3A_388 = arith.constant 160 : i32
      %dma_start3A_389 = arith.constant 0 : i32
      %dma_start3A_390 = tpu.memref_slice %arg8[%dma_start3A_388, %dma_start3A_389] : memref<800x64xf32, #tpu.memory_space<vmem>> -> memref<80x64xf32, #tpu.memory_space<vmem>>
      %dma_start3A_391 = arith.constant 0 : i32
      %dma_start3A_392 = tpu.memref_slice %arg6[%add3A_387, %dma_start3A_391] : memref<125x80xi32, #tpu.memory_space<vmem>> -> memref<1x80xi32, #tpu.memory_space<vmem>>
      %dma_start3A_393 = tpu.memref_squeeze %dma_start3A_392 : memref<1x80xi32, #tpu.memory_space<vmem>> -> memref<80xi32, #tpu.memory_space<vmem>>
      %dma_start3A_394 = arith.constant 0 : i32
      %dma_start3A_395 = arith.constant 0 : i32
      %dma_start3A_396 = tpu.memref_slice %arg2[%dma_start3A_394, %dma_start3A_395] : memref<80000x64xf32, #tpu.memory_space<hbm>> -> memref<80000x64xf32, #tpu.memory_space<hbm>>
      tpu.enqueue_indirect_dma source(%dma_start3A_396 : memref<80000x64xf32, #tpu.memory_space<hbm>>) target(%dma_start3A_390 : memref<80x64xf32, #tpu.memory_space<vmem>>) offsets(%dma_start3A_393 : memref<80xi32, #tpu.memory_space<vmem>>) semaphore(%arg12 : memref<!tpu.dma_semaphore, #tpu.memory_space<semaphore_mem>>)
      %add3A_397 = arith.constant 3 : i32
      %add3A_398 = arith.addi %mul3A_363, %add3A_397 : i32
      %dma_start3A_399 = arith.constant 240 : i32
      %dma_start3A_400 = arith.constant 0 : i32
      %dma_start3A_401 = tpu.memref_slice %arg8[%dma_start3A_399, %dma_start3A_400] : memref<800x64xf32, #tpu.memory_space<vmem>> -> memref<80x64xf32, #tpu.memory_space<vmem>>
      %dma_start3A_402 = arith.constant 0 : i32
      %dma_start3A_403 = tpu.memref_slice %arg6[%add3A_398, %dma_start3A_402] : memref<125x80xi32, #tpu.memory_space<vmem>> -> memref<1x80xi32, #tpu.memory_space<vmem>>
      %dma_start3A_404 = tpu.memref_squeeze %dma_start3A_403 : memref<1x80xi32, #tpu.memory_space<vmem>> -> memref<80xi32, #tpu.memory_space<vmem>>
      %dma_start3A_405 = arith.constant 0 : i32
      %dma_start3A_406 = arith.constant 0 : i32
      %dma_start3A_407 = tpu.memref_slice %arg2[%dma_start3A_405, %dma_start3A_406] : memref<80000x64xf32, #tpu.memory_space<hbm>> -> memref<80000x64xf32, #tpu.memory_space<hbm>>
      tpu.enqueue_indirect_dma source(%dma_start3A_407 : memref<80000x64xf32, #tpu.memory_space<hbm>>) target(%dma_start3A_401 : memref<80x64xf32, #tpu.memory_space<vmem>>) offsets(%dma_start3A_404 : memref<80xi32, #tpu.memory_space<vmem>>) semaphore(%arg13 : memref<!tpu.dma_semaphore, #tpu.memory_space<semaphore_mem>>)
      %add3A_408 = arith.constant 4 : i32
      %add3A_409 = arith.addi %mul3A_363, %add3A_408 : i32
      %dma_start3A_410 = arith.constant 320 : i32
      %dma_start3A_411 = arith.constant 0 : i32
      %dma_start3A_412 = tpu.memref_slice %arg8[%dma_start3A_410, %dma_start3A_411] : memref<800x64xf32, #tpu.memory_space<vmem>> -> memref<80x64xf32, #tpu.memory_space<vmem>>
      %dma_start3A_413 = arith.constant 0 : i32
      %dma_start3A_414 = tpu.memref_slice %arg6[%add3A_409, %dma_start3A_413] : memref<125x80xi32, #tpu.memory_space<vmem>> -> memref<1x80xi32, #tpu.memory_space<vmem>>
      %dma_start3A_415 = tpu.memref_squeeze %dma_start3A_414 : memref<1x80xi32, #tpu.memory_space<vmem>> -> memref<80xi32, #tpu.memory_space<vmem>>
      %dma_start3A_416 = arith.constant 0 : i32
      %dma_start3A_417 = arith.constant 0 : i32
      %dma_start3A_418 = tpu.memref_slice %arg2[%dma_start3A_416, %dma_start3A_417] : memref<80000x64xf32, #tpu.memory_space<hbm>> -> memref<80000x64xf32, #tpu.memory_space<hbm>>
      tpu.enqueue_indirect_dma source(%dma_start3A_418 : memref<80000x64xf32, #tpu.memory_space<hbm>>) target(%dma_start3A_412 : memref<80x64xf32, #tpu.memory_space<vmem>>) offsets(%dma_start3A_415 : memref<80xi32, #tpu.memory_space<vmem>>) semaphore(%arg14 : memref<!tpu.dma_semaphore, #tpu.memory_space<semaphore_mem>>)
      %dma_wait3A_419 = arith.constant 0 : i32
      %dma_wait3A_420 = arith.constant 0 : i32
      %dma_wait3A_421 = tpu.memref_slice %arg8[%dma_wait3A_419, %dma_wait3A_420] : memref<800x64xf32, #tpu.memory_space<vmem>> -> memref<80x64xf32, #tpu.memory_space<vmem>>
      %dma_wait3A_422 = arith.constant 0 : i32
      %dma_wait3A_423 = tpu.memref_slice %arg6[%add3A_365, %dma_wait3A_422] : memref<125x80xi32, #tpu.memory_space<vmem>> -> memref<1x80xi32, #tpu.memory_space<vmem>>
      %dma_wait3A_424 = tpu.memref_squeeze %dma_wait3A_423 : memref<1x80xi32, #tpu.memory_space<vmem>> -> memref<80xi32, #tpu.memory_space<vmem>>
      %dma_wait3A_425 = arith.constant 0 : i32
      %dma_wait3A_426 = arith.constant 0 : i32
      %dma_wait3A_427 = tpu.memref_slice %arg2[%dma_wait3A_425, %dma_wait3A_426] : memref<80000x64xf32, #tpu.memory_space<hbm>> -> memref<80000x64xf32, #tpu.memory_space<hbm>>
      tpu.wait_indirect_dma semaphore(%arg10 : memref<!tpu.dma_semaphore, #tpu.memory_space<semaphore_mem>>) src(%dma_wait3A_427 : memref<80000x64xf32, #tpu.memory_space<hbm>>) dst(%dma_wait3A_421 : memref<80x64xf32, #tpu.memory_space<vmem>>)
      %add3A_428 = arith.constant 0 : i32
      %add3A_429 = arith.addi %mul3A_363, %add3A_428 : i32
      %dma_start3A_430 = arith.constant 0 : i32
      %dma_start3A_431 = arith.constant 0 : i32
      %dma_start3A_432 = tpu.memref_slice %arg8[%dma_start3A_430, %dma_start3A_431] : memref<800x64xf32, #tpu.memory_space<vmem>> -> memref<80x64xf32, #tpu.memory_space<vmem>>
      %dma_start3A_433 = arith.constant 0 : i32
      %dma_start3A_434 = tpu.memref_slice %arg7[%add3A_429, %dma_start3A_433] : memref<125x80xi32, #tpu.memory_space<vmem>> -> memref<1x80xi32, #tpu.memory_space<vmem>>
      %dma_start3A_435 = tpu.memref_squeeze %dma_start3A_434 : memref<1x80xi32, #tpu.memory_space<vmem>> -> memref<80xi32, #tpu.memory_space<vmem>>
      %dma_start3A_436 = arith.constant 0 : i32
      %dma_start3A_437 = arith.constant 0 : i32
      %dma_start3A_438 = tpu.memref_slice %arg9[%dma_start3A_436, %dma_start3A_437] : memref<10240x64xf32, #tpu.memory_space<vmem_shared>> -> memref<10240x64xf32, #tpu.memory_space<vmem_shared>>
      tpu.enqueue_indirect_dma source(%dma_start3A_432 : memref<80x64xf32, #tpu.memory_space<vmem>>) target(%dma_start3A_438 : memref<10240x64xf32, #tpu.memory_space<vmem_shared>>) offsets(%dma_start3A_435 : memref<80xi32, #tpu.memory_space<vmem>>) semaphore(%arg20 : memref<!tpu.dma_semaphore, #tpu.memory_space<semaphore_mem>>) {add = true}
      %dma_wait3A_439 = arith.constant 80 : i32
      %dma_wait3A_440 = arith.constant 0 : i32
      %dma_wait3A_441 = tpu.memref_slice %arg8[%dma_wait3A_439, %dma_wait3A_440] : memref<800x64xf32, #tpu.memory_space<vmem>> -> memref<80x64xf32, #tpu.memory_space<vmem>>
      %dma_wait3A_442 = arith.constant 0 : i32
      %dma_wait3A_443 = tpu.memref_slice %arg6[%add3A_376, %dma_wait3A_442] : memref<125x80xi32, #tpu.memory_space<vmem>> -> memref<1x80xi32, #tpu.memory_space<vmem>>
      %dma_wait3A_444 = tpu.memref_squeeze %dma_wait3A_443 : memref<1x80xi32, #tpu.memory_space<vmem>> -> memref<80xi32, #tpu.memory_space<vmem>>
      %dma_wait3A_445 = arith.constant 0 : i32
      %dma_wait3A_446 = arith.constant 0 : i32
      %dma_wait3A_447 = tpu.memref_slice %arg2[%dma_wait3A_445, %dma_wait3A_446] : memref<80000x64xf32, #tpu.memory_space<hbm>> -> memref<80000x64xf32, #tpu.memory_space<hbm>>
      tpu.wait_indirect_dma semaphore(%arg11 : memref<!tpu.dma_semaphore, #tpu.memory_space<semaphore_mem>>) src(%dma_wait3A_447 : memref<80000x64xf32, #tpu.memory_space<hbm>>) dst(%dma_wait3A_441 : memref<80x64xf32, #tpu.memory_space<vmem>>)
      %add3A_448 = arith.constant 1 : i32
      %add3A_449 = arith.addi %mul3A_363, %add3A_448 : i32
      %dma_start3A_450 = arith.constant 80 : i32
      %dma_start3A_451 = arith.constant 0 : i32
      %dma_start3A_452 = tpu.memref_slice %arg8[%dma_start3A_450, %dma_start3A_451] : memref<800x64xf32, #tpu.memory_space<vmem>> -> memref<80x64xf32, #tpu.memory_space<vmem>>
      %dma_start3A_453 = arith.constant 0 : i32
      %dma_start3A_454 = tpu.memref_slice %arg7[%add3A_449, %dma_start3A_453] : memref<125x80xi32, #tpu.memory_space<vmem>> -> memref<1x80xi32, #tpu.memory_space<vmem>>
      %dma_start3A_455 = tpu.memref_squeeze %dma_start3A_454 : memref<1x80xi32, #tpu.memory_space<vmem>> -> memref<80xi32, #tpu.memory_space<vmem>>
      %dma_start3A_456 = arith.constant 0 : i32
      %dma_start3A_457 = arith.constant 0 : i32
      %dma_start3A_458 = tpu.memref_slice %arg9[%dma_start3A_456, %dma_start3A_457] : memref<10240x64xf32, #tpu.memory_space<vmem_shared>> -> memref<10240x64xf32, #tpu.memory_space<vmem_shared>>
      tpu.enqueue_indirect_dma source(%dma_start3A_452 : memref<80x64xf32, #tpu.memory_space<vmem>>) target(%dma_start3A_458 : memref<10240x64xf32, #tpu.memory_space<vmem_shared>>) offsets(%dma_start3A_455 : memref<80xi32, #tpu.memory_space<vmem>>) semaphore(%arg20 : memref<!tpu.dma_semaphore, #tpu.memory_space<semaphore_mem>>) {add = true}
      %dma_wait3A_459 = arith.constant 160 : i32
      %dma_wait3A_460 = arith.constant 0 : i32
      %dma_wait3A_461 = tpu.memref_slice %arg8[%dma_wait3A_459, %dma_wait3A_460] : memref<800x64xf32, #tpu.memory_space<vmem>> -> memref<80x64xf32, #tpu.memory_space<vmem>>
      %dma_wait3A_462 = arith.constant 0 : i32
      %dma_wait3A_463 = tpu.memref_slice %arg6[%add3A_387, %dma_wait3A_462] : memref<125x80xi32, #tpu.memory_space<vmem>> -> memref<1x80xi32, #tpu.memory_space<vmem>>
      %dma_wait3A_464 = tpu.memref_squeeze %dma_wait3A_463 : memref<1x80xi32, #tpu.memory_space<vmem>> -> memref<80xi32, #tpu.memory_space<vmem>>
      %dma_wait3A_465 = arith.constant 0 : i32
      %dma_wait3A_466 = arith.constant 0 : i32
      %dma_wait3A_467 = tpu.memref_slice %arg2[%dma_wait3A_465, %dma_wait3A_466] : memref<80000x64xf32, #tpu.memory_space<hbm>> -> memref<80000x64xf32, #tpu.memory_space<hbm>>
      tpu.wait_indirect_dma semaphore(%arg12 : memref<!tpu.dma_semaphore, #tpu.memory_space<semaphore_mem>>) src(%dma_wait3A_467 : memref<80000x64xf32, #tpu.memory_space<hbm>>) dst(%dma_wait3A_461 : memref<80x64xf32, #tpu.memory_space<vmem>>)
      %add3A_468 = arith.constant 2 : i32
      %add3A_469 = arith.addi %mul3A_363, %add3A_468 : i32
      %dma_start3A_470 = arith.constant 160 : i32
      %dma_start3A_471 = arith.constant 0 : i32
      %dma_start3A_472 = tpu.memref_slice %arg8[%dma_start3A_470, %dma_start3A_471] : memref<800x64xf32, #tpu.memory_space<vmem>> -> memref<80x64xf32, #tpu.memory_space<vmem>>
      %dma_start3A_473 = arith.constant 0 : i32
      %dma_start3A_474 = tpu.memref_slice %arg7[%add3A_469, %dma_start3A_473] : memref<125x80xi32, #tpu.memory_space<vmem>> -> memref<1x80xi32, #tpu.memory_space<vmem>>
      %dma_start3A_475 = tpu.memref_squeeze %dma_start3A_474 : memref<1x80xi32, #tpu.memory_space<vmem>> -> memref<80xi32, #tpu.memory_space<vmem>>
      %dma_start3A_476 = arith.constant 0 : i32
      %dma_start3A_477 = arith.constant 0 : i32
      %dma_start3A_478 = tpu.memref_slice %arg9[%dma_start3A_476, %dma_start3A_477] : memref<10240x64xf32, #tpu.memory_space<vmem_shared>> -> memref<10240x64xf32, #tpu.memory_space<vmem_shared>>
      tpu.enqueue_indirect_dma source(%dma_start3A_472 : memref<80x64xf32, #tpu.memory_space<vmem>>) target(%dma_start3A_478 : memref<10240x64xf32, #tpu.memory_space<vmem_shared>>) offsets(%dma_start3A_475 : memref<80xi32, #tpu.memory_space<vmem>>) semaphore(%arg20 : memref<!tpu.dma_semaphore, #tpu.memory_space<semaphore_mem>>) {add = true}
      %dma_wait3A_479 = arith.constant 240 : i32
      %dma_wait3A_480 = arith.constant 0 : i32
      %dma_wait3A_481 = tpu.memref_slice %arg8[%dma_wait3A_479, %dma_wait3A_480] : memref<800x64xf32, #tpu.memory_space<vmem>> -> memref<80x64xf32, #tpu.memory_space<vmem>>
      %dma_wait3A_482 = arith.constant 0 : i32
      %dma_wait3A_483 = tpu.memref_slice %arg6[%add3A_398, %dma_wait3A_482] : memref<125x80xi32, #tpu.memory_space<vmem>> -> memref<1x80xi32, #tpu.memory_space<vmem>>
      %dma_wait3A_484 = tpu.memref_squeeze %dma_wait3A_483 : memref<1x80xi32, #tpu.memory_space<vmem>> -> memref<80xi32, #tpu.memory_space<vmem>>
      %dma_wait3A_485 = arith.constant 0 : i32
      %dma_wait3A_486 = arith.constant 0 : i32
      %dma_wait3A_487 = tpu.memref_slice %arg2[%dma_wait3A_485, %dma_wait3A_486] : memref<80000x64xf32, #tpu.memory_space<hbm>> -> memref<80000x64xf32, #tpu.memory_space<hbm>>
      tpu.wait_indirect_dma semaphore(%arg13 : memref<!tpu.dma_semaphore, #tpu.memory_space<semaphore_mem>>) src(%dma_wait3A_487 : memref<80000x64xf32, #tpu.memory_space<hbm>>) dst(%dma_wait3A_481 : memref<80x64xf32, #tpu.memory_space<vmem>>)
      %add3A_488 = arith.constant 3 : i32
      %add3A_489 = arith.addi %mul3A_363, %add3A_488 : i32
      %dma_start3A_490 = arith.constant 240 : i32
      %dma_start3A_491 = arith.constant 0 : i32
      %dma_start3A_492 = tpu.memref_slice %arg8[%dma_start3A_490, %dma_start3A_491] : memref<800x64xf32, #tpu.memory_space<vmem>> -> memref<80x64xf32, #tpu.memory_space<vmem>>
      %dma_start3A_493 = arith.constant 0 : i32
      %dma_start3A_494 = tpu.memref_slice %arg7[%add3A_489, %dma_start3A_493] : memref<125x80xi32, #tpu.memory_space<vmem>> -> memref<1x80xi32, #tpu.memory_space<vmem>>
      %dma_start3A_495 = tpu.memref_squeeze %dma_start3A_494 : memref<1x80xi32, #tpu.memory_space<vmem>> -> memref<80xi32, #tpu.memory_space<vmem>>
      %dma_start3A_496 = arith.constant 0 : i32
      %dma_start3A_497 = arith.constant 0 : i32
      %dma_start3A_498 = tpu.memref_slice %arg9[%dma_start3A_496, %dma_start3A_497] : memref<10240x64xf32, #tpu.memory_space<vmem_shared>> -> memref<10240x64xf32, #tpu.memory_space<vmem_shared>>
      tpu.enqueue_indirect_dma source(%dma_start3A_492 : memref<80x64xf32, #tpu.memory_space<vmem>>) target(%dma_start3A_498 : memref<10240x64xf32, #tpu.memory_space<vmem_shared>>) offsets(%dma_start3A_495 : memref<80xi32, #tpu.memory_space<vmem>>) semaphore(%arg20 : memref<!tpu.dma_semaphore, #tpu.memory_space<semaphore_mem>>) {add = true}
      %dma_wait3A_499 = arith.constant 320 : i32
      %dma_wait3A_500 = arith.constant 0 : i32
      %dma_wait3A_501 = tpu.memref_slice %arg8[%dma_wait3A_499, %dma_wait3A_500] : memref<800x64xf32, #tpu.memory_space<vmem>> -> memref<80x64xf32, #tpu.memory_space<vmem>>
      %dma_wait3A_502 = arith.constant 0 : i32
      %dma_wait3A_503 = tpu.memref_slice %arg6[%add3A_409, %dma_wait3A_502] : memref<125x80xi32, #tpu.memory_space<vmem>> -> memref<1x80xi32, #tpu.memory_space<vmem>>
      %dma_wait3A_504 = tpu.memref_squeeze %dma_wait3A_503 : memref<1x80xi32, #tpu.memory_space<vmem>> -> memref<80xi32, #tpu.memory_space<vmem>>
      %dma_wait3A_505 = arith.constant 0 : i32
      %dma_wait3A_506 = arith.constant 0 : i32
      %dma_wait3A_507 = tpu.memref_slice %arg2[%dma_wait3A_505, %dma_wait3A_506] : memref<80000x64xf32, #tpu.memory_space<hbm>> -> memref<80000x64xf32, #tpu.memory_space<hbm>>
      tpu.wait_indirect_dma semaphore(%arg14 : memref<!tpu.dma_semaphore, #tpu.memory_space<semaphore_mem>>) src(%dma_wait3A_507 : memref<80000x64xf32, #tpu.memory_space<hbm>>) dst(%dma_wait3A_501 : memref<80x64xf32, #tpu.memory_space<vmem>>)
      %add3A_508 = arith.constant 4 : i32
      %add3A_509 = arith.addi %mul3A_363, %add3A_508 : i32
      %dma_start3A_510 = arith.constant 320 : i32
      %dma_start3A_511 = arith.constant 0 : i32
      %dma_start3A_512 = tpu.memref_slice %arg8[%dma_start3A_510, %dma_start3A_511] : memref<800x64xf32, #tpu.memory_space<vmem>> -> memref<80x64xf32, #tpu.memory_space<vmem>>
      %dma_start3A_513 = arith.constant 0 : i32
      %dma_start3A_514 = tpu.memref_slice %arg7[%add3A_509, %dma_start3A_513] : memref<125x80xi32, #tpu.memory_space<vmem>> -> memref<1x80xi32, #tpu.memory_space<vmem>>
      %dma_start3A_515 = tpu.memref_squeeze %dma_start3A_514 : memref<1x80xi32, #tpu.memory_space<vmem>> -> memref<80xi32, #tpu.memory_space<vmem>>
      %dma_start3A_516 = arith.constant 0 : i32
      %dma_start3A_517 = arith.constant 0 : i32
      %dma_start3A_518 = tpu.memref_slice %arg9[%dma_start3A_516, %dma_start3A_517] : memref<10240x64xf32, #tpu.memory_space<vmem_shared>> -> memref<10240x64xf32, #tpu.memory_space<vmem_shared>>
      tpu.enqueue_indirect_dma source(%dma_start3A_512 : memref<80x64xf32, #tpu.memory_space<vmem>>) target(%dma_start3A_518 : memref<10240x64xf32, #tpu.memory_space<vmem_shared>>) offsets(%dma_start3A_515 : memref<80xi32, #tpu.memory_space<vmem>>) semaphore(%arg20 : memref<!tpu.dma_semaphore, #tpu.memory_space<semaphore_mem>>) {add = true}
      %gt3A_519 = arith.constant 0 : i32
      %gt3A_520 = arith.cmpi sgt, %scan3A_356, %gt3A_519 : i32
      %convert_element_type3A_521 = arith.extui %gt3A_520 : i1 to i32
      %cond3A_522 = arith.constant 0 : i32
      %cond3A_523 = arith.cmpi ne, %convert_element_type3A_521, %cond3A_522 : i32
      scf.if %cond3A_523 {
        %dma_wait3A_686 = arith.constant 400 : i32
        %dma_wait3A_687 = arith.constant 0 : i32
        %dma_wait3A_688 = tpu.memref_slice %arg8[%dma_wait3A_686, %dma_wait3A_687] : memref<800x64xf32, #tpu.memory_space<vmem>> -> memref<80x64xf32, #tpu.memory_space<vmem>>
        %dma_wait3A_689 = arith.constant 0 : i32
        %dma_wait3A_690 = arith.constant 0 : i32
        %dma_wait3A_691 = tpu.memref_slice %arg2[%dma_wait3A_689, %dma_wait3A_690] : memref<80000x64xf32, #tpu.memory_space<hbm>> -> memref<80x64xf32, #tpu.memory_space<hbm>>
        %dma_wait3A_692 = arith.constant 400 : i32
        %dma_wait3A_693 = arith.constant 0 : i32
        %dma_wait3A_694 = tpu.memref_slice %arg8[%dma_wait3A_692, %dma_wait3A_693] : memref<800x64xf32, #tpu.memory_space<vmem>> -> memref<80x64xf32, #tpu.memory_space<vmem>>
        %dma_wait3A_695 = arith.constant 0 : i32
        %dma_wait3A_696 = arith.constant 0 : i32
        %dma_wait3A_697 = tpu.memref_slice %arg2[%dma_wait3A_695, %dma_wait3A_696] : memref<80000x64xf32, #tpu.memory_space<hbm>> -> memref<80x64xf32, #tpu.memory_space<hbm>>
        tpu.wait_dma2 semaphore(%arg21 : memref<!tpu.dma_semaphore, #tpu.memory_space<semaphore_mem>>) src(%dma_wait3A_697 : memref<80x64xf32, #tpu.memory_space<hbm>>) dst(%dma_wait3A_694 : memref<80x64xf32, #tpu.memory_space<vmem>>)
        %dma_wait3A_698 = arith.constant 480 : i32
        %dma_wait3A_699 = arith.constant 0 : i32
        %dma_wait3A_700 = tpu.memref_slice %arg8[%dma_wait3A_698, %dma_wait3A_699] : memref<800x64xf32, #tpu.memory_space<vmem>> -> memref<80x64xf32, #tpu.memory_space<vmem>>
        %dma_wait3A_701 = arith.constant 0 : i32
        %dma_wait3A_702 = arith.constant 0 : i32
        %dma_wait3A_703 = tpu.memref_slice %arg2[%dma_wait3A_701, %dma_wait3A_702] : memref<80000x64xf32, #tpu.memory_space<hbm>> -> memref<80x64xf32, #tpu.memory_space<hbm>>
        %dma_wait3A_704 = arith.constant 480 : i32
        %dma_wait3A_705 = arith.constant 0 : i32
        %dma_wait3A_706 = tpu.memref_slice %arg8[%dma_wait3A_704, %dma_wait3A_705] : memref<800x64xf32, #tpu.memory_space<vmem>> -> memref<80x64xf32, #tpu.memory_space<vmem>>
        %dma_wait3A_707 = arith.constant 0 : i32
        %dma_wait3A_708 = arith.constant 0 : i32
        %dma_wait3A_709 = tpu.memref_slice %arg2[%dma_wait3A_707, %dma_wait3A_708] : memref<80000x64xf32, #tpu.memory_space<hbm>> -> memref<80x64xf32, #tpu.memory_space<hbm>>
        tpu.wait_dma2 semaphore(%arg21 : memref<!tpu.dma_semaphore, #tpu.memory_space<semaphore_mem>>) src(%dma_wait3A_709 : memref<80x64xf32, #tpu.memory_space<hbm>>) dst(%dma_wait3A_706 : memref<80x64xf32, #tpu.memory_space<vmem>>)
        %dma_wait3A_710 = arith.constant 560 : i32
        %dma_wait3A_711 = arith.constant 0 : i32
        %dma_wait3A_712 = tpu.memref_slice %arg8[%dma_wait3A_710, %dma_wait3A_711] : memref<800x64xf32, #tpu.memory_space<vmem>> -> memref<80x64xf32, #tpu.memory_space<vmem>>
        %dma_wait3A_713 = arith.constant 0 : i32
        %dma_wait3A_714 = arith.constant 0 : i32
        %dma_wait3A_715 = tpu.memref_slice %arg2[%dma_wait3A_713, %dma_wait3A_714] : memref<80000x64xf32, #tpu.memory_space<hbm>> -> memref<80x64xf32, #tpu.memory_space<hbm>>
        %dma_wait3A_716 = arith.constant 560 : i32
        %dma_wait3A_717 = arith.constant 0 : i32
        %dma_wait3A_718 = tpu.memref_slice %arg8[%dma_wait3A_716, %dma_wait3A_717] : memref<800x64xf32, #tpu.memory_space<vmem>> -> memref<80x64xf32, #tpu.memory_space<vmem>>
        %dma_wait3A_719 = arith.constant 0 : i32
        %dma_wait3A_720 = arith.constant 0 : i32
        %dma_wait3A_721 = tpu.memref_slice %arg2[%dma_wait3A_719, %dma_wait3A_720] : memref<80000x64xf32, #tpu.memory_space<hbm>> -> memref<80x64xf32, #tpu.memory_space<hbm>>
        tpu.wait_dma2 semaphore(%arg21 : memref<!tpu.dma_semaphore, #tpu.memory_space<semaphore_mem>>) src(%dma_wait3A_721 : memref<80x64xf32, #tpu.memory_space<hbm>>) dst(%dma_wait3A_718 : memref<80x64xf32, #tpu.memory_space<vmem>>)
        %dma_wait3A_722 = arith.constant 640 : i32
        %dma_wait3A_723 = arith.constant 0 : i32
        %dma_wait3A_724 = tpu.memref_slice %arg8[%dma_wait3A_722, %dma_wait3A_723] : memref<800x64xf32, #tpu.memory_space<vmem>> -> memref<80x64xf32, #tpu.memory_space<vmem>>
        %dma_wait3A_725 = arith.constant 0 : i32
        %dma_wait3A_726 = arith.constant 0 : i32
        %dma_wait3A_727 = tpu.memref_slice %arg2[%dma_wait3A_725, %dma_wait3A_726] : memref<80000x64xf32, #tpu.memory_space<hbm>> -> memref<80x64xf32, #tpu.memory_space<hbm>>
        %dma_wait3A_728 = arith.constant 640 : i32
        %dma_wait3A_729 = arith.constant 0 : i32
        %dma_wait3A_730 = tpu.memref_slice %arg8[%dma_wait3A_728, %dma_wait3A_729] : memref<800x64xf32, #tpu.memory_space<vmem>> -> memref<80x64xf32, #tpu.memory_space<vmem>>
        %dma_wait3A_731 = arith.constant 0 : i32
        %dma_wait3A_732 = arith.constant 0 : i32
        %dma_wait3A_733 = tpu.memref_slice %arg2[%dma_wait3A_731, %dma_wait3A_732] : memref<80000x64xf32, #tpu.memory_space<hbm>> -> memref<80x64xf32, #tpu.memory_space<hbm>>
        tpu.wait_dma2 semaphore(%arg21 : memref<!tpu.dma_semaphore, #tpu.memory_space<semaphore_mem>>) src(%dma_wait3A_733 : memref<80x64xf32, #tpu.memory_space<hbm>>) dst(%dma_wait3A_730 : memref<80x64xf32, #tpu.memory_space<vmem>>)
        %dma_wait3A_734 = arith.constant 720 : i32
        %dma_wait3A_735 = arith.constant 0 : i32
        %dma_wait3A_736 = tpu.memref_slice %arg8[%dma_wait3A_734, %dma_wait3A_735] : memref<800x64xf32, #tpu.memory_space<vmem>> -> memref<80x64xf32, #tpu.memory_space<vmem>>
        %dma_wait3A_737 = arith.constant 0 : i32
        %dma_wait3A_738 = arith.constant 0 : i32
        %dma_wait3A_739 = tpu.memref_slice %arg2[%dma_wait3A_737, %dma_wait3A_738] : memref<80000x64xf32, #tpu.memory_space<hbm>> -> memref<80x64xf32, #tpu.memory_space<hbm>>
        %dma_wait3A_740 = arith.constant 720 : i32
        %dma_wait3A_741 = arith.constant 0 : i32
        %dma_wait3A_742 = tpu.memref_slice %arg8[%dma_wait3A_740, %dma_wait3A_741] : memref<800x64xf32, #tpu.memory_space<vmem>> -> memref<80x64xf32, #tpu.memory_space<vmem>>
        %dma_wait3A_743 = arith.constant 0 : i32
        %dma_wait3A_744 = arith.constant 0 : i32
        %dma_wait3A_745 = tpu.memref_slice %arg2[%dma_wait3A_743, %dma_wait3A_744] : memref<80000x64xf32, #tpu.memory_space<hbm>> -> memref<80x64xf32, #tpu.memory_space<hbm>>
        tpu.wait_dma2 semaphore(%arg21 : memref<!tpu.dma_semaphore, #tpu.memory_space<semaphore_mem>>) src(%dma_wait3A_745 : memref<80x64xf32, #tpu.memory_space<hbm>>) dst(%dma_wait3A_742 : memref<80x64xf32, #tpu.memory_space<vmem>>)
      } else {
      }
      %mul3A_524 = arith.constant 2 : i32
      %mul3A_525 = arith.muli %mul3A_524, %scan3A_356 : i32
      %add3A_526 = arith.constant 1 : i32
      %add3A_527 = arith.addi %mul3A_525, %add3A_526 : i32
      %mul3A_528 = arith.constant 5 : i32
      %mul3A_529 = arith.muli %add3A_527, %mul3A_528 : i32
      %add3A_530 = arith.constant 0 : i32
      %add3A_531 = arith.addi %mul3A_529, %add3A_530 : i32
      %dma_start3A_532 = arith.constant 400 : i32
      %dma_start3A_533 = arith.constant 0 : i32
      %dma_start3A_534 = tpu.memref_slice %arg8[%dma_start3A_532, %dma_start3A_533] : memref<800x64xf32, #tpu.memory_space<vmem>> -> memref<80x64xf32, #tpu.memory_space<vmem>>
      %dma_start3A_535 = arith.constant 0 : i32
      %dma_start3A_536 = tpu.memref_slice %arg6[%add3A_531, %dma_start3A_535] : memref<125x80xi32, #tpu.memory_space<vmem>> -> memref<1x80xi32, #tpu.memory_space<vmem>>
      %dma_start3A_537 = tpu.memref_squeeze %dma_start3A_536 : memref<1x80xi32, #tpu.memory_space<vmem>> -> memref<80xi32, #tpu.memory_space<vmem>>
      %dma_start3A_538 = arith.constant 0 : i32
      %dma_start3A_539 = arith.constant 0 : i32
      %dma_start3A_540 = tpu.memref_slice %arg2[%dma_start3A_538, %dma_start3A_539] : memref<80000x64xf32, #tpu.memory_space<hbm>> -> memref<80000x64xf32, #tpu.memory_space<hbm>>
      tpu.enqueue_indirect_dma source(%dma_start3A_540 : memref<80000x64xf32, #tpu.memory_space<hbm>>) target(%dma_start3A_534 : memref<80x64xf32, #tpu.memory_space<vmem>>) offsets(%dma_start3A_537 : memref<80xi32, #tpu.memory_space<vmem>>) semaphore(%arg15 : memref<!tpu.dma_semaphore, #tpu.memory_space<semaphore_mem>>)
      %add3A_541 = arith.constant 1 : i32
      %add3A_542 = arith.addi %mul3A_529, %add3A_541 : i32
      %dma_start3A_543 = arith.constant 480 : i32
      %dma_start3A_544 = arith.constant 0 : i32
      %dma_start3A_545 = tpu.memref_slice %arg8[%dma_start3A_543, %dma_start3A_544] : memref<800x64xf32, #tpu.memory_space<vmem>> -> memref<80x64xf32, #tpu.memory_space<vmem>>
      %dma_start3A_546 = arith.constant 0 : i32
      %dma_start3A_547 = tpu.memref_slice %arg6[%add3A_542, %dma_start3A_546] : memref<125x80xi32, #tpu.memory_space<vmem>> -> memref<1x80xi32, #tpu.memory_space<vmem>>
      %dma_start3A_548 = tpu.memref_squeeze %dma_start3A_547 : memref<1x80xi32, #tpu.memory_space<vmem>> -> memref<80xi32, #tpu.memory_space<vmem>>
      %dma_start3A_549 = arith.constant 0 : i32
      %dma_start3A_550 = arith.constant 0 : i32
      %dma_start3A_551 = tpu.memref_slice %arg2[%dma_start3A_549, %dma_start3A_550] : memref<80000x64xf32, #tpu.memory_space<hbm>> -> memref<80000x64xf32, #tpu.memory_space<hbm>>
      tpu.enqueue_indirect_dma source(%dma_start3A_551 : memref<80000x64xf32, #tpu.memory_space<hbm>>) target(%dma_start3A_545 : memref<80x64xf32, #tpu.memory_space<vmem>>) offsets(%dma_start3A_548 : memref<80xi32, #tpu.memory_space<vmem>>) semaphore(%arg16 : memref<!tpu.dma_semaphore, #tpu.memory_space<semaphore_mem>>)
      %add3A_552 = arith.constant 2 : i32
      %add3A_553 = arith.addi %mul3A_529, %add3A_552 : i32
      %dma_start3A_554 = arith.constant 560 : i32
      %dma_start3A_555 = arith.constant 0 : i32
      %dma_start3A_556 = tpu.memref_slice %arg8[%dma_start3A_554, %dma_start3A_555] : memref<800x64xf32, #tpu.memory_space<vmem>> -> memref<80x64xf32, #tpu.memory_space<vmem>>
      %dma_start3A_557 = arith.constant 0 : i32
      %dma_start3A_558 = tpu.memref_slice %arg6[%add3A_553, %dma_start3A_557] : memref<125x80xi32, #tpu.memory_space<vmem>> -> memref<1x80xi32, #tpu.memory_space<vmem>>
      %dma_start3A_559 = tpu.memref_squeeze %dma_start3A_558 : memref<1x80xi32, #tpu.memory_space<vmem>> -> memref<80xi32, #tpu.memory_space<vmem>>
      %dma_start3A_560 = arith.constant 0 : i32
      %dma_start3A_561 = arith.constant 0 : i32
      %dma_start3A_562 = tpu.memref_slice %arg2[%dma_start3A_560, %dma_start3A_561] : memref<80000x64xf32, #tpu.memory_space<hbm>> -> memref<80000x64xf32, #tpu.memory_space<hbm>>
      tpu.enqueue_indirect_dma source(%dma_start3A_562 : memref<80000x64xf32, #tpu.memory_space<hbm>>) target(%dma_start3A_556 : memref<80x64xf32, #tpu.memory_space<vmem>>) offsets(%dma_start3A_559 : memref<80xi32, #tpu.memory_space<vmem>>) semaphore(%arg17 : memref<!tpu.dma_semaphore, #tpu.memory_space<semaphore_mem>>)
      %add3A_563 = arith.constant 3 : i32
      %add3A_564 = arith.addi %mul3A_529, %add3A_563 : i32
      %dma_start3A_565 = arith.constant 640 : i32
      %dma_start3A_566 = arith.constant 0 : i32
      %dma_start3A_567 = tpu.memref_slice %arg8[%dma_start3A_565, %dma_start3A_566] : memref<800x64xf32, #tpu.memory_space<vmem>> -> memref<80x64xf32, #tpu.memory_space<vmem>>
      %dma_start3A_568 = arith.constant 0 : i32
      %dma_start3A_569 = tpu.memref_slice %arg6[%add3A_564, %dma_start3A_568] : memref<125x80xi32, #tpu.memory_space<vmem>> -> memref<1x80xi32, #tpu.memory_space<vmem>>
      %dma_start3A_570 = tpu.memref_squeeze %dma_start3A_569 : memref<1x80xi32, #tpu.memory_space<vmem>> -> memref<80xi32, #tpu.memory_space<vmem>>
      %dma_start3A_571 = arith.constant 0 : i32
      %dma_start3A_572 = arith.constant 0 : i32
      %dma_start3A_573 = tpu.memref_slice %arg2[%dma_start3A_571, %dma_start3A_572] : memref<80000x64xf32, #tpu.memory_space<hbm>> -> memref<80000x64xf32, #tpu.memory_space<hbm>>
      tpu.enqueue_indirect_dma source(%dma_start3A_573 : memref<80000x64xf32, #tpu.memory_space<hbm>>) target(%dma_start3A_567 : memref<80x64xf32, #tpu.memory_space<vmem>>) offsets(%dma_start3A_570 : memref<80xi32, #tpu.memory_space<vmem>>) semaphore(%arg18 : memref<!tpu.dma_semaphore, #tpu.memory_space<semaphore_mem>>)
      %add3A_574 = arith.constant 4 : i32
      %add3A_575 = arith.addi %mul3A_529, %add3A_574 : i32
      %dma_start3A_576 = arith.constant 720 : i32
      %dma_start3A_577 = arith.constant 0 : i32
      %dma_start3A_578 = tpu.memref_slice %arg8[%dma_start3A_576, %dma_start3A_577] : memref<800x64xf32, #tpu.memory_space<vmem>> -> memref<80x64xf32, #tpu.memory_space<vmem>>
      %dma_start3A_579 = arith.constant 0 : i32
      %dma_start3A_580 = tpu.memref_slice %arg6[%add3A_575, %dma_start3A_579] : memref<125x80xi32, #tpu.memory_space<vmem>> -> memref<1x80xi32, #tpu.memory_space<vmem>>
      %dma_start3A_581 = tpu.memref_squeeze %dma_start3A_580 : memref<1x80xi32, #tpu.memory_space<vmem>> -> memref<80xi32, #tpu.memory_space<vmem>>
      %dma_start3A_582 = arith.constant 0 : i32
      %dma_start3A_583 = arith.constant 0 : i32
      %dma_start3A_584 = tpu.memref_slice %arg2[%dma_start3A_582, %dma_start3A_583] : memref<80000x64xf32, #tpu.memory_space<hbm>> -> memref<80000x64xf32, #tpu.memory_space<hbm>>
      tpu.enqueue_indirect_dma source(%dma_start3A_584 : memref<80000x64xf32, #tpu.memory_space<hbm>>) target(%dma_start3A_578 : memref<80x64xf32, #tpu.memory_space<vmem>>) offsets(%dma_start3A_581 : memref<80xi32, #tpu.memory_space<vmem>>) semaphore(%arg19 : memref<!tpu.dma_semaphore, #tpu.memory_space<semaphore_mem>>)
      %dma_wait3A_585 = arith.constant 400 : i32
      %dma_wait3A_586 = arith.constant 0 : i32
      %dma_wait3A_587 = tpu.memref_slice %arg8[%dma_wait3A_585, %dma_wait3A_586] : memref<800x64xf32, #tpu.memory_space<vmem>> -> memref<80x64xf32, #tpu.memory_space<vmem>>
      %dma_wait3A_588 = arith.constant 0 : i32
      %dma_wait3A_589 = tpu.memref_slice %arg6[%add3A_531, %dma_wait3A_588] : memref<125x80xi32, #tpu.memory_space<vmem>> -> memref<1x80xi32, #tpu.memory_space<vmem>>
      %dma_wait3A_590 = tpu.memref_squeeze %dma_wait3A_589 : memref<1x80xi32, #tpu.memory_space<vmem>> -> memref<80xi32, #tpu.memory_space<vmem>>
      %dma_wait3A_591 = arith.constant 0 : i32
      %dma_wait3A_592 = arith.constant 0 : i32
      %dma_wait3A_593 = tpu.memref_slice %arg2[%dma_wait3A_591, %dma_wait3A_592] : memref<80000x64xf32, #tpu.memory_space<hbm>> -> memref<80000x64xf32, #tpu.memory_space<hbm>>
      tpu.wait_indirect_dma semaphore(%arg15 : memref<!tpu.dma_semaphore, #tpu.memory_space<semaphore_mem>>) src(%dma_wait3A_593 : memref<80000x64xf32, #tpu.memory_space<hbm>>) dst(%dma_wait3A_587 : memref<80x64xf32, #tpu.memory_space<vmem>>)
      %add3A_594 = arith.constant 0 : i32
      %add3A_595 = arith.addi %mul3A_529, %add3A_594 : i32
      %dma_start3A_596 = arith.constant 400 : i32
      %dma_start3A_597 = arith.constant 0 : i32
      %dma_start3A_598 = tpu.memref_slice %arg8[%dma_start3A_596, %dma_start3A_597] : memref<800x64xf32, #tpu.memory_space<vmem>> -> memref<80x64xf32, #tpu.memory_space<vmem>>
      %dma_start3A_599 = arith.constant 0 : i32
      %dma_start3A_600 = tpu.memref_slice %arg7[%add3A_595, %dma_start3A_599] : memref<125x80xi32, #tpu.memory_space<vmem>> -> memref<1x80xi32, #tpu.memory_space<vmem>>
      %dma_start3A_601 = tpu.memref_squeeze %dma_start3A_600 : memref<1x80xi32, #tpu.memory_space<vmem>> -> memref<80xi32, #tpu.memory_space<vmem>>
      %dma_start3A_602 = arith.constant 0 : i32
      %dma_start3A_603 = arith.constant 0 : i32
      %dma_start3A_604 = tpu.memref_slice %arg9[%dma_start3A_602, %dma_start3A_603] : memref<10240x64xf32, #tpu.memory_space<vmem_shared>> -> memref<10240x64xf32, #tpu.memory_space<vmem_shared>>
      tpu.enqueue_indirect_dma source(%dma_start3A_598 : memref<80x64xf32, #tpu.memory_space<vmem>>) target(%dma_start3A_604 : memref<10240x64xf32, #tpu.memory_space<vmem_shared>>) offsets(%dma_start3A_601 : memref<80xi32, #tpu.memory_space<vmem>>) semaphore(%arg21 : memref<!tpu.dma_semaphore, #tpu.memory_space<semaphore_mem>>) {add = true}
      %dma_wait3A_605 = arith.constant 480 : i32
      %dma_wait3A_606 = arith.constant 0 : i32
      %dma_wait3A_607 = tpu.memref_slice %arg8[%dma_wait3A_605, %dma_wait3A_606] : memref<800x64xf32, #tpu.memory_space<vmem>> -> memref<80x64xf32, #tpu.memory_space<vmem>>
      %dma_wait3A_608 = arith.constant 0 : i32
      %dma_wait3A_609 = tpu.memref_slice %arg6[%add3A_542, %dma_wait3A_608] : memref<125x80xi32, #tpu.memory_space<vmem>> -> memref<1x80xi32, #tpu.memory_space<vmem>>
      %dma_wait3A_610 = tpu.memref_squeeze %dma_wait3A_609 : memref<1x80xi32, #tpu.memory_space<vmem>> -> memref<80xi32, #tpu.memory_space<vmem>>
      %dma_wait3A_611 = arith.constant 0 : i32
      %dma_wait3A_612 = arith.constant 0 : i32
      %dma_wait3A_613 = tpu.memref_slice %arg2[%dma_wait3A_611, %dma_wait3A_612] : memref<80000x64xf32, #tpu.memory_space<hbm>> -> memref<80000x64xf32, #tpu.memory_space<hbm>>
      tpu.wait_indirect_dma semaphore(%arg16 : memref<!tpu.dma_semaphore, #tpu.memory_space<semaphore_mem>>) src(%dma_wait3A_613 : memref<80000x64xf32, #tpu.memory_space<hbm>>) dst(%dma_wait3A_607 : memref<80x64xf32, #tpu.memory_space<vmem>>)
      %add3A_614 = arith.constant 1 : i32
      %add3A_615 = arith.addi %mul3A_529, %add3A_614 : i32
      %dma_start3A_616 = arith.constant 480 : i32
      %dma_start3A_617 = arith.constant 0 : i32
      %dma_start3A_618 = tpu.memref_slice %arg8[%dma_start3A_616, %dma_start3A_617] : memref<800x64xf32, #tpu.memory_space<vmem>> -> memref<80x64xf32, #tpu.memory_space<vmem>>
      %dma_start3A_619 = arith.constant 0 : i32
      %dma_start3A_620 = tpu.memref_slice %arg7[%add3A_615, %dma_start3A_619] : memref<125x80xi32, #tpu.memory_space<vmem>> -> memref<1x80xi32, #tpu.memory_space<vmem>>
      %dma_start3A_621 = tpu.memref_squeeze %dma_start3A_620 : memref<1x80xi32, #tpu.memory_space<vmem>> -> memref<80xi32, #tpu.memory_space<vmem>>
      %dma_start3A_622 = arith.constant 0 : i32
      %dma_start3A_623 = arith.constant 0 : i32
      %dma_start3A_624 = tpu.memref_slice %arg9[%dma_start3A_622, %dma_start3A_623] : memref<10240x64xf32, #tpu.memory_space<vmem_shared>> -> memref<10240x64xf32, #tpu.memory_space<vmem_shared>>
      tpu.enqueue_indirect_dma source(%dma_start3A_618 : memref<80x64xf32, #tpu.memory_space<vmem>>) target(%dma_start3A_624 : memref<10240x64xf32, #tpu.memory_space<vmem_shared>>) offsets(%dma_start3A_621 : memref<80xi32, #tpu.memory_space<vmem>>) semaphore(%arg21 : memref<!tpu.dma_semaphore, #tpu.memory_space<semaphore_mem>>) {add = true}
      %dma_wait3A_625 = arith.constant 560 : i32
      %dma_wait3A_626 = arith.constant 0 : i32
      %dma_wait3A_627 = tpu.memref_slice %arg8[%dma_wait3A_625, %dma_wait3A_626] : memref<800x64xf32, #tpu.memory_space<vmem>> -> memref<80x64xf32, #tpu.memory_space<vmem>>
      %dma_wait3A_628 = arith.constant 0 : i32
      %dma_wait3A_629 = tpu.memref_slice %arg6[%add3A_553, %dma_wait3A_628] : memref<125x80xi32, #tpu.memory_space<vmem>> -> memref<1x80xi32, #tpu.memory_space<vmem>>
      %dma_wait3A_630 = tpu.memref_squeeze %dma_wait3A_629 : memref<1x80xi32, #tpu.memory_space<vmem>> -> memref<80xi32, #tpu.memory_space<vmem>>
      %dma_wait3A_631 = arith.constant 0 : i32
      %dma_wait3A_632 = arith.constant 0 : i32
      %dma_wait3A_633 = tpu.memref_slice %arg2[%dma_wait3A_631, %dma_wait3A_632] : memref<80000x64xf32, #tpu.memory_space<hbm>> -> memref<80000x64xf32, #tpu.memory_space<hbm>>
      tpu.wait_indirect_dma semaphore(%arg17 : memref<!tpu.dma_semaphore, #tpu.memory_space<semaphore_mem>>) src(%dma_wait3A_633 : memref<80000x64xf32, #tpu.memory_space<hbm>>) dst(%dma_wait3A_627 : memref<80x64xf32, #tpu.memory_space<vmem>>)
      %add3A_634 = arith.constant 2 : i32
      %add3A_635 = arith.addi %mul3A_529, %add3A_634 : i32
      %dma_start3A_636 = arith.constant 560 : i32
      %dma_start3A_637 = arith.constant 0 : i32
      %dma_start3A_638 = tpu.memref_slice %arg8[%dma_start3A_636, %dma_start3A_637] : memref<800x64xf32, #tpu.memory_space<vmem>> -> memref<80x64xf32, #tpu.memory_space<vmem>>
      %dma_start3A_639 = arith.constant 0 : i32
      %dma_start3A_640 = tpu.memref_slice %arg7[%add3A_635, %dma_start3A_639] : memref<125x80xi32, #tpu.memory_space<vmem>> -> memref<1x80xi32, #tpu.memory_space<vmem>>
      %dma_start3A_641 = tpu.memref_squeeze %dma_start3A_640 : memref<1x80xi32, #tpu.memory_space<vmem>> -> memref<80xi32, #tpu.memory_space<vmem>>
      %dma_start3A_642 = arith.constant 0 : i32
      %dma_start3A_643 = arith.constant 0 : i32
      %dma_start3A_644 = tpu.memref_slice %arg9[%dma_start3A_642, %dma_start3A_643] : memref<10240x64xf32, #tpu.memory_space<vmem_shared>> -> memref<10240x64xf32, #tpu.memory_space<vmem_shared>>
      tpu.enqueue_indirect_dma source(%dma_start3A_638 : memref<80x64xf32, #tpu.memory_space<vmem>>) target(%dma_start3A_644 : memref<10240x64xf32, #tpu.memory_space<vmem_shared>>) offsets(%dma_start3A_641 : memref<80xi32, #tpu.memory_space<vmem>>) semaphore(%arg21 : memref<!tpu.dma_semaphore, #tpu.memory_space<semaphore_mem>>) {add = true}
      %dma_wait3A_645 = arith.constant 640 : i32
      %dma_wait3A_646 = arith.constant 0 : i32
      %dma_wait3A_647 = tpu.memref_slice %arg8[%dma_wait3A_645, %dma_wait3A_646] : memref<800x64xf32, #tpu.memory_space<vmem>> -> memref<80x64xf32, #tpu.memory_space<vmem>>
      %dma_wait3A_648 = arith.constant 0 : i32
      %dma_wait3A_649 = tpu.memref_slice %arg6[%add3A_564, %dma_wait3A_648] : memref<125x80xi32, #tpu.memory_space<vmem>> -> memref<1x80xi32, #tpu.memory_space<vmem>>
      %dma_wait3A_650 = tpu.memref_squeeze %dma_wait3A_649 : memref<1x80xi32, #tpu.memory_space<vmem>> -> memref<80xi32, #tpu.memory_space<vmem>>
      %dma_wait3A_651 = arith.constant 0 : i32
      %dma_wait3A_652 = arith.constant 0 : i32
      %dma_wait3A_653 = tpu.memref_slice %arg2[%dma_wait3A_651, %dma_wait3A_652] : memref<80000x64xf32, #tpu.memory_space<hbm>> -> memref<80000x64xf32, #tpu.memory_space<hbm>>
      tpu.wait_indirect_dma semaphore(%arg18 : memref<!tpu.dma_semaphore, #tpu.memory_space<semaphore_mem>>) src(%dma_wait3A_653 : memref<80000x64xf32, #tpu.memory_space<hbm>>) dst(%dma_wait3A_647 : memref<80x64xf32, #tpu.memory_space<vmem>>)
      %add3A_654 = arith.constant 3 : i32
      %add3A_655 = arith.addi %mul3A_529, %add3A_654 : i32
      %dma_start3A_656 = arith.constant 640 : i32
      %dma_start3A_657 = arith.constant 0 : i32
      %dma_start3A_658 = tpu.memref_slice %arg8[%dma_start3A_656, %dma_start3A_657] : memref<800x64xf32, #tpu.memory_space<vmem>> -> memref<80x64xf32, #tpu.memory_space<vmem>>
      %dma_start3A_659 = arith.constant 0 : i32
      %dma_start3A_660 = tpu.memref_slice %arg7[%add3A_655, %dma_start3A_659] : memref<125x80xi32, #tpu.memory_space<vmem>> -> memref<1x80xi32, #tpu.memory_space<vmem>>
      %dma_start3A_661 = tpu.memref_squeeze %dma_start3A_660 : memref<1x80xi32, #tpu.memory_space<vmem>> -> memref<80xi32, #tpu.memory_space<vmem>>
      %dma_start3A_662 = arith.constant 0 : i32
      %dma_start3A_663 = arith.constant 0 : i32
      %dma_start3A_664 = tpu.memref_slice %arg9[%dma_start3A_662, %dma_start3A_663] : memref<10240x64xf32, #tpu.memory_space<vmem_shared>> -> memref<10240x64xf32, #tpu.memory_space<vmem_shared>>
      tpu.enqueue_indirect_dma source(%dma_start3A_658 : memref<80x64xf32, #tpu.memory_space<vmem>>) target(%dma_start3A_664 : memref<10240x64xf32, #tpu.memory_space<vmem_shared>>) offsets(%dma_start3A_661 : memref<80xi32, #tpu.memory_space<vmem>>) semaphore(%arg21 : memref<!tpu.dma_semaphore, #tpu.memory_space<semaphore_mem>>) {add = true}
      %dma_wait3A_665 = arith.constant 720 : i32
      %dma_wait3A_666 = arith.constant 0 : i32
      %dma_wait3A_667 = tpu.memref_slice %arg8[%dma_wait3A_665, %dma_wait3A_666] : memref<800x64xf32, #tpu.memory_space<vmem>> -> memref<80x64xf32, #tpu.memory_space<vmem>>
      %dma_wait3A_668 = arith.constant 0 : i32
      %dma_wait3A_669 = tpu.memref_slice %arg6[%add3A_575, %dma_wait3A_668] : memref<125x80xi32, #tpu.memory_space<vmem>> -> memref<1x80xi32, #tpu.memory_space<vmem>>
      %dma_wait3A_670 = tpu.memref_squeeze %dma_wait3A_669 : memref<1x80xi32, #tpu.memory_space<vmem>> -> memref<80xi32, #tpu.memory_space<vmem>>
      %dma_wait3A_671 = arith.constant 0 : i32
      %dma_wait3A_672 = arith.constant 0 : i32
      %dma_wait3A_673 = tpu.memref_slice %arg2[%dma_wait3A_671, %dma_wait3A_672] : memref<80000x64xf32, #tpu.memory_space<hbm>> -> memref<80000x64xf32, #tpu.memory_space<hbm>>
      tpu.wait_indirect_dma semaphore(%arg19 : memref<!tpu.dma_semaphore, #tpu.memory_space<semaphore_mem>>) src(%dma_wait3A_673 : memref<80000x64xf32, #tpu.memory_space<hbm>>) dst(%dma_wait3A_667 : memref<80x64xf32, #tpu.memory_space<vmem>>)
      %add3A_674 = arith.constant 4 : i32
      %add3A_675 = arith.addi %mul3A_529, %add3A_674 : i32
      %dma_start3A_676 = arith.constant 720 : i32
      %dma_start3A_677 = arith.constant 0 : i32
      %dma_start3A_678 = tpu.memref_slice %arg8[%dma_start3A_676, %dma_start3A_677] : memref<800x64xf32, #tpu.memory_space<vmem>> -> memref<80x64xf32, #tpu.memory_space<vmem>>
      %dma_start3A_679 = arith.constant 0 : i32
      %dma_start3A_680 = tpu.memref_slice %arg7[%add3A_675, %dma_start3A_679] : memref<125x80xi32, #tpu.memory_space<vmem>> -> memref<1x80xi32, #tpu.memory_space<vmem>>
      %dma_start3A_681 = tpu.memref_squeeze %dma_start3A_680 : memref<1x80xi32, #tpu.memory_space<vmem>> -> memref<80xi32, #tpu.memory_space<vmem>>
      %dma_start3A_682 = arith.constant 0 : i32
      %dma_start3A_683 = arith.constant 0 : i32
      %dma_start3A_684 = tpu.memref_slice %arg9[%dma_start3A_682, %dma_start3A_683] : memref<10240x64xf32, #tpu.memory_space<vmem_shared>> -> memref<10240x64xf32, #tpu.memory_space<vmem_shared>>
      tpu.enqueue_indirect_dma source(%dma_start3A_678 : memref<80x64xf32, #tpu.memory_space<vmem>>) target(%dma_start3A_684 : memref<10240x64xf32, #tpu.memory_space<vmem_shared>>) offsets(%dma_start3A_681 : memref<80xi32, #tpu.memory_space<vmem>>) semaphore(%arg21 : memref<!tpu.dma_semaphore, #tpu.memory_space<semaphore_mem>>) {add = true}
      %scan3A_685 = arith.constant 0 : i32
      scf.yield %scan3A_685 : i32
    }
    %scan3A_26 = arith.constant 12 : i32
    %dma_wait3A = arith.constant 0 : i32
    %dma_wait3A_27 = arith.constant 0 : i32
    %dma_wait3A_28 = tpu.memref_slice %arg8[%dma_wait3A, %dma_wait3A_27] : memref<800x64xf32, #tpu.memory_space<vmem>> -> memref<80x64xf32, #tpu.memory_space<vmem>>
    %dma_wait3A_29 = arith.constant 0 : i32
    %dma_wait3A_30 = arith.constant 0 : i32
    %dma_wait3A_31 = tpu.memref_slice %arg2[%dma_wait3A_29, %dma_wait3A_30] : memref<80000x64xf32, #tpu.memory_space<hbm>> -> memref<80x64xf32, #tpu.memory_space<hbm>>
    %dma_wait3A_32 = arith.constant 0 : i32
    %dma_wait3A_33 = arith.constant 0 : i32
    %dma_wait3A_34 = tpu.memref_slice %arg8[%dma_wait3A_32, %dma_wait3A_33] : memref<800x64xf32, #tpu.memory_space<vmem>> -> memref<80x64xf32, #tpu.memory_space<vmem>>
    %dma_wait3A_35 = arith.constant 0 : i32
    %dma_wait3A_36 = arith.constant 0 : i32
    %dma_wait3A_37 = tpu.memref_slice %arg2[%dma_wait3A_35, %dma_wait3A_36] : memref<80000x64xf32, #tpu.memory_space<hbm>> -> memref<80x64xf32, #tpu.memory_space<hbm>>
    tpu.wait_dma2 semaphore(%arg20 : memref<!tpu.dma_semaphore, #tpu.memory_space<semaphore_mem>>) src(%dma_wait3A_37 : memref<80x64xf32, #tpu.memory_space<hbm>>) dst(%dma_wait3A_34 : memref<80x64xf32, #tpu.memory_space<vmem>>)
    %dma_wait3A_38 = arith.constant 80 : i32
    %dma_wait3A_39 = arith.constant 0 : i32
    %dma_wait3A_40 = tpu.memref_slice %arg8[%dma_wait3A_38, %dma_wait3A_39] : memref<800x64xf32, #tpu.memory_space<vmem>> -> memref<80x64xf32, #tpu.memory_space<vmem>>
    %dma_wait3A_41 = arith.constant 0 : i32
    %dma_wait3A_42 = arith.constant 0 : i32
    %dma_wait3A_43 = tpu.memref_slice %arg2[%dma_wait3A_41, %dma_wait3A_42] : memref<80000x64xf32, #tpu.memory_space<hbm>> -> memref<80x64xf32, #tpu.memory_space<hbm>>
    %dma_wait3A_44 = arith.constant 80 : i32
    %dma_wait3A_45 = arith.constant 0 : i32
    %dma_wait3A_46 = tpu.memref_slice %arg8[%dma_wait3A_44, %dma_wait3A_45] : memref<800x64xf32, #tpu.memory_space<vmem>> -> memref<80x64xf32, #tpu.memory_space<vmem>>
    %dma_wait3A_47 = arith.constant 0 : i32
    %dma_wait3A_48 = arith.constant 0 : i32
    %dma_wait3A_49 = tpu.memref_slice %arg2[%dma_wait3A_47, %dma_wait3A_48] : memref<80000x64xf32, #tpu.memory_space<hbm>> -> memref<80x64xf32, #tpu.memory_space<hbm>>
    tpu.wait_dma2 semaphore(%arg20 : memref<!tpu.dma_semaphore, #tpu.memory_space<semaphore_mem>>) src(%dma_wait3A_49 : memref<80x64xf32, #tpu.memory_space<hbm>>) dst(%dma_wait3A_46 : memref<80x64xf32, #tpu.memory_space<vmem>>)
    %dma_wait3A_50 = arith.constant 160 : i32
    %dma_wait3A_51 = arith.constant 0 : i32
    %dma_wait3A_52 = tpu.memref_slice %arg8[%dma_wait3A_50, %dma_wait3A_51] : memref<800x64xf32, #tpu.memory_space<vmem>> -> memref<80x64xf32, #tpu.memory_space<vmem>>
    %dma_wait3A_53 = arith.constant 0 : i32
    %dma_wait3A_54 = arith.constant 0 : i32
    %dma_wait3A_55 = tpu.memref_slice %arg2[%dma_wait3A_53, %dma_wait3A_54] : memref<80000x64xf32, #tpu.memory_space<hbm>> -> memref<80x64xf32, #tpu.memory_space<hbm>>
    %dma_wait3A_56 = arith.constant 160 : i32
    %dma_wait3A_57 = arith.constant 0 : i32
    %dma_wait3A_58 = tpu.memref_slice %arg8[%dma_wait3A_56, %dma_wait3A_57] : memref<800x64xf32, #tpu.memory_space<vmem>> -> memref<80x64xf32, #tpu.memory_space<vmem>>
    %dma_wait3A_59 = arith.constant 0 : i32
    %dma_wait3A_60 = arith.constant 0 : i32
    %dma_wait3A_61 = tpu.memref_slice %arg2[%dma_wait3A_59, %dma_wait3A_60] : memref<80000x64xf32, #tpu.memory_space<hbm>> -> memref<80x64xf32, #tpu.memory_space<hbm>>
    tpu.wait_dma2 semaphore(%arg20 : memref<!tpu.dma_semaphore, #tpu.memory_space<semaphore_mem>>) src(%dma_wait3A_61 : memref<80x64xf32, #tpu.memory_space<hbm>>) dst(%dma_wait3A_58 : memref<80x64xf32, #tpu.memory_space<vmem>>)
    %dma_wait3A_62 = arith.constant 240 : i32
    %dma_wait3A_63 = arith.constant 0 : i32
    %dma_wait3A_64 = tpu.memref_slice %arg8[%dma_wait3A_62, %dma_wait3A_63] : memref<800x64xf32, #tpu.memory_space<vmem>> -> memref<80x64xf32, #tpu.memory_space<vmem>>
    %dma_wait3A_65 = arith.constant 0 : i32
    %dma_wait3A_66 = arith.constant 0 : i32
    %dma_wait3A_67 = tpu.memref_slice %arg2[%dma_wait3A_65, %dma_wait3A_66] : memref<80000x64xf32, #tpu.memory_space<hbm>> -> memref<80x64xf32, #tpu.memory_space<hbm>>
    %dma_wait3A_68 = arith.constant 240 : i32
    %dma_wait3A_69 = arith.constant 0 : i32
    %dma_wait3A_70 = tpu.memref_slice %arg8[%dma_wait3A_68, %dma_wait3A_69] : memref<800x64xf32, #tpu.memory_space<vmem>> -> memref<80x64xf32, #tpu.memory_space<vmem>>
    %dma_wait3A_71 = arith.constant 0 : i32
    %dma_wait3A_72 = arith.constant 0 : i32
    %dma_wait3A_73 = tpu.memref_slice %arg2[%dma_wait3A_71, %dma_wait3A_72] : memref<80000x64xf32, #tpu.memory_space<hbm>> -> memref<80x64xf32, #tpu.memory_space<hbm>>
    tpu.wait_dma2 semaphore(%arg20 : memref<!tpu.dma_semaphore, #tpu.memory_space<semaphore_mem>>) src(%dma_wait3A_73 : memref<80x64xf32, #tpu.memory_space<hbm>>) dst(%dma_wait3A_70 : memref<80x64xf32, #tpu.memory_space<vmem>>)
    %dma_wait3A_74 = arith.constant 320 : i32
    %dma_wait3A_75 = arith.constant 0 : i32
    %dma_wait3A_76 = tpu.memref_slice %arg8[%dma_wait3A_74, %dma_wait3A_75] : memref<800x64xf32, #tpu.memory_space<vmem>> -> memref<80x64xf32, #tpu.memory_space<vmem>>
    %dma_wait3A_77 = arith.constant 0 : i32
    %dma_wait3A_78 = arith.constant 0 : i32
    %dma_wait3A_79 = tpu.memref_slice %arg2[%dma_wait3A_77, %dma_wait3A_78] : memref<80000x64xf32, #tpu.memory_space<hbm>> -> memref<80x64xf32, #tpu.memory_space<hbm>>
    %dma_wait3A_80 = arith.constant 320 : i32
    %dma_wait3A_81 = arith.constant 0 : i32
    %dma_wait3A_82 = tpu.memref_slice %arg8[%dma_wait3A_80, %dma_wait3A_81] : memref<800x64xf32, #tpu.memory_space<vmem>> -> memref<80x64xf32, #tpu.memory_space<vmem>>
    %dma_wait3A_83 = arith.constant 0 : i32
    %dma_wait3A_84 = arith.constant 0 : i32
    %dma_wait3A_85 = tpu.memref_slice %arg2[%dma_wait3A_83, %dma_wait3A_84] : memref<80000x64xf32, #tpu.memory_space<hbm>> -> memref<80x64xf32, #tpu.memory_space<hbm>>
    tpu.wait_dma2 semaphore(%arg20 : memref<!tpu.dma_semaphore, #tpu.memory_space<semaphore_mem>>) src(%dma_wait3A_85 : memref<80x64xf32, #tpu.memory_space<hbm>>) dst(%dma_wait3A_82 : memref<80x64xf32, #tpu.memory_space<vmem>>)
    %dma_start3A = arith.constant 120 : i32
    %dma_start3A_86 = arith.constant 0 : i32
    %dma_start3A_87 = arith.constant 0 : i32
    %dma_start3A_88 = tpu.memref_slice %arg8[%dma_start3A_86, %dma_start3A_87] : memref<800x64xf32, #tpu.memory_space<vmem>> -> memref<80x64xf32, #tpu.memory_space<vmem>>
    %dma_start3A_89 = arith.constant 0 : i32
    %dma_start3A_90 = tpu.memref_slice %arg6[%dma_start3A, %dma_start3A_89] : memref<125x80xi32, #tpu.memory_space<vmem>> -> memref<1x80xi32, #tpu.memory_space<vmem>>
    %dma_start3A_91 = tpu.memref_squeeze %dma_start3A_90 : memref<1x80xi32, #tpu.memory_space<vmem>> -> memref<80xi32, #tpu.memory_space<vmem>>
    %dma_start3A_92 = arith.constant 0 : i32
    %dma_start3A_93 = arith.constant 0 : i32
    %dma_start3A_94 = tpu.memref_slice %arg2[%dma_start3A_92, %dma_start3A_93] : memref<80000x64xf32, #tpu.memory_space<hbm>> -> memref<80000x64xf32, #tpu.memory_space<hbm>>
    tpu.enqueue_indirect_dma source(%dma_start3A_94 : memref<80000x64xf32, #tpu.memory_space<hbm>>) target(%dma_start3A_88 : memref<80x64xf32, #tpu.memory_space<vmem>>) offsets(%dma_start3A_91 : memref<80xi32, #tpu.memory_space<vmem>>) semaphore(%arg10 : memref<!tpu.dma_semaphore, #tpu.memory_space<semaphore_mem>>)
    %dma_start3A_95 = arith.constant 121 : i32
    %dma_start3A_96 = arith.constant 80 : i32
    %dma_start3A_97 = arith.constant 0 : i32
    %dma_start3A_98 = tpu.memref_slice %arg8[%dma_start3A_96, %dma_start3A_97] : memref<800x64xf32, #tpu.memory_space<vmem>> -> memref<80x64xf32, #tpu.memory_space<vmem>>
    %dma_start3A_99 = arith.constant 0 : i32
    %dma_start3A_100 = tpu.memref_slice %arg6[%dma_start3A_95, %dma_start3A_99] : memref<125x80xi32, #tpu.memory_space<vmem>> -> memref<1x80xi32, #tpu.memory_space<vmem>>
    %dma_start3A_101 = tpu.memref_squeeze %dma_start3A_100 : memref<1x80xi32, #tpu.memory_space<vmem>> -> memref<80xi32, #tpu.memory_space<vmem>>
    %dma_start3A_102 = arith.constant 0 : i32
    %dma_start3A_103 = arith.constant 0 : i32
    %dma_start3A_104 = tpu.memref_slice %arg2[%dma_start3A_102, %dma_start3A_103] : memref<80000x64xf32, #tpu.memory_space<hbm>> -> memref<80000x64xf32, #tpu.memory_space<hbm>>
    tpu.enqueue_indirect_dma source(%dma_start3A_104 : memref<80000x64xf32, #tpu.memory_space<hbm>>) target(%dma_start3A_98 : memref<80x64xf32, #tpu.memory_space<vmem>>) offsets(%dma_start3A_101 : memref<80xi32, #tpu.memory_space<vmem>>) semaphore(%arg11 : memref<!tpu.dma_semaphore, #tpu.memory_space<semaphore_mem>>)
    %dma_start3A_105 = arith.constant 122 : i32
    %dma_start3A_106 = arith.constant 160 : i32
    %dma_start3A_107 = arith.constant 0 : i32
    %dma_start3A_108 = tpu.memref_slice %arg8[%dma_start3A_106, %dma_start3A_107] : memref<800x64xf32, #tpu.memory_space<vmem>> -> memref<80x64xf32, #tpu.memory_space<vmem>>
    %dma_start3A_109 = arith.constant 0 : i32
    %dma_start3A_110 = tpu.memref_slice %arg6[%dma_start3A_105, %dma_start3A_109] : memref<125x80xi32, #tpu.memory_space<vmem>> -> memref<1x80xi32, #tpu.memory_space<vmem>>
    %dma_start3A_111 = tpu.memref_squeeze %dma_start3A_110 : memref<1x80xi32, #tpu.memory_space<vmem>> -> memref<80xi32, #tpu.memory_space<vmem>>
    %dma_start3A_112 = arith.constant 0 : i32
    %dma_start3A_113 = arith.constant 0 : i32
    %dma_start3A_114 = tpu.memref_slice %arg2[%dma_start3A_112, %dma_start3A_113] : memref<80000x64xf32, #tpu.memory_space<hbm>> -> memref<80000x64xf32, #tpu.memory_space<hbm>>
    tpu.enqueue_indirect_dma source(%dma_start3A_114 : memref<80000x64xf32, #tpu.memory_space<hbm>>) target(%dma_start3A_108 : memref<80x64xf32, #tpu.memory_space<vmem>>) offsets(%dma_start3A_111 : memref<80xi32, #tpu.memory_space<vmem>>) semaphore(%arg12 : memref<!tpu.dma_semaphore, #tpu.memory_space<semaphore_mem>>)
    %dma_start3A_115 = arith.constant 123 : i32
    %dma_start3A_116 = arith.constant 240 : i32
    %dma_start3A_117 = arith.constant 0 : i32
    %dma_start3A_118 = tpu.memref_slice %arg8[%dma_start3A_116, %dma_start3A_117] : memref<800x64xf32, #tpu.memory_space<vmem>> -> memref<80x64xf32, #tpu.memory_space<vmem>>
    %dma_start3A_119 = arith.constant 0 : i32
    %dma_start3A_120 = tpu.memref_slice %arg6[%dma_start3A_115, %dma_start3A_119] : memref<125x80xi32, #tpu.memory_space<vmem>> -> memref<1x80xi32, #tpu.memory_space<vmem>>
    %dma_start3A_121 = tpu.memref_squeeze %dma_start3A_120 : memref<1x80xi32, #tpu.memory_space<vmem>> -> memref<80xi32, #tpu.memory_space<vmem>>
    %dma_start3A_122 = arith.constant 0 : i32
    %dma_start3A_123 = arith.constant 0 : i32
    %dma_start3A_124 = tpu.memref_slice %arg2[%dma_start3A_122, %dma_start3A_123] : memref<80000x64xf32, #tpu.memory_space<hbm>> -> memref<80000x64xf32, #tpu.memory_space<hbm>>
    tpu.enqueue_indirect_dma source(%dma_start3A_124 : memref<80000x64xf32, #tpu.memory_space<hbm>>) target(%dma_start3A_118 : memref<80x64xf32, #tpu.memory_space<vmem>>) offsets(%dma_start3A_121 : memref<80xi32, #tpu.memory_space<vmem>>) semaphore(%arg13 : memref<!tpu.dma_semaphore, #tpu.memory_space<semaphore_mem>>)
    %dma_start3A_125 = arith.constant 124 : i32
    %dma_start3A_126 = arith.constant 320 : i32
    %dma_start3A_127 = arith.constant 0 : i32
    %dma_start3A_128 = tpu.memref_slice %arg8[%dma_start3A_126, %dma_start3A_127] : memref<800x64xf32, #tpu.memory_space<vmem>> -> memref<80x64xf32, #tpu.memory_space<vmem>>
    %dma_start3A_129 = arith.constant 0 : i32
    %dma_start3A_130 = tpu.memref_slice %arg6[%dma_start3A_125, %dma_start3A_129] : memref<125x80xi32, #tpu.memory_space<vmem>> -> memref<1x80xi32, #tpu.memory_space<vmem>>
    %dma_start3A_131 = tpu.memref_squeeze %dma_start3A_130 : memref<1x80xi32, #tpu.memory_space<vmem>> -> memref<80xi32, #tpu.memory_space<vmem>>
    %dma_start3A_132 = arith.constant 0 : i32
    %dma_start3A_133 = arith.constant 0 : i32
    %dma_start3A_134 = tpu.memref_slice %arg2[%dma_start3A_132, %dma_start3A_133] : memref<80000x64xf32, #tpu.memory_space<hbm>> -> memref<80000x64xf32, #tpu.memory_space<hbm>>
    tpu.enqueue_indirect_dma source(%dma_start3A_134 : memref<80000x64xf32, #tpu.memory_space<hbm>>) target(%dma_start3A_128 : memref<80x64xf32, #tpu.memory_space<vmem>>) offsets(%dma_start3A_131 : memref<80xi32, #tpu.memory_space<vmem>>) semaphore(%arg14 : memref<!tpu.dma_semaphore, #tpu.memory_space<semaphore_mem>>)
    %dma_wait3A_135 = arith.constant 120 : i32
    %dma_wait3A_136 = arith.constant 0 : i32
    %dma_wait3A_137 = arith.constant 0 : i32
    %dma_wait3A_138 = tpu.memref_slice %arg8[%dma_wait3A_136, %dma_wait3A_137] : memref<800x64xf32, #tpu.memory_space<vmem>> -> memref<80x64xf32, #tpu.memory_space<vmem>>
    %dma_wait3A_139 = arith.constant 0 : i32
    %dma_wait3A_140 = tpu.memref_slice %arg6[%dma_wait3A_135, %dma_wait3A_139] : memref<125x80xi32, #tpu.memory_space<vmem>> -> memref<1x80xi32, #tpu.memory_space<vmem>>
    %dma_wait3A_141 = tpu.memref_squeeze %dma_wait3A_140 : memref<1x80xi32, #tpu.memory_space<vmem>> -> memref<80xi32, #tpu.memory_space<vmem>>
    %dma_wait3A_142 = arith.constant 0 : i32
    %dma_wait3A_143 = arith.constant 0 : i32
    %dma_wait3A_144 = tpu.memref_slice %arg2[%dma_wait3A_142, %dma_wait3A_143] : memref<80000x64xf32, #tpu.memory_space<hbm>> -> memref<80000x64xf32, #tpu.memory_space<hbm>>
    tpu.wait_indirect_dma semaphore(%arg10 : memref<!tpu.dma_semaphore, #tpu.memory_space<semaphore_mem>>) src(%dma_wait3A_144 : memref<80000x64xf32, #tpu.memory_space<hbm>>) dst(%dma_wait3A_138 : memref<80x64xf32, #tpu.memory_space<vmem>>)
    %dma_start3A_145 = arith.constant 120 : i32
    %dma_start3A_146 = arith.constant 0 : i32
    %dma_start3A_147 = arith.constant 0 : i32
    %dma_start3A_148 = tpu.memref_slice %arg8[%dma_start3A_146, %dma_start3A_147] : memref<800x64xf32, #tpu.memory_space<vmem>> -> memref<80x64xf32, #tpu.memory_space<vmem>>
    %dma_start3A_149 = arith.constant 0 : i32
    %dma_start3A_150 = tpu.memref_slice %arg7[%dma_start3A_145, %dma_start3A_149] : memref<125x80xi32, #tpu.memory_space<vmem>> -> memref<1x80xi32, #tpu.memory_space<vmem>>
    %dma_start3A_151 = tpu.memref_squeeze %dma_start3A_150 : memref<1x80xi32, #tpu.memory_space<vmem>> -> memref<80xi32, #tpu.memory_space<vmem>>
    %dma_start3A_152 = arith.constant 0 : i32
    %dma_start3A_153 = arith.constant 0 : i32
    %dma_start3A_154 = tpu.memref_slice %arg9[%dma_start3A_152, %dma_start3A_153] : memref<10240x64xf32, #tpu.memory_space<vmem_shared>> -> memref<10240x64xf32, #tpu.memory_space<vmem_shared>>
    tpu.enqueue_indirect_dma source(%dma_start3A_148 : memref<80x64xf32, #tpu.memory_space<vmem>>) target(%dma_start3A_154 : memref<10240x64xf32, #tpu.memory_space<vmem_shared>>) offsets(%dma_start3A_151 : memref<80xi32, #tpu.memory_space<vmem>>) semaphore(%arg20 : memref<!tpu.dma_semaphore, #tpu.memory_space<semaphore_mem>>) {add = true}
    %dma_wait3A_155 = arith.constant 121 : i32
    %dma_wait3A_156 = arith.constant 80 : i32
    %dma_wait3A_157 = arith.constant 0 : i32
    %dma_wait3A_158 = tpu.memref_slice %arg8[%dma_wait3A_156, %dma_wait3A_157] : memref<800x64xf32, #tpu.memory_space<vmem>> -> memref<80x64xf32, #tpu.memory_space<vmem>>
    %dma_wait3A_159 = arith.constant 0 : i32
    %dma_wait3A_160 = tpu.memref_slice %arg6[%dma_wait3A_155, %dma_wait3A_159] : memref<125x80xi32, #tpu.memory_space<vmem>> -> memref<1x80xi32, #tpu.memory_space<vmem>>
    %dma_wait3A_161 = tpu.memref_squeeze %dma_wait3A_160 : memref<1x80xi32, #tpu.memory_space<vmem>> -> memref<80xi32, #tpu.memory_space<vmem>>
    %dma_wait3A_162 = arith.constant 0 : i32
    %dma_wait3A_163 = arith.constant 0 : i32
    %dma_wait3A_164 = tpu.memref_slice %arg2[%dma_wait3A_162, %dma_wait3A_163] : memref<80000x64xf32, #tpu.memory_space<hbm>> -> memref<80000x64xf32, #tpu.memory_space<hbm>>
    tpu.wait_indirect_dma semaphore(%arg11 : memref<!tpu.dma_semaphore, #tpu.memory_space<semaphore_mem>>) src(%dma_wait3A_164 : memref<80000x64xf32, #tpu.memory_space<hbm>>) dst(%dma_wait3A_158 : memref<80x64xf32, #tpu.memory_space<vmem>>)
    %dma_start3A_165 = arith.constant 121 : i32
    %dma_start3A_166 = arith.constant 80 : i32
    %dma_start3A_167 = arith.constant 0 : i32
    %dma_start3A_168 = tpu.memref_slice %arg8[%dma_start3A_166, %dma_start3A_167] : memref<800x64xf32, #tpu.memory_space<vmem>> -> memref<80x64xf32, #tpu.memory_space<vmem>>
    %dma_start3A_169 = arith.constant 0 : i32
    %dma_start3A_170 = tpu.memref_slice %arg7[%dma_start3A_165, %dma_start3A_169] : memref<125x80xi32, #tpu.memory_space<vmem>> -> memref<1x80xi32, #tpu.memory_space<vmem>>
    %dma_start3A_171 = tpu.memref_squeeze %dma_start3A_170 : memref<1x80xi32, #tpu.memory_space<vmem>> -> memref<80xi32, #tpu.memory_space<vmem>>
    %dma_start3A_172 = arith.constant 0 : i32
    %dma_start3A_173 = arith.constant 0 : i32
    %dma_start3A_174 = tpu.memref_slice %arg9[%dma_start3A_172, %dma_start3A_173] : memref<10240x64xf32, #tpu.memory_space<vmem_shared>> -> memref<10240x64xf32, #tpu.memory_space<vmem_shared>>
    tpu.enqueue_indirect_dma source(%dma_start3A_168 : memref<80x64xf32, #tpu.memory_space<vmem>>) target(%dma_start3A_174 : memref<10240x64xf32, #tpu.memory_space<vmem_shared>>) offsets(%dma_start3A_171 : memref<80xi32, #tpu.memory_space<vmem>>) semaphore(%arg20 : memref<!tpu.dma_semaphore, #tpu.memory_space<semaphore_mem>>) {add = true}
    %dma_wait3A_175 = arith.constant 122 : i32
    %dma_wait3A_176 = arith.constant 160 : i32
    %dma_wait3A_177 = arith.constant 0 : i32
    %dma_wait3A_178 = tpu.memref_slice %arg8[%dma_wait3A_176, %dma_wait3A_177] : memref<800x64xf32, #tpu.memory_space<vmem>> -> memref<80x64xf32, #tpu.memory_space<vmem>>
    %dma_wait3A_179 = arith.constant 0 : i32
    %dma_wait3A_180 = tpu.memref_slice %arg6[%dma_wait3A_175, %dma_wait3A_179] : memref<125x80xi32, #tpu.memory_space<vmem>> -> memref<1x80xi32, #tpu.memory_space<vmem>>
    %dma_wait3A_181 = tpu.memref_squeeze %dma_wait3A_180 : memref<1x80xi32, #tpu.memory_space<vmem>> -> memref<80xi32, #tpu.memory_space<vmem>>
    %dma_wait3A_182 = arith.constant 0 : i32
    %dma_wait3A_183 = arith.constant 0 : i32
    %dma_wait3A_184 = tpu.memref_slice %arg2[%dma_wait3A_182, %dma_wait3A_183] : memref<80000x64xf32, #tpu.memory_space<hbm>> -> memref<80000x64xf32, #tpu.memory_space<hbm>>
    tpu.wait_indirect_dma semaphore(%arg12 : memref<!tpu.dma_semaphore, #tpu.memory_space<semaphore_mem>>) src(%dma_wait3A_184 : memref<80000x64xf32, #tpu.memory_space<hbm>>) dst(%dma_wait3A_178 : memref<80x64xf32, #tpu.memory_space<vmem>>)
    %dma_start3A_185 = arith.constant 122 : i32
    %dma_start3A_186 = arith.constant 160 : i32
    %dma_start3A_187 = arith.constant 0 : i32
    %dma_start3A_188 = tpu.memref_slice %arg8[%dma_start3A_186, %dma_start3A_187] : memref<800x64xf32, #tpu.memory_space<vmem>> -> memref<80x64xf32, #tpu.memory_space<vmem>>
    %dma_start3A_189 = arith.constant 0 : i32
    %dma_start3A_190 = tpu.memref_slice %arg7[%dma_start3A_185, %dma_start3A_189] : memref<125x80xi32, #tpu.memory_space<vmem>> -> memref<1x80xi32, #tpu.memory_space<vmem>>
    %dma_start3A_191 = tpu.memref_squeeze %dma_start3A_190 : memref<1x80xi32, #tpu.memory_space<vmem>> -> memref<80xi32, #tpu.memory_space<vmem>>
    %dma_start3A_192 = arith.constant 0 : i32
    %dma_start3A_193 = arith.constant 0 : i32
    %dma_start3A_194 = tpu.memref_slice %arg9[%dma_start3A_192, %dma_start3A_193] : memref<10240x64xf32, #tpu.memory_space<vmem_shared>> -> memref<10240x64xf32, #tpu.memory_space<vmem_shared>>
    tpu.enqueue_indirect_dma source(%dma_start3A_188 : memref<80x64xf32, #tpu.memory_space<vmem>>) target(%dma_start3A_194 : memref<10240x64xf32, #tpu.memory_space<vmem_shared>>) offsets(%dma_start3A_191 : memref<80xi32, #tpu.memory_space<vmem>>) semaphore(%arg20 : memref<!tpu.dma_semaphore, #tpu.memory_space<semaphore_mem>>) {add = true}
    %dma_wait3A_195 = arith.constant 123 : i32
    %dma_wait3A_196 = arith.constant 240 : i32
    %dma_wait3A_197 = arith.constant 0 : i32
    %dma_wait3A_198 = tpu.memref_slice %arg8[%dma_wait3A_196, %dma_wait3A_197] : memref<800x64xf32, #tpu.memory_space<vmem>> -> memref<80x64xf32, #tpu.memory_space<vmem>>
    %dma_wait3A_199 = arith.constant 0 : i32
    %dma_wait3A_200 = tpu.memref_slice %arg6[%dma_wait3A_195, %dma_wait3A_199] : memref<125x80xi32, #tpu.memory_space<vmem>> -> memref<1x80xi32, #tpu.memory_space<vmem>>
    %dma_wait3A_201 = tpu.memref_squeeze %dma_wait3A_200 : memref<1x80xi32, #tpu.memory_space<vmem>> -> memref<80xi32, #tpu.memory_space<vmem>>
    %dma_wait3A_202 = arith.constant 0 : i32
    %dma_wait3A_203 = arith.constant 0 : i32
    %dma_wait3A_204 = tpu.memref_slice %arg2[%dma_wait3A_202, %dma_wait3A_203] : memref<80000x64xf32, #tpu.memory_space<hbm>> -> memref<80000x64xf32, #tpu.memory_space<hbm>>
    tpu.wait_indirect_dma semaphore(%arg13 : memref<!tpu.dma_semaphore, #tpu.memory_space<semaphore_mem>>) src(%dma_wait3A_204 : memref<80000x64xf32, #tpu.memory_space<hbm>>) dst(%dma_wait3A_198 : memref<80x64xf32, #tpu.memory_space<vmem>>)
    %dma_start3A_205 = arith.constant 123 : i32
    %dma_start3A_206 = arith.constant 240 : i32
    %dma_start3A_207 = arith.constant 0 : i32
    %dma_start3A_208 = tpu.memref_slice %arg8[%dma_start3A_206, %dma_start3A_207] : memref<800x64xf32, #tpu.memory_space<vmem>> -> memref<80x64xf32, #tpu.memory_space<vmem>>
    %dma_start3A_209 = arith.constant 0 : i32
    %dma_start3A_210 = tpu.memref_slice %arg7[%dma_start3A_205, %dma_start3A_209] : memref<125x80xi32, #tpu.memory_space<vmem>> -> memref<1x80xi32, #tpu.memory_space<vmem>>
    %dma_start3A_211 = tpu.memref_squeeze %dma_start3A_210 : memref<1x80xi32, #tpu.memory_space<vmem>> -> memref<80xi32, #tpu.memory_space<vmem>>
    %dma_start3A_212 = arith.constant 0 : i32
    %dma_start3A_213 = arith.constant 0 : i32
    %dma_start3A_214 = tpu.memref_slice %arg9[%dma_start3A_212, %dma_start3A_213] : memref<10240x64xf32, #tpu.memory_space<vmem_shared>> -> memref<10240x64xf32, #tpu.memory_space<vmem_shared>>
    tpu.enqueue_indirect_dma source(%dma_start3A_208 : memref<80x64xf32, #tpu.memory_space<vmem>>) target(%dma_start3A_214 : memref<10240x64xf32, #tpu.memory_space<vmem_shared>>) offsets(%dma_start3A_211 : memref<80xi32, #tpu.memory_space<vmem>>) semaphore(%arg20 : memref<!tpu.dma_semaphore, #tpu.memory_space<semaphore_mem>>) {add = true}
    %dma_wait3A_215 = arith.constant 124 : i32
    %dma_wait3A_216 = arith.constant 320 : i32
    %dma_wait3A_217 = arith.constant 0 : i32
    %dma_wait3A_218 = tpu.memref_slice %arg8[%dma_wait3A_216, %dma_wait3A_217] : memref<800x64xf32, #tpu.memory_space<vmem>> -> memref<80x64xf32, #tpu.memory_space<vmem>>
    %dma_wait3A_219 = arith.constant 0 : i32
    %dma_wait3A_220 = tpu.memref_slice %arg6[%dma_wait3A_215, %dma_wait3A_219] : memref<125x80xi32, #tpu.memory_space<vmem>> -> memref<1x80xi32, #tpu.memory_space<vmem>>
    %dma_wait3A_221 = tpu.memref_squeeze %dma_wait3A_220 : memref<1x80xi32, #tpu.memory_space<vmem>> -> memref<80xi32, #tpu.memory_space<vmem>>
    %dma_wait3A_222 = arith.constant 0 : i32
    %dma_wait3A_223 = arith.constant 0 : i32
    %dma_wait3A_224 = tpu.memref_slice %arg2[%dma_wait3A_222, %dma_wait3A_223] : memref<80000x64xf32, #tpu.memory_space<hbm>> -> memref<80000x64xf32, #tpu.memory_space<hbm>>
    tpu.wait_indirect_dma semaphore(%arg14 : memref<!tpu.dma_semaphore, #tpu.memory_space<semaphore_mem>>) src(%dma_wait3A_224 : memref<80000x64xf32, #tpu.memory_space<hbm>>) dst(%dma_wait3A_218 : memref<80x64xf32, #tpu.memory_space<vmem>>)
    %dma_start3A_225 = arith.constant 124 : i32
    %dma_start3A_226 = arith.constant 320 : i32
    %dma_start3A_227 = arith.constant 0 : i32
    %dma_start3A_228 = tpu.memref_slice %arg8[%dma_start3A_226, %dma_start3A_227] : memref<800x64xf32, #tpu.memory_space<vmem>> -> memref<80x64xf32, #tpu.memory_space<vmem>>
    %dma_start3A_229 = arith.constant 0 : i32
    %dma_start3A_230 = tpu.memref_slice %arg7[%dma_start3A_225, %dma_start3A_229] : memref<125x80xi32, #tpu.memory_space<vmem>> -> memref<1x80xi32, #tpu.memory_space<vmem>>
    %dma_start3A_231 = tpu.memref_squeeze %dma_start3A_230 : memref<1x80xi32, #tpu.memory_space<vmem>> -> memref<80xi32, #tpu.memory_space<vmem>>
    %dma_start3A_232 = arith.constant 0 : i32
    %dma_start3A_233 = arith.constant 0 : i32
    %dma_start3A_234 = tpu.memref_slice %arg9[%dma_start3A_232, %dma_start3A_233] : memref<10240x64xf32, #tpu.memory_space<vmem_shared>> -> memref<10240x64xf32, #tpu.memory_space<vmem_shared>>
    tpu.enqueue_indirect_dma source(%dma_start3A_228 : memref<80x64xf32, #tpu.memory_space<vmem>>) target(%dma_start3A_234 : memref<10240x64xf32, #tpu.memory_space<vmem_shared>>) offsets(%dma_start3A_231 : memref<80xi32, #tpu.memory_space<vmem>>) semaphore(%arg20 : memref<!tpu.dma_semaphore, #tpu.memory_space<semaphore_mem>>) {add = true}
    %dma_wait3A_235 = arith.constant 0 : i32
    %dma_wait3A_236 = arith.constant 0 : i32
    %dma_wait3A_237 = tpu.memref_slice %arg8[%dma_wait3A_235, %dma_wait3A_236] : memref<800x64xf32, #tpu.memory_space<vmem>> -> memref<80x64xf32, #tpu.memory_space<vmem>>
    %dma_wait3A_238 = arith.constant 0 : i32
    %dma_wait3A_239 = arith.constant 0 : i32
    %dma_wait3A_240 = tpu.memref_slice %arg2[%dma_wait3A_238, %dma_wait3A_239] : memref<80000x64xf32, #tpu.memory_space<hbm>> -> memref<80x64xf32, #tpu.memory_space<hbm>>
    %dma_wait3A_241 = arith.constant 0 : i32
    %dma_wait3A_242 = arith.constant 0 : i32
    %dma_wait3A_243 = tpu.memref_slice %arg8[%dma_wait3A_241, %dma_wait3A_242] : memref<800x64xf32, #tpu.memory_space<vmem>> -> memref<80x64xf32, #tpu.memory_space<vmem>>
    %dma_wait3A_244 = arith.constant 0 : i32
    %dma_wait3A_245 = arith.constant 0 : i32
    %dma_wait3A_246 = tpu.memref_slice %arg2[%dma_wait3A_244, %dma_wait3A_245] : memref<80000x64xf32, #tpu.memory_space<hbm>> -> memref<80x64xf32, #tpu.memory_space<hbm>>
    tpu.wait_dma2 semaphore(%arg20 : memref<!tpu.dma_semaphore, #tpu.memory_space<semaphore_mem>>) src(%dma_wait3A_246 : memref<80x64xf32, #tpu.memory_space<hbm>>) dst(%dma_wait3A_243 : memref<80x64xf32, #tpu.memory_space<vmem>>)
    %dma_wait3A_247 = arith.constant 80 : i32
    %dma_wait3A_248 = arith.constant 0 : i32
    %dma_wait3A_249 = tpu.memref_slice %arg8[%dma_wait3A_247, %dma_wait3A_248] : memref<800x64xf32, #tpu.memory_space<vmem>> -> memref<80x64xf32, #tpu.memory_space<vmem>>
    %dma_wait3A_250 = arith.constant 0 : i32
    %dma_wait3A_251 = arith.constant 0 : i32
    %dma_wait3A_252 = tpu.memref_slice %arg2[%dma_wait3A_250, %dma_wait3A_251] : memref<80000x64xf32, #tpu.memory_space<hbm>> -> memref<80x64xf32, #tpu.memory_space<hbm>>
    %dma_wait3A_253 = arith.constant 80 : i32
    %dma_wait3A_254 = arith.constant 0 : i32
    %dma_wait3A_255 = tpu.memref_slice %arg8[%dma_wait3A_253, %dma_wait3A_254] : memref<800x64xf32, #tpu.memory_space<vmem>> -> memref<80x64xf32, #tpu.memory_space<vmem>>
    %dma_wait3A_256 = arith.constant 0 : i32
    %dma_wait3A_257 = arith.constant 0 : i32
    %dma_wait3A_258 = tpu.memref_slice %arg2[%dma_wait3A_256, %dma_wait3A_257] : memref<80000x64xf32, #tpu.memory_space<hbm>> -> memref<80x64xf32, #tpu.memory_space<hbm>>
    tpu.wait_dma2 semaphore(%arg20 : memref<!tpu.dma_semaphore, #tpu.memory_space<semaphore_mem>>) src(%dma_wait3A_258 : memref<80x64xf32, #tpu.memory_space<hbm>>) dst(%dma_wait3A_255 : memref<80x64xf32, #tpu.memory_space<vmem>>)
    %dma_wait3A_259 = arith.constant 160 : i32
    %dma_wait3A_260 = arith.constant 0 : i32
    %dma_wait3A_261 = tpu.memref_slice %arg8[%dma_wait3A_259, %dma_wait3A_260] : memref<800x64xf32, #tpu.memory_space<vmem>> -> memref<80x64xf32, #tpu.memory_space<vmem>>
    %dma_wait3A_262 = arith.constant 0 : i32
    %dma_wait3A_263 = arith.constant 0 : i32
    %dma_wait3A_264 = tpu.memref_slice %arg2[%dma_wait3A_262, %dma_wait3A_263] : memref<80000x64xf32, #tpu.memory_space<hbm>> -> memref<80x64xf32, #tpu.memory_space<hbm>>
    %dma_wait3A_265 = arith.constant 160 : i32
    %dma_wait3A_266 = arith.constant 0 : i32
    %dma_wait3A_267 = tpu.memref_slice %arg8[%dma_wait3A_265, %dma_wait3A_266] : memref<800x64xf32, #tpu.memory_space<vmem>> -> memref<80x64xf32, #tpu.memory_space<vmem>>
    %dma_wait3A_268 = arith.constant 0 : i32
    %dma_wait3A_269 = arith.constant 0 : i32
    %dma_wait3A_270 = tpu.memref_slice %arg2[%dma_wait3A_268, %dma_wait3A_269] : memref<80000x64xf32, #tpu.memory_space<hbm>> -> memref<80x64xf32, #tpu.memory_space<hbm>>
    tpu.wait_dma2 semaphore(%arg20 : memref<!tpu.dma_semaphore, #tpu.memory_space<semaphore_mem>>) src(%dma_wait3A_270 : memref<80x64xf32, #tpu.memory_space<hbm>>) dst(%dma_wait3A_267 : memref<80x64xf32, #tpu.memory_space<vmem>>)
    %dma_wait3A_271 = arith.constant 240 : i32
    %dma_wait3A_272 = arith.constant 0 : i32
    %dma_wait3A_273 = tpu.memref_slice %arg8[%dma_wait3A_271, %dma_wait3A_272] : memref<800x64xf32, #tpu.memory_space<vmem>> -> memref<80x64xf32, #tpu.memory_space<vmem>>
    %dma_wait3A_274 = arith.constant 0 : i32
    %dma_wait3A_275 = arith.constant 0 : i32
    %dma_wait3A_276 = tpu.memref_slice %arg2[%dma_wait3A_274, %dma_wait3A_275] : memref<80000x64xf32, #tpu.memory_space<hbm>> -> memref<80x64xf32, #tpu.memory_space<hbm>>
    %dma_wait3A_277 = arith.constant 240 : i32
    %dma_wait3A_278 = arith.constant 0 : i32
    %dma_wait3A_279 = tpu.memref_slice %arg8[%dma_wait3A_277, %dma_wait3A_278] : memref<800x64xf32, #tpu.memory_space<vmem>> -> memref<80x64xf32, #tpu.memory_space<vmem>>
    %dma_wait3A_280 = arith.constant 0 : i32
    %dma_wait3A_281 = arith.constant 0 : i32
    %dma_wait3A_282 = tpu.memref_slice %arg2[%dma_wait3A_280, %dma_wait3A_281] : memref<80000x64xf32, #tpu.memory_space<hbm>> -> memref<80x64xf32, #tpu.memory_space<hbm>>
    tpu.wait_dma2 semaphore(%arg20 : memref<!tpu.dma_semaphore, #tpu.memory_space<semaphore_mem>>) src(%dma_wait3A_282 : memref<80x64xf32, #tpu.memory_space<hbm>>) dst(%dma_wait3A_279 : memref<80x64xf32, #tpu.memory_space<vmem>>)
    %dma_wait3A_283 = arith.constant 320 : i32
    %dma_wait3A_284 = arith.constant 0 : i32
    %dma_wait3A_285 = tpu.memref_slice %arg8[%dma_wait3A_283, %dma_wait3A_284] : memref<800x64xf32, #tpu.memory_space<vmem>> -> memref<80x64xf32, #tpu.memory_space<vmem>>
    %dma_wait3A_286 = arith.constant 0 : i32
    %dma_wait3A_287 = arith.constant 0 : i32
    %dma_wait3A_288 = tpu.memref_slice %arg2[%dma_wait3A_286, %dma_wait3A_287] : memref<80000x64xf32, #tpu.memory_space<hbm>> -> memref<80x64xf32, #tpu.memory_space<hbm>>
    %dma_wait3A_289 = arith.constant 320 : i32
    %dma_wait3A_290 = arith.constant 0 : i32
    %dma_wait3A_291 = tpu.memref_slice %arg8[%dma_wait3A_289, %dma_wait3A_290] : memref<800x64xf32, #tpu.memory_space<vmem>> -> memref<80x64xf32, #tpu.memory_space<vmem>>
    %dma_wait3A_292 = arith.constant 0 : i32
    %dma_wait3A_293 = arith.constant 0 : i32
    %dma_wait3A_294 = tpu.memref_slice %arg2[%dma_wait3A_292, %dma_wait3A_293] : memref<80000x64xf32, #tpu.memory_space<hbm>> -> memref<80x64xf32, #tpu.memory_space<hbm>>
    tpu.wait_dma2 semaphore(%arg20 : memref<!tpu.dma_semaphore, #tpu.memory_space<semaphore_mem>>) src(%dma_wait3A_294 : memref<80x64xf32, #tpu.memory_space<hbm>>) dst(%dma_wait3A_291 : memref<80x64xf32, #tpu.memory_space<vmem>>)
    %dma_wait3A_295 = arith.constant 400 : i32
    %dma_wait3A_296 = arith.constant 0 : i32
    %dma_wait3A_297 = tpu.memref_slice %arg8[%dma_wait3A_295, %dma_wait3A_296] : memref<800x64xf32, #tpu.memory_space<vmem>> -> memref<80x64xf32, #tpu.memory_space<vmem>>
    %dma_wait3A_298 = arith.constant 0 : i32
    %dma_wait3A_299 = arith.constant 0 : i32
    %dma_wait3A_300 = tpu.memref_slice %arg2[%dma_wait3A_298, %dma_wait3A_299] : memref<80000x64xf32, #tpu.memory_space<hbm>> -> memref<80x64xf32, #tpu.memory_space<hbm>>
    %dma_wait3A_301 = arith.constant 400 : i32
    %dma_wait3A_302 = arith.constant 0 : i32
    %dma_wait3A_303 = tpu.memref_slice %arg8[%dma_wait3A_301, %dma_wait3A_302] : memref<800x64xf32, #tpu.memory_space<vmem>> -> memref<80x64xf32, #tpu.memory_space<vmem>>
    %dma_wait3A_304 = arith.constant 0 : i32
    %dma_wait3A_305 = arith.constant 0 : i32
    %dma_wait3A_306 = tpu.memref_slice %arg2[%dma_wait3A_304, %dma_wait3A_305] : memref<80000x64xf32, #tpu.memory_space<hbm>> -> memref<80x64xf32, #tpu.memory_space<hbm>>
    tpu.wait_dma2 semaphore(%arg21 : memref<!tpu.dma_semaphore, #tpu.memory_space<semaphore_mem>>) src(%dma_wait3A_306 : memref<80x64xf32, #tpu.memory_space<hbm>>) dst(%dma_wait3A_303 : memref<80x64xf32, #tpu.memory_space<vmem>>)
    %dma_wait3A_307 = arith.constant 480 : i32
    %dma_wait3A_308 = arith.constant 0 : i32
    %dma_wait3A_309 = tpu.memref_slice %arg8[%dma_wait3A_307, %dma_wait3A_308] : memref<800x64xf32, #tpu.memory_space<vmem>> -> memref<80x64xf32, #tpu.memory_space<vmem>>
    %dma_wait3A_310 = arith.constant 0 : i32
    %dma_wait3A_311 = arith.constant 0 : i32
    %dma_wait3A_312 = tpu.memref_slice %arg2[%dma_wait3A_310, %dma_wait3A_311] : memref<80000x64xf32, #tpu.memory_space<hbm>> -> memref<80x64xf32, #tpu.memory_space<hbm>>
    %dma_wait3A_313 = arith.constant 480 : i32
    %dma_wait3A_314 = arith.constant 0 : i32
    %dma_wait3A_315 = tpu.memref_slice %arg8[%dma_wait3A_313, %dma_wait3A_314] : memref<800x64xf32, #tpu.memory_space<vmem>> -> memref<80x64xf32, #tpu.memory_space<vmem>>
    %dma_wait3A_316 = arith.constant 0 : i32
    %dma_wait3A_317 = arith.constant 0 : i32
    %dma_wait3A_318 = tpu.memref_slice %arg2[%dma_wait3A_316, %dma_wait3A_317] : memref<80000x64xf32, #tpu.memory_space<hbm>> -> memref<80x64xf32, #tpu.memory_space<hbm>>
    tpu.wait_dma2 semaphore(%arg21 : memref<!tpu.dma_semaphore, #tpu.memory_space<semaphore_mem>>) src(%dma_wait3A_318 : memref<80x64xf32, #tpu.memory_space<hbm>>) dst(%dma_wait3A_315 : memref<80x64xf32, #tpu.memory_space<vmem>>)
    %dma_wait3A_319 = arith.constant 560 : i32
    %dma_wait3A_320 = arith.constant 0 : i32
    %dma_wait3A_321 = tpu.memref_slice %arg8[%dma_wait3A_319, %dma_wait3A_320] : memref<800x64xf32, #tpu.memory_space<vmem>> -> memref<80x64xf32, #tpu.memory_space<vmem>>
    %dma_wait3A_322 = arith.constant 0 : i32
    %dma_wait3A_323 = arith.constant 0 : i32
    %dma_wait3A_324 = tpu.memref_slice %arg2[%dma_wait3A_322, %dma_wait3A_323] : memref<80000x64xf32, #tpu.memory_space<hbm>> -> memref<80x64xf32, #tpu.memory_space<hbm>>
    %dma_wait3A_325 = arith.constant 560 : i32
    %dma_wait3A_326 = arith.constant 0 : i32
    %dma_wait3A_327 = tpu.memref_slice %arg8[%dma_wait3A_325, %dma_wait3A_326] : memref<800x64xf32, #tpu.memory_space<vmem>> -> memref<80x64xf32, #tpu.memory_space<vmem>>
    %dma_wait3A_328 = arith.constant 0 : i32
    %dma_wait3A_329 = arith.constant 0 : i32
    %dma_wait3A_330 = tpu.memref_slice %arg2[%dma_wait3A_328, %dma_wait3A_329] : memref<80000x64xf32, #tpu.memory_space<hbm>> -> memref<80x64xf32, #tpu.memory_space<hbm>>
    tpu.wait_dma2 semaphore(%arg21 : memref<!tpu.dma_semaphore, #tpu.memory_space<semaphore_mem>>) src(%dma_wait3A_330 : memref<80x64xf32, #tpu.memory_space<hbm>>) dst(%dma_wait3A_327 : memref<80x64xf32, #tpu.memory_space<vmem>>)
    %dma_wait3A_331 = arith.constant 640 : i32
    %dma_wait3A_332 = arith.constant 0 : i32
    %dma_wait3A_333 = tpu.memref_slice %arg8[%dma_wait3A_331, %dma_wait3A_332] : memref<800x64xf32, #tpu.memory_space<vmem>> -> memref<80x64xf32, #tpu.memory_space<vmem>>
    %dma_wait3A_334 = arith.constant 0 : i32
    %dma_wait3A_335 = arith.constant 0 : i32
    %dma_wait3A_336 = tpu.memref_slice %arg2[%dma_wait3A_334, %dma_wait3A_335] : memref<80000x64xf32, #tpu.memory_space<hbm>> -> memref<80x64xf32, #tpu.memory_space<hbm>>
    %dma_wait3A_337 = arith.constant 640 : i32
    %dma_wait3A_338 = arith.constant 0 : i32
    %dma_wait3A_339 = tpu.memref_slice %arg8[%dma_wait3A_337, %dma_wait3A_338] : memref<800x64xf32, #tpu.memory_space<vmem>> -> memref<80x64xf32, #tpu.memory_space<vmem>>
    %dma_wait3A_340 = arith.constant 0 : i32
    %dma_wait3A_341 = arith.constant 0 : i32
    %dma_wait3A_342 = tpu.memref_slice %arg2[%dma_wait3A_340, %dma_wait3A_341] : memref<80000x64xf32, #tpu.memory_space<hbm>> -> memref<80x64xf32, #tpu.memory_space<hbm>>
    tpu.wait_dma2 semaphore(%arg21 : memref<!tpu.dma_semaphore, #tpu.memory_space<semaphore_mem>>) src(%dma_wait3A_342 : memref<80x64xf32, #tpu.memory_space<hbm>>) dst(%dma_wait3A_339 : memref<80x64xf32, #tpu.memory_space<vmem>>)
    %dma_wait3A_343 = arith.constant 720 : i32
    %dma_wait3A_344 = arith.constant 0 : i32
    %dma_wait3A_345 = tpu.memref_slice %arg8[%dma_wait3A_343, %dma_wait3A_344] : memref<800x64xf32, #tpu.memory_space<vmem>> -> memref<80x64xf32, #tpu.memory_space<vmem>>
    %dma_wait3A_346 = arith.constant 0 : i32
    %dma_wait3A_347 = arith.constant 0 : i32
    %dma_wait3A_348 = tpu.memref_slice %arg2[%dma_wait3A_346, %dma_wait3A_347] : memref<80000x64xf32, #tpu.memory_space<hbm>> -> memref<80x64xf32, #tpu.memory_space<hbm>>
    %dma_wait3A_349 = arith.constant 720 : i32
    %dma_wait3A_350 = arith.constant 0 : i32
    %dma_wait3A_351 = tpu.memref_slice %arg8[%dma_wait3A_349, %dma_wait3A_350] : memref<800x64xf32, #tpu.memory_space<vmem>> -> memref<80x64xf32, #tpu.memory_space<vmem>>
    %dma_wait3A_352 = arith.constant 0 : i32
    %dma_wait3A_353 = arith.constant 0 : i32
    %dma_wait3A_354 = tpu.memref_slice %arg2[%dma_wait3A_352, %dma_wait3A_353] : memref<80000x64xf32, #tpu.memory_space<hbm>> -> memref<80x64xf32, #tpu.memory_space<hbm>>
    tpu.wait_dma2 semaphore(%arg21 : memref<!tpu.dma_semaphore, #tpu.memory_space<semaphore_mem>>) src(%dma_wait3A_354 : memref<80x64xf32, #tpu.memory_space<hbm>>) dst(%dma_wait3A_351 : memref<80x64xf32, #tpu.memory_space<vmem>>)
    %barrier3A_355 = arith.constant 0 : index
    tpu.barrier barrier_id(%barrier3A_355)
    "tpu.region"() ({
      %run_scoped3A = tpu.sem_alloc : memref<!tpu.dma_semaphore, #tpu.memory_space<semaphore_mem>>
      %dma_start3A_356 = arith.constant 0 : i32
      %dma_start3A_357 = tpu.memref_slice %arg5[%arg0, %mul3A_2, %dma_start3A_356] : memref<2x10240x128xf32, #tpu.memory_space<hbm>> -> memref<1x640x64xf32, #tpu.memory_space<hbm>>
      %dma_start3A_358 = tpu.memref_squeeze %dma_start3A_357 : memref<1x640x64xf32, #tpu.memory_space<hbm>> -> memref<640x64xf32, #tpu.memory_space<hbm>>
      %dma_start3A_359 = arith.constant 0 : i32
      %dma_start3A_360 = tpu.memref_slice %arg9[%mul3A_2, %dma_start3A_359] : memref<10240x64xf32, #tpu.memory_space<vmem_shared>> -> memref<640x64xf32, #tpu.memory_space<vmem_shared>>
      tpu.enqueue_dma source(%dma_start3A_360 : memref<640x64xf32, #tpu.memory_space<vmem_shared>>) target(%dma_start3A_358 : memref<640x64xf32, #tpu.memory_space<hbm>>) target_semaphore(%run_scoped3A : memref<!tpu.dma_semaphore, #tpu.memory_space<semaphore_mem>>)
      %dma_wait3A_361 = arith.constant 0 : i32
      %dma_wait3A_362 = tpu.memref_slice %arg5[%arg0, %mul3A_2, %dma_wait3A_361] : memref<2x10240x128xf32, #tpu.memory_space<hbm>> -> memref<1x640x64xf32, #tpu.memory_space<hbm>>
      %dma_wait3A_363 = tpu.memref_squeeze %dma_wait3A_362 : memref<1x640x64xf32, #tpu.memory_space<hbm>> -> memref<640x64xf32, #tpu.memory_space<hbm>>
      %dma_wait3A_364 = arith.constant 0 : i32
      %dma_wait3A_365 = tpu.memref_slice %arg9[%mul3A_2, %dma_wait3A_364] : memref<10240x64xf32, #tpu.memory_space<vmem_shared>> -> memref<640x64xf32, #tpu.memory_space<vmem_shared>>
      tpu.wait_dma2 semaphore(%run_scoped3A : memref<!tpu.dma_semaphore, #tpu.memory_space<semaphore_mem>>) src(%dma_wait3A_365 : memref<640x64xf32, #tpu.memory_space<vmem_shared>>) dst(%dma_wait3A_363 : memref<640x64xf32, #tpu.memory_space<hbm>>)
      tpu.yield
    }) : () -> ()
    return
  }
}

#map = affine_map<(d0, d1) -> (0, 0)>
#map1 = affine_map<(d0, d1) -> (0, 0, 0)>
module attributes {stable_mosaic.version = 14 : i64} {
  func.func @body(%arg0: i32, %arg1: i32, %arg2: memref<80000x64xf32, #tpu.memory_space<hbm>>, %arg3: memref<32x125x80xi32, #tpu.memory_space<hbm>>, %arg4: memref<32x125x80xi32, #tpu.memory_space<hbm>>, %arg5: memref<2x10240x128xf32, #tpu.memory_space<hbm>>, %arg6: memref<125x80xi32, #tpu.memory_space<vmem>>, %arg7: memref<125x80xi32, #tpu.memory_space<vmem>>, %arg8: memref<800x64xf32, #tpu.memory_space<vmem>>, %arg9: memref<10240x64xf32, #tpu.memory_space<vmem_shared>>, %arg10: memref<!tpu.dma_semaphore, #tpu.memory_space<semaphore_mem>>, %arg11: memref<!tpu.dma_semaphore, #tpu.memory_space<semaphore_mem>>, %arg12: memref<!tpu.dma_semaphore, #tpu.memory_space<semaphore_mem>>, %arg13: memref<!tpu.dma_semaphore, #tpu.memory_space<semaphore_mem>>, %arg14: memref<!tpu.dma_semaphore, #tpu.memory_space<semaphore_mem>>, %arg15: memref<!tpu.dma_semaphore, #tpu.memory_space<semaphore_mem>>, %arg16: memref<!tpu.dma_semaphore, #tpu.memory_space<semaphore_mem>>, %arg17: memref<!tpu.dma_semaphore, #tpu.memory_space<semaphore_mem>>, %arg18: memref<!tpu.dma_semaphore, #tpu.memory_space<semaphore_mem>>, %arg19: memref<!tpu.dma_semaphore, #tpu.memory_space<semaphore_mem>>, %arg20: memref<!tpu.dma_semaphore, #tpu.memory_space<semaphore_mem>>, %arg21: memref<!tpu.dma_semaphore, #tpu.memory_space<semaphore_mem>>) attributes {dimension_semantics = [#tpu.dimension_semantics<core_parallel>, #tpu.dimension_semantics<subcore_parallel>], iteration_bounds = array<i64: 2, 16>, scalar_prefetch = 0 : i64, scratch_operands = 16 : i64, tpu.core_type = #tpu.core_type<sc_vector_subcore>, window_params = [{transform_indices = #map}, {transform_indices = #map1}, {transform_indices = #map1}, {transform_indices = #map1}]} {
    %mul3A = arith.constant 2 : i32
    %mul3A_0 = arith.muli %arg1, %mul3A : i32
    %add3A = arith.addi %mul3A_0, %arg0 : i32
    %mul3A_1 = arith.constant 640 : i32
    %mul3A_2 = arith.muli %arg1, %mul3A_1 : i32
    "tpu.region"() ({
      %run_scoped3A = tpu.sem_alloc : memref<!tpu.dma_semaphore, #tpu.memory_space<semaphore_mem>>
      %dma_start3A_356 = arith.constant 0 : i32
      %dma_start3A_357 = arith.constant 0 : i32
      %dma_start3A_358 = tpu.memref_slice %arg3[%add3A, %dma_start3A_356, %dma_start3A_357] : memref<32x125x80xi32, #tpu.memory_space<hbm>> -> memref<1x125x80xi32, #tpu.memory_space<hbm>>
      %dma_start3A_359 = tpu.memref_squeeze %dma_start3A_358 : memref<1x125x80xi32, #tpu.memory_space<hbm>> -> memref<125x80xi32, #tpu.memory_space<hbm>>
      %dma_start3A_360 = arith.constant 0 : i32
      %dma_start3A_361 = arith.constant 0 : i32
      %dma_start3A_362 = tpu.memref_slice %arg3[%add3A, %dma_start3A_360, %dma_start3A_361] : memref<32x125x80xi32, #tpu.memory_space<hbm>> -> memref<1x125x80xi32, #tpu.memory_space<hbm>>
      %dma_start3A_363 = tpu.memref_squeeze %dma_start3A_362 : memref<1x125x80xi32, #tpu.memory_space<hbm>> -> memref<125x80xi32, #tpu.memory_space<hbm>>
      tpu.enqueue_dma source(%dma_start3A_363 : memref<125x80xi32, #tpu.memory_space<hbm>>) target(%arg6 : memref<125x80xi32, #tpu.memory_space<vmem>>) target_semaphore(%run_scoped3A : memref<!tpu.dma_semaphore, #tpu.memory_space<semaphore_mem>>)
      %dma_wait3A_364 = arith.constant 0 : i32
      %dma_wait3A_365 = arith.constant 0 : i32
      %dma_wait3A_366 = tpu.memref_slice %arg3[%add3A, %dma_wait3A_364, %dma_wait3A_365] : memref<32x125x80xi32, #tpu.memory_space<hbm>> -> memref<1x125x80xi32, #tpu.memory_space<hbm>>
      %dma_wait3A_367 = tpu.memref_squeeze %dma_wait3A_366 : memref<1x125x80xi32, #tpu.memory_space<hbm>> -> memref<125x80xi32, #tpu.memory_space<hbm>>
      %dma_wait3A_368 = arith.constant 0 : i32
      %dma_wait3A_369 = arith.constant 0 : i32
      %dma_wait3A_370 = tpu.memref_slice %arg3[%add3A, %dma_wait3A_368, %dma_wait3A_369] : memref<32x125x80xi32, #tpu.memory_space<hbm>> -> memref<1x125x80xi32, #tpu.memory_space<hbm>>
      %dma_wait3A_371 = tpu.memref_squeeze %dma_wait3A_370 : memref<1x125x80xi32, #tpu.memory_space<hbm>> -> memref<125x80xi32, #tpu.memory_space<hbm>>
      tpu.wait_dma2 semaphore(%run_scoped3A : memref<!tpu.dma_semaphore, #tpu.memory_space<semaphore_mem>>) src(%dma_wait3A_371 : memref<125x80xi32, #tpu.memory_space<hbm>>) dst(%arg6 : memref<125x80xi32, #tpu.memory_space<vmem>>)
      tpu.yield
    }) : () -> ()
    "tpu.region"() ({
      %run_scoped3A = tpu.sem_alloc : memref<!tpu.dma_semaphore, #tpu.memory_space<semaphore_mem>>
      %dma_start3A_356 = arith.constant 0 : i32
      %dma_start3A_357 = arith.constant 0 : i32
      %dma_start3A_358 = tpu.memref_slice %arg4[%add3A, %dma_start3A_356, %dma_start3A_357] : memref<32x125x80xi32, #tpu.memory_space<hbm>> -> memref<1x125x80xi32, #tpu.memory_space<hbm>>
      %dma_start3A_359 = tpu.memref_squeeze %dma_start3A_358 : memref<1x125x80xi32, #tpu.memory_space<hbm>> -> memref<125x80xi32, #tpu.memory_space<hbm>>
      %dma_start3A_360 = arith.constant 0 : i32
      %dma_start3A_361 = arith.constant 0 : i32
      %dma_start3A_362 = tpu.memref_slice %arg4[%add3A, %dma_start3A_360, %dma_start3A_361] : memref<32x125x80xi32, #tpu.memory_space<hbm>> -> memref<1x125x80xi32, #tpu.memory_space<hbm>>
      %dma_start3A_363 = tpu.memref_squeeze %dma_start3A_362 : memref<1x125x80xi32, #tpu.memory_space<hbm>> -> memref<125x80xi32, #tpu.memory_space<hbm>>
      tpu.enqueue_dma source(%dma_start3A_363 : memref<125x80xi32, #tpu.memory_space<hbm>>) target(%arg7 : memref<125x80xi32, #tpu.memory_space<vmem>>) target_semaphore(%run_scoped3A : memref<!tpu.dma_semaphore, #tpu.memory_space<semaphore_mem>>)
      %dma_wait3A_364 = arith.constant 0 : i32
      %dma_wait3A_365 = arith.constant 0 : i32
      %dma_wait3A_366 = tpu.memref_slice %arg4[%add3A, %dma_wait3A_364, %dma_wait3A_365] : memref<32x125x80xi32, #tpu.memory_space<hbm>> -> memref<1x125x80xi32, #tpu.memory_space<hbm>>
      %dma_wait3A_367 = tpu.memref_squeeze %dma_wait3A_366 : memref<1x125x80xi32, #tpu.memory_space<hbm>> -> memref<125x80xi32, #tpu.memory_space<hbm>>
      %dma_wait3A_368 = arith.constant 0 : i32
      %dma_wait3A_369 = arith.constant 0 : i32
      %dma_wait3A_370 = tpu.memref_slice %arg4[%add3A, %dma_wait3A_368, %dma_wait3A_369] : memref<32x125x80xi32, #tpu.memory_space<hbm>> -> memref<1x125x80xi32, #tpu.memory_space<hbm>>
      %dma_wait3A_371 = tpu.memref_squeeze %dma_wait3A_370 : memref<1x125x80xi32, #tpu.memory_space<hbm>> -> memref<125x80xi32, #tpu.memory_space<hbm>>
      tpu.wait_dma2 semaphore(%run_scoped3A : memref<!tpu.dma_semaphore, #tpu.memory_space<semaphore_mem>>) src(%dma_wait3A_371 : memref<125x80xi32, #tpu.memory_space<hbm>>) dst(%arg7 : memref<125x80xi32, #tpu.memory_space<vmem>>)
      tpu.yield
    }) : () -> ()
    %broadcast_in_dim3A = arith.constant 0.000000e+00 : f32
    %broadcast_in_dim3A_3 = vector.broadcast %broadcast_in_dim3A : f32 to vector<16xf32>
    %scan3A = arith.constant 0 : i32
    %scan3A_4 = arith.constant 0 : i32
    %scan3A_5 = arith.constant 128 : i32
    %scan3A_6 = arith.addi %scan3A_4, %scan3A_5 : i32
    %scan3A_7 = arith.constant 1 : i32
    %scan3A_8 = scf.for %scan3A_356 = %scan3A_4 to %scan3A_6 step %scan3A_7 iter_args(%scan3A_357 = %scan3A) -> (i32)  : i32 {
      %swap3A = arith.index_cast %scan3A_356 : i32 to index
      %swap3A_358 = arith.constant 0 : index
      %swap3A_359 = tpu.vector_load %arg8[%swap3A, %swap3A_358] {strides = array<i32>} : memref<800x64xf32, #tpu.memory_space<vmem>>, vector<16xf32>,
      tpu.vector_store %arg8[%swap3A, %swap3A_358], %broadcast_in_dim3A_3 {strides = array<i32>} : memref<800x64xf32, #tpu.memory_space<vmem>>, vector<16xf32>,
      %swap3A_360 = arith.index_cast %scan3A_356 : i32 to index
      %swap3A_361 = arith.constant 16 : index
      %swap3A_362 = tpu.vector_load %arg8[%swap3A_360, %swap3A_361] {strides = array<i32>} : memref<800x64xf32, #tpu.memory_space<vmem>>, vector<16xf32>,
      tpu.vector_store %arg8[%swap3A_360, %swap3A_361], %broadcast_in_dim3A_3 {strides = array<i32>} : memref<800x64xf32, #tpu.memory_space<vmem>>, vector<16xf32>,
      %swap3A_363 = arith.index_cast %scan3A_356 : i32 to index
      %swap3A_364 = arith.constant 32 : index
      %swap3A_365 = tpu.vector_load %arg8[%swap3A_363, %swap3A_364] {strides = array<i32>} : memref<800x64xf32, #tpu.memory_space<vmem>>, vector<16xf32>,
      tpu.vector_store %arg8[%swap3A_363, %swap3A_364], %broadcast_in_dim3A_3 {strides = array<i32>} : memref<800x64xf32, #tpu.memory_space<vmem>>, vector<16xf32>,
      %swap3A_366 = arith.index_cast %scan3A_356 : i32 to index
      %swap3A_367 = arith.constant 48 : index
      %swap3A_368 = tpu.vector_load %arg8[%swap3A_366, %swap3A_367] {strides = array<i32>} : memref<800x64xf32, #tpu.memory_space<vmem>>, vector<16xf32>,
      tpu.vector_store %arg8[%swap3A_366, %swap3A_367], %broadcast_in_dim3A_3 {strides = array<i32>} : memref<800x64xf32, #tpu.memory_space<vmem>>, vector<16xf32>,
      %scan3A_369 = arith.constant 0 : i32
      scf.yield %scan3A_369 : i32
    }
    %scan3A_9 = arith.constant 128 : i32
    %add3A_10 = arith.constant 0 : i32
    %add3A_11 = arith.addi %mul3A_2, %add3A_10 : i32
    "tpu.region"() ({
      %run_scoped3A = tpu.sem_alloc : memref<!tpu.dma_semaphore, #tpu.memory_space<semaphore_mem>>
      %dma_start3A_356 = arith.constant 0 : i32
      %dma_start3A_357 = arith.constant 0 : i32
      %dma_start3A_358 = tpu.memref_slice %arg8[%dma_start3A_356, %dma_start3A_357] : memref<800x64xf32, #tpu.memory_space<vmem>> -> memref<128x64xf32, #tpu.memory_space<vmem>>
      %dma_start3A_359 = arith.constant 0 : i32
      %dma_start3A_360 = tpu.memref_slice %arg9[%add3A_11, %dma_start3A_359] : memref<10240x64xf32, #tpu.memory_space<vmem_shared>> -> memref<128x64xf32, #tpu.memory_space<vmem_shared>>
      %dma_start3A_361 = arith.constant 0 : i32
      %dma_start3A_362 = tpu.memref_slice %arg9[%add3A_11, %dma_start3A_361] : memref<10240x64xf32, #tpu.memory_space<vmem_shared>> -> memref<128x64xf32, #tpu.memory_space<vmem_shared>>
      %dma_start3A_363 = arith.constant 0 : i32
      %dma_start3A_364 = arith.constant 0 : i32
      %dma_start3A_365 = tpu.memref_slice %arg8[%dma_start3A_363, %dma_start3A_364] : memref<800x64xf32, #tpu.memory_space<vmem>> -> memref<128x64xf32, #tpu.memory_space<vmem>>
      tpu.enqueue_dma source(%dma_start3A_365 : memref<128x64xf32, #tpu.memory_space<vmem>>) target(%dma_start3A_362 : memref<128x64xf32, #tpu.memory_space<vmem_shared>>) target_semaphore(%run_scoped3A : memref<!tpu.dma_semaphore, #tpu.memory_space<semaphore_mem>>)
      %dma_wait3A_366 = arith.constant 0 : i32
      %dma_wait3A_367 = arith.constant 0 : i32
      %dma_wait3A_368 = tpu.memref_slice %arg8[%dma_wait3A_366, %dma_wait3A_367] : memref<800x64xf32, #tpu.memory_space<vmem>> -> memref<128x64xf32, #tpu.memory_space<vmem>>
      %dma_wait3A_369 = arith.constant 0 : i32
      %dma_wait3A_370 = tpu.memref_slice %arg9[%add3A_11, %dma_wait3A_369] : memref<10240x64xf32, #tpu.memory_space<vmem_shared>> -> memref<128x64xf32, #tpu.memory_space<vmem_shared>>
      %dma_wait3A_371 = arith.constant 0 : i32
      %dma_wait3A_372 = tpu.memref_slice %arg9[%add3A_11, %dma_wait3A_371] : memref<10240x64xf32, #tpu.memory_space<vmem_shared>> -> memref<128x64xf32, #tpu.memory_space<vmem_shared>>
      %dma_wait3A_373 = arith.constant 0 : i32
      %dma_wait3A_374 = arith.constant 0 : i32
      %dma_wait3A_375 = tpu.memref_slice %arg8[%dma_wait3A_373, %dma_wait3A_374] : memref<800x64xf32, #tpu.memory_space<vmem>> -> memref<128x64xf32, #tpu.memory_space<vmem>>
      tpu.wait_dma2 semaphore(%run_scoped3A : memref<!tpu.dma_semaphore, #tpu.memory_space<semaphore_mem>>) src(%dma_wait3A_375 : memref<128x64xf32, #tpu.memory_space<vmem>>) dst(%dma_wait3A_372 : memref<128x64xf32, #tpu.memory_space<vmem_shared>>)
      tpu.yield
    }) : () -> ()
    %add3A_12 = arith.constant 128 : i32
    %add3A_13 = arith.addi %mul3A_2, %add3A_12 : i32
    "tpu.region"() ({
      %run_scoped3A = tpu.sem_alloc : memref<!tpu.dma_semaphore, #tpu.memory_space<semaphore_mem>>
      %dma_start3A_356 = arith.constant 0 : i32
      %dma_start3A_357 = arith.constant 0 : i32
      %dma_start3A_358 = tpu.memref_slice %arg8[%dma_start3A_356, %dma_start3A_357] : memref<800x64xf32, #tpu.memory_space<vmem>> -> memref<128x64xf32, #tpu.memory_space<vmem>>
      %dma_start3A_359 = arith.constant 0 : i32
      %dma_start3A_360 = tpu.memref_slice %arg9[%add3A_13, %dma_start3A_359] : memref<10240x64xf32, #tpu.memory_space<vmem_shared>> -> memref<128x64xf32, #tpu.memory_space<vmem_shared>>
      %dma_start3A_361 = arith.constant 0 : i32
      %dma_start3A_362 = tpu.memref_slice %arg9[%add3A_13, %dma_start3A_361] : memref<10240x64xf32, #tpu.memory_space<vmem_shared>> -> memref<128x64xf32, #tpu.memory_space<vmem_shared>>
      %dma_start3A_363 = arith.constant 0 : i32
      %dma_start3A_364 = arith.constant 0 : i32
      %dma_start3A_365 = tpu.memref_slice %arg8[%dma_start3A_363, %dma_start3A_364] : memref<800x64xf32, #tpu.memory_space<vmem>> -> memref<128x64xf32, #tpu.memory_space<vmem>>
      tpu.enqueue_dma source(%dma_start3A_365 : memref<128x64xf32, #tpu.memory_space<vmem>>) target(%dma_start3A_362 : memref<128x64xf32, #tpu.memory_space<vmem_shared>>) target_semaphore(%run_scoped3A : memref<!tpu.dma_semaphore, #tpu.memory_space<semaphore_mem>>)
      %dma_wait3A_366 = arith.constant 0 : i32
      %dma_wait3A_367 = arith.constant 0 : i32
      %dma_wait3A_368 = tpu.memref_slice %arg8[%dma_wait3A_366, %dma_wait3A_367] : memref<800x64xf32, #tpu.memory_space<vmem>> -> memref<128x64xf32, #tpu.memory_space<vmem>>
      %dma_wait3A_369 = arith.constant 0 : i32
      %dma_wait3A_370 = tpu.memref_slice %arg9[%add3A_13, %dma_wait3A_369] : memref<10240x64xf32, #tpu.memory_space<vmem_shared>> -> memref<128x64xf32, #tpu.memory_space<vmem_shared>>
      %dma_wait3A_371 = arith.constant 0 : i32
      %dma_wait3A_372 = tpu.memref_slice %arg9[%add3A_13, %dma_wait3A_371] : memref<10240x64xf32, #tpu.memory_space<vmem_shared>> -> memref<128x64xf32, #tpu.memory_space<vmem_shared>>
      %dma_wait3A_373 = arith.constant 0 : i32
      %dma_wait3A_374 = arith.constant 0 : i32
      %dma_wait3A_375 = tpu.memref_slice %arg8[%dma_wait3A_373, %dma_wait3A_374] : memref<800x64xf32, #tpu.memory_space<vmem>> -> memref<128x64xf32, #tpu.memory_space<vmem>>
      tpu.wait_dma2 semaphore(%run_scoped3A : memref<!tpu.dma_semaphore, #tpu.memory_space<semaphore_mem>>) src(%dma_wait3A_375 : memref<128x64xf32, #tpu.memory_space<vmem>>) dst(%dma_wait3A_372 : memref<128x64xf32, #tpu.memory_space<vmem_shared>>)
      tpu.yield
    }) : () -> ()
    %add3A_14 = arith.constant 256 : i32
    %add3A_15 = arith.addi %mul3A_2, %add3A_14 : i32
    "tpu.region"() ({
      %run_scoped3A = tpu.sem_alloc : memref<!tpu.dma_semaphore, #tpu.memory_space<semaphore_mem>>
      %dma_start3A_356 = arith.constant 0 : i32
      %dma_start3A_357 = arith.constant 0 : i32
      %dma_start3A_358 = tpu.memref_slice %arg8[%dma_start3A_356, %dma_start3A_357] : memref<800x64xf32, #tpu.memory_space<vmem>> -> memref<128x64xf32, #tpu.memory_space<vmem>>
      %dma_start3A_359 = arith.constant 0 : i32
      %dma_start3A_360 = tpu.memref_slice %arg9[%add3A_15, %dma_start3A_359] : memref<10240x64xf32, #tpu.memory_space<vmem_shared>> -> memref<128x64xf32, #tpu.memory_space<vmem_shared>>
      %dma_start3A_361 = arith.constant 0 : i32
      %dma_start3A_362 = tpu.memref_slice %arg9[%add3A_15, %dma_start3A_361] : memref<10240x64xf32, #tpu.memory_space<vmem_shared>> -> memref<128x64xf32, #tpu.memory_space<vmem_shared>>
      %dma_start3A_363 = arith.constant 0 : i32
      %dma_start3A_364 = arith.constant 0 : i32
      %dma_start3A_365 = tpu.memref_slice %arg8[%dma_start3A_363, %dma_start3A_364] : memref<800x64xf32, #tpu.memory_space<vmem>> -> memref<128x64xf32, #tpu.memory_space<vmem>>
      tpu.enqueue_dma source(%dma_start3A_365 : memref<128x64xf32, #tpu.memory_space<vmem>>) target(%dma_start3A_362 : memref<128x64xf32, #tpu.memory_space<vmem_shared>>) target_semaphore(%run_scoped3A : memref<!tpu.dma_semaphore, #tpu.memory_space<semaphore_mem>>)
      %dma_wait3A_366 = arith.constant 0 : i32
      %dma_wait3A_367 = arith.constant 0 : i32
      %dma_wait3A_368 = tpu.memref_slice %arg8[%dma_wait3A_366, %dma_wait3A_367] : memref<800x64xf32, #tpu.memory_space<vmem>> -> memref<128x64xf32, #tpu.memory_space<vmem>>
      %dma_wait3A_369 = arith.constant 0 : i32
      %dma_wait3A_370 = tpu.memref_slice %arg9[%add3A_15, %dma_wait3A_369] : memref<10240x64xf32, #tpu.memory_space<vmem_shared>> -> memref<128x64xf32, #tpu.memory_space<vmem_shared>>
      %dma_wait3A_371 = arith.constant 0 : i32
      %dma_wait3A_372 = tpu.memref_slice %arg9[%add3A_15, %dma_wait3A_371] : memref<10240x64xf32, #tpu.memory_space<vmem_shared>> -> memref<128x64xf32, #tpu.memory_space<vmem_shared>>
      %dma_wait3A_373 = arith.constant 0 : i32
      %dma_wait3A_374 = arith.constant 0 : i32
      %dma_wait3A_375 = tpu.memref_slice %arg8[%dma_wait3A_373, %dma_wait3A_374] : memref<800x64xf32, #tpu.memory_space<vmem>> -> memref<128x64xf32, #tpu.memory_space<vmem>>
      tpu.wait_dma2 semaphore(%run_scoped3A : memref<!tpu.dma_semaphore, #tpu.memory_space<semaphore_mem>>) src(%dma_wait3A_375 : memref<128x64xf32, #tpu.memory_space<vmem>>) dst(%dma_wait3A_372 : memref<128x64xf32, #tpu.memory_space<vmem_shared>>)
      tpu.yield
    }) : () -> ()
    %add3A_16 = arith.constant 384 : i32
    %add3A_17 = arith.addi %mul3A_2, %add3A_16 : i32
    "tpu.region"() ({
      %run_scoped3A = tpu.sem_alloc : memref<!tpu.dma_semaphore, #tpu.memory_space<semaphore_mem>>
      %dma_start3A_356 = arith.constant 0 : i32
      %dma_start3A_357 = arith.constant 0 : i32
      %dma_start3A_358 = tpu.memref_slice %arg8[%dma_start3A_356, %dma_start3A_357] : memref<800x64xf32, #tpu.memory_space<vmem>> -> memref<128x64xf32, #tpu.memory_space<vmem>>
      %dma_start3A_359 = arith.constant 0 : i32
      %dma_start3A_360 = tpu.memref_slice %arg9[%add3A_17, %dma_start3A_359] : memref<10240x64xf32, #tpu.memory_space<vmem_shared>> -> memref<128x64xf32, #tpu.memory_space<vmem_shared>>
      %dma_start3A_361 = arith.constant 0 : i32
      %dma_start3A_362 = tpu.memref_slice %arg9[%add3A_17, %dma_start3A_361] : memref<10240x64xf32, #tpu.memory_space<vmem_shared>> -> memref<128x64xf32, #tpu.memory_space<vmem_shared>>
      %dma_start3A_363 = arith.constant 0 : i32
      %dma_start3A_364 = arith.constant 0 : i32
      %dma_start3A_365 = tpu.memref_slice %arg8[%dma_start3A_363, %dma_start3A_364] : memref<800x64xf32, #tpu.memory_space<vmem>> -> memref<128x64xf32, #tpu.memory_space<vmem>>
      tpu.enqueue_dma source(%dma_start3A_365 : memref<128x64xf32, #tpu.memory_space<vmem>>) target(%dma_start3A_362 : memref<128x64xf32, #tpu.memory_space<vmem_shared>>) target_semaphore(%run_scoped3A : memref<!tpu.dma_semaphore, #tpu.memory_space<semaphore_mem>>)
      %dma_wait3A_366 = arith.constant 0 : i32
      %dma_wait3A_367 = arith.constant 0 : i32
      %dma_wait3A_368 = tpu.memref_slice %arg8[%dma_wait3A_366, %dma_wait3A_367] : memref<800x64xf32, #tpu.memory_space<vmem>> -> memref<128x64xf32, #tpu.memory_space<vmem>>
      %dma_wait3A_369 = arith.constant 0 : i32
      %dma_wait3A_370 = tpu.memref_slice %arg9[%add3A_17, %dma_wait3A_369] : memref<10240x64xf32, #tpu.memory_space<vmem_shared>> -> memref<128x64xf32, #tpu.memory_space<vmem_shared>>
      %dma_wait3A_371 = arith.constant 0 : i32
      %dma_wait3A_372 = tpu.memref_slice %arg9[%add3A_17, %dma_wait3A_371] : memref<10240x64xf32, #tpu.memory_space<vmem_shared>> -> memref<128x64xf32, #tpu.memory_space<vmem_shared>>
      %dma_wait3A_373 = arith.constant 0 : i32
      %dma_wait3A_374 = arith.constant 0 : i32
      %dma_wait3A_375 = tpu.memref_slice %arg8[%dma_wait3A_373, %dma_wait3A_374] : memref<800x64xf32, #tpu.memory_space<vmem>> -> memref<128x64xf32, #tpu.memory_space<vmem>>
      tpu.wait_dma2 semaphore(%run_scoped3A : memref<!tpu.dma_semaphore, #tpu.memory_space<semaphore_mem>>) src(%dma_wait3A_375 : memref<128x64xf32, #tpu.memory_space<vmem>>) dst(%dma_wait3A_372 : memref<128x64xf32, #tpu.memory_space<vmem_shared>>)
      tpu.yield
    }) : () -> ()
    %add3A_18 = arith.constant 512 : i32
    %add3A_19 = arith.addi %mul3A_2, %add3A_18 : i32
    "tpu.region"() ({
      %run_scoped3A = tpu.sem_alloc : memref<!tpu.dma_semaphore, #tpu.memory_space<semaphore_mem>>
      %dma_start3A_356 = arith.constant 0 : i32
      %dma_start3A_357 = arith.constant 0 : i32
      %dma_start3A_358 = tpu.memref_slice %arg8[%dma_start3A_356, %dma_start3A_357] : memref<800x64xf32, #tpu.memory_space<vmem>> -> memref<128x64xf32, #tpu.memory_space<vmem>>
      %dma_start3A_359 = arith.constant 0 : i32
      %dma_start3A_360 = tpu.memref_slice %arg9[%add3A_19, %dma_start3A_359] : memref<10240x64xf32, #tpu.memory_space<vmem_shared>> -> memref<128x64xf32, #tpu.memory_space<vmem_shared>>
      %dma_start3A_361 = arith.constant 0 : i32
      %dma_start3A_362 = tpu.memref_slice %arg9[%add3A_19, %dma_start3A_361] : memref<10240x64xf32, #tpu.memory_space<vmem_shared>> -> memref<128x64xf32, #tpu.memory_space<vmem_shared>>
      %dma_start3A_363 = arith.constant 0 : i32
      %dma_start3A_364 = arith.constant 0 : i32
      %dma_start3A_365 = tpu.memref_slice %arg8[%dma_start3A_363, %dma_start3A_364] : memref<800x64xf32, #tpu.memory_space<vmem>> -> memref<128x64xf32, #tpu.memory_space<vmem>>
      tpu.enqueue_dma source(%dma_start3A_365 : memref<128x64xf32, #tpu.memory_space<vmem>>) target(%dma_start3A_362 : memref<128x64xf32, #tpu.memory_space<vmem_shared>>) target_semaphore(%run_scoped3A : memref<!tpu.dma_semaphore, #tpu.memory_space<semaphore_mem>>)
      %dma_wait3A_366 = arith.constant 0 : i32
      %dma_wait3A_367 = arith.constant 0 : i32
      %dma_wait3A_368 = tpu.memref_slice %arg8[%dma_wait3A_366, %dma_wait3A_367] : memref<800x64xf32, #tpu.memory_space<vmem>> -> memref<128x64xf32, #tpu.memory_space<vmem>>
      %dma_wait3A_369 = arith.constant 0 : i32
      %dma_wait3A_370 = tpu.memref_slice %arg9[%add3A_19, %dma_wait3A_369] : memref<10240x64xf32, #tpu.memory_space<vmem_shared>> -> memref<128x64xf32, #tpu.memory_space<vmem_shared>>
      %dma_wait3A_371 = arith.constant 0 : i32
      %dma_wait3A_372 = tpu.memref_slice %arg9[%add3A_19, %dma_wait3A_371] : memref<10240x64xf32, #tpu.memory_space<vmem_shared>> -> memref<128x64xf32, #tpu.memory_space<vmem_shared>>
      %dma_wait3A_373 = arith.constant 0 : i32
      %dma_wait3A_374 = arith.constant 0 : i32
      %dma_wait3A_375 = tpu.memref_slice %arg8[%dma_wait3A_373, %dma_wait3A_374] : memref<800x64xf32, #tpu.memory_space<vmem>> -> memref<128x64xf32, #tpu.memory_space<vmem>>
      tpu.wait_dma2 semaphore(%run_scoped3A : memref<!tpu.dma_semaphore, #tpu.memory_space<semaphore_mem>>) src(%dma_wait3A_375 : memref<128x64xf32, #tpu.memory_space<vmem>>) dst(%dma_wait3A_372 : memref<128x64xf32, #tpu.memory_space<vmem_shared>>)
      tpu.yield
    }) : () -> ()
    %barrier3A = arith.constant 0 : index
    tpu.barrier barrier_id(%barrier3A)
    %scan3A_20 = arith.constant 0 : i32
    %scan3A_21 = arith.constant 0 : i32
    %scan3A_22 = arith.constant 12 : i32
    %scan3A_23 = arith.addi %scan3A_21, %scan3A_22 : i32
    %scan3A_24 = arith.constant 1 : i32
    %scan3A_25 = scf.for %scan3A_356 = %scan3A_21 to %scan3A_23 step %scan3A_24 iter_args(%scan3A_357 = %scan3A_20) -> (i32)  : i32 {
      %gt3A = arith.constant 0 : i32
      %gt3A_358 = arith.cmpi sgt, %scan3A_356, %gt3A : i32
      %convert_element_type3A = arith.extui %gt3A_358 : i1 to i32
      %cond3A = arith.constant 0 : i32
      %cond3A_359 = arith.cmpi ne, %convert_element_type3A, %cond3A : i32
      scf.if %cond3A_359 {
        %dma_wait3A_686 = arith.constant 0 : i32
        %dma_wait3A_687 = arith.constant 0 : i32
        %dma_wait3A_688 = tpu.memref_slice %arg8[%dma_wait3A_686, %dma_wait3A_687] : memref<800x64xf32, #tpu.memory_space<vmem>> -> memref<80x64xf32, #tpu.memory_space<vmem>>
        %dma_wait3A_689 = arith.constant 0 : i32
        %dma_wait3A_690 = arith.constant 0 : i32
        %dma_wait3A_691 = tpu.memref_slice %arg2[%dma_wait3A_689, %dma_wait3A_690] : memref<80000x64xf32, #tpu.memory_space<hbm>> -> memref<80x64xf32, #tpu.memory_space<hbm>>
        %dma_wait3A_692 = arith.constant 0 : i32
        %dma_wait3A_693 = arith.constant 0 : i32
        %dma_wait3A_694 = tpu.memref_slice %arg8[%dma_wait3A_692, %dma_wait3A_693] : memref<800x64xf32, #tpu.memory_space<vmem>> -> memref<80x64xf32, #tpu.memory_space<vmem>>
        %dma_wait3A_695 = arith.constant 0 : i32
        %dma_wait3A_696 = arith.constant 0 : i32
        %dma_wait3A_697 = tpu.memref_slice %arg2[%dma_wait3A_695, %dma_wait3A_696] : memref<80000x64xf32, #tpu.memory_space<hbm>> -> memref<80x64xf32, #tpu.memory_space<hbm>>
        tpu.wait_dma2 semaphore(%arg20 : memref<!tpu.dma_semaphore, #tpu.memory_space<semaphore_mem>>) src(%dma_wait3A_697 : memref<80x64xf32, #tpu.memory_space<hbm>>) dst(%dma_wait3A_694 : memref<80x64xf32, #tpu.memory_space<vmem>>)
        %dma_wait3A_698 = arith.constant 80 : i32
        %dma_wait3A_699 = arith.constant 0 : i32
        %dma_wait3A_700 = tpu.memref_slice %arg8[%dma_wait3A_698, %dma_wait3A_699] : memref<800x64xf32, #tpu.memory_space<vmem>> -> memref<80x64xf32, #tpu.memory_space<vmem>>
        %dma_wait3A_701 = arith.constant 0 : i32
        %dma_wait3A_702 = arith.constant 0 : i32
        %dma_wait3A_703 = tpu.memref_slice %arg2[%dma_wait3A_701, %dma_wait3A_702] : memref<80000x64xf32, #tpu.memory_space<hbm>> -> memref<80x64xf32, #tpu.memory_space<hbm>>
        %dma_wait3A_704 = arith.constant 80 : i32
        %dma_wait3A_705 = arith.constant 0 : i32
        %dma_wait3A_706 = tpu.memref_slice %arg8[%dma_wait3A_704, %dma_wait3A_705] : memref<800x64xf32, #tpu.memory_space<vmem>> -> memref<80x64xf32, #tpu.memory_space<vmem>>
        %dma_wait3A_707 = arith.constant 0 : i32
        %dma_wait3A_708 = arith.constant 0 : i32
        %dma_wait3A_709 = tpu.memref_slice %arg2[%dma_wait3A_707, %dma_wait3A_708] : memref<80000x64xf32, #tpu.memory_space<hbm>> -> memref<80x64xf32, #tpu.memory_space<hbm>>
        tpu.wait_dma2 semaphore(%arg20 : memref<!tpu.dma_semaphore, #tpu.memory_space<semaphore_mem>>) src(%dma_wait3A_709 : memref<80x64xf32, #tpu.memory_space<hbm>>) dst(%dma_wait3A_706 : memref<80x64xf32, #tpu.memory_space<vmem>>)
        %dma_wait3A_710 = arith.constant 160 : i32
        %dma_wait3A_711 = arith.constant 0 : i32
        %dma_wait3A_712 = tpu.memref_slice %arg8[%dma_wait3A_710, %dma_wait3A_711] : memref<800x64xf32, #tpu.memory_space<vmem>> -> memref<80x64xf32, #tpu.memory_space<vmem>>
        %dma_wait3A_713 = arith.constant 0 : i32
        %dma_wait3A_714 = arith.constant 0 : i32
        %dma_wait3A_715 = tpu.memref_slice %arg2[%dma_wait3A_713, %dma_wait3A_714] : memref<80000x64xf32, #tpu.memory_space<hbm>> -> memref<80x64xf32, #tpu.memory_space<hbm>>
        %dma_wait3A_716 = arith.constant 160 : i32
        %dma_wait3A_717 = arith.constant 0 : i32
        %dma_wait3A_718 = tpu.memref_slice %arg8[%dma_wait3A_716, %dma_wait3A_717] : memref<800x64xf32, #tpu.memory_space<vmem>> -> memref<80x64xf32, #tpu.memory_space<vmem>>
        %dma_wait3A_719 = arith.constant 0 : i32
        %dma_wait3A_720 = arith.constant 0 : i32
        %dma_wait3A_721 = tpu.memref_slice %arg2[%dma_wait3A_719, %dma_wait3A_720] : memref<80000x64xf32, #tpu.memory_space<hbm>> -> memref<80x64xf32, #tpu.memory_space<hbm>>
        tpu.wait_dma2 semaphore(%arg20 : memref<!tpu.dma_semaphore, #tpu.memory_space<semaphore_mem>>) src(%dma_wait3A_721 : memref<80x64xf32, #tpu.memory_space<hbm>>) dst(%dma_wait3A_718 : memref<80x64xf32, #tpu.memory_space<vmem>>)
        %dma_wait3A_722 = arith.constant 240 : i32
        %dma_wait3A_723 = arith.constant 0 : i32
        %dma_wait3A_724 = tpu.memref_slice %arg8[%dma_wait3A_722, %dma_wait3A_723] : memref<800x64xf32, #tpu.memory_space<vmem>> -> memref<80x64xf32, #tpu.memory_space<vmem>>
        %dma_wait3A_725 = arith.constant 0 : i32
        %dma_wait3A_726 = arith.constant 0 : i32
        %dma_wait3A_727 = tpu.memref_slice %arg2[%dma_wait3A_725, %dma_wait3A_726] : memref<80000x64xf32, #tpu.memory_space<hbm>> -> memref<80x64xf32, #tpu.memory_space<hbm>>
        %dma_wait3A_728 = arith.constant 240 : i32
        %dma_wait3A_729 = arith.constant 0 : i32
        %dma_wait3A_730 = tpu.memref_slice %arg8[%dma_wait3A_728, %dma_wait3A_729] : memref<800x64xf32, #tpu.memory_space<vmem>> -> memref<80x64xf32, #tpu.memory_space<vmem>>
        %dma_wait3A_731 = arith.constant 0 : i32
        %dma_wait3A_732 = arith.constant 0 : i32
        %dma_wait3A_733 = tpu.memref_slice %arg2[%dma_wait3A_731, %dma_wait3A_732] : memref<80000x64xf32, #tpu.memory_space<hbm>> -> memref<80x64xf32, #tpu.memory_space<hbm>>
        tpu.wait_dma2 semaphore(%arg20 : memref<!tpu.dma_semaphore, #tpu.memory_space<semaphore_mem>>) src(%dma_wait3A_733 : memref<80x64xf32, #tpu.memory_space<hbm>>) dst(%dma_wait3A_730 : memref<80x64xf32, #tpu.memory_space<vmem>>)
        %dma_wait3A_734 = arith.constant 320 : i32
        %dma_wait3A_735 = arith.constant 0 : i32
        %dma_wait3A_736 = tpu.memref_slice %arg8[%dma_wait3A_734, %dma_wait3A_735] : memref<800x64xf32, #tpu.memory_space<vmem>> -> memref<80x64xf32, #tpu.memory_space<vmem>>
        %dma_wait3A_737 = arith.constant 0 : i32
        %dma_wait3A_738 = arith.constant 0 : i32
        %dma_wait3A_739 = tpu.memref_slice %arg2[%dma_wait3A_737, %dma_wait3A_738] : memref<80000x64xf32, #tpu.memory_space<hbm>> -> memref<80x64xf32, #tpu.memory_space<hbm>>
        %dma_wait3A_740 = arith.constant 320 : i32
        %dma_wait3A_741 = arith.constant 0 : i32
        %dma_wait3A_742 = tpu.memref_slice %arg8[%dma_wait3A_740, %dma_wait3A_741] : memref<800x64xf32, #tpu.memory_space<vmem>> -> memref<80x64xf32, #tpu.memory_space<vmem>>
        %dma_wait3A_743 = arith.constant 0 : i32
        %dma_wait3A_744 = arith.constant 0 : i32
        %dma_wait3A_745 = tpu.memref_slice %arg2[%dma_wait3A_743, %dma_wait3A_744] : memref<80000x64xf32, #tpu.memory_space<hbm>> -> memref<80x64xf32, #tpu.memory_space<hbm>>
        tpu.wait_dma2 semaphore(%arg20 : memref<!tpu.dma_semaphore, #tpu.memory_space<semaphore_mem>>) src(%dma_wait3A_745 : memref<80x64xf32, #tpu.memory_space<hbm>>) dst(%dma_wait3A_742 : memref<80x64xf32, #tpu.memory_space<vmem>>)
      } else {
      }
      %mul3A_360 = arith.constant 2 : i32
      %mul3A_361 = arith.muli %mul3A_360, %scan3A_356 : i32
      %mul3A_362 = arith.constant 5 : i32
      %mul3A_363 = arith.muli %mul3A_361, %mul3A_362 : i32
      %add3A_364 = arith.constant 0 : i32
      %add3A_365 = arith.addi %mul3A_363, %add3A_364 : i32
      %dma_start3A_366 = arith.constant 0 : i32
      %dma_start3A_367 = arith.constant 0 : i32
      %dma_start3A_368 = tpu.memref_slice %arg8[%dma_start3A_366, %dma_start3A_367] : memref<800x64xf32, #tpu.memory_space<vmem>> -> memref<80x64xf32, #tpu.memory_space<vmem>>
      %dma_start3A_369 = arith.constant 0 : i32
      %dma_start3A_370 = tpu.memref_slice %arg6[%add3A_365, %dma_start3A_369] : memref<125x80xi32, #tpu.memory_space<vmem>> -> memref<1x80xi32, #tpu.memory_space<vmem>>
      %dma_start3A_371 = tpu.memref_squeeze %dma_start3A_370 : memref<1x80xi32, #tpu.memory_space<vmem>> -> memref<80xi32, #tpu.memory_space<vmem>>
      %dma_start3A_372 = arith.constant 0 : i32
      %dma_start3A_373 = arith.constant 0 : i32
      %dma_start3A_374 = tpu.memref_slice %arg2[%dma_start3A_372, %dma_start3A_373] : memref<80000x64xf32, #tpu.memory_space<hbm>> -> memref<80000x64xf32, #tpu.memory_space<hbm>>
      tpu.enqueue_indirect_dma source(%dma_start3A_374 : memref<80000x64xf32, #tpu.memory_space<hbm>>) target(%dma_start3A_368 : memref<80x64xf32, #tpu.memory_space<vmem>>) offsets(%dma_start3A_371 : memref<80xi32, #tpu.memory_space<vmem>>) semaphore(%arg10 : memref<!tpu.dma_semaphore, #tpu.memory_space<semaphore_mem>>)
      %add3A_375 = arith.constant 1 : i32
      %add3A_376 = arith.addi %mul3A_363, %add3A_375 : i32
      %dma_start3A_377 = arith.constant 80 : i32
      %dma_start3A_378 = arith.constant 0 : i32
      %dma_start3A_379 = tpu.memref_slice %arg8[%dma_start3A_377, %dma_start3A_378] : memref<800x64xf32, #tpu.memory_space<vmem>> -> memref<80x64xf32, #tpu.memory_space<vmem>>
      %dma_start3A_380 = arith.constant 0 : i32
      %dma_start3A_381 = tpu.memref_slice %arg6[%add3A_376, %dma_start3A_380] : memref<125x80xi32, #tpu.memory_space<vmem>> -> memref<1x80xi32, #tpu.memory_space<vmem>>
      %dma_start3A_382 = tpu.memref_squeeze %dma_start3A_381 : memref<1x80xi32, #tpu.memory_space<vmem>> -> memref<80xi32, #tpu.memory_space<vmem>>
      %dma_start3A_383 = arith.constant 0 : i32
      %dma_start3A_384 = arith.constant 0 : i32
      %dma_start3A_385 = tpu.memref_slice %arg2[%dma_start3A_383, %dma_start3A_384] : memref<80000x64xf32, #tpu.memory_space<hbm>> -> memref<80000x64xf32, #tpu.memory_space<hbm>>
      tpu.enqueue_indirect_dma source(%dma_start3A_385 : memref<80000x64xf32, #tpu.memory_space<hbm>>) target(%dma_start3A_379 : memref<80x64xf32, #tpu.memory_space<vmem>>) offsets(%dma_start3A_382 : memref<80xi32, #tpu.memory_space<vmem>>) semaphore(%arg11 : memref<!tpu.dma_semaphore, #tpu.memory_space<semaphore_mem>>)
      %add3A_386 = arith.constant 2 : i32
      %add3A_387 = arith.addi %mul3A_363, %add3A_386 : i32
      %dma_start3A_388 = arith.constant 160 : i32
      %dma_start3A_389 = arith.constant 0 : i32
      %dma_start3A_390 = tpu.memref_slice %arg8[%dma_start3A_388, %dma_start3A_389] : memref<800x64xf32, #tpu.memory_space<vmem>> -> memref<80x64xf32, #tpu.memory_space<vmem>>
      %dma_start3A_391 = arith.constant 0 : i32
      %dma_start3A_392 = tpu.memref_slice %arg6[%add3A_387, %dma_start3A_391] : memref<125x80xi32, #tpu.memory_space<vmem>> -> memref<1x80xi32, #tpu.memory_space<vmem>>
      %dma_start3A_393 = tpu.memref_squeeze %dma_start3A_392 : memref<1x80xi32, #tpu.memory_space<vmem>> -> memref<80xi32, #tpu.memory_space<vmem>>
      %dma_start3A_394 = arith.constant 0 : i32
      %dma_start3A_395 = arith.constant 0 : i32
      %dma_start3A_396 = tpu.memref_slice %arg2[%dma_start3A_394, %dma_start3A_395] : memref<80000x64xf32, #tpu.memory_space<hbm>> -> memref<80000x64xf32, #tpu.memory_space<hbm>>
      tpu.enqueue_indirect_dma source(%dma_start3A_396 : memref<80000x64xf32, #tpu.memory_space<hbm>>) target(%dma_start3A_390 : memref<80x64xf32, #tpu.memory_space<vmem>>) offsets(%dma_start3A_393 : memref<80xi32, #tpu.memory_space<vmem>>) semaphore(%arg12 : memref<!tpu.dma_semaphore, #tpu.memory_space<semaphore_mem>>)
      %add3A_397 = arith.constant 3 : i32
      %add3A_398 = arith.addi %mul3A_363, %add3A_397 : i32
      %dma_start3A_399 = arith.constant 240 : i32
      %dma_start3A_400 = arith.constant 0 : i32
      %dma_start3A_401 = tpu.memref_slice %arg8[%dma_start3A_399, %dma_start3A_400] : memref<800x64xf32, #tpu.memory_space<vmem>> -> memref<80x64xf32, #tpu.memory_space<vmem>>
      %dma_start3A_402 = arith.constant 0 : i32
      %dma_start3A_403 = tpu.memref_slice %arg6[%add3A_398, %dma_start3A_402] : memref<125x80xi32, #tpu.memory_space<vmem>> -> memref<1x80xi32, #tpu.memory_space<vmem>>
      %dma_start3A_404 = tpu.memref_squeeze %dma_start3A_403 : memref<1x80xi32, #tpu.memory_space<vmem>> -> memref<80xi32, #tpu.memory_space<vmem>>
      %dma_start3A_405 = arith.constant 0 : i32
      %dma_start3A_406 = arith.constant 0 : i32
      %dma_start3A_407 = tpu.memref_slice %arg2[%dma_start3A_405, %dma_start3A_406] : memref<80000x64xf32, #tpu.memory_space<hbm>> -> memref<80000x64xf32, #tpu.memory_space<hbm>>
      tpu.enqueue_indirect_dma source(%dma_start3A_407 : memref<80000x64xf32, #tpu.memory_space<hbm>>) target(%dma_start3A_401 : memref<80x64xf32, #tpu.memory_space<vmem>>) offsets(%dma_start3A_404 : memref<80xi32, #tpu.memory_space<vmem>>) semaphore(%arg13 : memref<!tpu.dma_semaphore, #tpu.memory_space<semaphore_mem>>)
      %add3A_408 = arith.constant 4 : i32
      %add3A_409 = arith.addi %mul3A_363, %add3A_408 : i32
      %dma_start3A_410 = arith.constant 320 : i32
      %dma_start3A_411 = arith.constant 0 : i32
      %dma_start3A_412 = tpu.memref_slice %arg8[%dma_start3A_410, %dma_start3A_411] : memref<800x64xf32, #tpu.memory_space<vmem>> -> memref<80x64xf32, #tpu.memory_space<vmem>>
      %dma_start3A_413 = arith.constant 0 : i32
      %dma_start3A_414 = tpu.memref_slice %arg6[%add3A_409, %dma_start3A_413] : memref<125x80xi32, #tpu.memory_space<vmem>> -> memref<1x80xi32, #tpu.memory_space<vmem>>
      %dma_start3A_415 = tpu.memref_squeeze %dma_start3A_414 : memref<1x80xi32, #tpu.memory_space<vmem>> -> memref<80xi32, #tpu.memory_space<vmem>>
      %dma_start3A_416 = arith.constant 0 : i32
      %dma_start3A_417 = arith.constant 0 : i32
      %dma_start3A_418 = tpu.memref_slice %arg2[%dma_start3A_416, %dma_start3A_417] : memref<80000x64xf32, #tpu.memory_space<hbm>> -> memref<80000x64xf32, #tpu.memory_space<hbm>>
      tpu.enqueue_indirect_dma source(%dma_start3A_418 : memref<80000x64xf32, #tpu.memory_space<hbm>>) target(%dma_start3A_412 : memref<80x64xf32, #tpu.memory_space<vmem>>) offsets(%dma_start3A_415 : memref<80xi32, #tpu.memory_space<vmem>>) semaphore(%arg14 : memref<!tpu.dma_semaphore, #tpu.memory_space<semaphore_mem>>)
      %dma_wait3A_419 = arith.constant 0 : i32
      %dma_wait3A_420 = arith.constant 0 : i32
      %dma_wait3A_421 = tpu.memref_slice %arg8[%dma_wait3A_419, %dma_wait3A_420] : memref<800x64xf32, #tpu.memory_space<vmem>> -> memref<80x64xf32, #tpu.memory_space<vmem>>
      %dma_wait3A_422 = arith.constant 0 : i32
      %dma_wait3A_423 = tpu.memref_slice %arg6[%add3A_365, %dma_wait3A_422] : memref<125x80xi32, #tpu.memory_space<vmem>> -> memref<1x80xi32, #tpu.memory_space<vmem>>
      %dma_wait3A_424 = tpu.memref_squeeze %dma_wait3A_423 : memref<1x80xi32, #tpu.memory_space<vmem>> -> memref<80xi32, #tpu.memory_space<vmem>>
      %dma_wait3A_425 = arith.constant 0 : i32
      %dma_wait3A_426 = arith.constant 0 : i32
      %dma_wait3A_427 = tpu.memref_slice %arg2[%dma_wait3A_425, %dma_wait3A_426] : memref<80000x64xf32, #tpu.memory_space<hbm>> -> memref<80000x64xf32, #tpu.memory_space<hbm>>
      tpu.wait_indirect_dma semaphore(%arg10 : memref<!tpu.dma_semaphore, #tpu.memory_space<semaphore_mem>>) src(%dma_wait3A_427 : memref<80000x64xf32, #tpu.memory_space<hbm>>) dst(%dma_wait3A_421 : memref<80x64xf32, #tpu.memory_space<vmem>>)
      %add3A_428 = arith.constant 0 : i32
      %add3A_429 = arith.addi %mul3A_363, %add3A_428 : i32
      %dma_start3A_430 = arith.constant 0 : i32
      %dma_start3A_431 = arith.constant 0 : i32
      %dma_start3A_432 = tpu.memref_slice %arg8[%dma_start3A_430, %dma_start3A_431] : memref<800x64xf32, #tpu.memory_space<vmem>> -> memref<80x64xf32, #tpu.memory_space<vmem>>
      %dma_start3A_433 = arith.constant 0 : i32
      %dma_start3A_434 = tpu.memref_slice %arg7[%add3A_429, %dma_start3A_433] : memref<125x80xi32, #tpu.memory_space<vmem>> -> memref<1x80xi32, #tpu.memory_space<vmem>>
      %dma_start3A_435 = tpu.memref_squeeze %dma_start3A_434 : memref<1x80xi32, #tpu.memory_space<vmem>> -> memref<80xi32, #tpu.memory_space<vmem>>
      %dma_start3A_436 = arith.constant 0 : i32
      %dma_start3A_437 = arith.constant 0 : i32
      %dma_start3A_438 = tpu.memref_slice %arg9[%dma_start3A_436, %dma_start3A_437] : memref<10240x64xf32, #tpu.memory_space<vmem_shared>> -> memref<10240x64xf32, #tpu.memory_space<vmem_shared>>
      tpu.enqueue_indirect_dma source(%dma_start3A_432 : memref<80x64xf32, #tpu.memory_space<vmem>>) target(%dma_start3A_438 : memref<10240x64xf32, #tpu.memory_space<vmem_shared>>) offsets(%dma_start3A_435 : memref<80xi32, #tpu.memory_space<vmem>>) semaphore(%arg20 : memref<!tpu.dma_semaphore, #tpu.memory_space<semaphore_mem>>) {add = true}
      %dma_wait3A_439 = arith.constant 80 : i32
      %dma_wait3A_440 = arith.constant 0 : i32
      %dma_wait3A_441 = tpu.memref_slice %arg8[%dma_wait3A_439, %dma_wait3A_440] : memref<800x64xf32, #tpu.memory_space<vmem>> -> memref<80x64xf32, #tpu.memory_space<vmem>>
      %dma_wait3A_442 = arith.constant 0 : i32
      %dma_wait3A_443 = tpu.memref_slice %arg6[%add3A_376, %dma_wait3A_442] : memref<125x80xi32, #tpu.memory_space<vmem>> -> memref<1x80xi32, #tpu.memory_space<vmem>>
      %dma_wait3A_444 = tpu.memref_squeeze %dma_wait3A_443 : memref<1x80xi32, #tpu.memory_space<vmem>> -> memref<80xi32, #tpu.memory_space<vmem>>
      %dma_wait3A_445 = arith.constant 0 : i32
      %dma_wait3A_446 = arith.constant 0 : i32
      %dma_wait3A_447 = tpu.memref_slice %arg2[%dma_wait3A_445, %dma_wait3A_446] : memref<80000x64xf32, #tpu.memory_space<hbm>> -> memref<80000x64xf32, #tpu.memory_space<hbm>>
      tpu.wait_indirect_dma semaphore(%arg11 : memref<!tpu.dma_semaphore, #tpu.memory_space<semaphore_mem>>) src(%dma_wait3A_447 : memref<80000x64xf32, #tpu.memory_space<hbm>>) dst(%dma_wait3A_441 : memref<80x64xf32, #tpu.memory_space<vmem>>)
      %add3A_448 = arith.constant 1 : i32
      %add3A_449 = arith.addi %mul3A_363, %add3A_448 : i32
      %dma_start3A_450 = arith.constant 80 : i32
      %dma_start3A_451 = arith.constant 0 : i32
      %dma_start3A_452 = tpu.memref_slice %arg8[%dma_start3A_450, %dma_start3A_451] : memref<800x64xf32, #tpu.memory_space<vmem>> -> memref<80x64xf32, #tpu.memory_space<vmem>>
      %dma_start3A_453 = arith.constant 0 : i32
      %dma_start3A_454 = tpu.memref_slice %arg7[%add3A_449, %dma_start3A_453] : memref<125x80xi32, #tpu.memory_space<vmem>> -> memref<1x80xi32, #tpu.memory_space<vmem>>
      %dma_start3A_455 = tpu.memref_squeeze %dma_start3A_454 : memref<1x80xi32, #tpu.memory_space<vmem>> -> memref<80xi32, #tpu.memory_space<vmem>>
      %dma_start3A_456 = arith.constant 0 : i32
      %dma_start3A_457 = arith.constant 0 : i32
      %dma_start3A_458 = tpu.memref_slice %arg9[%dma_start3A_456, %dma_start3A_457] : memref<10240x64xf32, #tpu.memory_space<vmem_shared>> -> memref<10240x64xf32, #tpu.memory_space<vmem_shared>>
      tpu.enqueue_indirect_dma source(%dma_start3A_452 : memref<80x64xf32, #tpu.memory_space<vmem>>) target(%dma_start3A_458 : memref<10240x64xf32, #tpu.memory_space<vmem_shared>>) offsets(%dma_start3A_455 : memref<80xi32, #tpu.memory_space<vmem>>) semaphore(%arg20 : memref<!tpu.dma_semaphore, #tpu.memory_space<semaphore_mem>>) {add = true}
      %dma_wait3A_459 = arith.constant 160 : i32
      %dma_wait3A_460 = arith.constant 0 : i32
      %dma_wait3A_461 = tpu.memref_slice %arg8[%dma_wait3A_459, %dma_wait3A_460] : memref<800x64xf32, #tpu.memory_space<vmem>> -> memref<80x64xf32, #tpu.memory_space<vmem>>
      %dma_wait3A_462 = arith.constant 0 : i32
      %dma_wait3A_463 = tpu.memref_slice %arg6[%add3A_387, %dma_wait3A_462] : memref<125x80xi32, #tpu.memory_space<vmem>> -> memref<1x80xi32, #tpu.memory_space<vmem>>
      %dma_wait3A_464 = tpu.memref_squeeze %dma_wait3A_463 : memref<1x80xi32, #tpu.memory_space<vmem>> -> memref<80xi32, #tpu.memory_space<vmem>>
      %dma_wait3A_465 = arith.constant 0 : i32
      %dma_wait3A_466 = arith.constant 0 : i32
      %dma_wait3A_467 = tpu.memref_slice %arg2[%dma_wait3A_465, %dma_wait3A_466] : memref<80000x64xf32, #tpu.memory_space<hbm>> -> memref<80000x64xf32, #tpu.memory_space<hbm>>
      tpu.wait_indirect_dma semaphore(%arg12 : memref<!tpu.dma_semaphore, #tpu.memory_space<semaphore_mem>>) src(%dma_wait3A_467 : memref<80000x64xf32, #tpu.memory_space<hbm>>) dst(%dma_wait3A_461 : memref<80x64xf32, #tpu.memory_space<vmem>>)
      %add3A_468 = arith.constant 2 : i32
      %add3A_469 = arith.addi %mul3A_363, %add3A_468 : i32
      %dma_start3A_470 = arith.constant 160 : i32
      %dma_start3A_471 = arith.constant 0 : i32
      %dma_start3A_472 = tpu.memref_slice %arg8[%dma_start3A_470, %dma_start3A_471] : memref<800x64xf32, #tpu.memory_space<vmem>> -> memref<80x64xf32, #tpu.memory_space<vmem>>
      %dma_start3A_473 = arith.constant 0 : i32
      %dma_start3A_474 = tpu.memref_slice %arg7[%add3A_469, %dma_start3A_473] : memref<125x80xi32, #tpu.memory_space<vmem>> -> memref<1x80xi32, #tpu.memory_space<vmem>>
      %dma_start3A_475 = tpu.memref_squeeze %dma_start3A_474 : memref<1x80xi32, #tpu.memory_space<vmem>> -> memref<80xi32, #tpu.memory_space<vmem>>
      %dma_start3A_476 = arith.constant 0 : i32
      %dma_start3A_477 = arith.constant 0 : i32
      %dma_start3A_478 = tpu.memref_slice %arg9[%dma_start3A_476, %dma_start3A_477] : memref<10240x64xf32, #tpu.memory_space<vmem_shared>> -> memref<10240x64xf32, #tpu.memory_space<vmem_shared>>
      tpu.enqueue_indirect_dma source(%dma_start3A_472 : memref<80x64xf32, #tpu.memory_space<vmem>>) target(%dma_start3A_478 : memref<10240x64xf32, #tpu.memory_space<vmem_shared>>) offsets(%dma_start3A_475 : memref<80xi32, #tpu.memory_space<vmem>>) semaphore(%arg20 : memref<!tpu.dma_semaphore, #tpu.memory_space<semaphore_mem>>) {add = true}
      %dma_wait3A_479 = arith.constant 240 : i32
      %dma_wait3A_480 = arith.constant 0 : i32
      %dma_wait3A_481 = tpu.memref_slice %arg8[%dma_wait3A_479, %dma_wait3A_480] : memref<800x64xf32, #tpu.memory_space<vmem>> -> memref<80x64xf32, #tpu.memory_space<vmem>>
      %dma_wait3A_482 = arith.constant 0 : i32
      %dma_wait3A_483 = tpu.memref_slice %arg6[%add3A_398, %dma_wait3A_482] : memref<125x80xi32, #tpu.memory_space<vmem>> -> memref<1x80xi32, #tpu.memory_space<vmem>>
      %dma_wait3A_484 = tpu.memref_squeeze %dma_wait3A_483 : memref<1x80xi32, #tpu.memory_space<vmem>> -> memref<80xi32, #tpu.memory_space<vmem>>
      %dma_wait3A_485 = arith.constant 0 : i32
      %dma_wait3A_486 = arith.constant 0 : i32
      %dma_wait3A_487 = tpu.memref_slice %arg2[%dma_wait3A_485, %dma_wait3A_486] : memref<80000x64xf32, #tpu.memory_space<hbm>> -> memref<80000x64xf32, #tpu.memory_space<hbm>>
      tpu.wait_indirect_dma semaphore(%arg13 : memref<!tpu.dma_semaphore, #tpu.memory_space<semaphore_mem>>) src(%dma_wait3A_487 : memref<80000x64xf32, #tpu.memory_space<hbm>>) dst(%dma_wait3A_481 : memref<80x64xf32, #tpu.memory_space<vmem>>)
      %add3A_488 = arith.constant 3 : i32
      %add3A_489 = arith.addi %mul3A_363, %add3A_488 : i32
      %dma_start3A_490 = arith.constant 240 : i32
      %dma_start3A_491 = arith.constant 0 : i32
      %dma_start3A_492 = tpu.memref_slice %arg8[%dma_start3A_490, %dma_start3A_491] : memref<800x64xf32, #tpu.memory_space<vmem>> -> memref<80x64xf32, #tpu.memory_space<vmem>>
      %dma_start3A_493 = arith.constant 0 : i32
      %dma_start3A_494 = tpu.memref_slice %arg7[%add3A_489, %dma_start3A_493] : memref<125x80xi32, #tpu.memory_space<vmem>> -> memref<1x80xi32, #tpu.memory_space<vmem>>
      %dma_start3A_495 = tpu.memref_squeeze %dma_start3A_494 : memref<1x80xi32, #tpu.memory_space<vmem>> -> memref<80xi32, #tpu.memory_space<vmem>>
      %dma_start3A_496 = arith.constant 0 : i32
      %dma_start3A_497 = arith.constant 0 : i32
      %dma_start3A_498 = tpu.memref_slice %arg9[%dma_start3A_496, %dma_start3A_497] : memref<10240x64xf32, #tpu.memory_space<vmem_shared>> -> memref<10240x64xf32, #tpu.memory_space<vmem_shared>>
      tpu.enqueue_indirect_dma source(%dma_start3A_492 : memref<80x64xf32, #tpu.memory_space<vmem>>) target(%dma_start3A_498 : memref<10240x64xf32, #tpu.memory_space<vmem_shared>>) offsets(%dma_start3A_495 : memref<80xi32, #tpu.memory_space<vmem>>) semaphore(%arg20 : memref<!tpu.dma_semaphore, #tpu.memory_space<semaphore_mem>>) {add = true}
      %dma_wait3A_499 = arith.constant 320 : i32
      %dma_wait3A_500 = arith.constant 0 : i32
      %dma_wait3A_501 = tpu.memref_slice %arg8[%dma_wait3A_499, %dma_wait3A_500] : memref<800x64xf32, #tpu.memory_space<vmem>> -> memref<80x64xf32, #tpu.memory_space<vmem>>
      %dma_wait3A_502 = arith.constant 0 : i32
      %dma_wait3A_503 = tpu.memref_slice %arg6[%add3A_409, %dma_wait3A_502] : memref<125x80xi32, #tpu.memory_space<vmem>> -> memref<1x80xi32, #tpu.memory_space<vmem>>
      %dma_wait3A_504 = tpu.memref_squeeze %dma_wait3A_503 : memref<1x80xi32, #tpu.memory_space<vmem>> -> memref<80xi32, #tpu.memory_space<vmem>>
      %dma_wait3A_505 = arith.constant 0 : i32
      %dma_wait3A_506 = arith.constant 0 : i32
      %dma_wait3A_507 = tpu.memref_slice %arg2[%dma_wait3A_505, %dma_wait3A_506] : memref<80000x64xf32, #tpu.memory_space<hbm>> -> memref<80000x64xf32, #tpu.memory_space<hbm>>
      tpu.wait_indirect_dma semaphore(%arg14 : memref<!tpu.dma_semaphore, #tpu.memory_space<semaphore_mem>>) src(%dma_wait3A_507 : memref<80000x64xf32, #tpu.memory_space<hbm>>) dst(%dma_wait3A_501 : memref<80x64xf32, #tpu.memory_space<vmem>>)
      %add3A_508 = arith.constant 4 : i32
      %add3A_509 = arith.addi %mul3A_363, %add3A_508 : i32
      %dma_start3A_510 = arith.constant 320 : i32
      %dma_start3A_511 = arith.constant 0 : i32
      %dma_start3A_512 = tpu.memref_slice %arg8[%dma_start3A_510, %dma_start3A_511] : memref<800x64xf32, #tpu.memory_space<vmem>> -> memref<80x64xf32, #tpu.memory_space<vmem>>
      %dma_start3A_513 = arith.constant 0 : i32
      %dma_start3A_514 = tpu.memref_slice %arg7[%add3A_509, %dma_start3A_513] : memref<125x80xi32, #tpu.memory_space<vmem>> -> memref<1x80xi32, #tpu.memory_space<vmem>>
      %dma_start3A_515 = tpu.memref_squeeze %dma_start3A_514 : memref<1x80xi32, #tpu.memory_space<vmem>> -> memref<80xi32, #tpu.memory_space<vmem>>
      %dma_start3A_516 = arith.constant 0 : i32
      %dma_start3A_517 = arith.constant 0 : i32
      %dma_start3A_518 = tpu.memref_slice %arg9[%dma_start3A_516, %dma_start3A_517] : memref<10240x64xf32, #tpu.memory_space<vmem_shared>> -> memref<10240x64xf32, #tpu.memory_space<vmem_shared>>
      tpu.enqueue_indirect_dma source(%dma_start3A_512 : memref<80x64xf32, #tpu.memory_space<vmem>>) target(%dma_start3A_518 : memref<10240x64xf32, #tpu.memory_space<vmem_shared>>) offsets(%dma_start3A_515 : memref<80xi32, #tpu.memory_space<vmem>>) semaphore(%arg20 : memref<!tpu.dma_semaphore, #tpu.memory_space<semaphore_mem>>) {add = true}
      %gt3A_519 = arith.constant 0 : i32
      %gt3A_520 = arith.cmpi sgt, %scan3A_356, %gt3A_519 : i32
      %convert_element_type3A_521 = arith.extui %gt3A_520 : i1 to i32
      %cond3A_522 = arith.constant 0 : i32
      %cond3A_523 = arith.cmpi ne, %convert_element_type3A_521, %cond3A_522 : i32
      scf.if %cond3A_523 {
        %dma_wait3A_686 = arith.constant 400 : i32
        %dma_wait3A_687 = arith.constant 0 : i32
        %dma_wait3A_688 = tpu.memref_slice %arg8[%dma_wait3A_686, %dma_wait3A_687] : memref<800x64xf32, #tpu.memory_space<vmem>> -> memref<80x64xf32, #tpu.memory_space<vmem>>
        %dma_wait3A_689 = arith.constant 0 : i32
        %dma_wait3A_690 = arith.constant 0 : i32
        %dma_wait3A_691 = tpu.memref_slice %arg2[%dma_wait3A_689, %dma_wait3A_690] : memref<80000x64xf32, #tpu.memory_space<hbm>> -> memref<80x64xf32, #tpu.memory_space<hbm>>
        %dma_wait3A_692 = arith.constant 400 : i32
        %dma_wait3A_693 = arith.constant 0 : i32
        %dma_wait3A_694 = tpu.memref_slice %arg8[%dma_wait3A_692, %dma_wait3A_693] : memref<800x64xf32, #tpu.memory_space<vmem>> -> memref<80x64xf32, #tpu.memory_space<vmem>>
        %dma_wait3A_695 = arith.constant 0 : i32
        %dma_wait3A_696 = arith.constant 0 : i32
        %dma_wait3A_697 = tpu.memref_slice %arg2[%dma_wait3A_695, %dma_wait3A_696] : memref<80000x64xf32, #tpu.memory_space<hbm>> -> memref<80x64xf32, #tpu.memory_space<hbm>>
        tpu.wait_dma2 semaphore(%arg21 : memref<!tpu.dma_semaphore, #tpu.memory_space<semaphore_mem>>) src(%dma_wait3A_697 : memref<80x64xf32, #tpu.memory_space<hbm>>) dst(%dma_wait3A_694 : memref<80x64xf32, #tpu.memory_space<vmem>>)
        %dma_wait3A_698 = arith.constant 480 : i32
        %dma_wait3A_699 = arith.constant 0 : i32
        %dma_wait3A_700 = tpu.memref_slice %arg8[%dma_wait3A_698, %dma_wait3A_699] : memref<800x64xf32, #tpu.memory_space<vmem>> -> memref<80x64xf32, #tpu.memory_space<vmem>>
        %dma_wait3A_701 = arith.constant 0 : i32
        %dma_wait3A_702 = arith.constant 0 : i32
        %dma_wait3A_703 = tpu.memref_slice %arg2[%dma_wait3A_701, %dma_wait3A_702] : memref<80000x64xf32, #tpu.memory_space<hbm>> -> memref<80x64xf32, #tpu.memory_space<hbm>>
        %dma_wait3A_704 = arith.constant 480 : i32
        %dma_wait3A_705 = arith.constant 0 : i32
        %dma_wait3A_706 = tpu.memref_slice %arg8[%dma_wait3A_704, %dma_wait3A_705] : memref<800x64xf32, #tpu.memory_space<vmem>> -> memref<80x64xf32, #tpu.memory_space<vmem>>
        %dma_wait3A_707 = arith.constant 0 : i32
        %dma_wait3A_708 = arith.constant 0 : i32
        %dma_wait3A_709 = tpu.memref_slice %arg2[%dma_wait3A_707, %dma_wait3A_708] : memref<80000x64xf32, #tpu.memory_space<hbm>> -> memref<80x64xf32, #tpu.memory_space<hbm>>
        tpu.wait_dma2 semaphore(%arg21 : memref<!tpu.dma_semaphore, #tpu.memory_space<semaphore_mem>>) src(%dma_wait3A_709 : memref<80x64xf32, #tpu.memory_space<hbm>>) dst(%dma_wait3A_706 : memref<80x64xf32, #tpu.memory_space<vmem>>)
        %dma_wait3A_710 = arith.constant 560 : i32
        %dma_wait3A_711 = arith.constant 0 : i32
        %dma_wait3A_712 = tpu.memref_slice %arg8[%dma_wait3A_710, %dma_wait3A_711] : memref<800x64xf32, #tpu.memory_space<vmem>> -> memref<80x64xf32, #tpu.memory_space<vmem>>
        %dma_wait3A_713 = arith.constant 0 : i32
        %dma_wait3A_714 = arith.constant 0 : i32
        %dma_wait3A_715 = tpu.memref_slice %arg2[%dma_wait3A_713, %dma_wait3A_714] : memref<80000x64xf32, #tpu.memory_space<hbm>> -> memref<80x64xf32, #tpu.memory_space<hbm>>
        %dma_wait3A_716 = arith.constant 560 : i32
        %dma_wait3A_717 = arith.constant 0 : i32
        %dma_wait3A_718 = tpu.memref_slice %arg8[%dma_wait3A_716, %dma_wait3A_717] : memref<800x64xf32, #tpu.memory_space<vmem>> -> memref<80x64xf32, #tpu.memory_space<vmem>>
        %dma_wait3A_719 = arith.constant 0 : i32
        %dma_wait3A_720 = arith.constant 0 : i32
        %dma_wait3A_721 = tpu.memref_slice %arg2[%dma_wait3A_719, %dma_wait3A_720] : memref<80000x64xf32, #tpu.memory_space<hbm>> -> memref<80x64xf32, #tpu.memory_space<hbm>>
        tpu.wait_dma2 semaphore(%arg21 : memref<!tpu.dma_semaphore, #tpu.memory_space<semaphore_mem>>) src(%dma_wait3A_721 : memref<80x64xf32, #tpu.memory_space<hbm>>) dst(%dma_wait3A_718 : memref<80x64xf32, #tpu.memory_space<vmem>>)
        %dma_wait3A_722 = arith.constant 640 : i32
        %dma_wait3A_723 = arith.constant 0 : i32
        %dma_wait3A_724 = tpu.memref_slice %arg8[%dma_wait3A_722, %dma_wait3A_723] : memref<800x64xf32, #tpu.memory_space<vmem>> -> memref<80x64xf32, #tpu.memory_space<vmem>>
        %dma_wait3A_725 = arith.constant 0 : i32
        %dma_wait3A_726 = arith.constant 0 : i32
        %dma_wait3A_727 = tpu.memref_slice %arg2[%dma_wait3A_725, %dma_wait3A_726] : memref<80000x64xf32, #tpu.memory_space<hbm>> -> memref<80x64xf32, #tpu.memory_space<hbm>>
        %dma_wait3A_728 = arith.constant 640 : i32
        %dma_wait3A_729 = arith.constant 0 : i32
        %dma_wait3A_730 = tpu.memref_slice %arg8[%dma_wait3A_728, %dma_wait3A_729] : memref<800x64xf32, #tpu.memory_space<vmem>> -> memref<80x64xf32, #tpu.memory_space<vmem>>
        %dma_wait3A_731 = arith.constant 0 : i32
        %dma_wait3A_732 = arith.constant 0 : i32
        %dma_wait3A_733 = tpu.memref_slice %arg2[%dma_wait3A_731, %dma_wait3A_732] : memref<80000x64xf32, #tpu.memory_space<hbm>> -> memref<80x64xf32, #tpu.memory_space<hbm>>
        tpu.wait_dma2 semaphore(%arg21 : memref<!tpu.dma_semaphore, #tpu.memory_space<semaphore_mem>>) src(%dma_wait3A_733 : memref<80x64xf32, #tpu.memory_space<hbm>>) dst(%dma_wait3A_730 : memref<80x64xf32, #tpu.memory_space<vmem>>)
        %dma_wait3A_734 = arith.constant 720 : i32
        %dma_wait3A_735 = arith.constant 0 : i32
        %dma_wait3A_736 = tpu.memref_slice %arg8[%dma_wait3A_734, %dma_wait3A_735] : memref<800x64xf32, #tpu.memory_space<vmem>> -> memref<80x64xf32, #tpu.memory_space<vmem>>
        %dma_wait3A_737 = arith.constant 0 : i32
        %dma_wait3A_738 = arith.constant 0 : i32
        %dma_wait3A_739 = tpu.memref_slice %arg2[%dma_wait3A_737, %dma_wait3A_738] : memref<80000x64xf32, #tpu.memory_space<hbm>> -> memref<80x64xf32, #tpu.memory_space<hbm>>
        %dma_wait3A_740 = arith.constant 720 : i32
        %dma_wait3A_741 = arith.constant 0 : i32
        %dma_wait3A_742 = tpu.memref_slice %arg8[%dma_wait3A_740, %dma_wait3A_741] : memref<800x64xf32, #tpu.memory_space<vmem>> -> memref<80x64xf32, #tpu.memory_space<vmem>>
        %dma_wait3A_743 = arith.constant 0 : i32
        %dma_wait3A_744 = arith.constant 0 : i32
        %dma_wait3A_745 = tpu.memref_slice %arg2[%dma_wait3A_743, %dma_wait3A_744] : memref<80000x64xf32, #tpu.memory_space<hbm>> -> memref<80x64xf32, #tpu.memory_space<hbm>>
        tpu.wait_dma2 semaphore(%arg21 : memref<!tpu.dma_semaphore, #tpu.memory_space<semaphore_mem>>) src(%dma_wait3A_745 : memref<80x64xf32, #tpu.memory_space<hbm>>) dst(%dma_wait3A_742 : memref<80x64xf32, #tpu.memory_space<vmem>>)
      } else {
      }
      %mul3A_524 = arith.constant 2 : i32
      %mul3A_525 = arith.muli %mul3A_524, %scan3A_356 : i32
      %add3A_526 = arith.constant 1 : i32
      %add3A_527 = arith.addi %mul3A_525, %add3A_526 : i32
      %mul3A_528 = arith.constant 5 : i32
      %mul3A_529 = arith.muli %add3A_527, %mul3A_528 : i32
      %add3A_530 = arith.constant 0 : i32
      %add3A_531 = arith.addi %mul3A_529, %add3A_530 : i32
      %dma_start3A_532 = arith.constant 400 : i32
      %dma_start3A_533 = arith.constant 0 : i32
      %dma_start3A_534 = tpu.memref_slice %arg8[%dma_start3A_532, %dma_start3A_533] : memref<800x64xf32, #tpu.memory_space<vmem>> -> memref<80x64xf32, #tpu.memory_space<vmem>>
      %dma_start3A_535 = arith.constant 0 : i32
      %dma_start3A_536 = tpu.memref_slice %arg6[%add3A_531, %dma_start3A_535] : memref<125x80xi32, #tpu.memory_space<vmem>> -> memref<1x80xi32, #tpu.memory_space<vmem>>
      %dma_start3A_537 = tpu.memref_squeeze %dma_start3A_536 : memref<1x80xi32, #tpu.memory_space<vmem>> -> memref<80xi32, #tpu.memory_space<vmem>>
      %dma_start3A_538 = arith.constant 0 : i32
      %dma_start3A_539 = arith.constant 0 : i32
      %dma_start3A_540 = tpu.memref_slice %arg2[%dma_start3A_538, %dma_start3A_539] : memref<80000x64xf32, #tpu.memory_space<hbm>> -> memref<80000x64xf32, #tpu.memory_space<hbm>>
      tpu.enqueue_indirect_dma source(%dma_start3A_540 : memref<80000x64xf32, #tpu.memory_space<hbm>>) target(%dma_start3A_534 : memref<80x64xf32, #tpu.memory_space<vmem>>) offsets(%dma_start3A_537 : memref<80xi32, #tpu.memory_space<vmem>>) semaphore(%arg15 : memref<!tpu.dma_semaphore, #tpu.memory_space<semaphore_mem>>)
      %add3A_541 = arith.constant 1 : i32
      %add3A_542 = arith.addi %mul3A_529, %add3A_541 : i32
      %dma_start3A_543 = arith.constant 480 : i32
      %dma_start3A_544 = arith.constant 0 : i32
      %dma_start3A_545 = tpu.memref_slice %arg8[%dma_start3A_543, %dma_start3A_544] : memref<800x64xf32, #tpu.memory_space<vmem>> -> memref<80x64xf32, #tpu.memory_space<vmem>>
      %dma_start3A_546 = arith.constant 0 : i32
      %dma_start3A_547 = tpu.memref_slice %arg6[%add3A_542, %dma_start3A_546] : memref<125x80xi32, #tpu.memory_space<vmem>> -> memref<1x80xi32, #tpu.memory_space<vmem>>
      %dma_start3A_548 = tpu.memref_squeeze %dma_start3A_547 : memref<1x80xi32, #tpu.memory_space<vmem>> -> memref<80xi32, #tpu.memory_space<vmem>>
      %dma_start3A_549 = arith.constant 0 : i32
      %dma_start3A_550 = arith.constant 0 : i32
      %dma_start3A_551 = tpu.memref_slice %arg2[%dma_start3A_549, %dma_start3A_550] : memref<80000x64xf32, #tpu.memory_space<hbm>> -> memref<80000x64xf32, #tpu.memory_space<hbm>>
      tpu.enqueue_indirect_dma source(%dma_start3A_551 : memref<80000x64xf32, #tpu.memory_space<hbm>>) target(%dma_start3A_545 : memref<80x64xf32, #tpu.memory_space<vmem>>) offsets(%dma_start3A_548 : memref<80xi32, #tpu.memory_space<vmem>>) semaphore(%arg16 : memref<!tpu.dma_semaphore, #tpu.memory_space<semaphore_mem>>)
      %add3A_552 = arith.constant 2 : i32
      %add3A_553 = arith.addi %mul3A_529, %add3A_552 : i32
      %dma_start3A_554 = arith.constant 560 : i32
      %dma_start3A_555 = arith.constant 0 : i32
      %dma_start3A_556 = tpu.memref_slice %arg8[%dma_start3A_554, %dma_start3A_555] : memref<800x64xf32, #tpu.memory_space<vmem>> -> memref<80x64xf32, #tpu.memory_space<vmem>>
      %dma_start3A_557 = arith.constant 0 : i32
      %dma_start3A_558 = tpu.memref_slice %arg6[%add3A_553, %dma_start3A_557] : memref<125x80xi32, #tpu.memory_space<vmem>> -> memref<1x80xi32, #tpu.memory_space<vmem>>
      %dma_start3A_559 = tpu.memref_squeeze %dma_start3A_558 : memref<1x80xi32, #tpu.memory_space<vmem>> -> memref<80xi32, #tpu.memory_space<vmem>>
      %dma_start3A_560 = arith.constant 0 : i32
      %dma_start3A_561 = arith.constant 0 : i32
      %dma_start3A_562 = tpu.memref_slice %arg2[%dma_start3A_560, %dma_start3A_561] : memref<80000x64xf32, #tpu.memory_space<hbm>> -> memref<80000x64xf32, #tpu.memory_space<hbm>>
      tpu.enqueue_indirect_dma source(%dma_start3A_562 : memref<80000x64xf32, #tpu.memory_space<hbm>>) target(%dma_start3A_556 : memref<80x64xf32, #tpu.memory_space<vmem>>) offsets(%dma_start3A_559 : memref<80xi32, #tpu.memory_space<vmem>>) semaphore(%arg17 : memref<!tpu.dma_semaphore, #tpu.memory_space<semaphore_mem>>)
      %add3A_563 = arith.constant 3 : i32
      %add3A_564 = arith.addi %mul3A_529, %add3A_563 : i32
      %dma_start3A_565 = arith.constant 640 : i32
      %dma_start3A_566 = arith.constant 0 : i32
      %dma_start3A_567 = tpu.memref_slice %arg8[%dma_start3A_565, %dma_start3A_566] : memref<800x64xf32, #tpu.memory_space<vmem>> -> memref<80x64xf32, #tpu.memory_space<vmem>>
      %dma_start3A_568 = arith.constant 0 : i32
      %dma_start3A_569 = tpu.memref_slice %arg6[%add3A_564, %dma_start3A_568] : memref<125x80xi32, #tpu.memory_space<vmem>> -> memref<1x80xi32, #tpu.memory_space<vmem>>
      %dma_start3A_570 = tpu.memref_squeeze %dma_start3A_569 : memref<1x80xi32, #tpu.memory_space<vmem>> -> memref<80xi32, #tpu.memory_space<vmem>>
      %dma_start3A_571 = arith.constant 0 : i32
      %dma_start3A_572 = arith.constant 0 : i32
      %dma_start3A_573 = tpu.memref_slice %arg2[%dma_start3A_571, %dma_start3A_572] : memref<80000x64xf32, #tpu.memory_space<hbm>> -> memref<80000x64xf32, #tpu.memory_space<hbm>>
      tpu.enqueue_indirect_dma source(%dma_start3A_573 : memref<80000x64xf32, #tpu.memory_space<hbm>>) target(%dma_start3A_567 : memref<80x64xf32, #tpu.memory_space<vmem>>) offsets(%dma_start3A_570 : memref<80xi32, #tpu.memory_space<vmem>>) semaphore(%arg18 : memref<!tpu.dma_semaphore, #tpu.memory_space<semaphore_mem>>)
      %add3A_574 = arith.constant 4 : i32
      %add3A_575 = arith.addi %mul3A_529, %add3A_574 : i32
      %dma_start3A_576 = arith.constant 720 : i32
      %dma_start3A_577 = arith.constant 0 : i32
      %dma_start3A_578 = tpu.memref_slice %arg8[%dma_start3A_576, %dma_start3A_577] : memref<800x64xf32, #tpu.memory_space<vmem>> -> memref<80x64xf32, #tpu.memory_space<vmem>>
      %dma_start3A_579 = arith.constant 0 : i32
      %dma_start3A_580 = tpu.memref_slice %arg6[%add3A_575, %dma_start3A_579] : memref<125x80xi32, #tpu.memory_space<vmem>> -> memref<1x80xi32, #tpu.memory_space<vmem>>
      %dma_start3A_581 = tpu.memref_squeeze %dma_start3A_580 : memref<1x80xi32, #tpu.memory_space<vmem>> -> memref<80xi32, #tpu.memory_space<vmem>>
      %dma_start3A_582 = arith.constant 0 : i32
      %dma_start3A_583 = arith.constant 0 : i32
      %dma_start3A_584 = tpu.memref_slice %arg2[%dma_start3A_582, %dma_start3A_583] : memref<80000x64xf32, #tpu.memory_space<hbm>> -> memref<80000x64xf32, #tpu.memory_space<hbm>>
      tpu.enqueue_indirect_dma source(%dma_start3A_584 : memref<80000x64xf32, #tpu.memory_space<hbm>>) target(%dma_start3A_578 : memref<80x64xf32, #tpu.memory_space<vmem>>) offsets(%dma_start3A_581 : memref<80xi32, #tpu.memory_space<vmem>>) semaphore(%arg19 : memref<!tpu.dma_semaphore, #tpu.memory_space<semaphore_mem>>)
      %dma_wait3A_585 = arith.constant 400 : i32
      %dma_wait3A_586 = arith.constant 0 : i32
      %dma_wait3A_587 = tpu.memref_slice %arg8[%dma_wait3A_585, %dma_wait3A_586] : memref<800x64xf32, #tpu.memory_space<vmem>> -> memref<80x64xf32, #tpu.memory_space<vmem>>
      %dma_wait3A_588 = arith.constant 0 : i32
      %dma_wait3A_589 = tpu.memref_slice %arg6[%add3A_531, %dma_wait3A_588] : memref<125x80xi32, #tpu.memory_space<vmem>> -> memref<1x80xi32, #tpu.memory_space<vmem>>
      %dma_wait3A_590 = tpu.memref_squeeze %dma_wait3A_589 : memref<1x80xi32, #tpu.memory_space<vmem>> -> memref<80xi32, #tpu.memory_space<vmem>>
      %dma_wait3A_591 = arith.constant 0 : i32
      %dma_wait3A_592 = arith.constant 0 : i32
      %dma_wait3A_593 = tpu.memref_slice %arg2[%dma_wait3A_591, %dma_wait3A_592] : memref<80000x64xf32, #tpu.memory_space<hbm>> -> memref<80000x64xf32, #tpu.memory_space<hbm>>
      tpu.wait_indirect_dma semaphore(%arg15 : memref<!tpu.dma_semaphore, #tpu.memory_space<semaphore_mem>>) src(%dma_wait3A_593 : memref<80000x64xf32, #tpu.memory_space<hbm>>) dst(%dma_wait3A_587 : memref<80x64xf32, #tpu.memory_space<vmem>>)
      %add3A_594 = arith.constant 0 : i32
      %add3A_595 = arith.addi %mul3A_529, %add3A_594 : i32
      %dma_start3A_596 = arith.constant 400 : i32
      %dma_start3A_597 = arith.constant 0 : i32
      %dma_start3A_598 = tpu.memref_slice %arg8[%dma_start3A_596, %dma_start3A_597] : memref<800x64xf32, #tpu.memory_space<vmem>> -> memref<80x64xf32, #tpu.memory_space<vmem>>
      %dma_start3A_599 = arith.constant 0 : i32
      %dma_start3A_600 = tpu.memref_slice %arg7[%add3A_595, %dma_start3A_599] : memref<125x80xi32, #tpu.memory_space<vmem>> -> memref<1x80xi32, #tpu.memory_space<vmem>>
      %dma_start3A_601 = tpu.memref_squeeze %dma_start3A_600 : memref<1x80xi32, #tpu.memory_space<vmem>> -> memref<80xi32, #tpu.memory_space<vmem>>
      %dma_start3A_602 = arith.constant 0 : i32
      %dma_start3A_603 = arith.constant 0 : i32
      %dma_start3A_604 = tpu.memref_slice %arg9[%dma_start3A_602, %dma_start3A_603] : memref<10240x64xf32, #tpu.memory_space<vmem_shared>> -> memref<10240x64xf32, #tpu.memory_space<vmem_shared>>
      tpu.enqueue_indirect_dma source(%dma_start3A_598 : memref<80x64xf32, #tpu.memory_space<vmem>>) target(%dma_start3A_604 : memref<10240x64xf32, #tpu.memory_space<vmem_shared>>) offsets(%dma_start3A_601 : memref<80xi32, #tpu.memory_space<vmem>>) semaphore(%arg21 : memref<!tpu.dma_semaphore, #tpu.memory_space<semaphore_mem>>) {add = true}
      %dma_wait3A_605 = arith.constant 480 : i32
      %dma_wait3A_606 = arith.constant 0 : i32
      %dma_wait3A_607 = tpu.memref_slice %arg8[%dma_wait3A_605, %dma_wait3A_606] : memref<800x64xf32, #tpu.memory_space<vmem>> -> memref<80x64xf32, #tpu.memory_space<vmem>>
      %dma_wait3A_608 = arith.constant 0 : i32
      %dma_wait3A_609 = tpu.memref_slice %arg6[%add3A_542, %dma_wait3A_608] : memref<125x80xi32, #tpu.memory_space<vmem>> -> memref<1x80xi32, #tpu.memory_space<vmem>>
      %dma_wait3A_610 = tpu.memref_squeeze %dma_wait3A_609 : memref<1x80xi32, #tpu.memory_space<vmem>> -> memref<80xi32, #tpu.memory_space<vmem>>
      %dma_wait3A_611 = arith.constant 0 : i32
      %dma_wait3A_612 = arith.constant 0 : i32
      %dma_wait3A_613 = tpu.memref_slice %arg2[%dma_wait3A_611, %dma_wait3A_612] : memref<80000x64xf32, #tpu.memory_space<hbm>> -> memref<80000x64xf32, #tpu.memory_space<hbm>>
      tpu.wait_indirect_dma semaphore(%arg16 : memref<!tpu.dma_semaphore, #tpu.memory_space<semaphore_mem>>) src(%dma_wait3A_613 : memref<80000x64xf32, #tpu.memory_space<hbm>>) dst(%dma_wait3A_607 : memref<80x64xf32, #tpu.memory_space<vmem>>)
      %add3A_614 = arith.constant 1 : i32
      %add3A_615 = arith.addi %mul3A_529, %add3A_614 : i32
      %dma_start3A_616 = arith.constant 480 : i32
      %dma_start3A_617 = arith.constant 0 : i32
      %dma_start3A_618 = tpu.memref_slice %arg8[%dma_start3A_616, %dma_start3A_617] : memref<800x64xf32, #tpu.memory_space<vmem>> -> memref<80x64xf32, #tpu.memory_space<vmem>>
      %dma_start3A_619 = arith.constant 0 : i32
      %dma_start3A_620 = tpu.memref_slice %arg7[%add3A_615, %dma_start3A_619] : memref<125x80xi32, #tpu.memory_space<vmem>> -> memref<1x80xi32, #tpu.memory_space<vmem>>
      %dma_start3A_621 = tpu.memref_squeeze %dma_start3A_620 : memref<1x80xi32, #tpu.memory_space<vmem>> -> memref<80xi32, #tpu.memory_space<vmem>>
      %dma_start3A_622 = arith.constant 0 : i32
      %dma_start3A_623 = arith.constant 0 : i32
      %dma_start3A_624 = tpu.memref_slice %arg9[%dma_start3A_622, %dma_start3A_623] : memref<10240x64xf32, #tpu.memory_space<vmem_shared>> -> memref<10240x64xf32, #tpu.memory_space<vmem_shared>>
      tpu.enqueue_indirect_dma source(%dma_start3A_618 : memref<80x64xf32, #tpu.memory_space<vmem>>) target(%dma_start3A_624 : memref<10240x64xf32, #tpu.memory_space<vmem_shared>>) offsets(%dma_start3A_621 : memref<80xi32, #tpu.memory_space<vmem>>) semaphore(%arg21 : memref<!tpu.dma_semaphore, #tpu.memory_space<semaphore_mem>>) {add = true}
      %dma_wait3A_625 = arith.constant 560 : i32
      %dma_wait3A_626 = arith.constant 0 : i32
      %dma_wait3A_627 = tpu.memref_slice %arg8[%dma_wait3A_625, %dma_wait3A_626] : memref<800x64xf32, #tpu.memory_space<vmem>> -> memref<80x64xf32, #tpu.memory_space<vmem>>
      %dma_wait3A_628 = arith.constant 0 : i32
      %dma_wait3A_629 = tpu.memref_slice %arg6[%add3A_553, %dma_wait3A_628] : memref<125x80xi32, #tpu.memory_space<vmem>> -> memref<1x80xi32, #tpu.memory_space<vmem>>
      %dma_wait3A_630 = tpu.memref_squeeze %dma_wait3A_629 : memref<1x80xi32, #tpu.memory_space<vmem>> -> memref<80xi32, #tpu.memory_space<vmem>>
      %dma_wait3A_631 = arith.constant 0 : i32
      %dma_wait3A_632 = arith.constant 0 : i32
      %dma_wait3A_633 = tpu.memref_slice %arg2[%dma_wait3A_631, %dma_wait3A_632] : memref<80000x64xf32, #tpu.memory_space<hbm>> -> memref<80000x64xf32, #tpu.memory_space<hbm>>
      tpu.wait_indirect_dma semaphore(%arg17 : memref<!tpu.dma_semaphore, #tpu.memory_space<semaphore_mem>>) src(%dma_wait3A_633 : memref<80000x64xf32, #tpu.memory_space<hbm>>) dst(%dma_wait3A_627 : memref<80x64xf32, #tpu.memory_space<vmem>>)
      %add3A_634 = arith.constant 2 : i32
      %add3A_635 = arith.addi %mul3A_529, %add3A_634 : i32
      %dma_start3A_636 = arith.constant 560 : i32
      %dma_start3A_637 = arith.constant 0 : i32
      %dma_start3A_638 = tpu.memref_slice %arg8[%dma_start3A_636, %dma_start3A_637] : memref<800x64xf32, #tpu.memory_space<vmem>> -> memref<80x64xf32, #tpu.memory_space<vmem>>
      %dma_start3A_639 = arith.constant 0 : i32
      %dma_start3A_640 = tpu.memref_slice %arg7[%add3A_635, %dma_start3A_639] : memref<125x80xi32, #tpu.memory_space<vmem>> -> memref<1x80xi32, #tpu.memory_space<vmem>>
      %dma_start3A_641 = tpu.memref_squeeze %dma_start3A_640 : memref<1x80xi32, #tpu.memory_space<vmem>> -> memref<80xi32, #tpu.memory_space<vmem>>
      %dma_start3A_642 = arith.constant 0 : i32
      %dma_start3A_643 = arith.constant 0 : i32
      %dma_start3A_644 = tpu.memref_slice %arg9[%dma_start3A_642, %dma_start3A_643] : memref<10240x64xf32, #tpu.memory_space<vmem_shared>> -> memref<10240x64xf32, #tpu.memory_space<vmem_shared>>
      tpu.enqueue_indirect_dma source(%dma_start3A_638 : memref<80x64xf32, #tpu.memory_space<vmem>>) target(%dma_start3A_644 : memref<10240x64xf32, #tpu.memory_space<vmem_shared>>) offsets(%dma_start3A_641 : memref<80xi32, #tpu.memory_space<vmem>>) semaphore(%arg21 : memref<!tpu.dma_semaphore, #tpu.memory_space<semaphore_mem>>) {add = true}
      %dma_wait3A_645 = arith.constant 640 : i32
      %dma_wait3A_646 = arith.constant 0 : i32
      %dma_wait3A_647 = tpu.memref_slice %arg8[%dma_wait3A_645, %dma_wait3A_646] : memref<800x64xf32, #tpu.memory_space<vmem>> -> memref<80x64xf32, #tpu.memory_space<vmem>>
      %dma_wait3A_648 = arith.constant 0 : i32
      %dma_wait3A_649 = tpu.memref_slice %arg6[%add3A_564, %dma_wait3A_648] : memref<125x80xi32, #tpu.memory_space<vmem>> -> memref<1x80xi32, #tpu.memory_space<vmem>>
      %dma_wait3A_650 = tpu.memref_squeeze %dma_wait3A_649 : memref<1x80xi32, #tpu.memory_space<vmem>> -> memref<80xi32, #tpu.memory_space<vmem>>
      %dma_wait3A_651 = arith.constant 0 : i32
      %dma_wait3A_652 = arith.constant 0 : i32
      %dma_wait3A_653 = tpu.memref_slice %arg2[%dma_wait3A_651, %dma_wait3A_652] : memref<80000x64xf32, #tpu.memory_space<hbm>> -> memref<80000x64xf32, #tpu.memory_space<hbm>>
      tpu.wait_indirect_dma semaphore(%arg18 : memref<!tpu.dma_semaphore, #tpu.memory_space<semaphore_mem>>) src(%dma_wait3A_653 : memref<80000x64xf32, #tpu.memory_space<hbm>>) dst(%dma_wait3A_647 : memref<80x64xf32, #tpu.memory_space<vmem>>)
      %add3A_654 = arith.constant 3 : i32
      %add3A_655 = arith.addi %mul3A_529, %add3A_654 : i32
      %dma_start3A_656 = arith.constant 640 : i32
      %dma_start3A_657 = arith.constant 0 : i32
      %dma_start3A_658 = tpu.memref_slice %arg8[%dma_start3A_656, %dma_start3A_657] : memref<800x64xf32, #tpu.memory_space<vmem>> -> memref<80x64xf32, #tpu.memory_space<vmem>>
      %dma_start3A_659 = arith.constant 0 : i32
      %dma_start3A_660 = tpu.memref_slice %arg7[%add3A_655, %dma_start3A_659] : memref<125x80xi32, #tpu.memory_space<vmem>> -> memref<1x80xi32, #tpu.memory_space<vmem>>
      %dma_start3A_661 = tpu.memref_squeeze %dma_start3A_660 : memref<1x80xi32, #tpu.memory_space<vmem>> -> memref<80xi32, #tpu.memory_space<vmem>>
      %dma_start3A_662 = arith.constant 0 : i32
      %dma_start3A_663 = arith.constant 0 : i32
      %dma_start3A_664 = tpu.memref_slice %arg9[%dma_start3A_662, %dma_start3A_663] : memref<10240x64xf32, #tpu.memory_space<vmem_shared>> -> memref<10240x64xf32, #tpu.memory_space<vmem_shared>>
      tpu.enqueue_indirect_dma source(%dma_start3A_658 : memref<80x64xf32, #tpu.memory_space<vmem>>) target(%dma_start3A_664 : memref<10240x64xf32, #tpu.memory_space<vmem_shared>>) offsets(%dma_start3A_661 : memref<80xi32, #tpu.memory_space<vmem>>) semaphore(%arg21 : memref<!tpu.dma_semaphore, #tpu.memory_space<semaphore_mem>>) {add = true}
      %dma_wait3A_665 = arith.constant 720 : i32
      %dma_wait3A_666 = arith.constant 0 : i32
      %dma_wait3A_667 = tpu.memref_slice %arg8[%dma_wait3A_665, %dma_wait3A_666] : memref<800x64xf32, #tpu.memory_space<vmem>> -> memref<80x64xf32, #tpu.memory_space<vmem>>
      %dma_wait3A_668 = arith.constant 0 : i32
      %dma_wait3A_669 = tpu.memref_slice %arg6[%add3A_575, %dma_wait3A_668] : memref<125x80xi32, #tpu.memory_space<vmem>> -> memref<1x80xi32, #tpu.memory_space<vmem>>
      %dma_wait3A_670 = tpu.memref_squeeze %dma_wait3A_669 : memref<1x80xi32, #tpu.memory_space<vmem>> -> memref<80xi32, #tpu.memory_space<vmem>>
      %dma_wait3A_671 = arith.constant 0 : i32
      %dma_wait3A_672 = arith.constant 0 : i32
      %dma_wait3A_673 = tpu.memref_slice %arg2[%dma_wait3A_671, %dma_wait3A_672] : memref<80000x64xf32, #tpu.memory_space<hbm>> -> memref<80000x64xf32, #tpu.memory_space<hbm>>
      tpu.wait_indirect_dma semaphore(%arg19 : memref<!tpu.dma_semaphore, #tpu.memory_space<semaphore_mem>>) src(%dma_wait3A_673 : memref<80000x64xf32, #tpu.memory_space<hbm>>) dst(%dma_wait3A_667 : memref<80x64xf32, #tpu.memory_space<vmem>>)
      %add3A_674 = arith.constant 4 : i32
      %add3A_675 = arith.addi %mul3A_529, %add3A_674 : i32
      %dma_start3A_676 = arith.constant 720 : i32
      %dma_start3A_677 = arith.constant 0 : i32
      %dma_start3A_678 = tpu.memref_slice %arg8[%dma_start3A_676, %dma_start3A_677] : memref<800x64xf32, #tpu.memory_space<vmem>> -> memref<80x64xf32, #tpu.memory_space<vmem>>
      %dma_start3A_679 = arith.constant 0 : i32
      %dma_start3A_680 = tpu.memref_slice %arg7[%add3A_675, %dma_start3A_679] : memref<125x80xi32, #tpu.memory_space<vmem>> -> memref<1x80xi32, #tpu.memory_space<vmem>>
      %dma_start3A_681 = tpu.memref_squeeze %dma_start3A_680 : memref<1x80xi32, #tpu.memory_space<vmem>> -> memref<80xi32, #tpu.memory_space<vmem>>
      %dma_start3A_682 = arith.constant 0 : i32
      %dma_start3A_683 = arith.constant 0 : i32
      %dma_start3A_684 = tpu.memref_slice %arg9[%dma_start3A_682, %dma_start3A_683] : memref<10240x64xf32, #tpu.memory_space<vmem_shared>> -> memref<10240x64xf32, #tpu.memory_space<vmem_shared>>
      tpu.enqueue_indirect_dma source(%dma_start3A_678 : memref<80x64xf32, #tpu.memory_space<vmem>>) target(%dma_start3A_684 : memref<10240x64xf32, #tpu.memory_space<vmem_shared>>) offsets(%dma_start3A_681 : memref<80xi32, #tpu.memory_space<vmem>>) semaphore(%arg21 : memref<!tpu.dma_semaphore, #tpu.memory_space<semaphore_mem>>) {add = true}
      %scan3A_685 = arith.constant 0 : i32
      scf.yield %scan3A_685 : i32
    }
    %scan3A_26 = arith.constant 12 : i32
    %dma_wait3A = arith.constant 0 : i32
    %dma_wait3A_27 = arith.constant 0 : i32
    %dma_wait3A_28 = tpu.memref_slice %arg8[%dma_wait3A, %dma_wait3A_27] : memref<800x64xf32, #tpu.memory_space<vmem>> -> memref<80x64xf32, #tpu.memory_space<vmem>>
    %dma_wait3A_29 = arith.constant 0 : i32
    %dma_wait3A_30 = arith.constant 0 : i32
    %dma_wait3A_31 = tpu.memref_slice %arg2[%dma_wait3A_29, %dma_wait3A_30] : memref<80000x64xf32, #tpu.memory_space<hbm>> -> memref<80x64xf32, #tpu.memory_space<hbm>>
    %dma_wait3A_32 = arith.constant 0 : i32
    %dma_wait3A_33 = arith.constant 0 : i32
    %dma_wait3A_34 = tpu.memref_slice %arg8[%dma_wait3A_32, %dma_wait3A_33] : memref<800x64xf32, #tpu.memory_space<vmem>> -> memref<80x64xf32, #tpu.memory_space<vmem>>
    %dma_wait3A_35 = arith.constant 0 : i32
    %dma_wait3A_36 = arith.constant 0 : i32
    %dma_wait3A_37 = tpu.memref_slice %arg2[%dma_wait3A_35, %dma_wait3A_36] : memref<80000x64xf32, #tpu.memory_space<hbm>> -> memref<80x64xf32, #tpu.memory_space<hbm>>
    tpu.wait_dma2 semaphore(%arg20 : memref<!tpu.dma_semaphore, #tpu.memory_space<semaphore_mem>>) src(%dma_wait3A_37 : memref<80x64xf32, #tpu.memory_space<hbm>>) dst(%dma_wait3A_34 : memref<80x64xf32, #tpu.memory_space<vmem>>)
    %dma_wait3A_38 = arith.constant 80 : i32
    %dma_wait3A_39 = arith.constant 0 : i32
    %dma_wait3A_40 = tpu.memref_slice %arg8[%dma_wait3A_38, %dma_wait3A_39] : memref<800x64xf32, #tpu.memory_space<vmem>> -> memref<80x64xf32, #tpu.memory_space<vmem>>
    %dma_wait3A_41 = arith.constant 0 : i32
    %dma_wait3A_42 = arith.constant 0 : i32
    %dma_wait3A_43 = tpu.memref_slice %arg2[%dma_wait3A_41, %dma_wait3A_42] : memref<80000x64xf32, #tpu.memory_space<hbm>> -> memref<80x64xf32, #tpu.memory_space<hbm>>
    %dma_wait3A_44 = arith.constant 80 : i32
    %dma_wait3A_45 = arith.constant 0 : i32
    %dma_wait3A_46 = tpu.memref_slice %arg8[%dma_wait3A_44, %dma_wait3A_45] : memref<800x64xf32, #tpu.memory_space<vmem>> -> memref<80x64xf32, #tpu.memory_space<vmem>>
    %dma_wait3A_47 = arith.constant 0 : i32
    %dma_wait3A_48 = arith.constant 0 : i32
    %dma_wait3A_49 = tpu.memref_slice %arg2[%dma_wait3A_47, %dma_wait3A_48] : memref<80000x64xf32, #tpu.memory_space<hbm>> -> memref<80x64xf32, #tpu.memory_space<hbm>>
    tpu.wait_dma2 semaphore(%arg20 : memref<!tpu.dma_semaphore, #tpu.memory_space<semaphore_mem>>) src(%dma_wait3A_49 : memref<80x64xf32, #tpu.memory_space<hbm>>) dst(%dma_wait3A_46 : memref<80x64xf32, #tpu.memory_space<vmem>>)
    %dma_wait3A_50 = arith.constant 160 : i32
    %dma_wait3A_51 = arith.constant 0 : i32
    %dma_wait3A_52 = tpu.memref_slice %arg8[%dma_wait3A_50, %dma_wait3A_51] : memref<800x64xf32, #tpu.memory_space<vmem>> -> memref<80x64xf32, #tpu.memory_space<vmem>>
    %dma_wait3A_53 = arith.constant 0 : i32
    %dma_wait3A_54 = arith.constant 0 : i32
    %dma_wait3A_55 = tpu.memref_slice %arg2[%dma_wait3A_53, %dma_wait3A_54] : memref<80000x64xf32, #tpu.memory_space<hbm>> -> memref<80x64xf32, #tpu.memory_space<hbm>>
    %dma_wait3A_56 = arith.constant 160 : i32
    %dma_wait3A_57 = arith.constant 0 : i32
    %dma_wait3A_58 = tpu.memref_slice %arg8[%dma_wait3A_56, %dma_wait3A_57] : memref<800x64xf32, #tpu.memory_space<vmem>> -> memref<80x64xf32, #tpu.memory_space<vmem>>
    %dma_wait3A_59 = arith.constant 0 : i32
    %dma_wait3A_60 = arith.constant 0 : i32
    %dma_wait3A_61 = tpu.memref_slice %arg2[%dma_wait3A_59, %dma_wait3A_60] : memref<80000x64xf32, #tpu.memory_space<hbm>> -> memref<80x64xf32, #tpu.memory_space<hbm>>
    tpu.wait_dma2 semaphore(%arg20 : memref<!tpu.dma_semaphore, #tpu.memory_space<semaphore_mem>>) src(%dma_wait3A_61 : memref<80x64xf32, #tpu.memory_space<hbm>>) dst(%dma_wait3A_58 : memref<80x64xf32, #tpu.memory_space<vmem>>)
    %dma_wait3A_62 = arith.constant 240 : i32
    %dma_wait3A_63 = arith.constant 0 : i32
    %dma_wait3A_64 = tpu.memref_slice %arg8[%dma_wait3A_62, %dma_wait3A_63] : memref<800x64xf32, #tpu.memory_space<vmem>> -> memref<80x64xf32, #tpu.memory_space<vmem>>
    %dma_wait3A_65 = arith.constant 0 : i32
    %dma_wait3A_66 = arith.constant 0 : i32
    %dma_wait3A_67 = tpu.memref_slice %arg2[%dma_wait3A_65, %dma_wait3A_66] : memref<80000x64xf32, #tpu.memory_space<hbm>> -> memref<80x64xf32, #tpu.memory_space<hbm>>
    %dma_wait3A_68 = arith.constant 240 : i32
    %dma_wait3A_69 = arith.constant 0 : i32
    %dma_wait3A_70 = tpu.memref_slice %arg8[%dma_wait3A_68, %dma_wait3A_69] : memref<800x64xf32, #tpu.memory_space<vmem>> -> memref<80x64xf32, #tpu.memory_space<vmem>>
    %dma_wait3A_71 = arith.constant 0 : i32
    %dma_wait3A_72 = arith.constant 0 : i32
    %dma_wait3A_73 = tpu.memref_slice %arg2[%dma_wait3A_71, %dma_wait3A_72] : memref<80000x64xf32, #tpu.memory_space<hbm>> -> memref<80x64xf32, #tpu.memory_space<hbm>>
    tpu.wait_dma2 semaphore(%arg20 : memref<!tpu.dma_semaphore, #tpu.memory_space<semaphore_mem>>) src(%dma_wait3A_73 : memref<80x64xf32, #tpu.memory_space<hbm>>) dst(%dma_wait3A_70 : memref<80x64xf32, #tpu.memory_space<vmem>>)
    %dma_wait3A_74 = arith.constant 320 : i32
    %dma_wait3A_75 = arith.constant 0 : i32
    %dma_wait3A_76 = tpu.memref_slice %arg8[%dma_wait3A_74, %dma_wait3A_75] : memref<800x64xf32, #tpu.memory_space<vmem>> -> memref<80x64xf32, #tpu.memory_space<vmem>>
    %dma_wait3A_77 = arith.constant 0 : i32
    %dma_wait3A_78 = arith.constant 0 : i32
    %dma_wait3A_79 = tpu.memref_slice %arg2[%dma_wait3A_77, %dma_wait3A_78] : memref<80000x64xf32, #tpu.memory_space<hbm>> -> memref<80x64xf32, #tpu.memory_space<hbm>>
    %dma_wait3A_80 = arith.constant 320 : i32
    %dma_wait3A_81 = arith.constant 0 : i32
    %dma_wait3A_82 = tpu.memref_slice %arg8[%dma_wait3A_80, %dma_wait3A_81] : memref<800x64xf32, #tpu.memory_space<vmem>> -> memref<80x64xf32, #tpu.memory_space<vmem>>
    %dma_wait3A_83 = arith.constant 0 : i32
    %dma_wait3A_84 = arith.constant 0 : i32
    %dma_wait3A_85 = tpu.memref_slice %arg2[%dma_wait3A_83, %dma_wait3A_84] : memref<80000x64xf32, #tpu.memory_space<hbm>> -> memref<80x64xf32, #tpu.memory_space<hbm>>
    tpu.wait_dma2 semaphore(%arg20 : memref<!tpu.dma_semaphore, #tpu.memory_space<semaphore_mem>>) src(%dma_wait3A_85 : memref<80x64xf32, #tpu.memory_space<hbm>>) dst(%dma_wait3A_82 : memref<80x64xf32, #tpu.memory_space<vmem>>)
    %dma_start3A = arith.constant 120 : i32
    %dma_start3A_86 = arith.constant 0 : i32
    %dma_start3A_87 = arith.constant 0 : i32
    %dma_start3A_88 = tpu.memref_slice %arg8[%dma_start3A_86, %dma_start3A_87] : memref<800x64xf32, #tpu.memory_space<vmem>> -> memref<80x64xf32, #tpu.memory_space<vmem>>
    %dma_start3A_89 = arith.constant 0 : i32
    %dma_start3A_90 = tpu.memref_slice %arg6[%dma_start3A, %dma_start3A_89] : memref<125x80xi32, #tpu.memory_space<vmem>> -> memref<1x80xi32, #tpu.memory_space<vmem>>
    %dma_start3A_91 = tpu.memref_squeeze %dma_start3A_90 : memref<1x80xi32, #tpu.memory_space<vmem>> -> memref<80xi32, #tpu.memory_space<vmem>>
    %dma_start3A_92 = arith.constant 0 : i32
    %dma_start3A_93 = arith.constant 0 : i32
    %dma_start3A_94 = tpu.memref_slice %arg2[%dma_start3A_92, %dma_start3A_93] : memref<80000x64xf32, #tpu.memory_space<hbm>> -> memref<80000x64xf32, #tpu.memory_space<hbm>>
    tpu.enqueue_indirect_dma source(%dma_start3A_94 : memref<80000x64xf32, #tpu.memory_space<hbm>>) target(%dma_start3A_88 : memref<80x64xf32, #tpu.memory_space<vmem>>) offsets(%dma_start3A_91 : memref<80xi32, #tpu.memory_space<vmem>>) semaphore(%arg10 : memref<!tpu.dma_semaphore, #tpu.memory_space<semaphore_mem>>)
    %dma_start3A_95 = arith.constant 121 : i32
    %dma_start3A_96 = arith.constant 80 : i32
    %dma_start3A_97 = arith.constant 0 : i32
    %dma_start3A_98 = tpu.memref_slice %arg8[%dma_start3A_96, %dma_start3A_97] : memref<800x64xf32, #tpu.memory_space<vmem>> -> memref<80x64xf32, #tpu.memory_space<vmem>>
    %dma_start3A_99 = arith.constant 0 : i32
    %dma_start3A_100 = tpu.memref_slice %arg6[%dma_start3A_95, %dma_start3A_99] : memref<125x80xi32, #tpu.memory_space<vmem>> -> memref<1x80xi32, #tpu.memory_space<vmem>>
    %dma_start3A_101 = tpu.memref_squeeze %dma_start3A_100 : memref<1x80xi32, #tpu.memory_space<vmem>> -> memref<80xi32, #tpu.memory_space<vmem>>
    %dma_start3A_102 = arith.constant 0 : i32
    %dma_start3A_103 = arith.constant 0 : i32
    %dma_start3A_104 = tpu.memref_slice %arg2[%dma_start3A_102, %dma_start3A_103] : memref<80000x64xf32, #tpu.memory_space<hbm>> -> memref<80000x64xf32, #tpu.memory_space<hbm>>
    tpu.enqueue_indirect_dma source(%dma_start3A_104 : memref<80000x64xf32, #tpu.memory_space<hbm>>) target(%dma_start3A_98 : memref<80x64xf32, #tpu.memory_space<vmem>>) offsets(%dma_start3A_101 : memref<80xi32, #tpu.memory_space<vmem>>) semaphore(%arg11 : memref<!tpu.dma_semaphore, #tpu.memory_space<semaphore_mem>>)
    %dma_start3A_105 = arith.constant 122 : i32
    %dma_start3A_106 = arith.constant 160 : i32
    %dma_start3A_107 = arith.constant 0 : i32
    %dma_start3A_108 = tpu.memref_slice %arg8[%dma_start3A_106, %dma_start3A_107] : memref<800x64xf32, #tpu.memory_space<vmem>> -> memref<80x64xf32, #tpu.memory_space<vmem>>
    %dma_start3A_109 = arith.constant 0 : i32
    %dma_start3A_110 = tpu.memref_slice %arg6[%dma_start3A_105, %dma_start3A_109] : memref<125x80xi32, #tpu.memory_space<vmem>> -> memref<1x80xi32, #tpu.memory_space<vmem>>
    %dma_start3A_111 = tpu.memref_squeeze %dma_start3A_110 : memref<1x80xi32, #tpu.memory_space<vmem>> -> memref<80xi32, #tpu.memory_space<vmem>>
    %dma_start3A_112 = arith.constant 0 : i32
    %dma_start3A_113 = arith.constant 0 : i32
    %dma_start3A_114 = tpu.memref_slice %arg2[%dma_start3A_112, %dma_start3A_113] : memref<80000x64xf32, #tpu.memory_space<hbm>> -> memref<80000x64xf32, #tpu.memory_space<hbm>>
    tpu.enqueue_indirect_dma source(%dma_start3A_114 : memref<80000x64xf32, #tpu.memory_space<hbm>>) target(%dma_start3A_108 : memref<80x64xf32, #tpu.memory_space<vmem>>) offsets(%dma_start3A_111 : memref<80xi32, #tpu.memory_space<vmem>>) semaphore(%arg12 : memref<!tpu.dma_semaphore, #tpu.memory_space<semaphore_mem>>)
    %dma_start3A_115 = arith.constant 123 : i32
    %dma_start3A_116 = arith.constant 240 : i32
    %dma_start3A_117 = arith.constant 0 : i32
    %dma_start3A_118 = tpu.memref_slice %arg8[%dma_start3A_116, %dma_start3A_117] : memref<800x64xf32, #tpu.memory_space<vmem>> -> memref<80x64xf32, #tpu.memory_space<vmem>>
    %dma_start3A_119 = arith.constant 0 : i32
    %dma_start3A_120 = tpu.memref_slice %arg6[%dma_start3A_115, %dma_start3A_119] : memref<125x80xi32, #tpu.memory_space<vmem>> -> memref<1x80xi32, #tpu.memory_space<vmem>>
    %dma_start3A_121 = tpu.memref_squeeze %dma_start3A_120 : memref<1x80xi32, #tpu.memory_space<vmem>> -> memref<80xi32, #tpu.memory_space<vmem>>
    %dma_start3A_122 = arith.constant 0 : i32
    %dma_start3A_123 = arith.constant 0 : i32
    %dma_start3A_124 = tpu.memref_slice %arg2[%dma_start3A_122, %dma_start3A_123] : memref<80000x64xf32, #tpu.memory_space<hbm>> -> memref<80000x64xf32, #tpu.memory_space<hbm>>
    tpu.enqueue_indirect_dma source(%dma_start3A_124 : memref<80000x64xf32, #tpu.memory_space<hbm>>) target(%dma_start3A_118 : memref<80x64xf32, #tpu.memory_space<vmem>>) offsets(%dma_start3A_121 : memref<80xi32, #tpu.memory_space<vmem>>) semaphore(%arg13 : memref<!tpu.dma_semaphore, #tpu.memory_space<semaphore_mem>>)
    %dma_start3A_125 = arith.constant 124 : i32
    %dma_start3A_126 = arith.constant 320 : i32
    %dma_start3A_127 = arith.constant 0 : i32
    %dma_start3A_128 = tpu.memref_slice %arg8[%dma_start3A_126, %dma_start3A_127] : memref<800x64xf32, #tpu.memory_space<vmem>> -> memref<80x64xf32, #tpu.memory_space<vmem>>
    %dma_start3A_129 = arith.constant 0 : i32
    %dma_start3A_130 = tpu.memref_slice %arg6[%dma_start3A_125, %dma_start3A_129] : memref<125x80xi32, #tpu.memory_space<vmem>> -> memref<1x80xi32, #tpu.memory_space<vmem>>
    %dma_start3A_131 = tpu.memref_squeeze %dma_start3A_130 : memref<1x80xi32, #tpu.memory_space<vmem>> -> memref<80xi32, #tpu.memory_space<vmem>>
    %dma_start3A_132 = arith.constant 0 : i32
    %dma_start3A_133 = arith.constant 0 : i32
    %dma_start3A_134 = tpu.memref_slice %arg2[%dma_start3A_132, %dma_start3A_133] : memref<80000x64xf32, #tpu.memory_space<hbm>> -> memref<80000x64xf32, #tpu.memory_space<hbm>>
    tpu.enqueue_indirect_dma source(%dma_start3A_134 : memref<80000x64xf32, #tpu.memory_space<hbm>>) target(%dma_start3A_128 : memref<80x64xf32, #tpu.memory_space<vmem>>) offsets(%dma_start3A_131 : memref<80xi32, #tpu.memory_space<vmem>>) semaphore(%arg14 : memref<!tpu.dma_semaphore, #tpu.memory_space<semaphore_mem>>)
    %dma_wait3A_135 = arith.constant 120 : i32
    %dma_wait3A_136 = arith.constant 0 : i32
    %dma_wait3A_137 = arith.constant 0 : i32
    %dma_wait3A_138 = tpu.memref_slice %arg8[%dma_wait3A_136, %dma_wait3A_137] : memref<800x64xf32, #tpu.memory_space<vmem>> -> memref<80x64xf32, #tpu.memory_space<vmem>>
    %dma_wait3A_139 = arith.constant 0 : i32
    %dma_wait3A_140 = tpu.memref_slice %arg6[%dma_wait3A_135, %dma_wait3A_139] : memref<125x80xi32, #tpu.memory_space<vmem>> -> memref<1x80xi32, #tpu.memory_space<vmem>>
    %dma_wait3A_141 = tpu.memref_squeeze %dma_wait3A_140 : memref<1x80xi32, #tpu.memory_space<vmem>> -> memref<80xi32, #tpu.memory_space<vmem>>
    %dma_wait3A_142 = arith.constant 0 : i32
    %dma_wait3A_143 = arith.constant 0 : i32
    %dma_wait3A_144 = tpu.memref_slice %arg2[%dma_wait3A_142, %dma_wait3A_143] : memref<80000x64xf32, #tpu.memory_space<hbm>> -> memref<80000x64xf32, #tpu.memory_space<hbm>>
    tpu.wait_indirect_dma semaphore(%arg10 : memref<!tpu.dma_semaphore, #tpu.memory_space<semaphore_mem>>) src(%dma_wait3A_144 : memref<80000x64xf32, #tpu.memory_space<hbm>>) dst(%dma_wait3A_138 : memref<80x64xf32, #tpu.memory_space<vmem>>)
    %dma_start3A_145 = arith.constant 120 : i32
    %dma_start3A_146 = arith.constant 0 : i32
    %dma_start3A_147 = arith.constant 0 : i32
    %dma_start3A_148 = tpu.memref_slice %arg8[%dma_start3A_146, %dma_start3A_147] : memref<800x64xf32, #tpu.memory_space<vmem>> -> memref<80x64xf32, #tpu.memory_space<vmem>>
    %dma_start3A_149 = arith.constant 0 : i32
    %dma_start3A_150 = tpu.memref_slice %arg7[%dma_start3A_145, %dma_start3A_149] : memref<125x80xi32, #tpu.memory_space<vmem>> -> memref<1x80xi32, #tpu.memory_space<vmem>>
    %dma_start3A_151 = tpu.memref_squeeze %dma_start3A_150 : memref<1x80xi32, #tpu.memory_space<vmem>> -> memref<80xi32, #tpu.memory_space<vmem>>
    %dma_start3A_152 = arith.constant 0 : i32
    %dma_start3A_153 = arith.constant 0 : i32
    %dma_start3A_154 = tpu.memref_slice %arg9[%dma_start3A_152, %dma_start3A_153] : memref<10240x64xf32, #tpu.memory_space<vmem_shared>> -> memref<10240x64xf32, #tpu.memory_space<vmem_shared>>
    tpu.enqueue_indirect_dma source(%dma_start3A_148 : memref<80x64xf32, #tpu.memory_space<vmem>>) target(%dma_start3A_154 : memref<10240x64xf32, #tpu.memory_space<vmem_shared>>) offsets(%dma_start3A_151 : memref<80xi32, #tpu.memory_space<vmem>>) semaphore(%arg20 : memref<!tpu.dma_semaphore, #tpu.memory_space<semaphore_mem>>) {add = true}
    %dma_wait3A_155 = arith.constant 121 : i32
    %dma_wait3A_156 = arith.constant 80 : i32
    %dma_wait3A_157 = arith.constant 0 : i32
    %dma_wait3A_158 = tpu.memref_slice %arg8[%dma_wait3A_156, %dma_wait3A_157] : memref<800x64xf32, #tpu.memory_space<vmem>> -> memref<80x64xf32, #tpu.memory_space<vmem>>
    %dma_wait3A_159 = arith.constant 0 : i32
    %dma_wait3A_160 = tpu.memref_slice %arg6[%dma_wait3A_155, %dma_wait3A_159] : memref<125x80xi32, #tpu.memory_space<vmem>> -> memref<1x80xi32, #tpu.memory_space<vmem>>
    %dma_wait3A_161 = tpu.memref_squeeze %dma_wait3A_160 : memref<1x80xi32, #tpu.memory_space<vmem>> -> memref<80xi32, #tpu.memory_space<vmem>>
    %dma_wait3A_162 = arith.constant 0 : i32
    %dma_wait3A_163 = arith.constant 0 : i32
    %dma_wait3A_164 = tpu.memref_slice %arg2[%dma_wait3A_162, %dma_wait3A_163] : memref<80000x64xf32, #tpu.memory_space<hbm>> -> memref<80000x64xf32, #tpu.memory_space<hbm>>
    tpu.wait_indirect_dma semaphore(%arg11 : memref<!tpu.dma_semaphore, #tpu.memory_space<semaphore_mem>>) src(%dma_wait3A_164 : memref<80000x64xf32, #tpu.memory_space<hbm>>) dst(%dma_wait3A_158 : memref<80x64xf32, #tpu.memory_space<vmem>>)
    %dma_start3A_165 = arith.constant 121 : i32
    %dma_start3A_166 = arith.constant 80 : i32
    %dma_start3A_167 = arith.constant 0 : i32
    %dma_start3A_168 = tpu.memref_slice %arg8[%dma_start3A_166, %dma_start3A_167] : memref<800x64xf32, #tpu.memory_space<vmem>> -> memref<80x64xf32, #tpu.memory_space<vmem>>
    %dma_start3A_169 = arith.constant 0 : i32
    %dma_start3A_170 = tpu.memref_slice %arg7[%dma_start3A_165, %dma_start3A_169] : memref<125x80xi32, #tpu.memory_space<vmem>> -> memref<1x80xi32, #tpu.memory_space<vmem>>
    %dma_start3A_171 = tpu.memref_squeeze %dma_start3A_170 : memref<1x80xi32, #tpu.memory_space<vmem>> -> memref<80xi32, #tpu.memory_space<vmem>>
    %dma_start3A_172 = arith.constant 0 : i32
    %dma_start3A_173 = arith.constant 0 : i32
    %dma_start3A_174 = tpu.memref_slice %arg9[%dma_start3A_172, %dma_start3A_173] : memref<10240x64xf32, #tpu.memory_space<vmem_shared>> -> memref<10240x64xf32, #tpu.memory_space<vmem_shared>>
    tpu.enqueue_indirect_dma source(%dma_start3A_168 : memref<80x64xf32, #tpu.memory_space<vmem>>) target(%dma_start3A_174 : memref<10240x64xf32, #tpu.memory_space<vmem_shared>>) offsets(%dma_start3A_171 : memref<80xi32, #tpu.memory_space<vmem>>) semaphore(%arg20 : memref<!tpu.dma_semaphore, #tpu.memory_space<semaphore_mem>>) {add = true}
    %dma_wait3A_175 = arith.constant 122 : i32
    %dma_wait3A_176 = arith.constant 160 : i32
    %dma_wait3A_177 = arith.constant 0 : i32
    %dma_wait3A_178 = tpu.memref_slice %arg8[%dma_wait3A_176, %dma_wait3A_177] : memref<800x64xf32, #tpu.memory_space<vmem>> -> memref<80x64xf32, #tpu.memory_space<vmem>>
    %dma_wait3A_179 = arith.constant 0 : i32
    %dma_wait3A_180 = tpu.memref_slice %arg6[%dma_wait3A_175, %dma_wait3A_179] : memref<125x80xi32, #tpu.memory_space<vmem>> -> memref<1x80xi32, #tpu.memory_space<vmem>>
    %dma_wait3A_181 = tpu.memref_squeeze %dma_wait3A_180 : memref<1x80xi32, #tpu.memory_space<vmem>> -> memref<80xi32, #tpu.memory_space<vmem>>
    %dma_wait3A_182 = arith.constant 0 : i32
    %dma_wait3A_183 = arith.constant 0 : i32
    %dma_wait3A_184 = tpu.memref_slice %arg2[%dma_wait3A_182, %dma_wait3A_183] : memref<80000x64xf32, #tpu.memory_space<hbm>> -> memref<80000x64xf32, #tpu.memory_space<hbm>>
    tpu.wait_indirect_dma semaphore(%arg12 : memref<!tpu.dma_semaphore, #tpu.memory_space<semaphore_mem>>) src(%dma_wait3A_184 : memref<80000x64xf32, #tpu.memory_space<hbm>>) dst(%dma_wait3A_178 : memref<80x64xf32, #tpu.memory_space<vmem>>)
    %dma_start3A_185 = arith.constant 122 : i32
    %dma_start3A_186 = arith.constant 160 : i32
    %dma_start3A_187 = arith.constant 0 : i32
    %dma_start3A_188 = tpu.memref_slice %arg8[%dma_start3A_186, %dma_start3A_187] : memref<800x64xf32, #tpu.memory_space<vmem>> -> memref<80x64xf32, #tpu.memory_space<vmem>>
    %dma_start3A_189 = arith.constant 0 : i32
    %dma_start3A_190 = tpu.memref_slice %arg7[%dma_start3A_185, %dma_start3A_189] : memref<125x80xi32, #tpu.memory_space<vmem>> -> memref<1x80xi32, #tpu.memory_space<vmem>>
    %dma_start3A_191 = tpu.memref_squeeze %dma_start3A_190 : memref<1x80xi32, #tpu.memory_space<vmem>> -> memref<80xi32, #tpu.memory_space<vmem>>
    %dma_start3A_192 = arith.constant 0 : i32
    %dma_start3A_193 = arith.constant 0 : i32
    %dma_start3A_194 = tpu.memref_slice %arg9[%dma_start3A_192, %dma_start3A_193] : memref<10240x64xf32, #tpu.memory_space<vmem_shared>> -> memref<10240x64xf32, #tpu.memory_space<vmem_shared>>
    tpu.enqueue_indirect_dma source(%dma_start3A_188 : memref<80x64xf32, #tpu.memory_space<vmem>>) target(%dma_start3A_194 : memref<10240x64xf32, #tpu.memory_space<vmem_shared>>) offsets(%dma_start3A_191 : memref<80xi32, #tpu.memory_space<vmem>>) semaphore(%arg20 : memref<!tpu.dma_semaphore, #tpu.memory_space<semaphore_mem>>) {add = true}
    %dma_wait3A_195 = arith.constant 123 : i32
    %dma_wait3A_196 = arith.constant 240 : i32
    %dma_wait3A_197 = arith.constant 0 : i32
    %dma_wait3A_198 = tpu.memref_slice %arg8[%dma_wait3A_196, %dma_wait3A_197] : memref<800x64xf32, #tpu.memory_space<vmem>> -> memref<80x64xf32, #tpu.memory_space<vmem>>
    %dma_wait3A_199 = arith.constant 0 : i32
    %dma_wait3A_200 = tpu.memref_slice %arg6[%dma_wait3A_195, %dma_wait3A_199] : memref<125x80xi32, #tpu.memory_space<vmem>> -> memref<1x80xi32, #tpu.memory_space<vmem>>
    %dma_wait3A_201 = tpu.memref_squeeze %dma_wait3A_200 : memref<1x80xi32, #tpu.memory_space<vmem>> -> memref<80xi32, #tpu.memory_space<vmem>>
    %dma_wait3A_202 = arith.constant 0 : i32
    %dma_wait3A_203 = arith.constant 0 : i32
    %dma_wait3A_204 = tpu.memref_slice %arg2[%dma_wait3A_202, %dma_wait3A_203] : memref<80000x64xf32, #tpu.memory_space<hbm>> -> memref<80000x64xf32, #tpu.memory_space<hbm>>
    tpu.wait_indirect_dma semaphore(%arg13 : memref<!tpu.dma_semaphore, #tpu.memory_space<semaphore_mem>>) src(%dma_wait3A_204 : memref<80000x64xf32, #tpu.memory_space<hbm>>) dst(%dma_wait3A_198 : memref<80x64xf32, #tpu.memory_space<vmem>>)
    %dma_start3A_205 = arith.constant 123 : i32
    %dma_start3A_206 = arith.constant 240 : i32
    %dma_start3A_207 = arith.constant 0 : i32
    %dma_start3A_208 = tpu.memref_slice %arg8[%dma_start3A_206, %dma_start3A_207] : memref<800x64xf32, #tpu.memory_space<vmem>> -> memref<80x64xf32, #tpu.memory_space<vmem>>
    %dma_start3A_209 = arith.constant 0 : i32
    %dma_start3A_210 = tpu.memref_slice %arg7[%dma_start3A_205, %dma_start3A_209] : memref<125x80xi32, #tpu.memory_space<vmem>> -> memref<1x80xi32, #tpu.memory_space<vmem>>
    %dma_start3A_211 = tpu.memref_squeeze %dma_start3A_210 : memref<1x80xi32, #tpu.memory_space<vmem>> -> memref<80xi32, #tpu.memory_space<vmem>>
    %dma_start3A_212 = arith.constant 0 : i32
    %dma_start3A_213 = arith.constant 0 : i32
    %dma_start3A_214 = tpu.memref_slice %arg9[%dma_start3A_212, %dma_start3A_213] : memref<10240x64xf32, #tpu.memory_space<vmem_shared>> -> memref<10240x64xf32, #tpu.memory_space<vmem_shared>>
    tpu.enqueue_indirect_dma source(%dma_start3A_208 : memref<80x64xf32, #tpu.memory_space<vmem>>) target(%dma_start3A_214 : memref<10240x64xf32, #tpu.memory_space<vmem_shared>>) offsets(%dma_start3A_211 : memref<80xi32, #tpu.memory_space<vmem>>) semaphore(%arg20 : memref<!tpu.dma_semaphore, #tpu.memory_space<semaphore_mem>>) {add = true}
    %dma_wait3A_215 = arith.constant 124 : i32
    %dma_wait3A_216 = arith.constant 320 : i32
    %dma_wait3A_217 = arith.constant 0 : i32
    %dma_wait3A_218 = tpu.memref_slice %arg8[%dma_wait3A_216, %dma_wait3A_217] : memref<800x64xf32, #tpu.memory_space<vmem>> -> memref<80x64xf32, #tpu.memory_space<vmem>>
    %dma_wait3A_219 = arith.constant 0 : i32
    %dma_wait3A_220 = tpu.memref_slice %arg6[%dma_wait3A_215, %dma_wait3A_219] : memref<125x80xi32, #tpu.memory_space<vmem>> -> memref<1x80xi32, #tpu.memory_space<vmem>>
    %dma_wait3A_221 = tpu.memref_squeeze %dma_wait3A_220 : memref<1x80xi32, #tpu.memory_space<vmem>> -> memref<80xi32, #tpu.memory_space<vmem>>
    %dma_wait3A_222 = arith.constant 0 : i32
    %dma_wait3A_223 = arith.constant 0 : i32
    %dma_wait3A_224 = tpu.memref_slice %arg2[%dma_wait3A_222, %dma_wait3A_223] : memref<80000x64xf32, #tpu.memory_space<hbm>> -> memref<80000x64xf32, #tpu.memory_space<hbm>>
    tpu.wait_indirect_dma semaphore(%arg14 : memref<!tpu.dma_semaphore, #tpu.memory_space<semaphore_mem>>) src(%dma_wait3A_224 : memref<80000x64xf32, #tpu.memory_space<hbm>>) dst(%dma_wait3A_218 : memref<80x64xf32, #tpu.memory_space<vmem>>)
    %dma_start3A_225 = arith.constant 124 : i32
    %dma_start3A_226 = arith.constant 320 : i32
    %dma_start3A_227 = arith.constant 0 : i32
    %dma_start3A_228 = tpu.memref_slice %arg8[%dma_start3A_226, %dma_start3A_227] : memref<800x64xf32, #tpu.memory_space<vmem>> -> memref<80x64xf32, #tpu.memory_space<vmem>>
    %dma_start3A_229 = arith.constant 0 : i32
    %dma_start3A_230 = tpu.memref_slice %arg7[%dma_start3A_225, %dma_start3A_229] : memref<125x80xi32, #tpu.memory_space<vmem>> -> memref<1x80xi32, #tpu.memory_space<vmem>>
    %dma_start3A_231 = tpu.memref_squeeze %dma_start3A_230 : memref<1x80xi32, #tpu.memory_space<vmem>> -> memref<80xi32, #tpu.memory_space<vmem>>
    %dma_start3A_232 = arith.constant 0 : i32
    %dma_start3A_233 = arith.constant 0 : i32
    %dma_start3A_234 = tpu.memref_slice %arg9[%dma_start3A_232, %dma_start3A_233] : memref<10240x64xf32, #tpu.memory_space<vmem_shared>> -> memref<10240x64xf32, #tpu.memory_space<vmem_shared>>
    tpu.enqueue_indirect_dma source(%dma_start3A_228 : memref<80x64xf32, #tpu.memory_space<vmem>>) target(%dma_start3A_234 : memref<10240x64xf32, #tpu.memory_space<vmem_shared>>) offsets(%dma_start3A_231 : memref<80xi32, #tpu.memory_space<vmem>>) semaphore(%arg20 : memref<!tpu.dma_semaphore, #tpu.memory_space<semaphore_mem>>) {add = true}
    %dma_wait3A_235 = arith.constant 0 : i32
    %dma_wait3A_236 = arith.constant 0 : i32
    %dma_wait3A_237 = tpu.memref_slice %arg8[%dma_wait3A_235, %dma_wait3A_236] : memref<800x64xf32, #tpu.memory_space<vmem>> -> memref<80x64xf32, #tpu.memory_space<vmem>>
    %dma_wait3A_238 = arith.constant 0 : i32
    %dma_wait3A_239 = arith.constant 0 : i32
    %dma_wait3A_240 = tpu.memref_slice %arg2[%dma_wait3A_238, %dma_wait3A_239] : memref<80000x64xf32, #tpu.memory_space<hbm>> -> memref<80x64xf32, #tpu.memory_space<hbm>>
    %dma_wait3A_241 = arith.constant 0 : i32
    %dma_wait3A_242 = arith.constant 0 : i32
    %dma_wait3A_243 = tpu.memref_slice %arg8[%dma_wait3A_241, %dma_wait3A_242] : memref<800x64xf32, #tpu.memory_space<vmem>> -> memref<80x64xf32, #tpu.memory_space<vmem>>
    %dma_wait3A_244 = arith.constant 0 : i32
    %dma_wait3A_245 = arith.constant 0 : i32
    %dma_wait3A_246 = tpu.memref_slice %arg2[%dma_wait3A_244, %dma_wait3A_245] : memref<80000x64xf32, #tpu.memory_space<hbm>> -> memref<80x64xf32, #tpu.memory_space<hbm>>
    tpu.wait_dma2 semaphore(%arg20 : memref<!tpu.dma_semaphore, #tpu.memory_space<semaphore_mem>>) src(%dma_wait3A_246 : memref<80x64xf32, #tpu.memory_space<hbm>>) dst(%dma_wait3A_243 : memref<80x64xf32, #tpu.memory_space<vmem>>)
    %dma_wait3A_247 = arith.constant 80 : i32
    %dma_wait3A_248 = arith.constant 0 : i32
    %dma_wait3A_249 = tpu.memref_slice %arg8[%dma_wait3A_247, %dma_wait3A_248] : memref<800x64xf32, #tpu.memory_space<vmem>> -> memref<80x64xf32, #tpu.memory_space<vmem>>
    %dma_wait3A_250 = arith.constant 0 : i32
    %dma_wait3A_251 = arith.constant 0 : i32
    %dma_wait3A_252 = tpu.memref_slice %arg2[%dma_wait3A_250, %dma_wait3A_251] : memref<80000x64xf32, #tpu.memory_space<hbm>> -> memref<80x64xf32, #tpu.memory_space<hbm>>
    %dma_wait3A_253 = arith.constant 80 : i32
    %dma_wait3A_254 = arith.constant 0 : i32
    %dma_wait3A_255 = tpu.memref_slice %arg8[%dma_wait3A_253, %dma_wait3A_254] : memref<800x64xf32, #tpu.memory_space<vmem>> -> memref<80x64xf32, #tpu.memory_space<vmem>>
    %dma_wait3A_256 = arith.constant 0 : i32
    %dma_wait3A_257 = arith.constant 0 : i32
    %dma_wait3A_258 = tpu.memref_slice %arg2[%dma_wait3A_256, %dma_wait3A_257] : memref<80000x64xf32, #tpu.memory_space<hbm>> -> memref<80x64xf32, #tpu.memory_space<hbm>>
    tpu.wait_dma2 semaphore(%arg20 : memref<!tpu.dma_semaphore, #tpu.memory_space<semaphore_mem>>) src(%dma_wait3A_258 : memref<80x64xf32, #tpu.memory_space<hbm>>) dst(%dma_wait3A_255 : memref<80x64xf32, #tpu.memory_space<vmem>>)
    %dma_wait3A_259 = arith.constant 160 : i32
    %dma_wait3A_260 = arith.constant 0 : i32
    %dma_wait3A_261 = tpu.memref_slice %arg8[%dma_wait3A_259, %dma_wait3A_260] : memref<800x64xf32, #tpu.memory_space<vmem>> -> memref<80x64xf32, #tpu.memory_space<vmem>>
    %dma_wait3A_262 = arith.constant 0 : i32
    %dma_wait3A_263 = arith.constant 0 : i32
    %dma_wait3A_264 = tpu.memref_slice %arg2[%dma_wait3A_262, %dma_wait3A_263] : memref<80000x64xf32, #tpu.memory_space<hbm>> -> memref<80x64xf32, #tpu.memory_space<hbm>>
    %dma_wait3A_265 = arith.constant 160 : i32
    %dma_wait3A_266 = arith.constant 0 : i32
    %dma_wait3A_267 = tpu.memref_slice %arg8[%dma_wait3A_265, %dma_wait3A_266] : memref<800x64xf32, #tpu.memory_space<vmem>> -> memref<80x64xf32, #tpu.memory_space<vmem>>
    %dma_wait3A_268 = arith.constant 0 : i32
    %dma_wait3A_269 = arith.constant 0 : i32
    %dma_wait3A_270 = tpu.memref_slice %arg2[%dma_wait3A_268, %dma_wait3A_269] : memref<80000x64xf32, #tpu.memory_space<hbm>> -> memref<80x64xf32, #tpu.memory_space<hbm>>
    tpu.wait_dma2 semaphore(%arg20 : memref<!tpu.dma_semaphore, #tpu.memory_space<semaphore_mem>>) src(%dma_wait3A_270 : memref<80x64xf32, #tpu.memory_space<hbm>>) dst(%dma_wait3A_267 : memref<80x64xf32, #tpu.memory_space<vmem>>)
    %dma_wait3A_271 = arith.constant 240 : i32
    %dma_wait3A_272 = arith.constant 0 : i32
    %dma_wait3A_273 = tpu.memref_slice %arg8[%dma_wait3A_271, %dma_wait3A_272] : memref<800x64xf32, #tpu.memory_space<vmem>> -> memref<80x64xf32, #tpu.memory_space<vmem>>
    %dma_wait3A_274 = arith.constant 0 : i32
    %dma_wait3A_275 = arith.constant 0 : i32
    %dma_wait3A_276 = tpu.memref_slice %arg2[%dma_wait3A_274, %dma_wait3A_275] : memref<80000x64xf32, #tpu.memory_space<hbm>> -> memref<80x64xf32, #tpu.memory_space<hbm>>
    %dma_wait3A_277 = arith.constant 240 : i32
    %dma_wait3A_278 = arith.constant 0 : i32
    %dma_wait3A_279 = tpu.memref_slice %arg8[%dma_wait3A_277, %dma_wait3A_278] : memref<800x64xf32, #tpu.memory_space<vmem>> -> memref<80x64xf32, #tpu.memory_space<vmem>>
    %dma_wait3A_280 = arith.constant 0 : i32
    %dma_wait3A_281 = arith.constant 0 : i32
    %dma_wait3A_282 = tpu.memref_slice %arg2[%dma_wait3A_280, %dma_wait3A_281] : memref<80000x64xf32, #tpu.memory_space<hbm>> -> memref<80x64xf32, #tpu.memory_space<hbm>>
    tpu.wait_dma2 semaphore(%arg20 : memref<!tpu.dma_semaphore, #tpu.memory_space<semaphore_mem>>) src(%dma_wait3A_282 : memref<80x64xf32, #tpu.memory_space<hbm>>) dst(%dma_wait3A_279 : memref<80x64xf32, #tpu.memory_space<vmem>>)
    %dma_wait3A_283 = arith.constant 320 : i32
    %dma_wait3A_284 = arith.constant 0 : i32
    %dma_wait3A_285 = tpu.memref_slice %arg8[%dma_wait3A_283, %dma_wait3A_284] : memref<800x64xf32, #tpu.memory_space<vmem>> -> memref<80x64xf32, #tpu.memory_space<vmem>>
    %dma_wait3A_286 = arith.constant 0 : i32
    %dma_wait3A_287 = arith.constant 0 : i32
    %dma_wait3A_288 = tpu.memref_slice %arg2[%dma_wait3A_286, %dma_wait3A_287] : memref<80000x64xf32, #tpu.memory_space<hbm>> -> memref<80x64xf32, #tpu.memory_space<hbm>>
    %dma_wait3A_289 = arith.constant 320 : i32
    %dma_wait3A_290 = arith.constant 0 : i32
    %dma_wait3A_291 = tpu.memref_slice %arg8[%dma_wait3A_289, %dma_wait3A_290] : memref<800x64xf32, #tpu.memory_space<vmem>> -> memref<80x64xf32, #tpu.memory_space<vmem>>
    %dma_wait3A_292 = arith.constant 0 : i32
    %dma_wait3A_293 = arith.constant 0 : i32
    %dma_wait3A_294 = tpu.memref_slice %arg2[%dma_wait3A_292, %dma_wait3A_293] : memref<80000x64xf32, #tpu.memory_space<hbm>> -> memref<80x64xf32, #tpu.memory_space<hbm>>
    tpu.wait_dma2 semaphore(%arg20 : memref<!tpu.dma_semaphore, #tpu.memory_space<semaphore_mem>>) src(%dma_wait3A_294 : memref<80x64xf32, #tpu.memory_space<hbm>>) dst(%dma_wait3A_291 : memref<80x64xf32, #tpu.memory_space<vmem>>)
    %dma_wait3A_295 = arith.constant 400 : i32
    %dma_wait3A_296 = arith.constant 0 : i32
    %dma_wait3A_297 = tpu.memref_slice %arg8[%dma_wait3A_295, %dma_wait3A_296] : memref<800x64xf32, #tpu.memory_space<vmem>> -> memref<80x64xf32, #tpu.memory_space<vmem>>
    %dma_wait3A_298 = arith.constant 0 : i32
    %dma_wait3A_299 = arith.constant 0 : i32
    %dma_wait3A_300 = tpu.memref_slice %arg2[%dma_wait3A_298, %dma_wait3A_299] : memref<80000x64xf32, #tpu.memory_space<hbm>> -> memref<80x64xf32, #tpu.memory_space<hbm>>
    %dma_wait3A_301 = arith.constant 400 : i32
    %dma_wait3A_302 = arith.constant 0 : i32
    %dma_wait3A_303 = tpu.memref_slice %arg8[%dma_wait3A_301, %dma_wait3A_302] : memref<800x64xf32, #tpu.memory_space<vmem>> -> memref<80x64xf32, #tpu.memory_space<vmem>>
    %dma_wait3A_304 = arith.constant 0 : i32
    %dma_wait3A_305 = arith.constant 0 : i32
    %dma_wait3A_306 = tpu.memref_slice %arg2[%dma_wait3A_304, %dma_wait3A_305] : memref<80000x64xf32, #tpu.memory_space<hbm>> -> memref<80x64xf32, #tpu.memory_space<hbm>>
    tpu.wait_dma2 semaphore(%arg21 : memref<!tpu.dma_semaphore, #tpu.memory_space<semaphore_mem>>) src(%dma_wait3A_306 : memref<80x64xf32, #tpu.memory_space<hbm>>) dst(%dma_wait3A_303 : memref<80x64xf32, #tpu.memory_space<vmem>>)
    %dma_wait3A_307 = arith.constant 480 : i32
    %dma_wait3A_308 = arith.constant 0 : i32
    %dma_wait3A_309 = tpu.memref_slice %arg8[%dma_wait3A_307, %dma_wait3A_308] : memref<800x64xf32, #tpu.memory_space<vmem>> -> memref<80x64xf32, #tpu.memory_space<vmem>>
    %dma_wait3A_310 = arith.constant 0 : i32
    %dma_wait3A_311 = arith.constant 0 : i32
    %dma_wait3A_312 = tpu.memref_slice %arg2[%dma_wait3A_310, %dma_wait3A_311] : memref<80000x64xf32, #tpu.memory_space<hbm>> -> memref<80x64xf32, #tpu.memory_space<hbm>>
    %dma_wait3A_313 = arith.constant 480 : i32
    %dma_wait3A_314 = arith.constant 0 : i32
    %dma_wait3A_315 = tpu.memref_slice %arg8[%dma_wait3A_313, %dma_wait3A_314] : memref<800x64xf32, #tpu.memory_space<vmem>> -> memref<80x64xf32, #tpu.memory_space<vmem>>
    %dma_wait3A_316 = arith.constant 0 : i32
    %dma_wait3A_317 = arith.constant 0 : i32
    %dma_wait3A_318 = tpu.memref_slice %arg2[%dma_wait3A_316, %dma_wait3A_317] : memref<80000x64xf32, #tpu.memory_space<hbm>> -> memref<80x64xf32, #tpu.memory_space<hbm>>
    tpu.wait_dma2 semaphore(%arg21 : memref<!tpu.dma_semaphore, #tpu.memory_space<semaphore_mem>>) src(%dma_wait3A_318 : memref<80x64xf32, #tpu.memory_space<hbm>>) dst(%dma_wait3A_315 : memref<80x64xf32, #tpu.memory_space<vmem>>)
    %dma_wait3A_319 = arith.constant 560 : i32
    %dma_wait3A_320 = arith.constant 0 : i32
    %dma_wait3A_321 = tpu.memref_slice %arg8[%dma_wait3A_319, %dma_wait3A_320] : memref<800x64xf32, #tpu.memory_space<vmem>> -> memref<80x64xf32, #tpu.memory_space<vmem>>
    %dma_wait3A_322 = arith.constant 0 : i32
    %dma_wait3A_323 = arith.constant 0 : i32
    %dma_wait3A_324 = tpu.memref_slice %arg2[%dma_wait3A_322, %dma_wait3A_323] : memref<80000x64xf32, #tpu.memory_space<hbm>> -> memref<80x64xf32, #tpu.memory_space<hbm>>
    %dma_wait3A_325 = arith.constant 560 : i32
    %dma_wait3A_326 = arith.constant 0 : i32
    %dma_wait3A_327 = tpu.memref_slice %arg8[%dma_wait3A_325, %dma_wait3A_326] : memref<800x64xf32, #tpu.memory_space<vmem>> -> memref<80x64xf32, #tpu.memory_space<vmem>>
    %dma_wait3A_328 = arith.constant 0 : i32
    %dma_wait3A_329 = arith.constant 0 : i32
    %dma_wait3A_330 = tpu.memref_slice %arg2[%dma_wait3A_328, %dma_wait3A_329] : memref<80000x64xf32, #tpu.memory_space<hbm>> -> memref<80x64xf32, #tpu.memory_space<hbm>>
    tpu.wait_dma2 semaphore(%arg21 : memref<!tpu.dma_semaphore, #tpu.memory_space<semaphore_mem>>) src(%dma_wait3A_330 : memref<80x64xf32, #tpu.memory_space<hbm>>) dst(%dma_wait3A_327 : memref<80x64xf32, #tpu.memory_space<vmem>>)
    %dma_wait3A_331 = arith.constant 640 : i32
    %dma_wait3A_332 = arith.constant 0 : i32
    %dma_wait3A_333 = tpu.memref_slice %arg8[%dma_wait3A_331, %dma_wait3A_332] : memref<800x64xf32, #tpu.memory_space<vmem>> -> memref<80x64xf32, #tpu.memory_space<vmem>>
    %dma_wait3A_334 = arith.constant 0 : i32
    %dma_wait3A_335 = arith.constant 0 : i32
    %dma_wait3A_336 = tpu.memref_slice %arg2[%dma_wait3A_334, %dma_wait3A_335] : memref<80000x64xf32, #tpu.memory_space<hbm>> -> memref<80x64xf32, #tpu.memory_space<hbm>>
    %dma_wait3A_337 = arith.constant 640 : i32
    %dma_wait3A_338 = arith.constant 0 : i32
    %dma_wait3A_339 = tpu.memref_slice %arg8[%dma_wait3A_337, %dma_wait3A_338] : memref<800x64xf32, #tpu.memory_space<vmem>> -> memref<80x64xf32, #tpu.memory_space<vmem>>
    %dma_wait3A_340 = arith.constant 0 : i32
    %dma_wait3A_341 = arith.constant 0 : i32
    %dma_wait3A_342 = tpu.memref_slice %arg2[%dma_wait3A_340, %dma_wait3A_341] : memref<80000x64xf32, #tpu.memory_space<hbm>> -> memref<80x64xf32, #tpu.memory_space<hbm>>
    tpu.wait_dma2 semaphore(%arg21 : memref<!tpu.dma_semaphore, #tpu.memory_space<semaphore_mem>>) src(%dma_wait3A_342 : memref<80x64xf32, #tpu.memory_space<hbm>>) dst(%dma_wait3A_339 : memref<80x64xf32, #tpu.memory_space<vmem>>)
    %dma_wait3A_343 = arith.constant 720 : i32
    %dma_wait3A_344 = arith.constant 0 : i32
    %dma_wait3A_345 = tpu.memref_slice %arg8[%dma_wait3A_343, %dma_wait3A_344] : memref<800x64xf32, #tpu.memory_space<vmem>> -> memref<80x64xf32, #tpu.memory_space<vmem>>
    %dma_wait3A_346 = arith.constant 0 : i32
    %dma_wait3A_347 = arith.constant 0 : i32
    %dma_wait3A_348 = tpu.memref_slice %arg2[%dma_wait3A_346, %dma_wait3A_347] : memref<80000x64xf32, #tpu.memory_space<hbm>> -> memref<80x64xf32, #tpu.memory_space<hbm>>
    %dma_wait3A_349 = arith.constant 720 : i32
    %dma_wait3A_350 = arith.constant 0 : i32
    %dma_wait3A_351 = tpu.memref_slice %arg8[%dma_wait3A_349, %dma_wait3A_350] : memref<800x64xf32, #tpu.memory_space<vmem>> -> memref<80x64xf32, #tpu.memory_space<vmem>>
    %dma_wait3A_352 = arith.constant 0 : i32
    %dma_wait3A_353 = arith.constant 0 : i32
    %dma_wait3A_354 = tpu.memref_slice %arg2[%dma_wait3A_352, %dma_wait3A_353] : memref<80000x64xf32, #tpu.memory_space<hbm>> -> memref<80x64xf32, #tpu.memory_space<hbm>>
    tpu.wait_dma2 semaphore(%arg21 : memref<!tpu.dma_semaphore, #tpu.memory_space<semaphore_mem>>) src(%dma_wait3A_354 : memref<80x64xf32, #tpu.memory_space<hbm>>) dst(%dma_wait3A_351 : memref<80x64xf32, #tpu.memory_space<vmem>>)
    %barrier3A_355 = arith.constant 0 : index
    tpu.barrier barrier_id(%barrier3A_355)
    "tpu.region"() ({
      %run_scoped3A = tpu.sem_alloc : memref<!tpu.dma_semaphore, #tpu.memory_space<semaphore_mem>>
      %dma_start3A_356 = arith.constant 0 : i32
      %dma_start3A_357 = tpu.memref_slice %arg5[%arg0, %mul3A_2, %dma_start3A_356] : memref<2x10240x128xf32, #tpu.memory_space<hbm>> -> memref<1x640x64xf32, #tpu.memory_space<hbm>>
      %dma_start3A_358 = tpu.memref_squeeze %dma_start3A_357 : memref<1x640x64xf32, #tpu.memory_space<hbm>> -> memref<640x64xf32, #tpu.memory_space<hbm>>
      %dma_start3A_359 = arith.constant 0 : i32
      %dma_start3A_360 = tpu.memref_slice %arg9[%mul3A_2, %dma_start3A_359] : memref<10240x64xf32, #tpu.memory_space<vmem_shared>> -> memref<640x64xf32, #tpu.memory_space<vmem_shared>>
      tpu.enqueue_dma source(%dma_start3A_360 : memref<640x64xf32, #tpu.memory_space<vmem_shared>>) target(%dma_start3A_358 : memref<640x64xf32, #tpu.memory_space<hbm>>) target_semaphore(%run_scoped3A : memref<!tpu.dma_semaphore, #tpu.memory_space<semaphore_mem>>)
      %dma_wait3A_361 = arith.constant 0 : i32
      %dma_wait3A_362 = tpu.memref_slice %arg5[%arg0, %mul3A_2, %dma_wait3A_361] : memref<2x10240x128xf32, #tpu.memory_space<hbm>> -> memref<1x640x64xf32, #tpu.memory_space<hbm>>
      %dma_wait3A_363 = tpu.memref_squeeze %dma_wait3A_362 : memref<1x640x64xf32, #tpu.memory_space<hbm>> -> memref<640x64xf32, #tpu.memory_space<hbm>>
      %dma_wait3A_364 = arith.constant 0 : i32
      %dma_wait3A_365 = tpu.memref_slice %arg9[%mul3A_2, %dma_wait3A_364] : memref<10240x64xf32, #tpu.memory_space<vmem_shared>> -> memref<640x64xf32, #tpu.memory_space<vmem_shared>>
      tpu.wait_dma2 semaphore(%run_scoped3A : memref<!tpu.dma_semaphore, #tpu.memory_space<semaphore_mem>>) src(%dma_wait3A_365 : memref<640x64xf32, #tpu.memory_space<vmem_shared>>) dst(%dma_wait3A_363 : memref<640x64xf32, #tpu.memory_space<hbm>>)
      tpu.yield
    }) : () -> ()
    return
  }
}

module attributes {stable_mosaic.version = 14 : i64} {
  func.func @_enc_body(%arg0: i32, %arg1: memref<2000x128xf32, #tpu.memory_space<vmem>>, %arg2: memref<128x64xf32, #tpu.memory_space<vmem>>, %arg3: memref<1x64xf32, #tpu.memory_space<vmem>>, %arg4: memref<64x512xf32, #tpu.memory_space<vmem>>, %arg5: memref<2000x64xf32, #tpu.memory_space<vmem>>, %arg6: memref<4x2000x128xf32, #tpu.memory_space<vmem>>) attributes {dimension_semantics = [#tpu.dimension_semantics<arbitrary>], iteration_bounds = array<i64: 5>, scalar_prefetch = 0 : i64, scratch_operands = 0 : i64, tpu.core_type = #tpu.core_type<tc>, window_params = [{transform_indices = @transform_0, window_bounds = array<i64: 2000, 128>}, {pipeline_mode = #tpu.pipeline_mode<synchronous>, transform_indices = @transform_1, window_bounds = array<i64: 128, 64>}, {pipeline_mode = #tpu.pipeline_mode<synchronous>, transform_indices = @transform_2, window_bounds = array<i64: 1, 64>}, {pipeline_mode = #tpu.pipeline_mode<synchronous>, transform_indices = @transform_3, window_bounds = array<i64: 64, 512>}, {transform_indices = @transform_4, window_bounds = array<i64: 2000, 64>}, {transform_indices = @transform_5, window_bounds = array<i64: 4, 2000, 128>}]} {
    %get3A = arith.constant 0 : index
    %get3A_0 = arith.constant 0 : index
    %get3A_1 = vector.load %arg1[%get3A, %get3A_0] : memref<2000x128xf32, #tpu.memory_space<vmem>>, vector<2000x128xf32>
    %get3A_2 = arith.constant 0 : index
    %get3A_3 = arith.constant 0 : index
    %get3A_4 = vector.load %arg2[%get3A_2, %get3A_3] : memref<128x64xf32, #tpu.memory_space<vmem>>, vector<128x64xf32>
    %dot_general3A = arith.constant dense<0.000000e+00> : vector<2000x64xf32>
    %dot_general3A_5 = tpu.matmul %get3A_1, %get3A_4, %dot_general3A {dimension_numbers = #tpu.dot_dimension_numbers<[1], [0], [0], [1], [0, 0, 1, 1], [], []>, transpose_lhs_hint = false} : vector<2000x128xf32>, vector<128x64xf32>, vector<2000x64xf32> -> vector<2000x64xf32>
    %get3A_6 = arith.constant 0 : index
    %get3A_7 = arith.constant 0 : index
    %get3A_8 = vector.load %arg3[%get3A_6, %get3A_7] : memref<1x64xf32, #tpu.memory_space<vmem>>, vector<1x64xf32>
    %add3A = vector.broadcast %get3A_8 : vector<1x64xf32> to vector<2000x64xf32>
    %add3A_9 = arith.addf %dot_general3A_5, %add3A : vector<2000x64xf32>
    %swap3A = arith.constant 0 : index
    %swap3A_10 = arith.constant 0 : index
    %swap3A_11 = vector.load %arg5[%swap3A, %swap3A_10] : memref<2000x64xf32, #tpu.memory_space<vmem>>, vector<2000x64xf32>
    tpu.vector_store %arg5[%swap3A, %swap3A_10], %add3A_9 {strides = array<i32>} : memref<2000x64xf32, #tpu.memory_space<vmem>>, vector<2000x64xf32>,
    %get3A_12 = arith.constant 0 : index
    %get3A_13 = arith.constant 0 : index
    %get3A_14 = vector.load %arg4[%get3A_12, %get3A_13] : memref<64x512xf32, #tpu.memory_space<vmem>>, vector<64x128xf32>
    %dot_general3A_15 = arith.constant dense<0.000000e+00> : vector<2000x128xf32>
    %dot_general3A_16 = tpu.matmul %add3A_9, %get3A_14, %dot_general3A_15 {dimension_numbers = #tpu.dot_dimension_numbers<[1], [0], [0], [1], [0, 0, 1, 1], [], []>, transpose_lhs_hint = false} : vector<2000x64xf32>, vector<64x128xf32>, vector<2000x128xf32> -> vector<2000x128xf32>
    %swap3A_17 = arith.constant 0 : index
    %swap3A_18 = arith.constant 0 : index
    %swap3A_19 = arith.constant 0 : index
    %swap3A_20 = vector.load %arg6[%swap3A_17, %swap3A_18, %swap3A_19] : memref<4x2000x128xf32, #tpu.memory_space<vmem>>, vector<1x2000x128xf32>
    %swap3A_21 = vector.shape_cast %swap3A_20 : vector<1x2000x128xf32> to vector<2000x128xf32>
    %swap3A_22 = vector.shape_cast %dot_general3A_16 : vector<2000x128xf32> to vector<1x2000x128xf32>
    tpu.vector_store %arg6[%swap3A_17, %swap3A_18, %swap3A_19], %swap3A_22 {strides = array<i32>} : memref<4x2000x128xf32, #tpu.memory_space<vmem>>, vector<1x2000x128xf32>,
    %get3A_23 = arith.constant 0 : index
    %get3A_24 = arith.constant 128 : index
    %get3A_25 = vector.load %arg4[%get3A_23, %get3A_24] : memref<64x512xf32, #tpu.memory_space<vmem>>, vector<64x128xf32>
    %dot_general3A_26 = arith.constant dense<0.000000e+00> : vector<2000x128xf32>
    %dot_general3A_27 = tpu.matmul %add3A_9, %get3A_25, %dot_general3A_26 {dimension_numbers = #tpu.dot_dimension_numbers<[1], [0], [0], [1], [0, 0, 1, 1], [], []>, transpose_lhs_hint = false} : vector<2000x64xf32>, vector<64x128xf32>, vector<2000x128xf32> -> vector<2000x128xf32>
    %swap3A_28 = arith.constant 1 : index
    %swap3A_29 = arith.constant 0 : index
    %swap3A_30 = arith.constant 0 : index
    %swap3A_31 = vector.load %arg6[%swap3A_28, %swap3A_29, %swap3A_30] : memref<4x2000x128xf32, #tpu.memory_space<vmem>>, vector<1x2000x128xf32>
    %swap3A_32 = vector.shape_cast %swap3A_31 : vector<1x2000x128xf32> to vector<2000x128xf32>
    %swap3A_33 = vector.shape_cast %dot_general3A_27 : vector<2000x128xf32> to vector<1x2000x128xf32>
    tpu.vector_store %arg6[%swap3A_28, %swap3A_29, %swap3A_30], %swap3A_33 {strides = array<i32>} : memref<4x2000x128xf32, #tpu.memory_space<vmem>>, vector<1x2000x128xf32>,
    %get3A_34 = arith.constant 0 : index
    %get3A_35 = arith.constant 256 : index
    %get3A_36 = vector.load %arg4[%get3A_34, %get3A_35] : memref<64x512xf32, #tpu.memory_space<vmem>>, vector<64x128xf32>
    %dot_general3A_37 = arith.constant dense<0.000000e+00> : vector<2000x128xf32>
    %dot_general3A_38 = tpu.matmul %add3A_9, %get3A_36, %dot_general3A_37 {dimension_numbers = #tpu.dot_dimension_numbers<[1], [0], [0], [1], [0, 0, 1, 1], [], []>, transpose_lhs_hint = false} : vector<2000x64xf32>, vector<64x128xf32>, vector<2000x128xf32> -> vector<2000x128xf32>
    %swap3A_39 = arith.constant 2 : index
    %swap3A_40 = arith.constant 0 : index
    %swap3A_41 = arith.constant 0 : index
    %swap3A_42 = vector.load %arg6[%swap3A_39, %swap3A_40, %swap3A_41] : memref<4x2000x128xf32, #tpu.memory_space<vmem>>, vector<1x2000x128xf32>
    %swap3A_43 = vector.shape_cast %swap3A_42 : vector<1x2000x128xf32> to vector<2000x128xf32>
    %swap3A_44 = vector.shape_cast %dot_general3A_38 : vector<2000x128xf32> to vector<1x2000x128xf32>
    tpu.vector_store %arg6[%swap3A_39, %swap3A_40, %swap3A_41], %swap3A_44 {strides = array<i32>} : memref<4x2000x128xf32, #tpu.memory_space<vmem>>, vector<1x2000x128xf32>,
    %get3A_45 = arith.constant 0 : index
    %get3A_46 = arith.constant 384 : index
    %get3A_47 = vector.load %arg4[%get3A_45, %get3A_46] : memref<64x512xf32, #tpu.memory_space<vmem>>, vector<64x128xf32>
    %dot_general3A_48 = arith.constant dense<0.000000e+00> : vector<2000x128xf32>
    %dot_general3A_49 = tpu.matmul %add3A_9, %get3A_47, %dot_general3A_48 {dimension_numbers = #tpu.dot_dimension_numbers<[1], [0], [0], [1], [0, 0, 1, 1], [], []>, transpose_lhs_hint = false} : vector<2000x64xf32>, vector<64x128xf32>, vector<2000x128xf32> -> vector<2000x128xf32>
    %swap3A_50 = arith.constant 3 : index
    %swap3A_51 = arith.constant 0 : index
    %swap3A_52 = arith.constant 0 : index
    %swap3A_53 = vector.load %arg6[%swap3A_50, %swap3A_51, %swap3A_52] : memref<4x2000x128xf32, #tpu.memory_space<vmem>>, vector<1x2000x128xf32>
    %swap3A_54 = vector.shape_cast %swap3A_53 : vector<1x2000x128xf32> to vector<2000x128xf32>
    %swap3A_55 = vector.shape_cast %dot_general3A_49 : vector<2000x128xf32> to vector<1x2000x128xf32>
    tpu.vector_store %arg6[%swap3A_50, %swap3A_51, %swap3A_52], %swap3A_55 {strides = array<i32>} : memref<4x2000x128xf32, #tpu.memory_space<vmem>>, vector<1x2000x128xf32>,
    return
  }
  func.func @transform_0(%arg0: i32) -> (i32, i32) {
    %c0_i32 = arith.constant 0 : i32
    %c0_i32_0 = arith.constant 0 : i32
    return %arg0, %c0_i32 : i32, i32
  }
  func.func @transform_1(%arg0: i32) -> (i32, i32) {
    %c0_i32 = arith.constant 0 : i32
    %c0_i32_0 = arith.constant 0 : i32
    %c0_i32_1 = arith.constant 0 : i32
    return %c0_i32, %c0_i32_0 : i32, i32
  }
  func.func @transform_2(%arg0: i32) -> (i32, i32) {
    %c0_i32 = arith.constant 0 : i32
    %c0_i32_0 = arith.constant 0 : i32
    %c0_i32_1 = arith.constant 0 : i32
    return %c0_i32, %c0_i32_0 : i32, i32
  }
  func.func @transform_3(%arg0: i32) -> (i32, i32) {
    %c0_i32 = arith.constant 0 : i32
    %c0_i32_0 = arith.constant 0 : i32
    %c0_i32_1 = arith.constant 0 : i32
    return %c0_i32, %c0_i32_0 : i32, i32
  }
  func.func @transform_4(%arg0: i32) -> (i32, i32) {
    %c0_i32 = arith.constant 0 : i32
    %c0_i32_0 = arith.constant 0 : i32
    return %arg0, %c0_i32 : i32, i32
  }
  func.func @transform_5(%arg0: i32) -> (i32, i32, i32) {
    %c0_i32 = arith.constant 0 : i32
    %c0_i32_0 = arith.constant 0 : i32
    %c0_i32_1 = arith.constant 0 : i32
    return %c0_i32, %arg0, %c0_i32_0 : i32, i32, i32
  }
}

module attributes {stable_mosaic.version = 14 : i64} {
  func.func @_mid_body(%arg0: i32, %arg1: memref<1x2000x128xf32, #tpu.memory_space<vmem>>, %arg2: memref<1x2000x128xf32, #tpu.memory_space<vmem>>, %arg3: memref<1x2000x16xf32, #tpu.memory_space<vmem>>, %arg4: memref<1x2000x16xf32, #tpu.memory_space<vmem>>, %arg5: memref<2000x64xf32, #tpu.memory_space<vmem>>, %arg6: memref<64x64xf32, #tpu.memory_space<vmem>>, %arg7: memref<1x64xf32, #tpu.memory_space<vmem>>, %arg8: memref<1x64xf32, #tpu.memory_space<vmem>>, %arg9: memref<1x64xf32, #tpu.memory_space<vmem>>, %arg10: memref<64x512xf32, #tpu.memory_space<vmem>>, %arg11: memref<2000x64xf32, #tpu.memory_space<vmem>>, %arg12: memref<4x2000x128xf32, #tpu.memory_space<vmem>>) attributes {dimension_semantics = [#tpu.dimension_semantics<arbitrary>], iteration_bounds = array<i64: 5>, scalar_prefetch = 0 : i64, scratch_operands = 0 : i64, tpu.core_type = #tpu.core_type<tc>, window_params = [{transform_indices = @transform_0, window_bounds = array<i64: 1, 2000, 128>}, {transform_indices = @transform_1, window_bounds = array<i64: 1, 2000, 128>}, {transform_indices = @transform_2, window_bounds = array<i64: 1, 2000, 16>}, {transform_indices = @transform_3, window_bounds = array<i64: 1, 2000, 16>}, {transform_indices = @transform_4, window_bounds = array<i64: 2000, 64>}, {pipeline_mode = #tpu.pipeline_mode<synchronous>, transform_indices = @transform_5, window_bounds = array<i64: 64, 64>}, {pipeline_mode = #tpu.pipeline_mode<synchronous>, transform_indices = @transform_6, window_bounds = array<i64: 1, 64>}, {pipeline_mode = #tpu.pipeline_mode<synchronous>, transform_indices = @transform_7, window_bounds = array<i64: 1, 64>}, {pipeline_mode = #tpu.pipeline_mode<synchronous>, transform_indices = @transform_8, window_bounds = array<i64: 1, 64>}, {pipeline_mode = #tpu.pipeline_mode<synchronous>, transform_indices = @transform_9, window_bounds = array<i64: 64, 512>}, {transform_indices = @transform_10, window_bounds = array<i64: 2000, 64>}, {transform_indices = @transform_11, window_bounds = array<i64: 4, 2000, 128>}]} {
    %get3A = arith.constant 0 : index
    %get3A_0 = arith.constant 0 : index
    %get3A_1 = arith.constant 0 : index
    %get3A_2 = vector.load %arg3[%get3A, %get3A_0, %get3A_1] : memref<1x2000x16xf32, #tpu.memory_space<vmem>>, vector<1x2000x16xf32>
    %get3A_3 = vector.shape_cast %get3A_2 : vector<1x2000x16xf32> to vector<2000x16xf32>
    %slice3A = vector.extract_strided_slice %get3A_3 {offsets = [0, 0], sizes = [2000, 1], strides = [1, 1]} : vector<2000x16xf32> to vector<2000x1xf32>
    %get3A_4 = arith.constant 0 : index
    %get3A_5 = arith.constant 0 : index
    %get3A_6 = arith.constant 0 : index
    %get3A_7 = vector.load %arg4[%get3A_4, %get3A_5, %get3A_6] : memref<1x2000x16xf32, #tpu.memory_space<vmem>>, vector<1x2000x16xf32>
    %get3A_8 = vector.shape_cast %get3A_7 : vector<1x2000x16xf32> to vector<2000x16xf32>
    %slice3A_9 = vector.extract_strided_slice %get3A_8 {offsets = [0, 0], sizes = [2000, 1], strides = [1, 1]} : vector<2000x16xf32> to vector<2000x1xf32>
    %add3A = arith.addf %slice3A, %slice3A_9 : vector<2000x1xf32>
    %gt3A = arith.constant 0.000000e+00 : f32
    %gt3A_10 = vector.broadcast %gt3A : f32 to vector<2000x1xf32>
    %gt3A_11 = arith.cmpf ogt, %add3A, %gt3A_10 : vector<2000x1xf32>
    %div3A = arith.constant 1.000000e+00 : f32
    %div3A_12 = vector.broadcast %div3A : f32 to vector<2000x1xf32>
    %div3A_13 = arith.divf %div3A_12, %add3A : vector<2000x1xf32>
    %jit3A = arith.constant 0.000000e+00 : f32
    %broadcast_in_dim3A = vector.broadcast %jit3A : f32 to vector<2000x1xf32>
    %select_n3A = arith.select %gt3A_11, %div3A_13, %broadcast_in_dim3A : vector<2000x1xi1>, vector<2000x1xf32>
    %get3A_14 = arith.constant 0 : index
    %get3A_15 = arith.constant 0 : index
    %get3A_16 = arith.constant 0 : index
    %get3A_17 = vector.load %arg1[%get3A_14, %get3A_15, %get3A_16] : memref<1x2000x128xf32, #tpu.memory_space<vmem>>, vector<1x2000x128xf32>
    %get3A_18 = vector.shape_cast %get3A_17 : vector<1x2000x128xf32> to vector<2000x128xf32>
    %slice3A_19 = vector.extract_strided_slice %get3A_18 {offsets = [0, 0], sizes = [2000, 64], strides = [1, 1]} : vector<2000x128xf32> to vector<2000x64xf32>
    %get3A_20 = arith.constant 0 : index
    %get3A_21 = arith.constant 0 : index
    %get3A_22 = arith.constant 0 : index
    %get3A_23 = vector.load %arg2[%get3A_20, %get3A_21, %get3A_22] : memref<1x2000x128xf32, #tpu.memory_space<vmem>>, vector<1x2000x128xf32>
    %get3A_24 = vector.shape_cast %get3A_23 : vector<1x2000x128xf32> to vector<2000x128xf32>
    %slice3A_25 = vector.extract_strided_slice %get3A_24 {offsets = [0, 0], sizes = [2000, 64], strides = [1, 1]} : vector<2000x128xf32> to vector<2000x64xf32>
    %add3A_26 = arith.addf %slice3A_19, %slice3A_25 : vector<2000x64xf32>
    %mul3A = vector.broadcast %select_n3A : vector<2000x1xf32> to vector<2000x64xf32>
    %mul3A_27 = arith.mulf %mul3A, %add3A_26 : vector<2000x64xf32>
    %get3A_28 = arith.constant 0 : index
    %get3A_29 = arith.constant 0 : index
    %get3A_30 = vector.load %arg5[%get3A_28, %get3A_29] : memref<2000x64xf32, #tpu.memory_space<vmem>>, vector<2000x64xf32>
    %get3A_31 = arith.constant 0 : index
    %get3A_32 = arith.constant 0 : index
    %get3A_33 = vector.load %arg6[%get3A_31, %get3A_32] : memref<64x64xf32, #tpu.memory_space<vmem>>, vector<64x64xf32>
    %dot_general3A = arith.constant dense<0.000000e+00> : vector<2000x64xf32>
    %dot_general3A_34 = tpu.matmul %get3A_30, %get3A_33, %dot_general3A {dimension_numbers = #tpu.dot_dimension_numbers<[1], [0], [0], [1], [0, 0, 1, 1], [], []>, transpose_lhs_hint = false} : vector<2000x64xf32>, vector<64x64xf32>, vector<2000x64xf32> -> vector<2000x64xf32>
    %add3A_35 = arith.addf %mul3A_27, %dot_general3A_34 : vector<2000x64xf32>
    %get3A_36 = arith.constant 0 : index
    %get3A_37 = arith.constant 0 : index
    %get3A_38 = vector.load %arg7[%get3A_36, %get3A_37] : memref<1x64xf32, #tpu.memory_space<vmem>>, vector<1x64xf32>
    %add3A_39 = vector.broadcast %get3A_38 : vector<1x64xf32> to vector<2000x64xf32>
    %add3A_40 = arith.addf %add3A_35, %add3A_39 : vector<2000x64xf32>
    %reduce_sum3A = arith.constant dense<0.000000e+00> : vector<2000xf32>
    %reduce_sum3A_41 = vector.multi_reduction <add>, %add3A_40, %reduce_sum3A [1] : vector<2000x64xf32> to vector<2000xf32>
    %broadcast_in_dim3A_42 = vector.shape_cast %reduce_sum3A_41 : vector<2000xf32> to vector<2000x1xf32>
    %div3A_43 = arith.constant 6.400000e+01 : f32
    %div3A_44 = vector.broadcast %div3A_43 : f32 to vector<2000x1xf32>
    %div3A_45 = arith.divf %broadcast_in_dim3A_42, %div3A_44 : vector<2000x1xf32>
    %sub3A = vector.broadcast %div3A_45 : vector<2000x1xf32> to vector<2000x64xf32>
    %sub3A_46 = arith.subf %add3A_40, %sub3A : vector<2000x64xf32>
    %integer_pow3A = arith.mulf %sub3A_46, %sub3A_46 : vector<2000x64xf32>
    %reduce_sum3A_47 = arith.constant dense<0.000000e+00> : vector<2000xf32>
    %reduce_sum3A_48 = vector.multi_reduction <add>, %integer_pow3A, %reduce_sum3A_47 [1] : vector<2000x64xf32> to vector<2000xf32>
    %broadcast_in_dim3A_49 = vector.shape_cast %reduce_sum3A_48 : vector<2000xf32> to vector<2000x1xf32>
    %div3A_50 = arith.constant 6.400000e+01 : f32
    %div3A_51 = vector.broadcast %div3A_50 : f32 to vector<2000x1xf32>
    %div3A_52 = arith.divf %broadcast_in_dim3A_49, %div3A_51 : vector<2000x1xf32>
    %sub3A_53 = vector.broadcast %div3A_45 : vector<2000x1xf32> to vector<2000x64xf32>
    %sub3A_54 = arith.subf %add3A_40, %sub3A_53 : vector<2000x64xf32>
    %add3A_55 = arith.constant 9.99999974E-6 : f32
    %add3A_56 = vector.broadcast %add3A_55 : f32 to vector<2000x1xf32>
    %add3A_57 = arith.addf %div3A_52, %add3A_56 : vector<2000x1xf32>
    %sqrt3A = math.sqrt %add3A_57 : vector<2000x1xf32>
    %div3A_58 = vector.broadcast %sqrt3A : vector<2000x1xf32> to vector<2000x64xf32>
    %div3A_59 = arith.divf %sub3A_54, %div3A_58 : vector<2000x64xf32>
    %get3A_60 = arith.constant 0 : index
    %get3A_61 = arith.constant 0 : index
    %get3A_62 = vector.load %arg8[%get3A_60, %get3A_61] : memref<1x64xf32, #tpu.memory_space<vmem>>, vector<1x64xf32>
    %mul3A_63 = vector.broadcast %get3A_62 : vector<1x64xf32> to vector<2000x64xf32>
    %mul3A_64 = arith.mulf %div3A_59, %mul3A_63 : vector<2000x64xf32>
    %get3A_65 = arith.constant 0 : index
    %get3A_66 = arith.constant 0 : index
    %get3A_67 = vector.load %arg9[%get3A_65, %get3A_66] : memref<1x64xf32, #tpu.memory_space<vmem>>, vector<1x64xf32>
    %add3A_68 = vector.broadcast %get3A_67 : vector<1x64xf32> to vector<2000x64xf32>
    %add3A_69 = arith.addf %mul3A_64, %add3A_68 : vector<2000x64xf32>
    %max3A = arith.constant 0.000000e+00 : f32
    %max3A_70 = vector.broadcast %max3A : f32 to vector<2000x64xf32>
    %max3A_71 = arith.maximumf %add3A_69, %max3A_70 : vector<2000x64xf32>
    %swap3A = arith.constant 0 : index
    %swap3A_72 = arith.constant 0 : index
    %swap3A_73 = vector.load %arg11[%swap3A, %swap3A_72] : memref<2000x64xf32, #tpu.memory_space<vmem>>, vector<2000x64xf32>
    tpu.vector_store %arg11[%swap3A, %swap3A_72], %max3A_71 {strides = array<i32>} : memref<2000x64xf32, #tpu.memory_space<vmem>>, vector<2000x64xf32>,
    %get3A_74 = arith.constant 0 : index
    %get3A_75 = arith.constant 0 : index
    %get3A_76 = vector.load %arg10[%get3A_74, %get3A_75] : memref<64x512xf32, #tpu.memory_space<vmem>>, vector<64x128xf32>
    %dot_general3A_77 = arith.constant dense<0.000000e+00> : vector<2000x128xf32>
    %dot_general3A_78 = tpu.matmul %max3A_71, %get3A_76, %dot_general3A_77 {dimension_numbers = #tpu.dot_dimension_numbers<[1], [0], [0], [1], [0, 0, 1, 1], [], []>, transpose_lhs_hint = false} : vector<2000x64xf32>, vector<64x128xf32>, vector<2000x128xf32> -> vector<2000x128xf32>
    %swap3A_79 = arith.constant 0 : index
    %swap3A_80 = arith.constant 0 : index
    %swap3A_81 = arith.constant 0 : index
    %swap3A_82 = vector.load %arg12[%swap3A_79, %swap3A_80, %swap3A_81] : memref<4x2000x128xf32, #tpu.memory_space<vmem>>, vector<1x2000x128xf32>
    %swap3A_83 = vector.shape_cast %swap3A_82 : vector<1x2000x128xf32> to vector<2000x128xf32>
    %swap3A_84 = vector.shape_cast %dot_general3A_78 : vector<2000x128xf32> to vector<1x2000x128xf32>
    tpu.vector_store %arg12[%swap3A_79, %swap3A_80, %swap3A_81], %swap3A_84 {strides = array<i32>} : memref<4x2000x128xf32, #tpu.memory_space<vmem>>, vector<1x2000x128xf32>,
    %get3A_85 = arith.constant 0 : index
    %get3A_86 = arith.constant 128 : index
    %get3A_87 = vector.load %arg10[%get3A_85, %get3A_86] : memref<64x512xf32, #tpu.memory_space<vmem>>, vector<64x128xf32>
    %dot_general3A_88 = arith.constant dense<0.000000e+00> : vector<2000x128xf32>
    %dot_general3A_89 = tpu.matmul %max3A_71, %get3A_87, %dot_general3A_88 {dimension_numbers = #tpu.dot_dimension_numbers<[1], [0], [0], [1], [0, 0, 1, 1], [], []>, transpose_lhs_hint = false} : vector<2000x64xf32>, vector<64x128xf32>, vector<2000x128xf32> -> vector<2000x128xf32>
    %swap3A_90 = arith.constant 1 : index
    %swap3A_91 = arith.constant 0 : index
    %swap3A_92 = arith.constant 0 : index
    %swap3A_93 = vector.load %arg12[%swap3A_90, %swap3A_91, %swap3A_92] : memref<4x2000x128xf32, #tpu.memory_space<vmem>>, vector<1x2000x128xf32>
    %swap3A_94 = vector.shape_cast %swap3A_93 : vector<1x2000x128xf32> to vector<2000x128xf32>
    %swap3A_95 = vector.shape_cast %dot_general3A_89 : vector<2000x128xf32> to vector<1x2000x128xf32>
    tpu.vector_store %arg12[%swap3A_90, %swap3A_91, %swap3A_92], %swap3A_95 {strides = array<i32>} : memref<4x2000x128xf32, #tpu.memory_space<vmem>>, vector<1x2000x128xf32>,
    %get3A_96 = arith.constant 0 : index
    %get3A_97 = arith.constant 256 : index
    %get3A_98 = vector.load %arg10[%get3A_96, %get3A_97] : memref<64x512xf32, #tpu.memory_space<vmem>>, vector<64x128xf32>
    %dot_general3A_99 = arith.constant dense<0.000000e+00> : vector<2000x128xf32>
    %dot_general3A_100 = tpu.matmul %max3A_71, %get3A_98, %dot_general3A_99 {dimension_numbers = #tpu.dot_dimension_numbers<[1], [0], [0], [1], [0, 0, 1, 1], [], []>, transpose_lhs_hint = false} : vector<2000x64xf32>, vector<64x128xf32>, vector<2000x128xf32> -> vector<2000x128xf32>
    %swap3A_101 = arith.constant 2 : index
    %swap3A_102 = arith.constant 0 : index
    %swap3A_103 = arith.constant 0 : index
    %swap3A_104 = vector.load %arg12[%swap3A_101, %swap3A_102, %swap3A_103] : memref<4x2000x128xf32, #tpu.memory_space<vmem>>, vector<1x2000x128xf32>
    %swap3A_105 = vector.shape_cast %swap3A_104 : vector<1x2000x128xf32> to vector<2000x128xf32>
    %swap3A_106 = vector.shape_cast %dot_general3A_100 : vector<2000x128xf32> to vector<1x2000x128xf32>
    tpu.vector_store %arg12[%swap3A_101, %swap3A_102, %swap3A_103], %swap3A_106 {strides = array<i32>} : memref<4x2000x128xf32, #tpu.memory_space<vmem>>, vector<1x2000x128xf32>,
    %get3A_107 = arith.constant 0 : index
    %get3A_108 = arith.constant 384 : index
    %get3A_109 = vector.load %arg10[%get3A_107, %get3A_108] : memref<64x512xf32, #tpu.memory_space<vmem>>, vector<64x128xf32>
    %dot_general3A_110 = arith.constant dense<0.000000e+00> : vector<2000x128xf32>
    %dot_general3A_111 = tpu.matmul %max3A_71, %get3A_109, %dot_general3A_110 {dimension_numbers = #tpu.dot_dimension_numbers<[1], [0], [0], [1], [0, 0, 1, 1], [], []>, transpose_lhs_hint = false} : vector<2000x64xf32>, vector<64x128xf32>, vector<2000x128xf32> -> vector<2000x128xf32>
    %swap3A_112 = arith.constant 3 : index
    %swap3A_113 = arith.constant 0 : index
    %swap3A_114 = arith.constant 0 : index
    %swap3A_115 = vector.load %arg12[%swap3A_112, %swap3A_113, %swap3A_114] : memref<4x2000x128xf32, #tpu.memory_space<vmem>>, vector<1x2000x128xf32>
    %swap3A_116 = vector.shape_cast %swap3A_115 : vector<1x2000x128xf32> to vector<2000x128xf32>
    %swap3A_117 = vector.shape_cast %dot_general3A_111 : vector<2000x128xf32> to vector<1x2000x128xf32>
    tpu.vector_store %arg12[%swap3A_112, %swap3A_113, %swap3A_114], %swap3A_117 {strides = array<i32>} : memref<4x2000x128xf32, #tpu.memory_space<vmem>>, vector<1x2000x128xf32>,
    return
  }
  func.func @transform_0(%arg0: i32) -> (i32, i32, i32) {
    %c0_i32 = arith.constant 0 : i32
    %c0_i32_0 = arith.constant 0 : i32
    %c0_i32_1 = arith.constant 0 : i32
    return %c0_i32, %arg0, %c0_i32_0 : i32, i32, i32
  }
  func.func @transform_1(%arg0: i32) -> (i32, i32, i32) {
    %c1_i32 = arith.constant 1 : i32
    %c0_i32 = arith.constant 0 : i32
    %c0_i32_0 = arith.constant 0 : i32
    return %c1_i32, %arg0, %c0_i32 : i32, i32, i32
  }
  func.func @transform_2(%arg0: i32) -> (i32, i32, i32) {
    %c0_i32 = arith.constant 0 : i32
    %c0_i32_0 = arith.constant 0 : i32
    %c0_i32_1 = arith.constant 0 : i32
    return %c0_i32, %arg0, %c0_i32_0 : i32, i32, i32
  }
  func.func @transform_3(%arg0: i32) -> (i32, i32, i32) {
    %c1_i32 = arith.constant 1 : i32
    %c0_i32 = arith.constant 0 : i32
    %c0_i32_0 = arith.constant 0 : i32
    return %c1_i32, %arg0, %c0_i32 : i32, i32, i32
  }
  func.func @transform_4(%arg0: i32) -> (i32, i32) {
    %c0_i32 = arith.constant 0 : i32
    %c0_i32_0 = arith.constant 0 : i32
    return %arg0, %c0_i32 : i32, i32
  }
  func.func @transform_5(%arg0: i32) -> (i32, i32) {
    %c0_i32 = arith.constant 0 : i32
    %c0_i32_0 = arith.constant 0 : i32
    %c0_i32_1 = arith.constant 0 : i32
    return %c0_i32, %c0_i32_0 : i32, i32
  }
  func.func @transform_6(%arg0: i32) -> (i32, i32) {
    %c0_i32 = arith.constant 0 : i32
    %c0_i32_0 = arith.constant 0 : i32
    %c0_i32_1 = arith.constant 0 : i32
    return %c0_i32, %c0_i32_0 : i32, i32
  }
  func.func @transform_7(%arg0: i32) -> (i32, i32) {
    %c0_i32 = arith.constant 0 : i32
    %c0_i32_0 = arith.constant 0 : i32
    %c0_i32_1 = arith.constant 0 : i32
    return %c0_i32, %c0_i32_0 : i32, i32
  }
  func.func @transform_8(%arg0: i32) -> (i32, i32) {
    %c0_i32 = arith.constant 0 : i32
    %c0_i32_0 = arith.constant 0 : i32
    %c0_i32_1 = arith.constant 0 : i32
    return %c0_i32, %c0_i32_0 : i32, i32
  }
  func.func @transform_9(%arg0: i32) -> (i32, i32) {
    %c0_i32 = arith.constant 0 : i32
    %c0_i32_0 = arith.constant 0 : i32
    %c0_i32_1 = arith.constant 0 : i32
    return %c0_i32, %c0_i32_0 : i32, i32
  }
  func.func @transform_10(%arg0: i32) -> (i32, i32) {
    %c0_i32 = arith.constant 0 : i32
    %c0_i32_0 = arith.constant 0 : i32
    return %arg0, %c0_i32 : i32, i32
  }
  func.func @transform_11(%arg0: i32) -> (i32, i32, i32) {
    %c0_i32 = arith.constant 0 : i32
    %c0_i32_0 = arith.constant 0 : i32
    %c0_i32_1 = arith.constant 0 : i32
    return %c0_i32, %arg0, %c0_i32_0 : i32, i32, i32
  }
}

module attributes {stable_mosaic.version = 14 : i64} {
  func.func @_fin_body(%arg0: i32, %arg1: memref<1x2000x128xf32, #tpu.memory_space<vmem>>, %arg2: memref<1x2000x128xf32, #tpu.memory_space<vmem>>, %arg3: memref<1x2000x16xf32, #tpu.memory_space<vmem>>, %arg4: memref<1x2000x16xf32, #tpu.memory_space<vmem>>, %arg5: memref<2000x64xf32, #tpu.memory_space<vmem>>, %arg6: memref<64x64xf32, #tpu.memory_space<vmem>>, %arg7: memref<1x64xf32, #tpu.memory_space<vmem>>, %arg8: memref<1x64xf32, #tpu.memory_space<vmem>>, %arg9: memref<1x64xf32, #tpu.memory_space<vmem>>, %arg10: memref<2000x64xf32, #tpu.memory_space<vmem>>) attributes {dimension_semantics = [#tpu.dimension_semantics<arbitrary>], iteration_bounds = array<i64: 5>, scalar_prefetch = 0 : i64, scratch_operands = 0 : i64, tpu.core_type = #tpu.core_type<tc>, window_params = [{transform_indices = @transform_0, window_bounds = array<i64: 1, 2000, 128>}, {transform_indices = @transform_1, window_bounds = array<i64: 1, 2000, 128>}, {transform_indices = @transform_2, window_bounds = array<i64: 1, 2000, 16>}, {transform_indices = @transform_3, window_bounds = array<i64: 1, 2000, 16>}, {transform_indices = @transform_4, window_bounds = array<i64: 2000, 64>}, {pipeline_mode = #tpu.pipeline_mode<synchronous>, transform_indices = @transform_5, window_bounds = array<i64: 64, 64>}, {pipeline_mode = #tpu.pipeline_mode<synchronous>, transform_indices = @transform_6, window_bounds = array<i64: 1, 64>}, {pipeline_mode = #tpu.pipeline_mode<synchronous>, transform_indices = @transform_7, window_bounds = array<i64: 1, 64>}, {pipeline_mode = #tpu.pipeline_mode<synchronous>, transform_indices = @transform_8, window_bounds = array<i64: 1, 64>}, {transform_indices = @transform_9, window_bounds = array<i64: 2000, 64>}]} {
    %get3A = arith.constant 0 : index
    %get3A_0 = arith.constant 0 : index
    %get3A_1 = arith.constant 0 : index
    %get3A_2 = vector.load %arg3[%get3A, %get3A_0, %get3A_1] : memref<1x2000x16xf32, #tpu.memory_space<vmem>>, vector<1x2000x16xf32>
    %get3A_3 = vector.shape_cast %get3A_2 : vector<1x2000x16xf32> to vector<2000x16xf32>
    %slice3A = vector.extract_strided_slice %get3A_3 {offsets = [0, 0], sizes = [2000, 1], strides = [1, 1]} : vector<2000x16xf32> to vector<2000x1xf32>
    %get3A_4 = arith.constant 0 : index
    %get3A_5 = arith.constant 0 : index
    %get3A_6 = arith.constant 0 : index
    %get3A_7 = vector.load %arg4[%get3A_4, %get3A_5, %get3A_6] : memref<1x2000x16xf32, #tpu.memory_space<vmem>>, vector<1x2000x16xf32>
    %get3A_8 = vector.shape_cast %get3A_7 : vector<1x2000x16xf32> to vector<2000x16xf32>
    %slice3A_9 = vector.extract_strided_slice %get3A_8 {offsets = [0, 0], sizes = [2000, 1], strides = [1, 1]} : vector<2000x16xf32> to vector<2000x1xf32>
    %add3A = arith.addf %slice3A, %slice3A_9 : vector<2000x1xf32>
    %gt3A = arith.constant 0.000000e+00 : f32
    %gt3A_10 = vector.broadcast %gt3A : f32 to vector<2000x1xf32>
    %gt3A_11 = arith.cmpf ogt, %add3A, %gt3A_10 : vector<2000x1xf32>
    %div3A = arith.constant 1.000000e+00 : f32
    %div3A_12 = vector.broadcast %div3A : f32 to vector<2000x1xf32>
    %div3A_13 = arith.divf %div3A_12, %add3A : vector<2000x1xf32>
    %jit3A = arith.constant 0.000000e+00 : f32
    %broadcast_in_dim3A = vector.broadcast %jit3A : f32 to vector<2000x1xf32>
    %select_n3A = arith.select %gt3A_11, %div3A_13, %broadcast_in_dim3A : vector<2000x1xi1>, vector<2000x1xf32>
    %get3A_14 = arith.constant 0 : index
    %get3A_15 = arith.constant 0 : index
    %get3A_16 = arith.constant 0 : index
    %get3A_17 = vector.load %arg1[%get3A_14, %get3A_15, %get3A_16] : memref<1x2000x128xf32, #tpu.memory_space<vmem>>, vector<1x2000x128xf32>
    %get3A_18 = vector.shape_cast %get3A_17 : vector<1x2000x128xf32> to vector<2000x128xf32>
    %slice3A_19 = vector.extract_strided_slice %get3A_18 {offsets = [0, 0], sizes = [2000, 64], strides = [1, 1]} : vector<2000x128xf32> to vector<2000x64xf32>
    %get3A_20 = arith.constant 0 : index
    %get3A_21 = arith.constant 0 : index
    %get3A_22 = arith.constant 0 : index
    %get3A_23 = vector.load %arg2[%get3A_20, %get3A_21, %get3A_22] : memref<1x2000x128xf32, #tpu.memory_space<vmem>>, vector<1x2000x128xf32>
    %get3A_24 = vector.shape_cast %get3A_23 : vector<1x2000x128xf32> to vector<2000x128xf32>
    %slice3A_25 = vector.extract_strided_slice %get3A_24 {offsets = [0, 0], sizes = [2000, 64], strides = [1, 1]} : vector<2000x128xf32> to vector<2000x64xf32>
    %add3A_26 = arith.addf %slice3A_19, %slice3A_25 : vector<2000x64xf32>
    %mul3A = vector.broadcast %select_n3A : vector<2000x1xf32> to vector<2000x64xf32>
    %mul3A_27 = arith.mulf %mul3A, %add3A_26 : vector<2000x64xf32>
    %get3A_28 = arith.constant 0 : index
    %get3A_29 = arith.constant 0 : index
    %get3A_30 = vector.load %arg5[%get3A_28, %get3A_29] : memref<2000x64xf32, #tpu.memory_space<vmem>>, vector<2000x64xf32>
    %get3A_31 = arith.constant 0 : index
    %get3A_32 = arith.constant 0 : index
    %get3A_33 = vector.load %arg6[%get3A_31, %get3A_32] : memref<64x64xf32, #tpu.memory_space<vmem>>, vector<64x64xf32>
    %dot_general3A = arith.constant dense<0.000000e+00> : vector<2000x64xf32>
    %dot_general3A_34 = tpu.matmul %get3A_30, %get3A_33, %dot_general3A {dimension_numbers = #tpu.dot_dimension_numbers<[1], [0], [0], [1], [0, 0, 1, 1], [], []>, transpose_lhs_hint = false} : vector<2000x64xf32>, vector<64x64xf32>, vector<2000x64xf32> -> vector<2000x64xf32>
    %add3A_35 = arith.addf %mul3A_27, %dot_general3A_34 : vector<2000x64xf32>
    %get3A_36 = arith.constant 0 : index
    %get3A_37 = arith.constant 0 : index
    %get3A_38 = vector.load %arg7[%get3A_36, %get3A_37] : memref<1x64xf32, #tpu.memory_space<vmem>>, vector<1x64xf32>
    %add3A_39 = vector.broadcast %get3A_38 : vector<1x64xf32> to vector<2000x64xf32>
    %add3A_40 = arith.addf %add3A_35, %add3A_39 : vector<2000x64xf32>
    %reduce_sum3A = arith.constant dense<0.000000e+00> : vector<2000xf32>
    %reduce_sum3A_41 = vector.multi_reduction <add>, %add3A_40, %reduce_sum3A [1] : vector<2000x64xf32> to vector<2000xf32>
    %broadcast_in_dim3A_42 = vector.shape_cast %reduce_sum3A_41 : vector<2000xf32> to vector<2000x1xf32>
    %div3A_43 = arith.constant 6.400000e+01 : f32
    %div3A_44 = vector.broadcast %div3A_43 : f32 to vector<2000x1xf32>
    %div3A_45 = arith.divf %broadcast_in_dim3A_42, %div3A_44 : vector<2000x1xf32>
    %sub3A = vector.broadcast %div3A_45 : vector<2000x1xf32> to vector<2000x64xf32>
    %sub3A_46 = arith.subf %add3A_40, %sub3A : vector<2000x64xf32>
    %integer_pow3A = arith.mulf %sub3A_46, %sub3A_46 : vector<2000x64xf32>
    %reduce_sum3A_47 = arith.constant dense<0.000000e+00> : vector<2000xf32>
    %reduce_sum3A_48 = vector.multi_reduction <add>, %integer_pow3A, %reduce_sum3A_47 [1] : vector<2000x64xf32> to vector<2000xf32>
    %broadcast_in_dim3A_49 = vector.shape_cast %reduce_sum3A_48 : vector<2000xf32> to vector<2000x1xf32>
    %div3A_50 = arith.constant 6.400000e+01 : f32
    %div3A_51 = vector.broadcast %div3A_50 : f32 to vector<2000x1xf32>
    %div3A_52 = arith.divf %broadcast_in_dim3A_49, %div3A_51 : vector<2000x1xf32>
    %sub3A_53 = vector.broadcast %div3A_45 : vector<2000x1xf32> to vector<2000x64xf32>
    %sub3A_54 = arith.subf %add3A_40, %sub3A_53 : vector<2000x64xf32>
    %add3A_55 = arith.constant 9.99999974E-6 : f32
    %add3A_56 = vector.broadcast %add3A_55 : f32 to vector<2000x1xf32>
    %add3A_57 = arith.addf %div3A_52, %add3A_56 : vector<2000x1xf32>
    %sqrt3A = math.sqrt %add3A_57 : vector<2000x1xf32>
    %div3A_58 = vector.broadcast %sqrt3A : vector<2000x1xf32> to vector<2000x64xf32>
    %div3A_59 = arith.divf %sub3A_54, %div3A_58 : vector<2000x64xf32>
    %get3A_60 = arith.constant 0 : index
    %get3A_61 = arith.constant 0 : index
    %get3A_62 = vector.load %arg8[%get3A_60, %get3A_61] : memref<1x64xf32, #tpu.memory_space<vmem>>, vector<1x64xf32>
    %mul3A_63 = vector.broadcast %get3A_62 : vector<1x64xf32> to vector<2000x64xf32>
    %mul3A_64 = arith.mulf %div3A_59, %mul3A_63 : vector<2000x64xf32>
    %get3A_65 = arith.constant 0 : index
    %get3A_66 = arith.constant 0 : index
    %get3A_67 = vector.load %arg9[%get3A_65, %get3A_66] : memref<1x64xf32, #tpu.memory_space<vmem>>, vector<1x64xf32>
    %add3A_68 = vector.broadcast %get3A_67 : vector<1x64xf32> to vector<2000x64xf32>
    %add3A_69 = arith.addf %mul3A_64, %add3A_68 : vector<2000x64xf32>
    %swap3A = arith.constant 0 : index
    %swap3A_70 = arith.constant 0 : index
    %swap3A_71 = vector.load %arg10[%swap3A, %swap3A_70] : memref<2000x64xf32, #tpu.memory_space<vmem>>, vector<2000x64xf32>
    tpu.vector_store %arg10[%swap3A, %swap3A_70], %add3A_69 {strides = array<i32>} : memref<2000x64xf32, #tpu.memory_space<vmem>>, vector<2000x64xf32>,
    return
  }
  func.func @transform_0(%arg0: i32) -> (i32, i32, i32) {
    %c0_i32 = arith.constant 0 : i32
    %c0_i32_0 = arith.constant 0 : i32
    %c0_i32_1 = arith.constant 0 : i32
    return %c0_i32, %arg0, %c0_i32_0 : i32, i32, i32
  }
  func.func @transform_1(%arg0: i32) -> (i32, i32, i32) {
    %c1_i32 = arith.constant 1 : i32
    %c0_i32 = arith.constant 0 : i32
    %c0_i32_0 = arith.constant 0 : i32
    return %c1_i32, %arg0, %c0_i32 : i32, i32, i32
  }
  func.func @transform_2(%arg0: i32) -> (i32, i32, i32) {
    %c0_i32 = arith.constant 0 : i32
    %c0_i32_0 = arith.constant 0 : i32
    %c0_i32_1 = arith.constant 0 : i32
    return %c0_i32, %arg0, %c0_i32_0 : i32, i32, i32
  }
  func.func @transform_3(%arg0: i32) -> (i32, i32, i32) {
    %c1_i32 = arith.constant 1 : i32
    %c0_i32 = arith.constant 0 : i32
    %c0_i32_0 = arith.constant 0 : i32
    return %c1_i32, %arg0, %c0_i32 : i32, i32, i32
  }
  func.func @transform_4(%arg0: i32) -> (i32, i32) {
    %c0_i32 = arith.constant 0 : i32
    %c0_i32_0 = arith.constant 0 : i32
    return %arg0, %c0_i32 : i32, i32
  }
  func.func @transform_5(%arg0: i32) -> (i32, i32) {
    %c0_i32 = arith.constant 0 : i32
    %c0_i32_0 = arith.constant 0 : i32
    %c0_i32_1 = arith.constant 0 : i32
    return %c0_i32, %c0_i32_0 : i32, i32
  }
  func.func @transform_6(%arg0: i32) -> (i32, i32) {
    %c0_i32 = arith.constant 0 : i32
    %c0_i32_0 = arith.constant 0 : i32
    %c0_i32_1 = arith.constant 0 : i32
    return %c0_i32, %c0_i32_0 : i32, i32
  }
  func.func @transform_7(%arg0: i32) -> (i32, i32) {
    %c0_i32 = arith.constant 0 : i32
    %c0_i32_0 = arith.constant 0 : i32
    %c0_i32_1 = arith.constant 0 : i32
    return %c0_i32, %c0_i32_0 : i32, i32
  }
  func.func @transform_8(%arg0: i32) -> (i32, i32) {
    %c0_i32 = arith.constant 0 : i32
    %c0_i32_0 = arith.constant 0 : i32
    %c0_i32_1 = arith.constant 0 : i32
    return %c0_i32, %c0_i32_0 : i32, i32
  }
  func.func @transform_9(%arg0: i32) -> (i32, i32) {
    %c0_i32 = arith.constant 0 : i32
    %c0_i32_0 = arith.constant 0 : i32
    return %arg0, %c0_i32 : i32, i32
  }
}

</mosaic_0001>

<sc_bundles>
// kernel: kernel.11.cloned.1.call-start
scs
__scs_entry_jumppad:
0x0: {  	(pc) =	sbr.rel $0x88, $3  }
0x1: {  	(tag) =	ssettag $0x0;
	lr =	simm.s32 $0x1  }
0x2: {  	[smem:$0x3F91] =	sst lr;
	_ =	strace $0xD0000000  }
0x3: {  	_ = 	snop  }
0x4: {  	_ = 	snop  }
0x5: {  	_ = 	snop  }
0x6: {  	_ = 	snop  }
0x7: {  	_ = 	snop  }
__scs_overlays_trampoline_lowered:
0x8: {  	[smem:$0x3FA0] =	sst s0  }
0x9: {  	[smem:$0x3FA1] =	sst s1  }
0xa: {  	[smem:$0x3FA2] =	sst s2  }
0xb: {  	[smem:$0x3FA3] =	sst s3  }
0xc: {  	[smem:$0x3FA4] =	sst s4  }
0xd: {  	[smem:$0x3FA5] =	sst s5  }
0xe: {  	[smem:$0x3FA6] =	sst s6  }
0xf: {  	[smem:$0x3FA7] =	sst s7  }
0x10: {  	[smem:$0x3FA8] =	sst s8  }
0x11: {  	[smem:$0x3FA9] =	sst s9;
	s0 =	simm.s32 @!p0 $0x0  }
0x12: {  	s1 =	sld [smem:$0x3F8F];
	s0 =	simm.s32 @p0 $0x1  }
0x13: {  	[smem:$0x3FAA] =	sst s0;
	s0 =	simm.s32 @!p1 $0x0  }
0x14: {  	s2 =	sld [smem:$0x3F8E];
	s0 =	simm.s32 @p1 $0x1  }
0x15: {  	[smem:$0x3FAB] =	sst s0;
	s0 =	simm.s32 @!p2 $0x0  }
0x16: {  	s3 =	sld [smem:$0x3FDB];
	s0 =	simm.s32 @p2 $0x1  }
0x17: {  	s4 =	simm.s32 $0x1BF5;
	[smem:$0x3FAD] =	sst s0  }
0x18: {  	s0 =	sld [smem:$0x3F90];
	_ =	swait.ge [sflag:s4], $0x0  }
0x19: {  	s7 =	sld [smem:$0x3F91]  }
0x1a: {  	s8 =	sadd.s32 $0xFFFFE003, lr  }
0x1b: {  	s9 =	sadd.s32 $0xFFFFFEF7, lr;
	s5 =	simm.s32 $0xFFFFFFFF;
	p2 =	slt.u32 s8, $0xFFFFF086  }
0x1c: {  	p1 =	slt.u32 s9, $0xF7A;
	s5 =	simm.s32 @!p2 $0x0  }
0x1d: {  	s5 =	simm.s32 @p1 $0x1;
	p0 =	seq.s32 s7, s2  }
0x1e: {  	s7 =	smul.u32 @!p0 $0xF7A, s2;
	p2 =	seq.s32 @!p0 s5, $0x0  }
0x1f: {  	s9 =	smul.u32 $0xF7A, s1;
	s8 =	simm.s32 @!p0 $0x1BF5;
	p2 =	por !p2, p0  }
0x20: {  	[sflag:s8] =	ssyncset.s32 @!p0 $0xFFFFF086;
	s6 =	sadd.s32 @!p0 s3, s7;
	s7 =	simm.s32 @!p0 $0x108  }
0x21: {  	s3 =	sadd.s32 s3, s9;
	s6 =	sadd.s32 @!p0 $0x88, s6;
	s7 =	simm.s32 @p2 $0x1082  }
0x22: {  	[simem:s7], [sflag:s8] =	dma.local @!p0 [hbm:s6], $0xF7A  }
0x23: {  	s9 =	sor.u32 $0xD0000000, s2;
	s6 =	simm.s32 $0x108;
	_ =	swait.ge @!p0 [sflag:s8], $0x0  }
0x24: {  	s3 =	sadd.s32 $0x88, s3;
	s6 =	simm.s32 @!p1 $0x1082;
	[sflag:s4] =	ssyncset.s32 $0xFFFFF086  }
0x25: {  	[simem:s6], [sflag:s4] =	dma.local [hbm:s3], $0xF7A  }
0x26: {  	[smem:$0x3F91] =	sst s1;
	(tag) =	ssettag s2;
	_ =	strace s9  }
0x27: {  	s1 =	sld [smem:$0x3FA1]  }
0x28: {  	s2 =	sld [smem:$0x3FA2]  }
0x29: {  	s4 =	sld [smem:$0x3FA4]  }
0x2a: {  	p0 =	seq.s32 s5, $0x0;
	s5 =	sld [smem:$0x3FA5]  }
0x2b: {  	s6 =	sld [smem:$0x3FA6]  }
0x2c: {  	s7 =	sld [smem:$0x3FA7]  }
0x2d: {  	s3 =	simm.s32 $0x108;
	s8 =	sld [smem:$0x3FA8]  }
0x2e: {  	s3 =	simm.s32 @!p0 $0x1082;
	s9 =	sld [smem:$0x3FA9]  }
0x2f: {  	lr =	sadd.s32 s0, s3;
	s0 =	sld [smem:$0x3FA0]  }
0x30: {  	s3 =	sld [smem:$0x3FA3]  }
0x31: {  	[smem:$0x3FAC] =	sst s10  }
0x32: {  	s10 =	sld [smem:$0x3FAA];
	_ =	sdelay $0x3  }
0x33: {  	p0 =	seq.s32 s10, $0x1;
	s10 =	sld [smem:$0x3FAC];
	_ =	sdelay $0x3  }
0x34: {  	[smem:$0x3FAC] =	sst s10  }
0x35: {  	s10 =	sld [smem:$0x3FAB];
	_ =	sdelay $0x3  }
0x36: {  	p1 =	seq.s32 s10, $0x1;
	s10 =	sld [smem:$0x3FAC];
	_ =	sdelay $0x3  }
0x37: {  	[smem:$0x3FAC] =	sst s10  }
0x38: {  	s10 =	sld [smem:$0x3FAD]  }
0x39: {  	_ = 	snop;
	(pc) =	sbr.ind lr, $3  }
0x3a: {  	_ = 	snop  }
0x3b: {  	_ = 	snop  }
0x3c: {  	p2 =	seq.s32 s10, $0x1;
	s10 =	sld [smem:$0x3FAC]  }
0x3d: {  	_ =	shalt  }
0x3e: {  	_ =	shalt  }
0x3f: {  	_ =	shalt  }
0x40: {  	_ =	shalt  }
0x41: {  	_ =	shalt  }
0x42: {  	_ =	shalt  }
0x43: {  	_ =	shalt  }
0x44: {  	_ =	shalt  }
0x45: {  	_ =	shalt  }
0x46: {  	_ =	shalt  }
0x47: {  	_ =	shalt  }
0x48: {  	_ =	shalt  }
0x49: {  	_ =	shalt  }
0x4a: {  	_ =	shalt  }
0x4b: {  	_ =	shalt  }
0x4c: {  	_ =	shalt  }
0x4d: {  	_ =	shalt  }
0x4e: {  	_ =	shalt  }
0x4f: {  	_ =	shalt  }
0x50: {  	_ =	shalt  }
0x51: {  	_ =	shalt  }
0x52: {  	_ =	shalt  }
0x53: {  	_ =	shalt  }
0x54: {  	_ =	shalt  }
0x55: {  	_ =	shalt  }
0x56: {  	_ =	shalt  }
0x57: {  	_ =	shalt  }
0x58: {  	_ =	shalt  }
0x59: {  	_ =	shalt  }
0x5a: {  	_ =	shalt  }
0x5b: {  	_ =	shalt  }
0x5c: {  	_ =	shalt  }
0x5d: {  	_ =	shalt  }
0x5e: {  	_ =	shalt  }
0x5f: {  	_ =	shalt  }
0x60: {  	_ =	shalt  }
0x61: {  	_ =	shalt  }
0x62: {  	_ =	shalt  }
0x63: {  	_ =	shalt  }
0x64: {  	_ =	shalt  }
0x65: {  	_ =	shalt  }
0x66: {  	_ =	shalt  }
0x67: {  	_ =	shalt  }
0x68: {  	_ =	shalt  }
0x69: {  	_ =	shalt  }
0x6a: {  	_ =	shalt  }
0x6b: {  	_ =	shalt  }
0x6c: {  	_ =	shalt  }
0x6d: {  	_ =	shalt  }
0x6e: {  	_ =	shalt  }
0x6f: {  	_ =	shalt  }
0x70: {  	_ =	shalt  }
0x71: {  	_ =	shalt  }
0x72: {  	_ =	shalt  }
0x73: {  	_ =	shalt  }
0x74: {  	_ =	shalt  }
0x75: {  	_ =	shalt  }
0x76: {  	_ =	shalt  }
0x77: {  	_ =	shalt  }
0x78: {  	_ =	shalt  }
0x79: {  	_ =	shalt  }
0x7a: {  	_ =	shalt  }
0x7b: {  	_ =	shalt  }
0x7c: {  	_ =	shalt  }
0x7d: {  	_ =	shalt  }
0x7e: {  	_ =	shalt  }
0x7f: {  	_ =	shalt  }
0x80: {  	_ =	shalt  }
0x81: {  	_ =	shalt  }
0x82: {  	_ =	shalt  }
0x83: {  	_ =	shalt  }
0x84: {  	_ =	shalt  }
0x85: {  	_ =	shalt  }
0x86: {  	_ =	shalt  }
0x87: {  	_ =	shalt  }
.Lfunc_end0:
.L_simem_size_0:
called_computation.1_lowered:
.L_overlay_start_0:
0x88: {  	s2 =	sld [smem:$0x3FD9]  }
0x89: {  	s3 =	sld [smem:$0x3FFE];
	_ =	sdelay $0x1  }
0x8a: {  	s1 =	srdreg.scid  }
0x8b: {  	s0 =	sand.u32 $0x1, s1  }
0x8c: {  	s16 =	sshll.u32 s0, $0xA;
	s2 =	sadd.s32 s3, s2  }
0x8d: {  	s2 =	sadd.s32 s2, s16  }
0x8e: {  	[smem:$0x3FB8] =	sst s2  }
0x8f: {  	_ = 	snop  }
0x90: {  	(tm) =	ssettm $0x1  }
0x91: {  	s17 =	sld [smem:$0x3FFB];
	_ =	sdelay $0x3  }
0x92: {  	_ =	strace s17  }
0x93: {  	s2 =	sld [smem:$0x3FFC];
	_ =	sdelay $0x3  }
0x94: {  	_ =	strace s2  }
0x95: {  	s2 =	sld [smem:$0x3FFD];
	_ =	sdelay $0x3  }
0x96: {  	_ =	strace s2  }
0x97: {  	_ =	strace $0x8FFFFFFF  }
0x98: {  	s18 =	sld [smem:$0x3FDB];
	_ =	sdelay $0x1  }
0x99: {  	s19 =	simm.s32 $_scs_section_size  }
0x9a: {  	s4 =	simm.s32 $_size__tile_overlayer_lowered;
	s5 =	simm.s32 $_tile_overlayer_lowered  }
0x9b: {  	s22 =	simm.s32 $0x1BFF;
	s21 =	sshll.u32 s5, $0x1;
	s2 =	sadd.s32 s19, s18  }
0x9c: {  	s6 =	simm.s32 $0x0;
	s20 =	sshll.u32 s4, $0x1;
	s4 =	sadd.s32 s21, s2  }
0x9d: {  	[timem:s6], [sflag:s22] =	dma.local [hbm:s4], s20  }
0x9e: {  	_ =	swait.ge [sflag:s22], s20  }
0x9f: {  	s3 =	ssub.s32 $0x0, s20;
	[sflag:s22] =	ssyncset.done $0x0  }
0xa0: {  	[sflag:s22] =	ssyncadd.s32 s3;
	_ =	sdelay $0x1  }
0xa1: {  	s23 =	simm.s32 $0x1B8B  }
0xa2: {  	_ =	swait.ge [sflag:s23], $0x1  }
0xa3: {  	[sflag:s23] =	ssyncset.done $0x0  }
0xa4: {  	s25 =	simm.s32 $0x1B8E;
	s24 =	sld [smem:$0x3FFE];
	[sflag:s23] =	ssyncadd.s32 $0xFFFFFFFF  }
0xa5: {  	s26 =	simm.s32 $execute0_lowered;
	[smem:$0x3FD2] =	sst s25  }
0xa6: {  	s4 =	sshll.u32 s26, $0x1;
	_ =	strace $0x80000049;
	[dreg:$0x1] =	wrdreg $0xFFFFFFFF  }
0xa7: {  	s28 =	simm.s32 $_size_execute0_lowered;
	s2 =	sadd.s32 s2, s4;
	[dreg:$0x0] =	wrdreg $0x0  }
0xa8: {  	s4 =	sshll.u32 s28, $0x1;
	[dreg:$0x2] =	wrdreg s2  }
0xa9: {  	[dreg:$0x3] =	wrdreg s4  }
0xaa: {  	[dreg:$0x4] =	wrdreg $0xC0  }
0xab: {  	_ =	task [dreg:s6], $0x5FFFF  }
0xac: {  	[dreg:$0x1] =	wrdreg $0xFFFFFFFF  }
0xad: {  	[dreg:$0x0] =	wrdreg $0x60  }
0xae: {  	[dreg:$0x2] =	wrdreg s24  }
0xaf: {  	[dreg:$0x3] =	wrdreg $0x116200  }
0xb0: {  	[dreg:$0x4] =	wrdreg $0x9  }
0xb1: {  	_ =	task.clear_ibuf [dreg:s6], $0x5FFFF;
	_ =	strace $0x90000049  }
0xb2: {  	s29 =	simm.s32 $0x9;
	_ =	strace $0x8000004B  }
0xb3: {  	_ =	swait.ge [sflag:s29], $0x1  }
0xb4: {  	[sflag:s29] =	ssyncadd.s32 $0xFFFFFFFF  }
0xb5: {  	_ =	strace $0x9000004B  }
0xb6: {  	_ =	sfence  }
0xb7: {  	s30 =	sld [smem:$0x0];
	_ =	sdelay $0x2  }
0xb8: {  	s31 =	sshll.u32 s1, $0xD;
	s1 =	sshrl.u32 s1, $0x2  }
0xb9: {  	s3 =	sand.u32 $0x4000, s31;
	s1 =	sadd.s32 s1, s30  }
0xba: {  	s0 =	sor.u32 s3, s0;
	s1 =	sshll.u32 s1, $0x11  }
0xbb: {  	s0 =	sor.u32 s1, s0  }
0xbc: {  	s0 =	sadd.s32 $0x8F2B, s0  }
0xbd: {  	[sflag:s0] =	ssyncadd.remote.s32 $0x1  }
0xbe: {  	_ =	sfence.sel $0xFFFF  }
0xbf: {  	[dreg:$0x0] =	wrdreg $0xFFFFFFFF;
	(pc) =	sbr.abs _section_cstart, $3  }
0xc0: {  	[dreg:$0x1] =	wrdreg $0xFFFFFFFF  }
0xc1: {  	_ =	task.clear_ibuf [dreg:s6], $0x2FFFF;
	_ =	strace $0x9FFFFFFF  }
0xc2: {  	(tm) =	ssettm $0x7FFFFFFF  }
0xc3: {  	_ =	shalt  }
tec
execute0_lowered:
.L_overlay_start_1:
0x0: {  	(tag) =	ssettag $0x1  }
0x1: {  	s0 =	srdreg.scid  }
0x2: {  	s7 =	stileid.u32;
	s3 =	rddreg [dreg:$0x0]  }
0x3: {  	s2 =	rddreg [dreg:$0x1];
	s4 =	simm.s32 $0x0;
	s14 =	simm.s32 $0xD  }
0x4: {  	s16 =	simm.s32 $0x4E20;
	s17 =	simm.s32 $0x50;
	s18 =	simm.s32 $0x6220  }
0x5: {  	s28 =	simm.s32 $0xB220;
	s29 =	simm.s32 $0xC620;
	s30 =	simm.s32 $0xDA20  }
0x6: {  	s31 =	simm.s32 $0xEE20;
	s15 =	simm.s32 $0x6;
	s8 =	simm.s32 $0xB  }
0x7: {  	s9 =	simm.s32 $0xC;
	s10 =	simm.s32 $0x0;
	s0 =	sand.u32 $0x1, s0  }
0x8: {  	s1 =	sshll.u32 s7, $0x1;
	[smem:$0x7FF] =	sst s4;
	s6 =	smul.u32 $0x14000, s7  }
0x9: {  	s4 =	sadd.s32 $0x2AA00, s3;
	s7 =	smul.u32 $0x28000, s7;
	s1 =	sor.u32 s0, s1  }
0xa: {  	s5 =	smul.u32 $0x140000, s0;
	_ =	strace $0x8000004A;
	s0 =	ssub.s32 $0x2, s0  }
0xb: {  	s1 =	smul.u32 $0x4E2, s1;
	s19 =	sshrl.u32 s0, $0x1;
	s7 =	sshrl.u32 s7, $0x2  }
0xc: {  	s5 =	sadd.s32 s6, s5;
	s0 =	ssub.s32 s0, s19;
	s20 =	sadd.s32 s7, s2  }
0xd: {  	s19 =	simm.s32 $0x7620;
	s6 =	simm.s32 $0x9;
	s7 =	simm.s32 $0xA  }
0xe: {  	s1 =	sadd.s32 s1, s3;
	s22 =	sadd.s32 $0x2000, s20;
	[dreg:$0x3] =	wrdreg s20  }
0xf: {  	s5 =	sshrl.u32 s5, $0x3;
	s23 =	sadd.s32 $0x4000, s20;
	[dreg:$0x6] =	wrdreg s22  }
0x10: {  	s24 =	sadd.s32 $0x6000, s20;
	s25 =	sadd.s32 $0x8000, s20;
	[dreg:$0x7] =	wrdreg s23  }
0x11: {  	s0 =	smax.u32 s0, $0x1;
	s20 =	simm.s32 $0x8A20;
	[dreg:$0x8] =	wrdreg s24  }
0x12: {  	s3 =	sadd.s32 s5, s3;
	s21 =	sadd.s32 $0x20C00, s1;
	[dreg:$0x9] =	wrdreg s25  }
0x13: {  	s1 =	sadd.s32 $0x16E00, s1;
	[dreg:$0xb] =	wrdreg s0;
	s22 =	simm.s32 $0x1  }
0x14: {  	s23 =	simm.s32 $0x2;
	s24 =	simm.s32 $0x3;
	[dreg:$0x4] =	wrdreg s21  }
0x15: {  	s25 =	simm.s32 $0x4;
	s0 =	simm.s32 $0x7;
	[dreg:$0x5] =	wrdreg s1  }
0x16: {  	s26 =	sadd.s32 $0xC6E00, s3;
	s21 =	simm.s32 $0x9E20;
	s1 =	simm.s32 $0x10220  }
0x17: {  	v0 =	vimm.f32 $0.0e+00;
	s3 =	simm.s32 $0x8;
	[dreg:$0xa] =	wrdreg s26;
	s26 =	simm.s32 $0x5  }
.LBB2_1:
0x18: {  	[dreg:$0xc] =	wrdreg s10  }
0x19: {  	s5 =	simm.s32 $0x0;
	s12 =	rddreg [dreg:$0x4]  }
0x1a: {  	[tilespmem:s5], [sflag:$0xD] =	stream.linear.gather [hbm4b:s12+s5], $0x2710, $0x38;
	[tilespmem:$0x1B620] =	vst v63  }
0x1b: {  	_ =	swait.ge [sflag:s14], $0x2710  }
0x1c: {  	[sflag:s14] =	ssyncset.done $0x0  }
0x1d: {  	s11 =	simm.s32 $0x2710;
	s13 =	rddreg [dreg:$0x5];
	[sflag:s14] =	ssyncadd.s32 $0xFFFFD8F0  }
0x1e: {  	[tilespmem:s11], [sflag:$0xD] =	stream.linear.gather [hbm4b:s13+s5], $0x2710, $0x38;
	[tilespmem:$0x1B620] =	vst v63  }
0x1f: {  	_ =	swait.ge [sflag:s14], $0x2710  }
0x20: {  	[sflag:s14] =	ssyncset.done $0x0  }
0x21: {  	s12 =	simm.s32 $0x100;
	s11 =	simm.s32 $0x0;
	[sflag:s14] =	ssyncadd.s32 $0xFFFFD8F0  }
.LBB2_2:
0x22: {  	p0 =	sne.s32 s12, $0x7F00;
	[tilespmem:s11+$0x4E50] =	vst v0;
	s13 =	smov.u32 s12;
	s12 =	sadd.s32 $0x100, s12  }
.Ltmp0:
0x23: {  	[tilespmem:s11+$0x4E40] =	vst v0;
	(pc) =	sbr.rel @p0 .LBB2_2-.Ltmp0, $3  }
0x24: {  	[tilespmem:s11+$0x4E20] =	vst v0  }
0x25: {  	[tilespmem:s11+$0x4E30] =	vst v0;
	_ =	sdelay $0x1  }
0x26: {  	s11 =	sshra.s32 s13, $0x2  }
0x27: {  	[tilespmem:s11+$0x4E50] =	vst v0  }
0x28: {  	[tilespmem:s11+$0x4E40] =	vst v0  }
0x29: {  	[tilespmem:s11+$0x4E20] =	vst v0  }
0x2a: {  	[tilespmem:s11+$0x4E30] =	vst v0;
	s5 =	rddreg [dreg:$0x3]  }
0x2b: {  	[spmem:s5] =	stream.linear.scatter [tilespmem:s16], [sflag:$0xD], $0x2000, $0x38;
	[tilespmem:$0x1B620] =	vst v63  }
0x2c: {  	_ =	swait.ge [sflag:s14], $0x2000  }
0x2d: {  	[sflag:s14] =	ssyncset.done $0x0  }
0x2e: {  	s10 =	rddreg [dreg:$0x6];
	[sflag:s14] =	ssyncadd.s32 $0xFFFFE000  }
0x2f: {  	[spmem:s10] =	stream.linear.scatter [tilespmem:s16], [sflag:$0xD], $0x2000, $0x38;
	[tilespmem:$0x1B620] =	vst v63  }
0x30: {  	_ =	swait.ge [sflag:s14], $0x2000  }
0x31: {  	[sflag:s14] =	ssyncset.done $0x0  }
0x32: {  	s11 =	rddreg [dreg:$0x7];
	[sflag:s14] =	ssyncadd.s32 $0xFFFFE000  }
0x33: {  	[spmem:s11] =	stream.linear.scatter [tilespmem:s16], [sflag:$0xD], $0x2000, $0x38;
	[tilespmem:$0x1B620] =	vst v63  }
0x34: {  	_ =	swait.ge [sflag:s14], $0x2000  }
0x35: {  	[sflag:s14] =	ssyncset.done $0x0  }
0x36: {  	s12 =	rddreg [dreg:$0x8];
	[sflag:s14] =	ssyncadd.s32 $0xFFFFE000  }
0x37: {  	[spmem:s12] =	stream.linear.scatter [tilespmem:s16], [sflag:$0xD], $0x2000, $0x38;
	[tilespmem:$0x1B620] =	vst v63  }
0x38: {  	_ =	swait.ge [sflag:s14], $0x2000  }
0x39: {  	[sflag:s14] =	ssyncset.done $0x0  }
0x3a: {  	s13 =	rddreg [dreg:$0x9];
	[sflag:s14] =	ssyncadd.s32 $0xFFFFE000  }
0x3b: {  	[spmem:s13] =	stream.linear.scatter [tilespmem:s16], [sflag:$0xD], $0x2000, $0x38;
	[tilespmem:$0x1B620] =	vst v63  }
0x3c: {  	_ =	swait.ge [sflag:s14], $0x2000  }
0x3d: {  	[sflag:s14] =	ssyncset.done $0x0  }
0x3e: {  	p0 =	por $0x1, $0x1;
	[sflag:s14] =	ssyncadd.s32 $0xFFFFE000  }
0x3f: {  	s11 =	simm.s32 @!p0 $0xB;
	[bflag:$0x0] =	sbarrier.arrive $0xFFFF  }
0x40: {  	_ =	swait.ge @!p0 [sflag:s11], $0x1400  }
0x41: {  	[sflag:s11] =	ssyncset.done @!p0 $0x0  }
0x42: {  	[sflag:s11] =	ssyncadd.s32 @!p0 $0xFFFFEC00  }
0x43: {  	_ =	swait.ge @!p0 [sflag:s11], $0x1400  }
0x44: {  	[sflag:s11] =	ssyncset.done @!p0 $0x0  }
0x45: {  	[sflag:s11] =	ssyncadd.s32 @!p0 $0xFFFFEC00  }
0x46: {  	_ =	swait.ge @!p0 [sflag:s11], $0x1400  }
0x47: {  	[sflag:s11] =	ssyncset.done @!p0 $0x0  }
0x48: {  	[sflag:s11] =	ssyncadd.s32 @!p0 $0xFFFFEC00  }
0x49: {  	_ =	swait.ge @!p0 [sflag:s11], $0x1400  }
0x4a: {  	[sflag:s11] =	ssyncset.done @!p0 $0x0  }
0x4b: {  	[sflag:s11] =	ssyncadd.s32 @!p0 $0xFFFFEC00  }
0x4c: {  	_ =	swait.ge @!p0 [sflag:s11], $0x1400  }
0x4d: {  	[sflag:s11] =	ssyncset.done @!p0 $0x0  }
0x4e: {  	s5 =	simm.s32 $0x0;
	[sflag:s11] =	ssyncadd.s32 @!p0 $0xFFFFEC00  }
0x4f: {  	[tilespmem:s16], [sflag:$0x1] =	stream.indirect.gather [hbm4b:s4+s17], $0x40, s5, s17, $0xb8;
	[tilespmem:$0x1B620] =	vst v63  }
0x50: {  	s10 =	simm.s32 $0x50  }
0x51: {  	[tilespmem:s18], [sflag:$0x2] =	stream.indirect.gather [hbm4b:s4+s17], $0x40, s10, s17, $0xb8;
	[tilespmem:$0x1B620] =	vst v63  }
0x52: {  	s12 =	simm.s32 $0xA0  }
0x53: {  	[tilespmem:s19], [sflag:$0x3] =	stream.indirect.gather [hbm4b:s4+s17], $0x40, s12, s17, $0xb8;
	[tilespmem:$0x1B620] =	vst v63  }
0x54: {  	s13 =	simm.s32 $0xF0  }
0x55: {  	[tilespmem:s20], [sflag:$0x4] =	stream.indirect.gather [hbm4b:s4+s17], $0x40, s13, s17, $0xb8;
	[tilespmem:$0x1B620] =	vst v63  }
0x56: {  	s5 =	simm.s32 $0x140  }
0x57: {  	[tilespmem:s21], [sflag:$0x5] =	stream.indirect.gather [hbm4b:s4+s17], $0x40, s5, s17, $0xb8;
	[tilespmem:$0x1B620] =	vst v63  }
0x58: {  	_ =	swait.ge [sflag:s22], $0x1400  }
0x59: {  	[sflag:s22] =	ssyncset.done $0x0  }
0x5a: {  	s10 =	simm.s32 $0x2710;
	[sflag:s22] =	ssyncadd.s32 $0xFFFFEC00  }
0x5b: {  	[spmem:s2] =	stream.indirect.scatter.add.f32 [tilespmem:s16], [sflag:$0xB], $0x40, s10, s17, $0xb8;
	[tilespmem:$0x1B620] =	vst v63  }
0x5c: {  	_ =	swait.ge [sflag:s23], $0x1400  }
0x5d: {  	[sflag:s23] =	ssyncset.done $0x0  }
0x5e: {  	s12 =	simm.s32 $0x2760;
	[sflag:s23] =	ssyncadd.s32 $0xFFFFEC00  }
0x5f: {  	[spmem:s2] =	stream.indirect.scatter.add.f32 [tilespmem:s18], [sflag:$0xB], $0x40, s12, s17, $0xb8;
	[tilespmem:$0x1B620] =	vst v63  }
0x60: {  	_ =	swait.ge [sflag:s24], $0x1400  }
0x61: {  	[sflag:s24] =	ssyncset.done $0x0  }
0x62: {  	s13 =	simm.s32 $0x27B0;
	[sflag:s24] =	ssyncadd.s32 $0xFFFFEC00  }
0x63: {  	[spmem:s2] =	stream.indirect.scatter.add.f32 [tilespmem:s19], [sflag:$0xB], $0x40, s13, s17, $0xb8;
	[tilespmem:$0x1B620] =	vst v63  }
0x64: {  	_ =	swait.ge [sflag:s25], $0x1400  }
0x65: {  	[sflag:s25] =	ssyncset.done $0x0  }
0x66: {  	s5 =	simm.s32 $0x2800;
	[sflag:s25] =	ssyncadd.s32 $0xFFFFEC00  }
0x67: {  	[spmem:s2] =	stream.indirect.scatter.add.f32 [tilespmem:s20], [sflag:$0xB], $0x40, s5, s17, $0xb8;
	[tilespmem:$0x1B620] =	vst v63  }
0x68: {  	_ =	swait.ge [sflag:s26], $0x1400  }
0x69: {  	[sflag:s26] =	ssyncset.done $0x0  }
0x6a: {  	s10 =	simm.s32 $0x2850;
	s12 =	simm.s32 @!p0 $0xC;
	[sflag:s26] =	ssyncadd.s32 $0xFFFFEC00  }
0x6b: {  	[spmem:s2] =	stream.indirect.scatter.add.f32 [tilespmem:s21], [sflag:$0xB], $0x40, s10, s17, $0xb8;
	[tilespmem:$0x1B620] =	vst v63  }
0x6c: {  	_ =	swait.ge @!p0 [sflag:s12], $0x1400  }
0x6d: {  	[sflag:s12] =	ssyncset.done @!p0 $0x0  }
0x6e: {  	[sflag:s12] =	ssyncadd.s32 @!p0 $0xFFFFEC00  }
0x6f: {  	_ =	swait.ge @!p0 [sflag:s12], $0x1400  }
0x70: {  	[sflag:s12] =	ssyncset.done @!p0 $0x0  }
0x71: {  	[sflag:s12] =	ssyncadd.s32 @!p0 $0xFFFFEC00  }
0x72: {  	_ =	swait.ge @!p0 [sflag:s12], $0x1400  }
0x73: {  	[sflag:s12] =	ssyncset.done @!p0 $0x0  }
0x74: {  	[sflag:s12] =	ssyncadd.s32 @!p0 $0xFFFFEC00  }
0x75: {  	_ =	swait.ge @!p0 [sflag:s12], $0x1400  }
0x76: {  	[sflag:s12] =	ssyncset.done @!p0 $0x0  }
0x77: {  	[sflag:s12] =	ssyncadd.s32 @!p0 $0xFFFFEC00  }
0x78: {  	_ =	swait.ge @!p0 [sflag:s12], $0x1400  }
0x79: {  	[sflag:s12] =	ssyncset.done @!p0 $0x0  }
0x7a: {  	s13 =	simm.s32 $0x190;
	[sflag:s12] =	ssyncadd.s32 @!p0 $0xFFFFEC00  }
0x7b: {  	[tilespmem:s28], [sflag:$0x6] =	stream.indirect.gather [hbm4b:s4+s17], $0x40, s13, s17, $0xb8;
	[tilespmem:$0x1B620] =	vst v63  }
0x7c: {  	s5 =	simm.s32 $0x1E0  }
0x7d: {  	[tilespmem:s29], [sflag:$0x7] =	stream.indirect.gather [hbm4b:s4+s17], $0x40, s5, s17, $0xb8;
	[tilespmem:$0x1B620] =	vst v63  }
0x7e: {  	s10 =	simm.s32 $0x230  }
0x7f: {  	[tilespmem:s30], [sflag:$0x8] =	stream.indirect.gather [hbm4b:s4+s17], $0x40, s10, s17, $0xb8;
	[tilespmem:$0x1B620] =	vst v63  }
0x80: {  	s12 =	simm.s32 $0x280  }
0x81: {  	[tilespmem:s31], [sflag:$0x9] =	stream.indirect.gather [hbm4b:s4+s17], $0x40, s12, s17, $0xb8;
	[tilespmem:$0x1B620] =	vst v63  }
0x82: {  	s13 =	simm.s32 $0x2D0  }
0x83: {  	[tilespmem:s1], [sflag:$0xA] =	stream.indirect.gather [hbm4b:s4+s17], $0x40, s13, s17, $0xb8;
	[tilespmem:$0x1B620] =	vst v63  }
0x84: {  	_ =	swait.ge [sflag:s15], $0x1400  }
0x85: {  	[sflag:s15] =	ssyncset.done $0x0  }
0x86: {  	s5 =	simm.s32 $0x28A0;
	[sflag:s15] =	ssyncadd.s32 $0xFFFFEC00  }
0x87: {  	[spmem:s2] =	stream.indirect.scatter.add.f32 [tilespmem:s28], [sflag:$0xC], $0x40, s5, s17, $0xb8;
	[tilespmem:$0x1B620] =	vst v63  }
0x88: {  	_ =	swait.ge [sflag:s0], $0x1400  }
0x89: {  	[sflag:s0] =	ssyncset.done $0x0  }
0x8a: {  	s10 =	simm.s32 $0x28F0;
	[sflag:s0] =	ssyncadd.s32 $0xFFFFEC00  }
0x8b: {  	[spmem:s2] =	stream.indirect.scatter.add.f32 [tilespmem:s29], [sflag:$0xC], $0x40, s10, s17, $0xb8;
	[tilespmem:$0x1B620] =	vst v63  }
0x8c: {  	_ =	swait.ge [sflag:s3], $0x1400  }
0x8d: {  	[sflag:s3] =	ssyncset.done $0x0  }
0x8e: {  	s12 =	simm.s32 $0x2940;
	[sflag:s3] =	ssyncadd.s32 $0xFFFFEC00  }
0x8f: {  	[spmem:s2] =	stream.indirect.scatter.add.f32 [tilespmem:s30], [sflag:$0xC], $0x40, s12, s17, $0xb8;
	[tilespmem:$0x1B620] =	vst v63  }
0x90: {  	_ =	swait.ge [sflag:s6], $0x1400  }
0x91: {  	[sflag:s6] =	ssyncset.done $0x0  }
0x92: {  	s13 =	simm.s32 $0x2990;
	[sflag:s6] =	ssyncadd.s32 $0xFFFFEC00  }
0x93: {  	[spmem:s2] =	stream.indirect.scatter.add.f32 [tilespmem:s31], [sflag:$0xC], $0x40, s13, s17, $0xb8;
	[tilespmem:$0x1B620] =	vst v63  }
0x94: {  	s11 =	simm.s32 $0xC80;
	p0 =	por $0x0, $0x0;
	_ =	swait.ge [sflag:s7], $0x1400  }
0x95: {  	s12 =	simm.s32 $0x1900;
	s13 =	simm.s32 $0x29E0;
	[sflag:s7] =	ssyncset.done $0x0  }
.LBB2_4:
0x96: {  	s5 =	simm.s32 @!p0 $0xB  }
0x97: {  	[sflag:s7] =	ssyncadd.s32 $0xFFFFEC00;
	s10 =	smov.u32 s12;
	s12 =	sadd.s32 $0xC80, s12  }
0x98: {  	[spmem:s2] =	stream.indirect.scatter.add.f32 [tilespmem:s1], [sflag:$0xC], $0x40, s13, s17, $0xb8;
	[tilespmem:$0x1B620] =	vst v63  }
0x99: {  	p1 =	sne.s32 s12, $0x9600;
	_ =	swait.ge @!p0 [sflag:s5], $0x1400  }
0x9a: {  	[sflag:s5] =	ssyncset.done @!p0 $0x0  }
0x9b: {  	[sflag:s5] =	ssyncadd.s32 @!p0 $0xFFFFEC00  }
0x9c: {  	_ =	swait.ge @!p0 [sflag:s5], $0x1400  }
0x9d: {  	[sflag:s5] =	ssyncset.done @!p0 $0x0  }
0x9e: {  	[sflag:s5] =	ssyncadd.s32 @!p0 $0xFFFFEC00  }
0x9f: {  	_ =	swait.ge @!p0 [sflag:s5], $0x1400  }
0xa0: {  	[sflag:s5] =	ssyncset.done @!p0 $0x0  }
0xa1: {  	[sflag:s5] =	ssyncadd.s32 @!p0 $0xFFFFEC00  }
0xa2: {  	_ =	swait.ge @!p0 [sflag:s5], $0x1400  }
0xa3: {  	[sflag:s5] =	ssyncset.done @!p0 $0x0  }
0xa4: {  	[sflag:s5] =	ssyncadd.s32 @!p0 $0xFFFFEC00  }
0xa5: {  	_ =	swait.ge @!p0 [sflag:s5], $0x1400  }
0xa6: {  	[sflag:s5] =	ssyncset.done @!p0 $0x0  }
0xa7: {  	s13 =	sshra.s32 s11, $0x2;
	s11 =	smov.u32 s10;
	[sflag:s5] =	ssyncadd.s32 @!p0 $0xFFFFEC00  }
0xa8: {  	[tilespmem:s16], [sflag:$0x1] =	stream.indirect.gather [hbm4b:s4+s17], $0x40, s13, s17, $0xb8;
	[tilespmem:$0x1B620] =	vst v63  }
0xa9: {  	s5 =	sadd.s32 $0x50, s13  }
0xaa: {  	[tilespmem:s18], [sflag:$0x2] =	stream.indirect.gather [hbm4b:s4+s17], $0x40, s5, s17, $0xb8;
	[tilespmem:$0x1B620] =	vst v63  }
0xab: {  	s5 =	sadd.s32 $0xA0, s13  }
0xac: {  	[tilespmem:s19], [sflag:$0x3] =	stream.indirect.gather [hbm4b:s4+s17], $0x40, s5, s17, $0xb8;
	[tilespmem:$0x1B620] =	vst v63  }
0xad: {  	s5 =	sadd.s32 $0xF0, s13  }
0xae: {  	[tilespmem:s20], [sflag:$0x4] =	stream.indirect.gather [hbm4b:s4+s17], $0x40, s5, s17, $0xb8;
	[tilespmem:$0x1B620] =	vst v63  }
0xaf: {  	s5 =	sadd.s32 $0x140, s13  }
0xb0: {  	[tilespmem:s21], [sflag:$0x5] =	stream.indirect.gather [hbm4b:s4+s17], $0x40, s5, s17, $0xb8;
	[tilespmem:$0x1B620] =	vst v63  }
0xb1: {  	_ =	swait.ge [sflag:s22], $0x1400  }
0xb2: {  	[sflag:s22] =	ssyncset.done $0x0  }
0xb3: {  	s5 =	sadd.s32 $0x2710, s13;
	[sflag:s22] =	ssyncadd.s32 $0xFFFFEC00  }
0xb4: {  	[spmem:s2] =	stream.indirect.scatter.add.f32 [tilespmem:s16], [sflag:$0xB], $0x40, s5, s17, $0xb8;
	[tilespmem:$0x1B620] =	vst v63  }
0xb5: {  	_ =	swait.ge [sflag:s23], $0x1400  }
0xb6: {  	[sflag:s23] =	ssyncset.done $0x0  }
0xb7: {  	s5 =	sadd.s32 $0x2760, s13;
	[sflag:s23] =	ssyncadd.s32 $0xFFFFEC00  }
0xb8: {  	[spmem:s2] =	stream.indirect.scatter.add.f32 [tilespmem:s18], [sflag:$0xB], $0x40, s5, s17, $0xb8;
	[tilespmem:$0x1B620] =	vst v63  }
0xb9: {  	_ =	swait.ge [sflag:s24], $0x1400  }
0xba: {  	[sflag:s24] =	ssyncset.done $0x0  }
0xbb: {  	s5 =	sadd.s32 $0x27B0, s13;
	[sflag:s24] =	ssyncadd.s32 $0xFFFFEC00  }
0xbc: {  	[spmem:s2] =	stream.indirect.scatter.add.f32 [tilespmem:s19], [sflag:$0xB], $0x40, s5, s17, $0xb8;
	[tilespmem:$0x1B620] =	vst v63  }
0xbd: {  	_ =	swait.ge [sflag:s25], $0x1400  }
0xbe: {  	[sflag:s25] =	ssyncset.done $0x0  }
0xbf: {  	s5 =	sadd.s32 $0x2800, s13;
	[sflag:s25] =	ssyncadd.s32 $0xFFFFEC00  }
0xc0: {  	[spmem:s2] =	stream.indirect.scatter.add.f32 [tilespmem:s20], [sflag:$0xB], $0x40, s5, s17, $0xb8;
	[tilespmem:$0x1B620] =	vst v63  }
0xc1: {  	_ =	swait.ge [sflag:s26], $0x1400  }
0xc2: {  	[sflag:s26] =	ssyncset.done $0x0  }
0xc3: {  	s10 =	simm.s32 @!p0 $0xC;
	s5 =	sadd.s32 $0x2850, s13;
	[sflag:s26] =	ssyncadd.s32 $0xFFFFEC00  }
0xc4: {  	[spmem:s2] =	stream.indirect.scatter.add.f32 [tilespmem:s21], [sflag:$0xB], $0x40, s5, s17, $0xb8;
	[tilespmem:$0x1B620] =	vst v63  }
0xc5: {  	_ =	swait.ge @!p0 [sflag:s10], $0x1400  }
0xc6: {  	[sflag:s10] =	ssyncset.done @!p0 $0x0  }
0xc7: {  	[sflag:s10] =	ssyncadd.s32 @!p0 $0xFFFFEC00  }
0xc8: {  	_ =	swait.ge @!p0 [sflag:s10], $0x1400  }
0xc9: {  	[sflag:s10] =	ssyncset.done @!p0 $0x0  }
0xca: {  	[sflag:s10] =	ssyncadd.s32 @!p0 $0xFFFFEC00  }
0xcb: {  	_ =	swait.ge @!p0 [sflag:s10], $0x1400  }
0xcc: {  	[sflag:s10] =	ssyncset.done @!p0 $0x0  }
0xcd: {  	[sflag:s10] =	ssyncadd.s32 @!p0 $0xFFFFEC00  }
0xce: {  	_ =	swait.ge @!p0 [sflag:s10], $0x1400  }
0xcf: {  	[sflag:s10] =	ssyncset.done @!p0 $0x0  }
0xd0: {  	[sflag:s10] =	ssyncadd.s32 @!p0 $0xFFFFEC00  }
0xd1: {  	_ =	swait.ge @!p0 [sflag:s10], $0x1400  }
0xd2: {  	[sflag:s10] =	ssyncset.done @!p0 $0x0  }
0xd3: {  	s5 =	sadd.s32 $0x190, s13;
	[sflag:s10] =	ssyncadd.s32 @!p0 $0xFFFFEC00  }
0xd4: {  	[tilespmem:s28], [sflag:$0x6] =	stream.indirect.gather [hbm4b:s4+s17], $0x40, s5, s17, $0xb8;
	[tilespmem:$0x1B620] =	vst v63  }
0xd5: {  	s5 =	sadd.s32 $0x1E0, s13  }
0xd6: {  	[tilespmem:s29], [sflag:$0x7] =	stream.indirect.gather [hbm4b:s4+s17], $0x40, s5, s17, $0xb8;
	[tilespmem:$0x1B620] =	vst v63  }
0xd7: {  	s5 =	sadd.s32 $0x230, s13  }
0xd8: {  	[tilespmem:s30], [sflag:$0x8] =	stream.indirect.gather [hbm4b:s4+s17], $0x40, s5, s17, $0xb8;
	[tilespmem:$0x1B620] =	vst v63  }
0xd9: {  	s5 =	sadd.s32 $0x280, s13  }
0xda: {  	[tilespmem:s31], [sflag:$0x9] =	stream.indirect.gather [hbm4b:s4+s17], $0x40, s5, s17, $0xb8;
	[tilespmem:$0x1B620] =	vst v63  }
0xdb: {  	s5 =	sadd.s32 $0x2D0, s13  }
0xdc: {  	[tilespmem:s1], [sflag:$0xA] =	stream.indirect.gather [hbm4b:s4+s17], $0x40, s5, s17, $0xb8;
	[tilespmem:$0x1B620] =	vst v63  }
0xdd: {  	_ =	swait.ge [sflag:s15], $0x1400  }
0xde: {  	[sflag:s15] =	ssyncset.done $0x0  }
0xdf: {  	s5 =	sadd.s32 $0x28A0, s13;
	[sflag:s15] =	ssyncadd.s32 $0xFFFFEC00  }
0xe0: {  	[spmem:s2] =	stream.indirect.scatter.add.f32 [tilespmem:s28], [sflag:$0xC], $0x40, s5, s17, $0xb8;
	[tilespmem:$0x1B620] =	vst v63  }
0xe1: {  	_ =	swait.ge [sflag:s0], $0x1400  }
0xe2: {  	[sflag:s0] =	ssyncset.done $0x0  }
0xe3: {  	s5 =	sadd.s32 $0x28F0, s13;
	[sflag:s0] =	ssyncadd.s32 $0xFFFFEC00  }
0xe4: {  	[spmem:s2] =	stream.indirect.scatter.add.f32 [tilespmem:s29], [sflag:$0xC], $0x40, s5, s17, $0xb8;
	[tilespmem:$0x1B620] =	vst v63  }
0xe5: {  	_ =	swait.ge [sflag:s3], $0x1400  }
0xe6: {  	[sflag:s3] =	ssyncset.done $0x0  }
0xe7: {  	s5 =	sadd.s32 $0x2940, s13;
	[sflag:s3] =	ssyncadd.s32 $0xFFFFEC00  }
0xe8: {  	[spmem:s2] =	stream.indirect.scatter.add.f32 [tilespmem:s30], [sflag:$0xC], $0x40, s5, s17, $0xb8;
	[tilespmem:$0x1B620] =	vst v63  }
0xe9: {  	_ =	swait.ge [sflag:s6], $0x1400  }
.Ltmp1:
0xea: {  	[sflag:s6] =	ssyncset.done $0x0;
	(pc) =	sbr.rel @p1 .LBB2_4-.Ltmp1, $4  }
0xeb: {  	s5 =	sadd.s32 $0x2990, s13;
	[sflag:s6] =	ssyncadd.s32 $0xFFFFEC00  }
0xec: {  	[spmem:s2] =	stream.indirect.scatter.add.f32 [tilespmem:s31], [sflag:$0xC], $0x40, s5, s17, $0xb8;
	[tilespmem:$0x1B620] =	vst v63  }
0xed: {  	_ =	swait.ge [sflag:s7], $0x1400  }
0xee: {  	p0 =	seq.s32 s11, $0x0;
	s13 =	sadd.s32 $0x29E0, s13;
	[sflag:s7] =	ssyncset.done $0x0  }
0xef: {  	[sflag:s7] =	ssyncadd.s32 $0xFFFFEC00;
	s5 =	simm.s32 @!p0 $0xB  }
0xf0: {  	[spmem:s2] =	stream.indirect.scatter.add.f32 [tilespmem:s1], [sflag:$0xC], $0x40, s13, s17, $0xb8;
	[tilespmem:$0x1B620] =	vst v63  }
0xf1: {  	_ =	swait.ge @!p0 [sflag:s5], $0x1400  }
0xf2: {  	[sflag:s5] =	ssyncset.done @!p0 $0x0  }
0xf3: {  	[sflag:s5] =	ssyncadd.s32 @!p0 $0xFFFFEC00  }
0xf4: {  	_ =	swait.ge @!p0 [sflag:s5], $0x1400  }
0xf5: {  	[sflag:s5] =	ssyncset.done @!p0 $0x0  }
0xf6: {  	[sflag:s5] =	ssyncadd.s32 @!p0 $0xFFFFEC00  }
0xf7: {  	_ =	swait.ge @!p0 [sflag:s5], $0x1400  }
0xf8: {  	[sflag:s5] =	ssyncset.done @!p0 $0x0  }
0xf9: {  	[sflag:s5] =	ssyncadd.s32 @!p0 $0xFFFFEC00  }
0xfa: {  	_ =	swait.ge @!p0 [sflag:s5], $0x1400  }
0xfb: {  	[sflag:s5] =	ssyncset.done @!p0 $0x0  }
0xfc: {  	[sflag:s5] =	ssyncadd.s32 @!p0 $0xFFFFEC00  }
0xfd: {  	_ =	swait.ge @!p0 [sflag:s5], $0x1400  }
0xfe: {  	[sflag:s5] =	ssyncset.done @!p0 $0x0  }
0xff: {  	s11 =	sshra.s32 s11, $0x2;
	[sflag:s5] =	ssyncadd.s32 @!p0 $0xFFFFEC00  }
0x100: {  	[tilespmem:s16], [sflag:$0x1] =	stream.indirect.gather [hbm4b:s4+s17], $0x40, s11, s17, $0xb8;
	[tilespmem:$0x1B620] =	vst v63  }
0x101: {  	s13 =	sadd.s32 $0x50, s11  }
0x102: {  	[tilespmem:s18], [sflag:$0x2] =	stream.indirect.gather [hbm4b:s4+s17], $0x40, s13, s17, $0xb8;
	[tilespmem:$0x1B620] =	vst v63  }
0x103: {  	s10 =	sadd.s32 $0xA0, s11  }
0x104: {  	[tilespmem:s19], [sflag:$0x3] =	stream.indirect.gather [hbm4b:s4+s17], $0x40, s10, s17, $0xb8;
	[tilespmem:$0x1B620] =	vst v63  }
0x105: {  	s12 =	sadd.s32 $0xF0, s11  }
0x106: {  	[tilespmem:s20], [sflag:$0x4] =	stream.indirect.gather [hbm4b:s4+s17], $0x40, s12, s17, $0xb8;
	[tilespmem:$0x1B620] =	vst v63  }
0x107: {  	s13 =	sadd.s32 $0x140, s11  }
0x108: {  	[tilespmem:s21], [sflag:$0x5] =	stream.indirect.gather [hbm4b:s4+s17], $0x40, s13, s17, $0xb8;
	[tilespmem:$0x1B620] =	vst v63  }
0x109: {  	_ =	swait.ge [sflag:s22], $0x1400  }
0x10a: {  	[sflag:s22] =	ssyncset.done $0x0  }
0x10b: {  	s10 =	sadd.s32 $0x2710, s11;
	[sflag:s22] =	ssyncadd.s32 $0xFFFFEC00  }
0x10c: {  	[spmem:s2] =	stream.indirect.scatter.add.f32 [tilespmem:s16], [sflag:$0xB], $0x40, s10, s17, $0xb8;
	[tilespmem:$0x1B620] =	vst v63  }
0x10d: {  	_ =	swait.ge [sflag:s23], $0x1400  }
0x10e: {  	[sflag:s23] =	ssyncset.done $0x0  }
0x10f: {  	s12 =	sadd.s32 $0x2760, s11;
	[sflag:s23] =	ssyncadd.s32 $0xFFFFEC00  }
0x110: {  	[spmem:s2] =	stream.indirect.scatter.add.f32 [tilespmem:s18], [sflag:$0xB], $0x40, s12, s17, $0xb8;
	[tilespmem:$0x1B620] =	vst v63  }
0x111: {  	_ =	swait.ge [sflag:s24], $0x1400  }
0x112: {  	[sflag:s24] =	ssyncset.done $0x0  }
0x113: {  	s13 =	sadd.s32 $0x27B0, s11;
	[sflag:s24] =	ssyncadd.s32 $0xFFFFEC00  }
0x114: {  	[spmem:s2] =	stream.indirect.scatter.add.f32 [tilespmem:s19], [sflag:$0xB], $0x40, s13, s17, $0xb8;
	[tilespmem:$0x1B620] =	vst v63  }
0x115: {  	_ =	swait.ge [sflag:s25], $0x1400  }
0x116: {  	[sflag:s25] =	ssyncset.done $0x0  }
0x117: {  	s10 =	sadd.s32 $0x2800, s11;
	[sflag:s25] =	ssyncadd.s32 $0xFFFFEC00  }
0x118: {  	[spmem:s2] =	stream.indirect.scatter.add.f32 [tilespmem:s20], [sflag:$0xB], $0x40, s10, s17, $0xb8;
	[tilespmem:$0x1B620] =	vst v63  }
0x119: {  	_ =	swait.ge [sflag:s26], $0x1400  }
0x11a: {  	[sflag:s26] =	ssyncset.done $0x0  }
0x11b: {  	s5 =	simm.s32 @!p0 $0xC;
	s12 =	sadd.s32 $0x2850, s11;
	[sflag:s26] =	ssyncadd.s32 $0xFFFFEC00  }
0x11c: {  	[spmem:s2] =	stream.indirect.scatter.add.f32 [tilespmem:s21], [sflag:$0xB], $0x40, s12, s17, $0xb8;
	[tilespmem:$0x1B620] =	vst v63  }
0x11d: {  	_ =	swait.ge @!p0 [sflag:s5], $0x1400  }
0x11e: {  	[sflag:s5] =	ssyncset.done @!p0 $0x0  }
0x11f: {  	[sflag:s5] =	ssyncadd.s32 @!p0 $0xFFFFEC00  }
0x120: {  	_ =	swait.ge @!p0 [sflag:s5], $0x1400  }
0x121: {  	[sflag:s5] =	ssyncset.done @!p0 $0x0  }
0x122: {  	[sflag:s5] =	ssyncadd.s32 @!p0 $0xFFFFEC00  }
0x123: {  	_ =	swait.ge @!p0 [sflag:s5], $0x1400  }
0x124: {  	[sflag:s5] =	ssyncset.done @!p0 $0x0  }
0x125: {  	[sflag:s5] =	ssyncadd.s32 @!p0 $0xFFFFEC00  }
0x126: {  	_ =	swait.ge @!p0 [sflag:s5], $0x1400  }
0x127: {  	[sflag:s5] =	ssyncset.done @!p0 $0x0  }
0x128: {  	[sflag:s5] =	ssyncadd.s32 @!p0 $0xFFFFEC00  }
0x129: {  	_ =	swait.ge @!p0 [sflag:s5], $0x1400  }
0x12a: {  	[sflag:s5] =	ssyncset.done @!p0 $0x0  }
0x12b: {  	s13 =	sadd.s32 $0x190, s11;
	[sflag:s5] =	ssyncadd.s32 @!p0 $0xFFFFEC00  }
0x12c: {  	[tilespmem:s28], [sflag:$0x6] =	stream.indirect.gather [hbm4b:s4+s17], $0x40, s13, s17, $0xb8;
	[tilespmem:$0x1B620] =	vst v63  }
0x12d: {  	s10 =	sadd.s32 $0x1E0, s11  }
0x12e: {  	[tilespmem:s29], [sflag:$0x7] =	stream.indirect.gather [hbm4b:s4+s17], $0x40, s10, s17, $0xb8;
	[tilespmem:$0x1B620] =	vst v63  }
0x12f: {  	s12 =	sadd.s32 $0x230, s11  }
0x130: {  	[tilespmem:s30], [sflag:$0x8] =	stream.indirect.gather [hbm4b:s4+s17], $0x40, s12, s17, $0xb8;
	[tilespmem:$0x1B620] =	vst v63  }
0x131: {  	s13 =	sadd.s32 $0x280, s11  }
0x132: {  	[tilespmem:s31], [sflag:$0x9] =	stream.indirect.gather [hbm4b:s4+s17], $0x40, s13, s17, $0xb8;
	[tilespmem:$0x1B620] =	vst v63  }
0x133: {  	s10 =	sadd.s32 $0x2D0, s11  }
0x134: {  	[tilespmem:s1], [sflag:$0xA] =	stream.indirect.gather [hbm4b:s4+s17], $0x40, s10, s17, $0xb8;
	[tilespmem:$0x1B620] =	vst v63  }
0x135: {  	_ =	swait.ge [sflag:s15], $0x1400  }
0x136: {  	[sflag:s15] =	ssyncset.done $0x0  }
0x137: {  	s12 =	sadd.s32 $0x28A0, s11;
	[sflag:s15] =	ssyncadd.s32 $0xFFFFEC00  }
0x138: {  	[spmem:s2] =	stream.indirect.scatter.add.f32 [tilespmem:s28], [sflag:$0xC], $0x40, s12, s17, $0xb8;
	[tilespmem:$0x1B620] =	vst v63  }
0x139: {  	_ =	swait.ge [sflag:s0], $0x1400  }
0x13a: {  	[sflag:s0] =	ssyncset.done $0x0  }
0x13b: {  	s13 =	sadd.s32 $0x28F0, s11;
	[sflag:s0] =	ssyncadd.s32 $0xFFFFEC00  }
0x13c: {  	[spmem:s2] =	stream.indirect.scatter.add.f32 [tilespmem:s29], [sflag:$0xC], $0x40, s13, s17, $0xb8;
	[tilespmem:$0x1B620] =	vst v63  }
0x13d: {  	_ =	swait.ge [sflag:s3], $0x1400  }
0x13e: {  	[sflag:s3] =	ssyncset.done $0x0  }
0x13f: {  	s10 =	sadd.s32 $0x2940, s11;
	[sflag:s3] =	ssyncadd.s32 $0xFFFFEC00  }
0x140: {  	[spmem:s2] =	stream.indirect.scatter.add.f32 [tilespmem:s30], [sflag:$0xC], $0x40, s10, s17, $0xb8;
	[tilespmem:$0x1B620] =	vst v63  }
0x141: {  	_ =	swait.ge [sflag:s6], $0x1400  }
0x142: {  	[sflag:s6] =	ssyncset.done $0x0  }
0x143: {  	s12 =	sadd.s32 $0x2990, s11;
	[sflag:s6] =	ssyncadd.s32 $0xFFFFEC00  }
0x144: {  	[spmem:s2] =	stream.indirect.scatter.add.f32 [tilespmem:s31], [sflag:$0xC], $0x40, s12, s17, $0xb8;
	[tilespmem:$0x1B620] =	vst v63  }
0x145: {  	_ =	swait.ge [sflag:s7], $0x1400  }
0x146: {  	[sflag:s7] =	ssyncset.done $0x0  }
0x147: {  	s13 =	sadd.s32 $0x29E0, s11;
	[sflag:s7] =	ssyncadd.s32 $0xFFFFEC00  }
0x148: {  	[spmem:s2] =	stream.indirect.scatter.add.f32 [tilespmem:s1], [sflag:$0xC], $0x40, s13, s17, $0xb8;
	[tilespmem:$0x1B620] =	vst v63  }
0x149: {  	_ =	swait.ge [sflag:s8], $0x1400  }
0x14a: {  	[sflag:s8] =	ssyncset.done $0x0  }
0x14b: {  	[sflag:s8] =	ssyncadd.s32 $0xFFFFEC00  }
0x14c: {  	_ =	swait.ge [sflag:s8], $0x1400  }
0x14d: {  	[sflag:s8] =	ssyncset.done $0x0  }
0x14e: {  	[sflag:s8] =	ssyncadd.s32 $0xFFFFEC00  }
0x14f: {  	_ =	swait.ge [sflag:s8], $0x1400  }
0x150: {  	[sflag:s8] =	ssyncset.done $0x0  }
0x151: {  	[sflag:s8] =	ssyncadd.s32 $0xFFFFEC00  }
0x152: {  	_ =	swait.ge [sflag:s8], $0x1400  }
0x153: {  	[sflag:s8] =	ssyncset.done $0x0  }
0x154: {  	[sflag:s8] =	ssyncadd.s32 $0xFFFFEC00  }
0x155: {  	_ =	swait.ge [sflag:s8], $0x1400  }
0x156: {  	[sflag:s8] =	ssyncset.done $0x0  }
0x157: {  	s10 =	simm.s32 $0x2580;
	[sflag:s8] =	ssyncadd.s32 $0xFFFFEC00  }
0x158: {  	[tilespmem:s16], [sflag:$0x1] =	stream.indirect.gather [hbm4b:s4+s17], $0x40, s10, s17, $0xb8;
	[tilespmem:$0x1B620] =	vst v63  }
0x159: {  	s11 =	simm.s32 $0x25D0  }
0x15a: {  	[tilespmem:s18], [sflag:$0x2] =	stream.indirect.gather [hbm4b:s4+s17], $0x40, s11, s17, $0xb8;
	[tilespmem:$0x1B620] =	vst v63  }
0x15b: {  	s12 =	simm.s32 $0x2620  }
0x15c: {  	[tilespmem:s19], [sflag:$0x3] =	stream.indirect.gather [hbm4b:s4+s17], $0x40, s12, s17, $0xb8;
	[tilespmem:$0x1B620] =	vst v63  }
0x15d: {  	s13 =	simm.s32 $0x2670  }
0x15e: {  	[tilespmem:s20], [sflag:$0x4] =	stream.indirect.gather [hbm4b:s4+s17], $0x40, s13, s17, $0xb8;
	[tilespmem:$0x1B620] =	vst v63  }
0x15f: {  	s10 =	simm.s32 $0x26C0  }
0x160: {  	[tilespmem:s21], [sflag:$0x5] =	stream.indirect.gather [hbm4b:s4+s17], $0x40, s10, s17, $0xb8;
	[tilespmem:$0x1B620] =	vst v63  }
0x161: {  	_ =	swait.ge [sflag:s22], $0x1400  }
0x162: {  	[sflag:s22] =	ssyncset.done $0x0  }
0x163: {  	s11 =	simm.s32 $0x4C90;
	[sflag:s22] =	ssyncadd.s32 $0xFFFFEC00  }
0x164: {  	[spmem:s2] =	stream.indirect.scatter.add.f32 [tilespmem:s16], [sflag:$0xB], $0x40, s11, s17, $0xb8;
	[tilespmem:$0x1B620] =	vst v63  }
0x165: {  	_ =	swait.ge [sflag:s23], $0x1400  }
0x166: {  	[sflag:s23] =	ssyncset.done $0x0  }
0x167: {  	s12 =	simm.s32 $0x4CE0;
	[sflag:s23] =	ssyncadd.s32 $0xFFFFEC00  }
0x168: {  	[spmem:s2] =	stream.indirect.scatter.add.f32 [tilespmem:s18], [sflag:$0xB], $0x40, s12, s17, $0xb8;
	[tilespmem:$0x1B620] =	vst v63  }
0x169: {  	_ =	swait.ge [sflag:s24], $0x1400  }
0x16a: {  	[sflag:s24] =	ssyncset.done $0x0  }
0x16b: {  	s13 =	simm.s32 $0x4D30;
	[sflag:s24] =	ssyncadd.s32 $0xFFFFEC00  }
0x16c: {  	[spmem:s2] =	stream.indirect.scatter.add.f32 [tilespmem:s19], [sflag:$0xB], $0x40, s13, s17, $0xb8;
	[tilespmem:$0x1B620] =	vst v63  }
0x16d: {  	_ =	swait.ge [sflag:s25], $0x1400  }
0x16e: {  	[sflag:s25] =	ssyncset.done $0x0  }
0x16f: {  	s10 =	simm.s32 $0x4D80;
	[sflag:s25] =	ssyncadd.s32 $0xFFFFEC00  }
0x170: {  	[spmem:s2] =	stream.indirect.scatter.add.f32 [tilespmem:s20], [sflag:$0xB], $0x40, s10, s17, $0xb8;
	[tilespmem:$0x1B620] =	vst v63  }
0x171: {  	_ =	swait.ge [sflag:s26], $0x1400  }
0x172: {  	[sflag:s26] =	ssyncset.done $0x0  }
0x173: {  	s11 =	simm.s32 $0x4DD0;
	[sflag:s26] =	ssyncadd.s32 $0xFFFFEC00  }
0x174: {  	[spmem:s2] =	stream.indirect.scatter.add.f32 [tilespmem:s21], [sflag:$0xB], $0x40, s11, s17, $0xb8;
	[tilespmem:$0x1B620] =	vst v63  }
0x175: {  	_ =	swait.ge [sflag:s8], $0x1400  }
0x176: {  	[sflag:s8] =	ssyncset.done $0x0  }
0x177: {  	[sflag:s8] =	ssyncadd.s32 $0xFFFFEC00  }
0x178: {  	_ =	swait.ge [sflag:s8], $0x1400  }
0x179: {  	[sflag:s8] =	ssyncset.done $0x0  }
0x17a: {  	[sflag:s8] =	ssyncadd.s32 $0xFFFFEC00  }
0x17b: {  	_ =	swait.ge [sflag:s8], $0x1400  }
0x17c: {  	[sflag:s8] =	ssyncset.done $0x0  }
0x17d: {  	[sflag:s8] =	ssyncadd.s32 $0xFFFFEC00  }
0x17e: {  	_ =	swait.ge [sflag:s8], $0x1400  }
0x17f: {  	[sflag:s8] =	ssyncset.done $0x0  }
0x180: {  	[sflag:s8] =	ssyncadd.s32 $0xFFFFEC00  }
0x181: {  	_ =	swait.ge [sflag:s8], $0x1400  }
0x182: {  	[sflag:s8] =	ssyncset.done $0x0  }
0x183: {  	[sflag:s8] =	ssyncadd.s32 $0xFFFFEC00  }
0x184: {  	_ =	swait.ge [sflag:s9], $0x1400  }
0x185: {  	[sflag:s9] =	ssyncset.done $0x0  }
0x186: {  	[sflag:s9] =	ssyncadd.s32 $0xFFFFEC00  }
0x187: {  	_ =	swait.ge [sflag:s9], $0x1400  }
0x188: {  	[sflag:s9] =	ssyncset.done $0x0  }
0x189: {  	[sflag:s9] =	ssyncadd.s32 $0xFFFFEC00  }
0x18a: {  	_ =	swait.ge [sflag:s9], $0x1400  }
0x18b: {  	[sflag:s9] =	ssyncset.done $0x0  }
0x18c: {  	[sflag:s9] =	ssyncadd.s32 $0xFFFFEC00  }
0x18d: {  	_ =	swait.ge [sflag:s9], $0x1400  }
0x18e: {  	[sflag:s9] =	ssyncset.done $0x0  }
0x18f: {  	[sflag:s9] =	ssyncadd.s32 $0xFFFFEC00  }
0x190: {  	_ =	swait.ge [sflag:s9], $0x1400  }
0x191: {  	[sflag:s9] =	ssyncset.done $0x0  }
0x192: {  	[sflag:s9] =	ssyncadd.s32 $0xFFFFEC00  }
0x193: {  	s12 =	stileid.u32;
	[bflag:$0x0] =	sbarrier.arrive $0xFFFF  }
0x194: {  	s5 =	sshll.u32 s12, $0x6;
	s12 =	simm.s32 $0x10;
	s10 =	rddreg [dreg:$0x3]  }
0x195: {  	s5 =	sor.u32 $0x1C0D, s5;
	s13 =	rddreg [dreg:$0xa];
	s10 =	sshrl.u32 s10, $0x3  }
0x196: {  	[hbm:s13@s12], [sflag:s5] =	dma.strided [spmem:s10@s3], $0x1400, s22, $0x8   }
0x197: {  	_ =	swait.ge [sflag:s14], $0x1400  }
0x198: {  	s12 =	rddreg [dreg:$0xc]  }
0x199: {  	s13 =	rddreg [dreg:$0xb];
	s10 =	sadd.s32 $0x1, s12  }
0x19a: {  	p0 =	sne.s32 s10, s13  }
.Ltmp2:
0x19b: {  	_ = 	snop;
	(pc) =	sbr.rel @p0 .LBB2_1-.Ltmp2, $3  }
0x19c: {  	_ =	sdelay $0x1  }
0x19d: {  	[sflag:s14] =	ssyncset.done $0x0  }
0x19e: {  	[sflag:s14] =	ssyncadd.s32 $0xFFFFEC00  }
0x19f: {  	_ =	sfence.sel $0x180000  }
0x1a0: {  	[bflag:$0x0] =	sbarrier.arrive $0xFFFF  }
0x1a1: {  	_ =	strace $0x9000004A  }
0x1a2: {  	s0 =	stileid.u32;
	[bflag:$0x2] =	sbarrier.arrive $0xFFFF  }
0x1a3: {  	p0 =	sne.s32 s0, $0x0;
	s0 =	rddreg [dreg:$0x2]  }
0x1a4: {  	s0 =	sadd.s32 @!p0 $0x100000, s0  }
0x1a5: {  	[sflag:s0] =	ssyncadd.tile.s32 @!p0 $0x1;
	_ =	shalt  }
.Lfunc_end2:
_tile_overlayer_lowered:
.L_overlay_start_2:
0x1a6: {  	(tag) =	ssettag $0x2  }
0x1a7: {  	s0 =	rddreg [dreg:$0x0];
	s2 =	stileid.u32  }
0x1a8: {  	s1 =	rddreg [dreg:$0x1];
	p0 =	sne.s32 s2, $0x0  }
0x1a9: {  	s3 =	rddreg [dreg:$0x2];
	[bflag:$0x3] =	sbarrier.arrive $0xFFFF;
	s2 =	simm.s32 @!p0 $0x1C0D  }
0x1aa: {  	[timem:s3], [sflag:s2] =	dma.local @!p0 [hbm:s0], s1  }
0x1ab: {  	s0 =	simm.s32 @!p0 $0xD  }
0x1ac: {  	_ =	swait.ge @!p0 [sflag:s0], s1  }
0x1ad: {  	s1 =	ssub.s32 @!p0 $0x0, s1;
	[sflag:s0] =	ssyncset.done @!p0 $0x0  }
0x1ae: {  	[sflag:s0] =	ssyncadd.s32 @!p0 s1  }
0x1af: {  	[bflag:$0x3] =	sbarrier.arrive $0xFFFF  }
0x1b0: {  	_ =	shalt  }

// kernel: kernel.14.cloned.1.call-start
scs
__scs_entry_jumppad:
0x0: {  	(pc) =	sbr.rel $0x88, $3  }
0x1: {  	(tag) =	ssettag $0x0;
	lr =	simm.s32 $0x1  }
0x2: {  	[smem:$0x3F91] =	sst lr;
	_ =	strace $0xD0000000  }
0x3: {  	_ = 	snop  }
0x4: {  	_ = 	snop  }
0x5: {  	_ = 	snop  }
0x6: {  	_ = 	snop  }
0x7: {  	_ = 	snop  }
__scs_overlays_trampoline_lowered:
0x8: {  	[smem:$0x3FA0] =	sst s0  }
0x9: {  	[smem:$0x3FA1] =	sst s1  }
0xa: {  	[smem:$0x3FA2] =	sst s2  }
0xb: {  	[smem:$0x3FA3] =	sst s3  }
0xc: {  	[smem:$0x3FA4] =	sst s4  }
0xd: {  	[smem:$0x3FA5] =	sst s5  }
0xe: {  	[smem:$0x3FA6] =	sst s6  }
0xf: {  	[smem:$0x3FA7] =	sst s7  }
0x10: {  	[smem:$0x3FA8] =	sst s8  }
0x11: {  	[smem:$0x3FA9] =	sst s9;
	s0 =	simm.s32 @!p0 $0x0  }
0x12: {  	s1 =	sld [smem:$0x3F8F];
	s0 =	simm.s32 @p0 $0x1  }
0x13: {  	[smem:$0x3FAA] =	sst s0;
	s0 =	simm.s32 @!p1 $0x0  }
0x14: {  	s2 =	sld [smem:$0x3F8E];
	s0 =	simm.s32 @p1 $0x1  }
0x15: {  	[smem:$0x3FAB] =	sst s0;
	s0 =	simm.s32 @!p2 $0x0  }
0x16: {  	s3 =	sld [smem:$0x3FDB];
	s0 =	simm.s32 @p2 $0x1  }
0x17: {  	s4 =	simm.s32 $0x1BF5;
	[smem:$0x3FAD] =	sst s0  }
0x18: {  	s0 =	sld [smem:$0x3F90];
	_ =	swait.ge [sflag:s4], $0x0  }
0x19: {  	s7 =	sld [smem:$0x3F91]  }
0x1a: {  	s8 =	sadd.s32 $0xFFFFE003, lr  }
0x1b: {  	s9 =	sadd.s32 $0xFFFFFEF7, lr;
	s5 =	simm.s32 $0xFFFFFFFF;
	p2 =	slt.u32 s8, $0xFFFFF086  }
0x1c: {  	p1 =	slt.u32 s9, $0xF7A;
	s5 =	simm.s32 @!p2 $0x0  }
0x1d: {  	s5 =	simm.s32 @p1 $0x1;
	p0 =	seq.s32 s7, s2  }
0x1e: {  	s7 =	smul.u32 @!p0 $0xF7A, s2;
	p2 =	seq.s32 @!p0 s5, $0x0  }
0x1f: {  	s9 =	smul.u32 $0xF7A, s1;
	s8 =	simm.s32 @!p0 $0x1BF5;
	p2 =	por !p2, p0  }
0x20: {  	[sflag:s8] =	ssyncset.s32 @!p0 $0xFFFFF086;
	s6 =	sadd.s32 @!p0 s3, s7;
	s7 =	simm.s32 @!p0 $0x108  }
0x21: {  	s3 =	sadd.s32 s3, s9;
	s6 =	sadd.s32 @!p0 $0x88, s6;
	s7 =	simm.s32 @p2 $0x1082  }
0x22: {  	[simem:s7], [sflag:s8] =	dma.local @!p0 [hbm:s6], $0xF7A  }
0x23: {  	s9 =	sor.u32 $0xD0000000, s2;
	s6 =	simm.s32 $0x108;
	_ =	swait.ge @!p0 [sflag:s8], $0x0  }
0x24: {  	s3 =	sadd.s32 $0x88, s3;
	s6 =	simm.s32 @!p1 $0x1082;
	[sflag:s4] =	ssyncset.s32 $0xFFFFF086  }
0x25: {  	[simem:s6], [sflag:s4] =	dma.local [hbm:s3], $0xF7A  }
0x26: {  	[smem:$0x3F91] =	sst s1;
	(tag) =	ssettag s2;
	_ =	strace s9  }
0x27: {  	s1 =	sld [smem:$0x3FA1]  }
0x28: {  	s2 =	sld [smem:$0x3FA2]  }
0x29: {  	s4 =	sld [smem:$0x3FA4]  }
0x2a: {  	p0 =	seq.s32 s5, $0x0;
	s5 =	sld [smem:$0x3FA5]  }
0x2b: {  	s6 =	sld [smem:$0x3FA6]  }
0x2c: {  	s7 =	sld [smem:$0x3FA7]  }
0x2d: {  	s3 =	simm.s32 $0x108;
	s8 =	sld [smem:$0x3FA8]  }
0x2e: {  	s3 =	simm.s32 @!p0 $0x1082;
	s9 =	sld [smem:$0x3FA9]  }
0x2f: {  	lr =	sadd.s32 s0, s3;
	s0 =	sld [smem:$0x3FA0]  }
0x30: {  	s3 =	sld [smem:$0x3FA3]  }
0x31: {  	[smem:$0x3FAC] =	sst s10  }
0x32: {  	s10 =	sld [smem:$0x3FAA];
	_ =	sdelay $0x3  }
0x33: {  	p0 =	seq.s32 s10, $0x1;
	s10 =	sld [smem:$0x3FAC];
	_ =	sdelay $0x3  }
0x34: {  	[smem:$0x3FAC] =	sst s10  }
0x35: {  	s10 =	sld [smem:$0x3FAB];
	_ =	sdelay $0x3  }
0x36: {  	p1 =	seq.s32 s10, $0x1;
	s10 =	sld [smem:$0x3FAC];
	_ =	sdelay $0x3  }
0x37: {  	[smem:$0x3FAC] =	sst s10  }
0x38: {  	s10 =	sld [smem:$0x3FAD]  }
0x39: {  	_ = 	snop;
	(pc) =	sbr.ind lr, $3  }
0x3a: {  	_ = 	snop  }
0x3b: {  	_ = 	snop  }
0x3c: {  	p2 =	seq.s32 s10, $0x1;
	s10 =	sld [smem:$0x3FAC]  }
0x3d: {  	_ =	shalt  }
0x3e: {  	_ =	shalt  }
0x3f: {  	_ =	shalt  }
0x40: {  	_ =	shalt  }
0x41: {  	_ =	shalt  }
0x42: {  	_ =	shalt  }
0x43: {  	_ =	shalt  }
0x44: {  	_ =	shalt  }
0x45: {  	_ =	shalt  }
0x46: {  	_ =	shalt  }
0x47: {  	_ =	shalt  }
0x48: {  	_ =	shalt  }
0x49: {  	_ =	shalt  }
0x4a: {  	_ =	shalt  }
0x4b: {  	_ =	shalt  }
0x4c: {  	_ =	shalt  }
0x4d: {  	_ =	shalt  }
0x4e: {  	_ =	shalt  }
0x4f: {  	_ =	shalt  }
0x50: {  	_ =	shalt  }
0x51: {  	_ =	shalt  }
0x52: {  	_ =	shalt  }
0x53: {  	_ =	shalt  }
0x54: {  	_ =	shalt  }
0x55: {  	_ =	shalt  }
0x56: {  	_ =	shalt  }
0x57: {  	_ =	shalt  }
0x58: {  	_ =	shalt  }
0x59: {  	_ =	shalt  }
0x5a: {  	_ =	shalt  }
0x5b: {  	_ =	shalt  }
0x5c: {  	_ =	shalt  }
0x5d: {  	_ =	shalt  }
0x5e: {  	_ =	shalt  }
0x5f: {  	_ =	shalt  }
0x60: {  	_ =	shalt  }
0x61: {  	_ =	shalt  }
0x62: {  	_ =	shalt  }
0x63: {  	_ =	shalt  }
0x64: {  	_ =	shalt  }
0x65: {  	_ =	shalt  }
0x66: {  	_ =	shalt  }
0x67: {  	_ =	shalt  }
0x68: {  	_ =	shalt  }
0x69: {  	_ =	shalt  }
0x6a: {  	_ =	shalt  }
0x6b: {  	_ =	shalt  }
0x6c: {  	_ =	shalt  }
0x6d: {  	_ =	shalt  }
0x6e: {  	_ =	shalt  }
0x6f: {  	_ =	shalt  }
0x70: {  	_ =	shalt  }
0x71: {  	_ =	shalt  }
0x72: {  	_ =	shalt  }
0x73: {  	_ =	shalt  }
0x74: {  	_ =	shalt  }
0x75: {  	_ =	shalt  }
0x76: {  	_ =	shalt  }
0x77: {  	_ =	shalt  }
0x78: {  	_ =	shalt  }
0x79: {  	_ =	shalt  }
0x7a: {  	_ =	shalt  }
0x7b: {  	_ =	shalt  }
0x7c: {  	_ =	shalt  }
0x7d: {  	_ =	shalt  }
0x7e: {  	_ =	shalt  }
0x7f: {  	_ =	shalt  }
0x80: {  	_ =	shalt  }
0x81: {  	_ =	shalt  }
0x82: {  	_ =	shalt  }
0x83: {  	_ =	shalt  }
0x84: {  	_ =	shalt  }
0x85: {  	_ =	shalt  }
0x86: {  	_ =	shalt  }
0x87: {  	_ =	shalt  }
.Lfunc_end0:
.L_simem_size_0:
called_computation.2_lowered:
.L_overlay_start_0:
0x88: {  	s2 =	sld [smem:$0x3FD9]  }
0x89: {  	s3 =	sld [smem:$0x3FFE];
	_ =	sdelay $0x1  }
0x8a: {  	s1 =	srdreg.scid  }
0x8b: {  	s0 =	sand.u32 $0x1, s1  }
0x8c: {  	s16 =	sshll.u32 s0, $0xA;
	s2 =	sadd.s32 s3, s2  }
0x8d: {  	s2 =	sadd.s32 s2, s16  }
0x8e: {  	[smem:$0x3FB8] =	sst s2  }
0x8f: {  	_ = 	snop  }
0x90: {  	(tm) =	ssettm $0x1  }
0x91: {  	s17 =	sld [smem:$0x3FFB];
	_ =	sdelay $0x3  }
0x92: {  	_ =	strace s17  }
0x93: {  	s2 =	sld [smem:$0x3FFC];
	_ =	sdelay $0x3  }
0x94: {  	_ =	strace s2  }
0x95: {  	s2 =	sld [smem:$0x3FFD];
	_ =	sdelay $0x3  }
0x96: {  	_ =	strace s2  }
0x97: {  	_ =	strace $0x8FFFFFFF  }
0x98: {  	s18 =	sld [smem:$0x3FDB];
	_ =	sdelay $0x1  }
0x99: {  	s19 =	simm.s32 $_scs_section_size  }
0x9a: {  	s4 =	simm.s32 $_size__tile_overlayer_lowered;
	s5 =	simm.s32 $_tile_overlayer_lowered  }
0x9b: {  	s22 =	simm.s32 $0x1BFF;
	s21 =	sshll.u32 s5, $0x1;
	s2 =	sadd.s32 s19, s18  }
0x9c: {  	s6 =	simm.s32 $0x0;
	s20 =	sshll.u32 s4, $0x1;
	s4 =	sadd.s32 s21, s2  }
0x9d: {  	[timem:s6], [sflag:s22] =	dma.local [hbm:s4], s20  }
0x9e: {  	_ =	swait.ge [sflag:s22], s20  }
0x9f: {  	s3 =	ssub.s32 $0x0, s20;
	[sflag:s22] =	ssyncset.done $0x0  }
0xa0: {  	[sflag:s22] =	ssyncadd.s32 s3;
	_ =	sdelay $0x1  }
0xa1: {  	s23 =	simm.s32 $0x1B8B  }
0xa2: {  	_ =	swait.ge [sflag:s23], $0x1  }
0xa3: {  	[sflag:s23] =	ssyncset.done $0x0  }
0xa4: {  	s25 =	simm.s32 $0x1B8E;
	s24 =	sld [smem:$0x3FFE];
	[sflag:s23] =	ssyncadd.s32 $0xFFFFFFFF  }
0xa5: {  	s26 =	simm.s32 $execute0_lowered;
	[smem:$0x3FD2] =	sst s25  }
0xa6: {  	s4 =	sshll.u32 s26, $0x1;
	_ =	strace $0x8000004C;
	[dreg:$0x1] =	wrdreg $0xFFFFFFFF  }
0xa7: {  	s28 =	simm.s32 $_size_execute0_lowered;
	s2 =	sadd.s32 s2, s4;
	[dreg:$0x0] =	wrdreg $0x0  }
0xa8: {  	s4 =	sshll.u32 s28, $0x1;
	[dreg:$0x2] =	wrdreg s2  }
0xa9: {  	[dreg:$0x3] =	wrdreg s4  }
0xaa: {  	[dreg:$0x4] =	wrdreg $0xC0  }
0xab: {  	_ =	task [dreg:s6], $0x5FFFF  }
0xac: {  	[dreg:$0x1] =	wrdreg $0xFFFFFFFF  }
0xad: {  	[dreg:$0x0] =	wrdreg $0x60  }
0xae: {  	[dreg:$0x2] =	wrdreg s24  }
0xaf: {  	[dreg:$0x3] =	wrdreg $0x116200  }
0xb0: {  	[dreg:$0x4] =	wrdreg $0x9  }
0xb1: {  	_ =	task.clear_ibuf [dreg:s6], $0x5FFFF;
	_ =	strace $0x9000004C  }
0xb2: {  	s29 =	simm.s32 $0x9;
	_ =	strace $0x8000004E  }
0xb3: {  	_ =	swait.ge [sflag:s29], $0x1  }
0xb4: {  	[sflag:s29] =	ssyncadd.s32 $0xFFFFFFFF  }
0xb5: {  	_ =	strace $0x9000004E  }
0xb6: {  	_ =	sfence  }
0xb7: {  	s30 =	sld [smem:$0x0];
	_ =	sdelay $0x2  }
0xb8: {  	s31 =	sshll.u32 s1, $0xD;
	s1 =	sshrl.u32 s1, $0x2  }
0xb9: {  	s3 =	sand.u32 $0x4000, s31;
	s1 =	sadd.s32 s1, s30  }
0xba: {  	s0 =	sor.u32 s3, s0;
	s1 =	sshll.u32 s1, $0x11  }
0xbb: {  	s0 =	sor.u32 s1, s0  }
0xbc: {  	s0 =	sadd.s32 $0x8F2B, s0  }
0xbd: {  	[sflag:s0] =	ssyncadd.remote.s32 $0x1  }
0xbe: {  	_ =	sfence.sel $0xFFFF  }
0xbf: {  	[dreg:$0x0] =	wrdreg $0xFFFFFFFF;
	(pc) =	sbr.abs _section_cstart, $3  }
0xc0: {  	[dreg:$0x1] =	wrdreg $0xFFFFFFFF  }
0xc1: {  	_ =	task.clear_ibuf [dreg:s6], $0x2FFFF;
	_ =	strace $0x9FFFFFFF  }
0xc2: {  	(tm) =	ssettm $0x7FFFFFFF  }
0xc3: {  	_ =	shalt  }
tec
execute0_lowered:
.L_overlay_start_1:
0x0: {  	(tag) =	ssettag $0x1  }
0x1: {  	s0 =	srdreg.scid  }
0x2: {  	s7 =	stileid.u32;
	s3 =	rddreg [dreg:$0x0]  }
0x3: {  	s2 =	rddreg [dreg:$0x1];
	s4 =	simm.s32 $0x0;
	s14 =	simm.s32 $0xD  }
0x4: {  	s16 =	simm.s32 $0x4E20;
	s17 =	simm.s32 $0x50;
	s18 =	simm.s32 $0x6220  }
0x5: {  	s28 =	simm.s32 $0xB220;
	s29 =	simm.s32 $0xC620;
	s30 =	simm.s32 $0xDA20  }
0x6: {  	s31 =	simm.s32 $0xEE20;
	s15 =	simm.s32 $0x6;
	s8 =	simm.s32 $0xB  }
0x7: {  	s9 =	simm.s32 $0xC;
	s10 =	simm.s32 $0x0;
	s0 =	sand.u32 $0x1, s0  }
0x8: {  	s1 =	sshll.u32 s7, $0x1;
	[smem:$0x7FF] =	sst s4;
	s6 =	smul.u32 $0x14000, s7  }
0x9: {  	s4 =	sadd.s32 $0x2AA00, s3;
	s7 =	smul.u32 $0x28000, s7;
	s1 =	sor.u32 s0, s1  }
0xa: {  	s5 =	smul.u32 $0x140000, s0;
	_ =	strace $0x8000004D;
	s0 =	ssub.s32 $0x2, s0  }
0xb: {  	s1 =	smul.u32 $0x4E2, s1;
	s19 =	sshrl.u32 s0, $0x1;
	s7 =	sshrl.u32 s7, $0x2  }
0xc: {  	s5 =	sadd.s32 s6, s5;
	s0 =	ssub.s32 s0, s19;
	s20 =	sadd.s32 s7, s2  }
0xd: {  	s19 =	simm.s32 $0x7620;
	s6 =	simm.s32 $0x9;
	s7 =	simm.s32 $0xA  }
0xe: {  	s1 =	sadd.s32 s1, s3;
	s22 =	sadd.s32 $0x2000, s20;
	[dreg:$0x3] =	wrdreg s20  }
0xf: {  	s5 =	sshrl.u32 s5, $0x3;
	s23 =	sadd.s32 $0x4000, s20;
	[dreg:$0x6] =	wrdreg s22  }
0x10: {  	s24 =	sadd.s32 $0x6000, s20;
	s25 =	sadd.s32 $0x8000, s20;
	[dreg:$0x7] =	wrdreg s23  }
0x11: {  	s0 =	smax.u32 s0, $0x1;
	s20 =	simm.s32 $0x8A20;
	[dreg:$0x8] =	wrdreg s24  }
0x12: {  	s3 =	sadd.s32 s5, s3;
	s21 =	sadd.s32 $0x20C00, s1;
	[dreg:$0x9] =	wrdreg s25  }
0x13: {  	s1 =	sadd.s32 $0x16E00, s1;
	[dreg:$0xb] =	wrdreg s0;
	s22 =	simm.s32 $0x1  }
0x14: {  	s23 =	simm.s32 $0x2;
	s24 =	simm.s32 $0x3;
	[dreg:$0x4] =	wrdreg s21  }
0x15: {  	s25 =	simm.s32 $0x4;
	s0 =	simm.s32 $0x7;
	[dreg:$0x5] =	wrdreg s1  }
0x16: {  	s26 =	sadd.s32 $0xC6E00, s3;
	s21 =	simm.s32 $0x9E20;
	s1 =	simm.s32 $0x10220  }
0x17: {  	v0 =	vimm.f32 $0.0e+00;
	s3 =	simm.s32 $0x8;
	[dreg:$0xa] =	wrdreg s26;
	s26 =	simm.s32 $0x5  }
.LBB2_1:
0x18: {  	[dreg:$0xc] =	wrdreg s10  }
0x19: {  	s5 =	simm.s32 $0x0;
	s12 =	rddreg [dreg:$0x4]  }
0x1a: {  	[tilespmem:s5], [sflag:$0xD] =	stream.linear.gather [hbm4b:s12+s5], $0x2710, $0x38;
	[tilespmem:$0x1B620] =	vst v63  }
0x1b: {  	_ =	swait.ge [sflag:s14], $0x2710  }
0x1c: {  	[sflag:s14] =	ssyncset.done $0x0  }
0x1d: {  	s11 =	simm.s32 $0x2710;
	s13 =	rddreg [dreg:$0x5];
	[sflag:s14] =	ssyncadd.s32 $0xFFFFD8F0  }
0x1e: {  	[tilespmem:s11], [sflag:$0xD] =	stream.linear.gather [hbm4b:s13+s5], $0x2710, $0x38;
	[tilespmem:$0x1B620] =	vst v63  }
0x1f: {  	_ =	swait.ge [sflag:s14], $0x2710  }
0x20: {  	[sflag:s14] =	ssyncset.done $0x0  }
0x21: {  	s12 =	simm.s32 $0x100;
	s11 =	simm.s32 $0x0;
	[sflag:s14] =	ssyncadd.s32 $0xFFFFD8F0  }
.LBB2_2:
0x22: {  	p0 =	sne.s32 s12, $0x7F00;
	[tilespmem:s11+$0x4E50] =	vst v0;
	s13 =	smov.u32 s12;
	s12 =	sadd.s32 $0x100, s12  }
.Ltmp0:
0x23: {  	[tilespmem:s11+$0x4E40] =	vst v0;
	(pc) =	sbr.rel @p0 .LBB2_2-.Ltmp0, $3  }
0x24: {  	[tilespmem:s11+$0x4E20] =	vst v0  }
0x25: {  	[tilespmem:s11+$0x4E30] =	vst v0;
	_ =	sdelay $0x1  }
0x26: {  	s11 =	sshra.s32 s13, $0x2  }
0x27: {  	[tilespmem:s11+$0x4E50] =	vst v0  }
0x28: {  	[tilespmem:s11+$0x4E40] =	vst v0  }
0x29: {  	[tilespmem:s11+$0x4E20] =	vst v0  }
0x2a: {  	[tilespmem:s11+$0x4E30] =	vst v0;
	s5 =	rddreg [dreg:$0x3]  }
0x2b: {  	[spmem:s5] =	stream.linear.scatter [tilespmem:s16], [sflag:$0xD], $0x2000, $0x38;
	[tilespmem:$0x1B620] =	vst v63  }
0x2c: {  	_ =	swait.ge [sflag:s14], $0x2000  }
0x2d: {  	[sflag:s14] =	ssyncset.done $0x0  }
0x2e: {  	s10 =	rddreg [dreg:$0x6];
	[sflag:s14] =	ssyncadd.s32 $0xFFFFE000  }
0x2f: {  	[spmem:s10] =	stream.linear.scatter [tilespmem:s16], [sflag:$0xD], $0x2000, $0x38;
	[tilespmem:$0x1B620] =	vst v63  }
0x30: {  	_ =	swait.ge [sflag:s14], $0x2000  }
0x31: {  	[sflag:s14] =	ssyncset.done $0x0  }
0x32: {  	s11 =	rddreg [dreg:$0x7];
	[sflag:s14] =	ssyncadd.s32 $0xFFFFE000  }
0x33: {  	[spmem:s11] =	stream.linear.scatter [tilespmem:s16], [sflag:$0xD], $0x2000, $0x38;
	[tilespmem:$0x1B620] =	vst v63  }
0x34: {  	_ =	swait.ge [sflag:s14], $0x2000  }
0x35: {  	[sflag:s14] =	ssyncset.done $0x0  }
0x36: {  	s12 =	rddreg [dreg:$0x8];
	[sflag:s14] =	ssyncadd.s32 $0xFFFFE000  }
0x37: {  	[spmem:s12] =	stream.linear.scatter [tilespmem:s16], [sflag:$0xD], $0x2000, $0x38;
	[tilespmem:$0x1B620] =	vst v63  }
0x38: {  	_ =	swait.ge [sflag:s14], $0x2000  }
0x39: {  	[sflag:s14] =	ssyncset.done $0x0  }
0x3a: {  	s13 =	rddreg [dreg:$0x9];
	[sflag:s14] =	ssyncadd.s32 $0xFFFFE000  }
0x3b: {  	[spmem:s13] =	stream.linear.scatter [tilespmem:s16], [sflag:$0xD], $0x2000, $0x38;
	[tilespmem:$0x1B620] =	vst v63  }
0x3c: {  	_ =	swait.ge [sflag:s14], $0x2000  }
0x3d: {  	[sflag:s14] =	ssyncset.done $0x0  }
0x3e: {  	p0 =	por $0x1, $0x1;
	[sflag:s14] =	ssyncadd.s32 $0xFFFFE000  }
0x3f: {  	s11 =	simm.s32 @!p0 $0xB;
	[bflag:$0x0] =	sbarrier.arrive $0xFFFF  }
0x40: {  	_ =	swait.ge @!p0 [sflag:s11], $0x1400  }
0x41: {  	[sflag:s11] =	ssyncset.done @!p0 $0x0  }
0x42: {  	[sflag:s11] =	ssyncadd.s32 @!p0 $0xFFFFEC00  }
0x43: {  	_ =	swait.ge @!p0 [sflag:s11], $0x1400  }
0x44: {  	[sflag:s11] =	ssyncset.done @!p0 $0x0  }
0x45: {  	[sflag:s11] =	ssyncadd.s32 @!p0 $0xFFFFEC00  }
0x46: {  	_ =	swait.ge @!p0 [sflag:s11], $0x1400  }
0x47: {  	[sflag:s11] =	ssyncset.done @!p0 $0x0  }
0x48: {  	[sflag:s11] =	ssyncadd.s32 @!p0 $0xFFFFEC00  }
0x49: {  	_ =	swait.ge @!p0 [sflag:s11], $0x1400  }
0x4a: {  	[sflag:s11] =	ssyncset.done @!p0 $0x0  }
0x4b: {  	[sflag:s11] =	ssyncadd.s32 @!p0 $0xFFFFEC00  }
0x4c: {  	_ =	swait.ge @!p0 [sflag:s11], $0x1400  }
0x4d: {  	[sflag:s11] =	ssyncset.done @!p0 $0x0  }
0x4e: {  	s5 =	simm.s32 $0x0;
	[sflag:s11] =	ssyncadd.s32 @!p0 $0xFFFFEC00  }
0x4f: {  	[tilespmem:s16], [sflag:$0x1] =	stream.indirect.gather [hbm4b:s4+s17], $0x40, s5, s17, $0xb8;
	[tilespmem:$0x1B620] =	vst v63  }
0x50: {  	s10 =	simm.s32 $0x50  }
0x51: {  	[tilespmem:s18], [sflag:$0x2] =	stream.indirect.gather [hbm4b:s4+s17], $0x40, s10, s17, $0xb8;
	[tilespmem:$0x1B620] =	vst v63  }
0x52: {  	s12 =	simm.s32 $0xA0  }
0x53: {  	[tilespmem:s19], [sflag:$0x3] =	stream.indirect.gather [hbm4b:s4+s17], $0x40, s12, s17, $0xb8;
	[tilespmem:$0x1B620] =	vst v63  }
0x54: {  	s13 =	simm.s32 $0xF0  }
0x55: {  	[tilespmem:s20], [sflag:$0x4] =	stream.indirect.gather [hbm4b:s4+s17], $0x40, s13, s17, $0xb8;
	[tilespmem:$0x1B620] =	vst v63  }
0x56: {  	s5 =	simm.s32 $0x140  }
0x57: {  	[tilespmem:s21], [sflag:$0x5] =	stream.indirect.gather [hbm4b:s4+s17], $0x40, s5, s17, $0xb8;
	[tilespmem:$0x1B620] =	vst v63  }
0x58: {  	_ =	swait.ge [sflag:s22], $0x1400  }
0x59: {  	[sflag:s22] =	ssyncset.done $0x0  }
0x5a: {  	s10 =	simm.s32 $0x2710;
	[sflag:s22] =	ssyncadd.s32 $0xFFFFEC00  }
0x5b: {  	[spmem:s2] =	stream.indirect.scatter.add.f32 [tilespmem:s16], [sflag:$0xB], $0x40, s10, s17, $0xb8;
	[tilespmem:$0x1B620] =	vst v63  }
0x5c: {  	_ =	swait.ge [sflag:s23], $0x1400  }
0x5d: {  	[sflag:s23] =	ssyncset.done $0x0  }
0x5e: {  	s12 =	simm.s32 $0x2760;
	[sflag:s23] =	ssyncadd.s32 $0xFFFFEC00  }
0x5f: {  	[spmem:s2] =	stream.indirect.scatter.add.f32 [tilespmem:s18], [sflag:$0xB], $0x40, s12, s17, $0xb8;
	[tilespmem:$0x1B620] =	vst v63  }
0x60: {  	_ =	swait.ge [sflag:s24], $0x1400  }
0x61: {  	[sflag:s24] =	ssyncset.done $0x0  }
0x62: {  	s13 =	simm.s32 $0x27B0;
	[sflag:s24] =	ssyncadd.s32 $0xFFFFEC00  }
0x63: {  	[spmem:s2] =	stream.indirect.scatter.add.f32 [tilespmem:s19], [sflag:$0xB], $0x40, s13, s17, $0xb8;
	[tilespmem:$0x1B620] =	vst v63  }
0x64: {  	_ =	swait.ge [sflag:s25], $0x1400  }
0x65: {  	[sflag:s25] =	ssyncset.done $0x0  }
0x66: {  	s5 =	simm.s32 $0x2800;
	[sflag:s25] =	ssyncadd.s32 $0xFFFFEC00  }
0x67: {  	[spmem:s2] =	stream.indirect.scatter.add.f32 [tilespmem:s20], [sflag:$0xB], $0x40, s5, s17, $0xb8;
	[tilespmem:$0x1B620] =	vst v63  }
0x68: {  	_ =	swait.ge [sflag:s26], $0x1400  }
0x69: {  	[sflag:s26] =	ssyncset.done $0x0  }
0x6a: {  	s10 =	simm.s32 $0x2850;
	s12 =	simm.s32 @!p0 $0xC;
	[sflag:s26] =	ssyncadd.s32 $0xFFFFEC00  }
0x6b: {  	[spmem:s2] =	stream.indirect.scatter.add.f32 [tilespmem:s21], [sflag:$0xB], $0x40, s10, s17, $0xb8;
	[tilespmem:$0x1B620] =	vst v63  }
0x6c: {  	_ =	swait.ge @!p0 [sflag:s12], $0x1400  }
0x6d: {  	[sflag:s12] =	ssyncset.done @!p0 $0x0  }
0x6e: {  	[sflag:s12] =	ssyncadd.s32 @!p0 $0xFFFFEC00  }
0x6f: {  	_ =	swait.ge @!p0 [sflag:s12], $0x1400  }
0x70: {  	[sflag:s12] =	ssyncset.done @!p0 $0x0  }
0x71: {  	[sflag:s12] =	ssyncadd.s32 @!p0 $0xFFFFEC00  }
0x72: {  	_ =	swait.ge @!p0 [sflag:s12], $0x1400  }
0x73: {  	[sflag:s12] =	ssyncset.done @!p0 $0x0  }
0x74: {  	[sflag:s12] =	ssyncadd.s32 @!p0 $0xFFFFEC00  }
0x75: {  	_ =	swait.ge @!p0 [sflag:s12], $0x1400  }
0x76: {  	[sflag:s12] =	ssyncset.done @!p0 $0x0  }
0x77: {  	[sflag:s12] =	ssyncadd.s32 @!p0 $0xFFFFEC00  }
0x78: {  	_ =	swait.ge @!p0 [sflag:s12], $0x1400  }
0x79: {  	[sflag:s12] =	ssyncset.done @!p0 $0x0  }
0x7a: {  	s13 =	simm.s32 $0x190;
	[sflag:s12] =	ssyncadd.s32 @!p0 $0xFFFFEC00  }
0x7b: {  	[tilespmem:s28], [sflag:$0x6] =	stream.indirect.gather [hbm4b:s4+s17], $0x40, s13, s17, $0xb8;
	[tilespmem:$0x1B620] =	vst v63  }
0x7c: {  	s5 =	simm.s32 $0x1E0  }
0x7d: {  	[tilespmem:s29], [sflag:$0x7] =	stream.indirect.gather [hbm4b:s4+s17], $0x40, s5, s17, $0xb8;
	[tilespmem:$0x1B620] =	vst v63  }
0x7e: {  	s10 =	simm.s32 $0x230  }
0x7f: {  	[tilespmem:s30], [sflag:$0x8] =	stream.indirect.gather [hbm4b:s4+s17], $0x40, s10, s17, $0xb8;
	[tilespmem:$0x1B620] =	vst v63  }
0x80: {  	s12 =	simm.s32 $0x280  }
0x81: {  	[tilespmem:s31], [sflag:$0x9] =	stream.indirect.gather [hbm4b:s4+s17], $0x40, s12, s17, $0xb8;
	[tilespmem:$0x1B620] =	vst v63  }
0x82: {  	s13 =	simm.s32 $0x2D0  }
0x83: {  	[tilespmem:s1], [sflag:$0xA] =	stream.indirect.gather [hbm4b:s4+s17], $0x40, s13, s17, $0xb8;
	[tilespmem:$0x1B620] =	vst v63  }
0x84: {  	_ =	swait.ge [sflag:s15], $0x1400  }
0x85: {  	[sflag:s15] =	ssyncset.done $0x0  }
0x86: {  	s5 =	simm.s32 $0x28A0;
	[sflag:s15] =	ssyncadd.s32 $0xFFFFEC00  }
0x87: {  	[spmem:s2] =	stream.indirect.scatter.add.f32 [tilespmem:s28], [sflag:$0xC], $0x40, s5, s17, $0xb8;
	[tilespmem:$0x1B620] =	vst v63  }
0x88: {  	_ =	swait.ge [sflag:s0], $0x1400  }
0x89: {  	[sflag:s0] =	ssyncset.done $0x0  }
0x8a: {  	s10 =	simm.s32 $0x28F0;
	[sflag:s0] =	ssyncadd.s32 $0xFFFFEC00  }
0x8b: {  	[spmem:s2] =	stream.indirect.scatter.add.f32 [tilespmem:s29], [sflag:$0xC], $0x40, s10, s17, $0xb8;
	[tilespmem:$0x1B620] =	vst v63  }
0x8c: {  	_ =	swait.ge [sflag:s3], $0x1400  }
0x8d: {  	[sflag:s3] =	ssyncset.done $0x0  }
0x8e: {  	s12 =	simm.s32 $0x2940;
	[sflag:s3] =	ssyncadd.s32 $0xFFFFEC00  }
0x8f: {  	[spmem:s2] =	stream.indirect.scatter.add.f32 [tilespmem:s30], [sflag:$0xC], $0x40, s12, s17, $0xb8;
	[tilespmem:$0x1B620] =	vst v63  }
0x90: {  	_ =	swait.ge [sflag:s6], $0x1400  }
0x91: {  	[sflag:s6] =	ssyncset.done $0x0  }
0x92: {  	s13 =	simm.s32 $0x2990;
	[sflag:s6] =	ssyncadd.s32 $0xFFFFEC00  }
0x93: {  	[spmem:s2] =	stream.indirect.scatter.add.f32 [tilespmem:s31], [sflag:$0xC], $0x40, s13, s17, $0xb8;
	[tilespmem:$0x1B620] =	vst v63  }
0x94: {  	s11 =	simm.s32 $0xC80;
	p0 =	por $0x0, $0x0;
	_ =	swait.ge [sflag:s7], $0x1400  }
0x95: {  	s12 =	simm.s32 $0x1900;
	s13 =	simm.s32 $0x29E0;
	[sflag:s7] =	ssyncset.done $0x0  }
.LBB2_4:
0x96: {  	s5 =	simm.s32 @!p0 $0xB  }
0x97: {  	[sflag:s7] =	ssyncadd.s32 $0xFFFFEC00;
	s10 =	smov.u32 s12;
	s12 =	sadd.s32 $0xC80, s12  }
0x98: {  	[spmem:s2] =	stream.indirect.scatter.add.f32 [tilespmem:s1], [sflag:$0xC], $0x40, s13, s17, $0xb8;
	[tilespmem:$0x1B620] =	vst v63  }
0x99: {  	p1 =	sne.s32 s12, $0x9600;
	_ =	swait.ge @!p0 [sflag:s5], $0x1400  }
0x9a: {  	[sflag:s5] =	ssyncset.done @!p0 $0x0  }
0x9b: {  	[sflag:s5] =	ssyncadd.s32 @!p0 $0xFFFFEC00  }
0x9c: {  	_ =	swait.ge @!p0 [sflag:s5], $0x1400  }
0x9d: {  	[sflag:s5] =	ssyncset.done @!p0 $0x0  }
0x9e: {  	[sflag:s5] =	ssyncadd.s32 @!p0 $0xFFFFEC00  }
0x9f: {  	_ =	swait.ge @!p0 [sflag:s5], $0x1400  }
0xa0: {  	[sflag:s5] =	ssyncset.done @!p0 $0x0  }
0xa1: {  	[sflag:s5] =	ssyncadd.s32 @!p0 $0xFFFFEC00  }
0xa2: {  	_ =	swait.ge @!p0 [sflag:s5], $0x1400  }
0xa3: {  	[sflag:s5] =	ssyncset.done @!p0 $0x0  }
0xa4: {  	[sflag:s5] =	ssyncadd.s32 @!p0 $0xFFFFEC00  }
0xa5: {  	_ =	swait.ge @!p0 [sflag:s5], $0x1400  }
0xa6: {  	[sflag:s5] =	ssyncset.done @!p0 $0x0  }
0xa7: {  	s13 =	sshra.s32 s11, $0x2;
	s11 =	smov.u32 s10;
	[sflag:s5] =	ssyncadd.s32 @!p0 $0xFFFFEC00  }
0xa8: {  	[tilespmem:s16], [sflag:$0x1] =	stream.indirect.gather [hbm4b:s4+s17], $0x40, s13, s17, $0xb8;
	[tilespmem:$0x1B620] =	vst v63  }
0xa9: {  	s5 =	sadd.s32 $0x50, s13  }
0xaa: {  	[tilespmem:s18], [sflag:$0x2] =	stream.indirect.gather [hbm4b:s4+s17], $0x40, s5, s17, $0xb8;
	[tilespmem:$0x1B620] =	vst v63  }
0xab: {  	s5 =	sadd.s32 $0xA0, s13  }
0xac: {  	[tilespmem:s19], [sflag:$0x3] =	stream.indirect.gather [hbm4b:s4+s17], $0x40, s5, s17, $0xb8;
	[tilespmem:$0x1B620] =	vst v63  }
0xad: {  	s5 =	sadd.s32 $0xF0, s13  }
0xae: {  	[tilespmem:s20], [sflag:$0x4] =	stream.indirect.gather [hbm4b:s4+s17], $0x40, s5, s17, $0xb8;
	[tilespmem:$0x1B620] =	vst v63  }
0xaf: {  	s5 =	sadd.s32 $0x140, s13  }
0xb0: {  	[tilespmem:s21], [sflag:$0x5] =	stream.indirect.gather [hbm4b:s4+s17], $0x40, s5, s17, $0xb8;
	[tilespmem:$0x1B620] =	vst v63  }
0xb1: {  	_ =	swait.ge [sflag:s22], $0x1400  }
0xb2: {  	[sflag:s22] =	ssyncset.done $0x0  }
0xb3: {  	s5 =	sadd.s32 $0x2710, s13;
	[sflag:s22] =	ssyncadd.s32 $0xFFFFEC00  }
0xb4: {  	[spmem:s2] =	stream.indirect.scatter.add.f32 [tilespmem:s16], [sflag:$0xB], $0x40, s5, s17, $0xb8;
	[tilespmem:$0x1B620] =	vst v63  }
0xb5: {  	_ =	swait.ge [sflag:s23], $0x1400  }
0xb6: {  	[sflag:s23] =	ssyncset.done $0x0  }
0xb7: {  	s5 =	sadd.s32 $0x2760, s13;
	[sflag:s23] =	ssyncadd.s32 $0xFFFFEC00  }
0xb8: {  	[spmem:s2] =	stream.indirect.scatter.add.f32 [tilespmem:s18], [sflag:$0xB], $0x40, s5, s17, $0xb8;
	[tilespmem:$0x1B620] =	vst v63  }
0xb9: {  	_ =	swait.ge [sflag:s24], $0x1400  }
0xba: {  	[sflag:s24] =	ssyncset.done $0x0  }
0xbb: {  	s5 =	sadd.s32 $0x27B0, s13;
	[sflag:s24] =	ssyncadd.s32 $0xFFFFEC00  }
0xbc: {  	[spmem:s2] =	stream.indirect.scatter.add.f32 [tilespmem:s19], [sflag:$0xB], $0x40, s5, s17, $0xb8;
	[tilespmem:$0x1B620] =	vst v63  }
0xbd: {  	_ =	swait.ge [sflag:s25], $0x1400  }
0xbe: {  	[sflag:s25] =	ssyncset.done $0x0  }
0xbf: {  	s5 =	sadd.s32 $0x2800, s13;
	[sflag:s25] =	ssyncadd.s32 $0xFFFFEC00  }
0xc0: {  	[spmem:s2] =	stream.indirect.scatter.add.f32 [tilespmem:s20], [sflag:$0xB], $0x40, s5, s17, $0xb8;
	[tilespmem:$0x1B620] =	vst v63  }
0xc1: {  	_ =	swait.ge [sflag:s26], $0x1400  }
0xc2: {  	[sflag:s26] =	ssyncset.done $0x0  }
0xc3: {  	s10 =	simm.s32 @!p0 $0xC;
	s5 =	sadd.s32 $0x2850, s13;
	[sflag:s26] =	ssyncadd.s32 $0xFFFFEC00  }
0xc4: {  	[spmem:s2] =	stream.indirect.scatter.add.f32 [tilespmem:s21], [sflag:$0xB], $0x40, s5, s17, $0xb8;
	[tilespmem:$0x1B620] =	vst v63  }
0xc5: {  	_ =	swait.ge @!p0 [sflag:s10], $0x1400  }
0xc6: {  	[sflag:s10] =	ssyncset.done @!p0 $0x0  }
0xc7: {  	[sflag:s10] =	ssyncadd.s32 @!p0 $0xFFFFEC00  }
0xc8: {  	_ =	swait.ge @!p0 [sflag:s10], $0x1400  }
0xc9: {  	[sflag:s10] =	ssyncset.done @!p0 $0x0  }
0xca: {  	[sflag:s10] =	ssyncadd.s32 @!p0 $0xFFFFEC00  }
0xcb: {  	_ =	swait.ge @!p0 [sflag:s10], $0x1400  }
0xcc: {  	[sflag:s10] =	ssyncset.done @!p0 $0x0  }
0xcd: {  	[sflag:s10] =	ssyncadd.s32 @!p0 $0xFFFFEC00  }
0xce: {  	_ =	swait.ge @!p0 [sflag:s10], $0x1400  }
0xcf: {  	[sflag:s10] =	ssyncset.done @!p0 $0x0  }
0xd0: {  	[sflag:s10] =	ssyncadd.s32 @!p0 $0xFFFFEC00  }
0xd1: {  	_ =	swait.ge @!p0 [sflag:s10], $0x1400  }
0xd2: {  	[sflag:s10] =	ssyncset.done @!p0 $0x0  }
0xd3: {  	s5 =	sadd.s32 $0x190, s13;
	[sflag:s10] =	ssyncadd.s32 @!p0 $0xFFFFEC00  }
0xd4: {  	[tilespmem:s28], [sflag:$0x6] =	stream.indirect.gather [hbm4b:s4+s17], $0x40, s5, s17, $0xb8;
	[tilespmem:$0x1B620] =	vst v63  }
0xd5: {  	s5 =	sadd.s32 $0x1E0, s13  }
0xd6: {  	[tilespmem:s29], [sflag:$0x7] =	stream.indirect.gather [hbm4b:s4+s17], $0x40, s5, s17, $0xb8;
	[tilespmem:$0x1B620] =	vst v63  }
0xd7: {  	s5 =	sadd.s32 $0x230, s13  }
0xd8: {  	[tilespmem:s30], [sflag:$0x8] =	stream.indirect.gather [hbm4b:s4+s17], $0x40, s5, s17, $0xb8;
	[tilespmem:$0x1B620] =	vst v63  }
0xd9: {  	s5 =	sadd.s32 $0x280, s13  }
0xda: {  	[tilespmem:s31], [sflag:$0x9] =	stream.indirect.gather [hbm4b:s4+s17], $0x40, s5, s17, $0xb8;
	[tilespmem:$0x1B620] =	vst v63  }
0xdb: {  	s5 =	sadd.s32 $0x2D0, s13  }
0xdc: {  	[tilespmem:s1], [sflag:$0xA] =	stream.indirect.gather [hbm4b:s4+s17], $0x40, s5, s17, $0xb8;
	[tilespmem:$0x1B620] =	vst v63  }
0xdd: {  	_ =	swait.ge [sflag:s15], $0x1400  }
0xde: {  	[sflag:s15] =	ssyncset.done $0x0  }
0xdf: {  	s5 =	sadd.s32 $0x28A0, s13;
	[sflag:s15] =	ssyncadd.s32 $0xFFFFEC00  }
0xe0: {  	[spmem:s2] =	stream.indirect.scatter.add.f32 [tilespmem:s28], [sflag:$0xC], $0x40, s5, s17, $0xb8;
	[tilespmem:$0x1B620] =	vst v63  }
0xe1: {  	_ =	swait.ge [sflag:s0], $0x1400  }
0xe2: {  	[sflag:s0] =	ssyncset.done $0x0  }
0xe3: {  	s5 =	sadd.s32 $0x28F0, s13;
	[sflag:s0] =	ssyncadd.s32 $0xFFFFEC00  }
0xe4: {  	[spmem:s2] =	stream.indirect.scatter.add.f32 [tilespmem:s29], [sflag:$0xC], $0x40, s5, s17, $0xb8;
	[tilespmem:$0x1B620] =	vst v63  }
0xe5: {  	_ =	swait.ge [sflag:s3], $0x1400  }
0xe6: {  	[sflag:s3] =	ssyncset.done $0x0  }
0xe7: {  	s5 =	sadd.s32 $0x2940, s13;
	[sflag:s3] =	ssyncadd.s32 $0xFFFFEC00  }
0xe8: {  	[spmem:s2] =	stream.indirect.scatter.add.f32 [tilespmem:s30], [sflag:$0xC], $0x40, s5, s17, $0xb8;
	[tilespmem:$0x1B620] =	vst v63  }
0xe9: {  	_ =	swait.ge [sflag:s6], $0x1400  }
.Ltmp1:
0xea: {  	[sflag:s6] =	ssyncset.done $0x0;
	(pc) =	sbr.rel @p1 .LBB2_4-.Ltmp1, $4  }
0xeb: {  	s5 =	sadd.s32 $0x2990, s13;
	[sflag:s6] =	ssyncadd.s32 $0xFFFFEC00  }
0xec: {  	[spmem:s2] =	stream.indirect.scatter.add.f32 [tilespmem:s31], [sflag:$0xC], $0x40, s5, s17, $0xb8;
	[tilespmem:$0x1B620] =	vst v63  }
0xed: {  	_ =	swait.ge [sflag:s7], $0x1400  }
0xee: {  	p0 =	seq.s32 s11, $0x0;
	s13 =	sadd.s32 $0x29E0, s13;
	[sflag:s7] =	ssyncset.done $0x0  }
0xef: {  	[sflag:s7] =	ssyncadd.s32 $0xFFFFEC00;
	s5 =	simm.s32 @!p0 $0xB  }
0xf0: {  	[spmem:s2] =	stream.indirect.scatter.add.f32 [tilespmem:s1], [sflag:$0xC], $0x40, s13, s17, $0xb8;
	[tilespmem:$0x1B620] =	vst v63  }
0xf1: {  	_ =	swait.ge @!p0 [sflag:s5], $0x1400  }
0xf2: {  	[sflag:s5] =	ssyncset.done @!p0 $0x0  }
0xf3: {  	[sflag:s5] =	ssyncadd.s32 @!p0 $0xFFFFEC00  }
0xf4: {  	_ =	swait.ge @!p0 [sflag:s5], $0x1400  }
0xf5: {  	[sflag:s5] =	ssyncset.done @!p0 $0x0  }
0xf6: {  	[sflag:s5] =	ssyncadd.s32 @!p0 $0xFFFFEC00  }
0xf7: {  	_ =	swait.ge @!p0 [sflag:s5], $0x1400  }
0xf8: {  	[sflag:s5] =	ssyncset.done @!p0 $0x0  }
0xf9: {  	[sflag:s5] =	ssyncadd.s32 @!p0 $0xFFFFEC00  }
0xfa: {  	_ =	swait.ge @!p0 [sflag:s5], $0x1400  }
0xfb: {  	[sflag:s5] =	ssyncset.done @!p0 $0x0  }
0xfc: {  	[sflag:s5] =	ssyncadd.s32 @!p0 $0xFFFFEC00  }
0xfd: {  	_ =	swait.ge @!p0 [sflag:s5], $0x1400  }
0xfe: {  	[sflag:s5] =	ssyncset.done @!p0 $0x0  }
0xff: {  	s11 =	sshra.s32 s11, $0x2;
	[sflag:s5] =	ssyncadd.s32 @!p0 $0xFFFFEC00  }
0x100: {  	[tilespmem:s16], [sflag:$0x1] =	stream.indirect.gather [hbm4b:s4+s17], $0x40, s11, s17, $0xb8;
	[tilespmem:$0x1B620] =	vst v63  }
0x101: {  	s13 =	sadd.s32 $0x50, s11  }
0x102: {  	[tilespmem:s18], [sflag:$0x2] =	stream.indirect.gather [hbm4b:s4+s17], $0x40, s13, s17, $0xb8;
	[tilespmem:$0x1B620] =	vst v63  }
0x103: {  	s10 =	sadd.s32 $0xA0, s11  }
0x104: {  	[tilespmem:s19], [sflag:$0x3] =	stream.indirect.gather [hbm4b:s4+s17], $0x40, s10, s17, $0xb8;
	[tilespmem:$0x1B620] =	vst v63  }
0x105: {  	s12 =	sadd.s32 $0xF0, s11  }
0x106: {  	[tilespmem:s20], [sflag:$0x4] =	stream.indirect.gather [hbm4b:s4+s17], $0x40, s12, s17, $0xb8;
	[tilespmem:$0x1B620] =	vst v63  }
0x107: {  	s13 =	sadd.s32 $0x140, s11  }
0x108: {  	[tilespmem:s21], [sflag:$0x5] =	stream.indirect.gather [hbm4b:s4+s17], $0x40, s13, s17, $0xb8;
	[tilespmem:$0x1B620] =	vst v63  }
0x109: {  	_ =	swait.ge [sflag:s22], $0x1400  }
0x10a: {  	[sflag:s22] =	ssyncset.done $0x0  }
0x10b: {  	s10 =	sadd.s32 $0x2710, s11;
	[sflag:s22] =	ssyncadd.s32 $0xFFFFEC00  }
0x10c: {  	[spmem:s2] =	stream.indirect.scatter.add.f32 [tilespmem:s16], [sflag:$0xB], $0x40, s10, s17, $0xb8;
	[tilespmem:$0x1B620] =	vst v63  }
0x10d: {  	_ =	swait.ge [sflag:s23], $0x1400  }
0x10e: {  	[sflag:s23] =	ssyncset.done $0x0  }
0x10f: {  	s12 =	sadd.s32 $0x2760, s11;
	[sflag:s23] =	ssyncadd.s32 $0xFFFFEC00  }
0x110: {  	[spmem:s2] =	stream.indirect.scatter.add.f32 [tilespmem:s18], [sflag:$0xB], $0x40, s12, s17, $0xb8;
	[tilespmem:$0x1B620] =	vst v63  }
0x111: {  	_ =	swait.ge [sflag:s24], $0x1400  }
0x112: {  	[sflag:s24] =	ssyncset.done $0x0  }
0x113: {  	s13 =	sadd.s32 $0x27B0, s11;
	[sflag:s24] =	ssyncadd.s32 $0xFFFFEC00  }
0x114: {  	[spmem:s2] =	stream.indirect.scatter.add.f32 [tilespmem:s19], [sflag:$0xB], $0x40, s13, s17, $0xb8;
	[tilespmem:$0x1B620] =	vst v63  }
0x115: {  	_ =	swait.ge [sflag:s25], $0x1400  }
0x116: {  	[sflag:s25] =	ssyncset.done $0x0  }
0x117: {  	s10 =	sadd.s32 $0x2800, s11;
	[sflag:s25] =	ssyncadd.s32 $0xFFFFEC00  }
0x118: {  	[spmem:s2] =	stream.indirect.scatter.add.f32 [tilespmem:s20], [sflag:$0xB], $0x40, s10, s17, $0xb8;
	[tilespmem:$0x1B620] =	vst v63  }
0x119: {  	_ =	swait.ge [sflag:s26], $0x1400  }
0x11a: {  	[sflag:s26] =	ssyncset.done $0x0  }
0x11b: {  	s5 =	simm.s32 @!p0 $0xC;
	s12 =	sadd.s32 $0x2850, s11;
	[sflag:s26] =	ssyncadd.s32 $0xFFFFEC00  }
0x11c: {  	[spmem:s2] =	stream.indirect.scatter.add.f32 [tilespmem:s21], [sflag:$0xB], $0x40, s12, s17, $0xb8;
	[tilespmem:$0x1B620] =	vst v63  }
0x11d: {  	_ =	swait.ge @!p0 [sflag:s5], $0x1400  }
0x11e: {  	[sflag:s5] =	ssyncset.done @!p0 $0x0  }
0x11f: {  	[sflag:s5] =	ssyncadd.s32 @!p0 $0xFFFFEC00  }
0x120: {  	_ =	swait.ge @!p0 [sflag:s5], $0x1400  }
0x121: {  	[sflag:s5] =	ssyncset.done @!p0 $0x0  }
0x122: {  	[sflag:s5] =	ssyncadd.s32 @!p0 $0xFFFFEC00  }
0x123: {  	_ =	swait.ge @!p0 [sflag:s5], $0x1400  }
0x124: {  	[sflag:s5] =	ssyncset.done @!p0 $0x0  }
0x125: {  	[sflag:s5] =	ssyncadd.s32 @!p0 $0xFFFFEC00  }
0x126: {  	_ =	swait.ge @!p0 [sflag:s5], $0x1400  }
0x127: {  	[sflag:s5] =	ssyncset.done @!p0 $0x0  }
0x128: {  	[sflag:s5] =	ssyncadd.s32 @!p0 $0xFFFFEC00  }
0x129: {  	_ =	swait.ge @!p0 [sflag:s5], $0x1400  }
0x12a: {  	[sflag:s5] =	ssyncset.done @!p0 $0x0  }
0x12b: {  	s13 =	sadd.s32 $0x190, s11;
	[sflag:s5] =	ssyncadd.s32 @!p0 $0xFFFFEC00  }
0x12c: {  	[tilespmem:s28], [sflag:$0x6] =	stream.indirect.gather [hbm4b:s4+s17], $0x40, s13, s17, $0xb8;
	[tilespmem:$0x1B620] =	vst v63  }
0x12d: {  	s10 =	sadd.s32 $0x1E0, s11  }
0x12e: {  	[tilespmem:s29], [sflag:$0x7] =	stream.indirect.gather [hbm4b:s4+s17], $0x40, s10, s17, $0xb8;
	[tilespmem:$0x1B620] =	vst v63  }
0x12f: {  	s12 =	sadd.s32 $0x230, s11  }
0x130: {  	[tilespmem:s30], [sflag:$0x8] =	stream.indirect.gather [hbm4b:s4+s17], $0x40, s12, s17, $0xb8;
	[tilespmem:$0x1B620] =	vst v63  }
0x131: {  	s13 =	sadd.s32 $0x280, s11  }
0x132: {  	[tilespmem:s31], [sflag:$0x9] =	stream.indirect.gather [hbm4b:s4+s17], $0x40, s13, s17, $0xb8;
	[tilespmem:$0x1B620] =	vst v63  }
0x133: {  	s10 =	sadd.s32 $0x2D0, s11  }
0x134: {  	[tilespmem:s1], [sflag:$0xA] =	stream.indirect.gather [hbm4b:s4+s17], $0x40, s10, s17, $0xb8;
	[tilespmem:$0x1B620] =	vst v63  }
0x135: {  	_ =	swait.ge [sflag:s15], $0x1400  }
0x136: {  	[sflag:s15] =	ssyncset.done $0x0  }
0x137: {  	s12 =	sadd.s32 $0x28A0, s11;
	[sflag:s15] =	ssyncadd.s32 $0xFFFFEC00  }
0x138: {  	[spmem:s2] =	stream.indirect.scatter.add.f32 [tilespmem:s28], [sflag:$0xC], $0x40, s12, s17, $0xb8;
	[tilespmem:$0x1B620] =	vst v63  }
0x139: {  	_ =	swait.ge [sflag:s0], $0x1400  }
0x13a: {  	[sflag:s0] =	ssyncset.done $0x0  }
0x13b: {  	s13 =	sadd.s32 $0x28F0, s11;
	[sflag:s0] =	ssyncadd.s32 $0xFFFFEC00  }
0x13c: {  	[spmem:s2] =	stream.indirect.scatter.add.f32 [tilespmem:s29], [sflag:$0xC], $0x40, s13, s17, $0xb8;
	[tilespmem:$0x1B620] =	vst v63  }
0x13d: {  	_ =	swait.ge [sflag:s3], $0x1400  }
0x13e: {  	[sflag:s3] =	ssyncset.done $0x0  }
0x13f: {  	s10 =	sadd.s32 $0x2940, s11;
	[sflag:s3] =	ssyncadd.s32 $0xFFFFEC00  }
0x140: {  	[spmem:s2] =	stream.indirect.scatter.add.f32 [tilespmem:s30], [sflag:$0xC], $0x40, s10, s17, $0xb8;
	[tilespmem:$0x1B620] =	vst v63  }
0x141: {  	_ =	swait.ge [sflag:s6], $0x1400  }
0x142: {  	[sflag:s6] =	ssyncset.done $0x0  }
0x143: {  	s12 =	sadd.s32 $0x2990, s11;
	[sflag:s6] =	ssyncadd.s32 $0xFFFFEC00  }
0x144: {  	[spmem:s2] =	stream.indirect.scatter.add.f32 [tilespmem:s31], [sflag:$0xC], $0x40, s12, s17, $0xb8;
	[tilespmem:$0x1B620] =	vst v63  }
0x145: {  	_ =	swait.ge [sflag:s7], $0x1400  }
0x146: {  	[sflag:s7] =	ssyncset.done $0x0  }
0x147: {  	s13 =	sadd.s32 $0x29E0, s11;
	[sflag:s7] =	ssyncadd.s32 $0xFFFFEC00  }
0x148: {  	[spmem:s2] =	stream.indirect.scatter.add.f32 [tilespmem:s1], [sflag:$0xC], $0x40, s13, s17, $0xb8;
	[tilespmem:$0x1B620] =	vst v63  }
0x149: {  	_ =	swait.ge [sflag:s8], $0x1400  }
0x14a: {  	[sflag:s8] =	ssyncset.done $0x0  }
0x14b: {  	[sflag:s8] =	ssyncadd.s32 $0xFFFFEC00  }
0x14c: {  	_ =	swait.ge [sflag:s8], $0x1400  }
0x14d: {  	[sflag:s8] =	ssyncset.done $0x0  }
0x14e: {  	[sflag:s8] =	ssyncadd.s32 $0xFFFFEC00  }
0x14f: {  	_ =	swait.ge [sflag:s8], $0x1400  }
0x150: {  	[sflag:s8] =	ssyncset.done $0x0  }
0x151: {  	[sflag:s8] =	ssyncadd.s32 $0xFFFFEC00  }
0x152: {  	_ =	swait.ge [sflag:s8], $0x1400  }
0x153: {  	[sflag:s8] =	ssyncset.done $0x0  }
0x154: {  	[sflag:s8] =	ssyncadd.s32 $0xFFFFEC00  }
0x155: {  	_ =	swait.ge [sflag:s8], $0x1400  }
0x156: {  	[sflag:s8] =	ssyncset.done $0x0  }
0x157: {  	s10 =	simm.s32 $0x2580;
	[sflag:s8] =	ssyncadd.s32 $0xFFFFEC00  }
0x158: {  	[tilespmem:s16], [sflag:$0x1] =	stream.indirect.gather [hbm4b:s4+s17], $0x40, s10, s17, $0xb8;
	[tilespmem:$0x1B620] =	vst v63  }
0x159: {  	s11 =	simm.s32 $0x25D0  }
0x15a: {  	[tilespmem:s18], [sflag:$0x2] =	stream.indirect.gather [hbm4b:s4+s17], $0x40, s11, s17, $0xb8;
	[tilespmem:$0x1B620] =	vst v63  }
0x15b: {  	s12 =	simm.s32 $0x2620  }
0x15c: {  	[tilespmem:s19], [sflag:$0x3] =	stream.indirect.gather [hbm4b:s4+s17], $0x40, s12, s17, $0xb8;
	[tilespmem:$0x1B620] =	vst v63  }
0x15d: {  	s13 =	simm.s32 $0x2670  }
0x15e: {  	[tilespmem:s20], [sflag:$0x4] =	stream.indirect.gather [hbm4b:s4+s17], $0x40, s13, s17, $0xb8;
	[tilespmem:$0x1B620] =	vst v63  }
0x15f: {  	s10 =	simm.s32 $0x26C0  }
0x160: {  	[tilespmem:s21], [sflag:$0x5] =	stream.indirect.gather [hbm4b:s4+s17], $0x40, s10, s17, $0xb8;
	[tilespmem:$0x1B620] =	vst v63  }
0x161: {  	_ =	swait.ge [sflag:s22], $0x1400  }
0x162: {  	[sflag:s22] =	ssyncset.done $0x0  }
0x163: {  	s11 =	simm.s32 $0x4C90;
	[sflag:s22] =	ssyncadd.s32 $0xFFFFEC00  }
0x164: {  	[spmem:s2] =	stream.indirect.scatter.add.f32 [tilespmem:s16], [sflag:$0xB], $0x40, s11, s17, $0xb8;
	[tilespmem:$0x1B620] =	vst v63  }
0x165: {  	_ =	swait.ge [sflag:s23], $0x1400  }
0x166: {  	[sflag:s23] =	ssyncset.done $0x0  }
0x167: {  	s12 =	simm.s32 $0x4CE0;
	[sflag:s23] =	ssyncadd.s32 $0xFFFFEC00  }
0x168: {  	[spmem:s2] =	stream.indirect.scatter.add.f32 [tilespmem:s18], [sflag:$0xB], $0x40, s12, s17, $0xb8;
	[tilespmem:$0x1B620] =	vst v63  }
0x169: {  	_ =	swait.ge [sflag:s24], $0x1400  }
0x16a: {  	[sflag:s24] =	ssyncset.done $0x0  }
0x16b: {  	s13 =	simm.s32 $0x4D30;
	[sflag:s24] =	ssyncadd.s32 $0xFFFFEC00  }
0x16c: {  	[spmem:s2] =	stream.indirect.scatter.add.f32 [tilespmem:s19], [sflag:$0xB], $0x40, s13, s17, $0xb8;
	[tilespmem:$0x1B620] =	vst v63  }
0x16d: {  	_ =	swait.ge [sflag:s25], $0x1400  }
0x16e: {  	[sflag:s25] =	ssyncset.done $0x0  }
0x16f: {  	s10 =	simm.s32 $0x4D80;
	[sflag:s25] =	ssyncadd.s32 $0xFFFFEC00  }
0x170: {  	[spmem:s2] =	stream.indirect.scatter.add.f32 [tilespmem:s20], [sflag:$0xB], $0x40, s10, s17, $0xb8;
	[tilespmem:$0x1B620] =	vst v63  }
0x171: {  	_ =	swait.ge [sflag:s26], $0x1400  }
0x172: {  	[sflag:s26] =	ssyncset.done $0x0  }
0x173: {  	s11 =	simm.s32 $0x4DD0;
	[sflag:s26] =	ssyncadd.s32 $0xFFFFEC00  }
0x174: {  	[spmem:s2] =	stream.indirect.scatter.add.f32 [tilespmem:s21], [sflag:$0xB], $0x40, s11, s17, $0xb8;
	[tilespmem:$0x1B620] =	vst v63  }
0x175: {  	_ =	swait.ge [sflag:s8], $0x1400  }
0x176: {  	[sflag:s8] =	ssyncset.done $0x0  }
0x177: {  	[sflag:s8] =	ssyncadd.s32 $0xFFFFEC00  }
0x178: {  	_ =	swait.ge [sflag:s8], $0x1400  }
0x179: {  	[sflag:s8] =	ssyncset.done $0x0  }
0x17a: {  	[sflag:s8] =	ssyncadd.s32 $0xFFFFEC00  }
0x17b: {  	_ =	swait.ge [sflag:s8], $0x1400  }
0x17c: {  	[sflag:s8] =	ssyncset.done $0x0  }
0x17d: {  	[sflag:s8] =	ssyncadd.s32 $0xFFFFEC00  }
0x17e: {  	_ =	swait.ge [sflag:s8], $0x1400  }
0x17f: {  	[sflag:s8] =	ssyncset.done $0x0  }
0x180: {  	[sflag:s8] =	ssyncadd.s32 $0xFFFFEC00  }
0x181: {  	_ =	swait.ge [sflag:s8], $0x1400  }
0x182: {  	[sflag:s8] =	ssyncset.done $0x0  }
0x183: {  	[sflag:s8] =	ssyncadd.s32 $0xFFFFEC00  }
0x184: {  	_ =	swait.ge [sflag:s9], $0x1400  }
0x185: {  	[sflag:s9] =	ssyncset.done $0x0  }
0x186: {  	[sflag:s9] =	ssyncadd.s32 $0xFFFFEC00  }
0x187: {  	_ =	swait.ge [sflag:s9], $0x1400  }
0x188: {  	[sflag:s9] =	ssyncset.done $0x0  }
0x189: {  	[sflag:s9] =	ssyncadd.s32 $0xFFFFEC00  }
0x18a: {  	_ =	swait.ge [sflag:s9], $0x1400  }
0x18b: {  	[sflag:s9] =	ssyncset.done $0x0  }
0x18c: {  	[sflag:s9] =	ssyncadd.s32 $0xFFFFEC00  }
0x18d: {  	_ =	swait.ge [sflag:s9], $0x1400  }
0x18e: {  	[sflag:s9] =	ssyncset.done $0x0  }
0x18f: {  	[sflag:s9] =	ssyncadd.s32 $0xFFFFEC00  }
0x190: {  	_ =	swait.ge [sflag:s9], $0x1400  }
0x191: {  	[sflag:s9] =	ssyncset.done $0x0  }
0x192: {  	[sflag:s9] =	ssyncadd.s32 $0xFFFFEC00  }
0x193: {  	s12 =	stileid.u32;
	[bflag:$0x0] =	sbarrier.arrive $0xFFFF  }
0x194: {  	s5 =	sshll.u32 s12, $0x6;
	s12 =	simm.s32 $0x10;
	s10 =	rddreg [dreg:$0x3]  }
0x195: {  	s5 =	sor.u32 $0x1C0D, s5;
	s13 =	rddreg [dreg:$0xa];
	s10 =	sshrl.u32 s10, $0x3  }
0x196: {  	[hbm:s13@s12], [sflag:s5] =	dma.strided [spmem:s10@s3], $0x1400, s22, $0x8   }
0x197: {  	_ =	swait.ge [sflag:s14], $0x1400  }
0x198: {  	s12 =	rddreg [dreg:$0xc]  }
0x199: {  	s13 =	rddreg [dreg:$0xb];
	s10 =	sadd.s32 $0x1, s12  }
0x19a: {  	p0 =	sne.s32 s10, s13  }
.Ltmp2:
0x19b: {  	_ = 	snop;
	(pc) =	sbr.rel @p0 .LBB2_1-.Ltmp2, $3  }
0x19c: {  	_ =	sdelay $0x1  }
0x19d: {  	[sflag:s14] =	ssyncset.done $0x0  }
0x19e: {  	[sflag:s14] =	ssyncadd.s32 $0xFFFFEC00  }
0x19f: {  	_ =	sfence.sel $0x180000  }
0x1a0: {  	[bflag:$0x0] =	sbarrier.arrive $0xFFFF  }
0x1a1: {  	_ =	strace $0x9000004D  }
0x1a2: {  	s0 =	stileid.u32;
	[bflag:$0x2] =	sbarrier.arrive $0xFFFF  }
0x1a3: {  	p0 =	sne.s32 s0, $0x0;
	s0 =	rddreg [dreg:$0x2]  }
0x1a4: {  	s0 =	sadd.s32 @!p0 $0x100000, s0  }
0x1a5: {  	[sflag:s0] =	ssyncadd.tile.s32 @!p0 $0x1;
	_ =	shalt  }
.Lfunc_end2:
_tile_overlayer_lowered:
.L_overlay_start_2:
0x1a6: {  	(tag) =	ssettag $0x2  }
0x1a7: {  	s0 =	rddreg [dreg:$0x0];
	s2 =	stileid.u32  }
0x1a8: {  	s1 =	rddreg [dreg:$0x1];
	p0 =	sne.s32 s2, $0x0  }
0x1a9: {  	s3 =	rddreg [dreg:$0x2];
	[bflag:$0x3] =	sbarrier.arrive $0xFFFF;
	s2 =	simm.s32 @!p0 $0x1C0D  }
0x1aa: {  	[timem:s3], [sflag:s2] =	dma.local @!p0 [hbm:s0], s1  }
0x1ab: {  	s0 =	simm.s32 @!p0 $0xD  }
0x1ac: {  	_ =	swait.ge @!p0 [sflag:s0], s1  }
0x1ad: {  	s1 =	ssub.s32 @!p0 $0x0, s1;
	[sflag:s0] =	ssyncset.done @!p0 $0x0  }
0x1ae: {  	[sflag:s0] =	ssyncadd.s32 @!p0 s1  }
0x1af: {  	[bflag:$0x3] =	sbarrier.arrive $0xFFFF  }
0x1b0: {  	_ =	shalt  }

// kernel: kernel.8.cloned.1.call-start
scs
__scs_entry_jumppad:
0x0: {  	(pc) =	sbr.rel $0x88, $3  }
0x1: {  	(tag) =	ssettag $0x0;
	lr =	simm.s32 $0x1  }
0x2: {  	[smem:$0x3F91] =	sst lr;
	_ =	strace $0xD0000000  }
0x3: {  	_ = 	snop  }
0x4: {  	_ = 	snop  }
0x5: {  	_ = 	snop  }
0x6: {  	_ = 	snop  }
0x7: {  	_ = 	snop  }
__scs_overlays_trampoline_lowered:
0x8: {  	[smem:$0x3FA0] =	sst s0  }
0x9: {  	[smem:$0x3FA1] =	sst s1  }
0xa: {  	[smem:$0x3FA2] =	sst s2  }
0xb: {  	[smem:$0x3FA3] =	sst s3  }
0xc: {  	[smem:$0x3FA4] =	sst s4  }
0xd: {  	[smem:$0x3FA5] =	sst s5  }
0xe: {  	[smem:$0x3FA6] =	sst s6  }
0xf: {  	[smem:$0x3FA7] =	sst s7  }
0x10: {  	[smem:$0x3FA8] =	sst s8  }
0x11: {  	[smem:$0x3FA9] =	sst s9;
	s0 =	simm.s32 @!p0 $0x0  }
0x12: {  	s1 =	sld [smem:$0x3F8F];
	s0 =	simm.s32 @p0 $0x1  }
0x13: {  	[smem:$0x3FAA] =	sst s0;
	s0 =	simm.s32 @!p1 $0x0  }
0x14: {  	s2 =	sld [smem:$0x3F8E];
	s0 =	simm.s32 @p1 $0x1  }
0x15: {  	[smem:$0x3FAB] =	sst s0;
	s0 =	simm.s32 @!p2 $0x0  }
0x16: {  	s3 =	sld [smem:$0x3FDB];
	s0 =	simm.s32 @p2 $0x1  }
0x17: {  	s4 =	simm.s32 $0x1BF5;
	[smem:$0x3FAD] =	sst s0  }
0x18: {  	s0 =	sld [smem:$0x3F90];
	_ =	swait.ge [sflag:s4], $0x0  }
0x19: {  	s7 =	sld [smem:$0x3F91]  }
0x1a: {  	s8 =	sadd.s32 $0xFFFFE003, lr  }
0x1b: {  	s9 =	sadd.s32 $0xFFFFFEF7, lr;
	s5 =	simm.s32 $0xFFFFFFFF;
	p2 =	slt.u32 s8, $0xFFFFF086  }
0x1c: {  	p1 =	slt.u32 s9, $0xF7A;
	s5 =	simm.s32 @!p2 $0x0  }
0x1d: {  	s5 =	simm.s32 @p1 $0x1;
	p0 =	seq.s32 s7, s2  }
0x1e: {  	s7 =	smul.u32 @!p0 $0xF7A, s2;
	p2 =	seq.s32 @!p0 s5, $0x0  }
0x1f: {  	s9 =	smul.u32 $0xF7A, s1;
	s8 =	simm.s32 @!p0 $0x1BF5;
	p2 =	por !p2, p0  }
0x20: {  	[sflag:s8] =	ssyncset.s32 @!p0 $0xFFFFF086;
	s6 =	sadd.s32 @!p0 s3, s7;
	s7 =	simm.s32 @!p0 $0x108  }
0x21: {  	s3 =	sadd.s32 s3, s9;
	s6 =	sadd.s32 @!p0 $0x88, s6;
	s7 =	simm.s32 @p2 $0x1082  }
0x22: {  	[simem:s7], [sflag:s8] =	dma.local @!p0 [hbm:s6], $0xF7A  }
0x23: {  	s9 =	sor.u32 $0xD0000000, s2;
	s6 =	simm.s32 $0x108;
	_ =	swait.ge @!p0 [sflag:s8], $0x0  }
0x24: {  	s3 =	sadd.s32 $0x88, s3;
	s6 =	simm.s32 @!p1 $0x1082;
	[sflag:s4] =	ssyncset.s32 $0xFFFFF086  }
0x25: {  	[simem:s6], [sflag:s4] =	dma.local [hbm:s3], $0xF7A  }
0x26: {  	[smem:$0x3F91] =	sst s1;
	(tag) =	ssettag s2;
	_ =	strace s9  }
0x27: {  	s1 =	sld [smem:$0x3FA1]  }
0x28: {  	s2 =	sld [smem:$0x3FA2]  }
0x29: {  	s4 =	sld [smem:$0x3FA4]  }
0x2a: {  	p0 =	seq.s32 s5, $0x0;
	s5 =	sld [smem:$0x3FA5]  }
0x2b: {  	s6 =	sld [smem:$0x3FA6]  }
0x2c: {  	s7 =	sld [smem:$0x3FA7]  }
0x2d: {  	s3 =	simm.s32 $0x108;
	s8 =	sld [smem:$0x3FA8]  }
0x2e: {  	s3 =	simm.s32 @!p0 $0x1082;
	s9 =	sld [smem:$0x3FA9]  }
0x2f: {  	lr =	sadd.s32 s0, s3;
	s0 =	sld [smem:$0x3FA0]  }
0x30: {  	s3 =	sld [smem:$0x3FA3]  }
0x31: {  	[smem:$0x3FAC] =	sst s10  }
0x32: {  	s10 =	sld [smem:$0x3FAA];
	_ =	sdelay $0x3  }
0x33: {  	p0 =	seq.s32 s10, $0x1;
	s10 =	sld [smem:$0x3FAC];
	_ =	sdelay $0x3  }
0x34: {  	[smem:$0x3FAC] =	sst s10  }
0x35: {  	s10 =	sld [smem:$0x3FAB];
	_ =	sdelay $0x3  }
0x36: {  	p1 =	seq.s32 s10, $0x1;
	s10 =	sld [smem:$0x3FAC];
	_ =	sdelay $0x3  }
0x37: {  	[smem:$0x3FAC] =	sst s10  }
0x38: {  	s10 =	sld [smem:$0x3FAD]  }
0x39: {  	_ = 	snop;
	(pc) =	sbr.ind lr, $3  }
0x3a: {  	_ = 	snop  }
0x3b: {  	_ = 	snop  }
0x3c: {  	p2 =	seq.s32 s10, $0x1;
	s10 =	sld [smem:$0x3FAC]  }
0x3d: {  	_ =	shalt  }
0x3e: {  	_ =	shalt  }
0x3f: {  	_ =	shalt  }
0x40: {  	_ =	shalt  }
0x41: {  	_ =	shalt  }
0x42: {  	_ =	shalt  }
0x43: {  	_ =	shalt  }
0x44: {  	_ =	shalt  }
0x45: {  	_ =	shalt  }
0x46: {  	_ =	shalt  }
0x47: {  	_ =	shalt  }
0x48: {  	_ =	shalt  }
0x49: {  	_ =	shalt  }
0x4a: {  	_ =	shalt  }
0x4b: {  	_ =	shalt  }
0x4c: {  	_ =	shalt  }
0x4d: {  	_ =	shalt  }
0x4e: {  	_ =	shalt  }
0x4f: {  	_ =	shalt  }
0x50: {  	_ =	shalt  }
0x51: {  	_ =	shalt  }
0x52: {  	_ =	shalt  }
0x53: {  	_ =	shalt  }
0x54: {  	_ =	shalt  }
0x55: {  	_ =	shalt  }
0x56: {  	_ =	shalt  }
0x57: {  	_ =	shalt  }
0x58: {  	_ =	shalt  }
0x59: {  	_ =	shalt  }
0x5a: {  	_ =	shalt  }
0x5b: {  	_ =	shalt  }
0x5c: {  	_ =	shalt  }
0x5d: {  	_ =	shalt  }
0x5e: {  	_ =	shalt  }
0x5f: {  	_ =	shalt  }
0x60: {  	_ =	shalt  }
0x61: {  	_ =	shalt  }
0x62: {  	_ =	shalt  }
0x63: {  	_ =	shalt  }
0x64: {  	_ =	shalt  }
0x65: {  	_ =	shalt  }
0x66: {  	_ =	shalt  }
0x67: {  	_ =	shalt  }
0x68: {  	_ =	shalt  }
0x69: {  	_ =	shalt  }
0x6a: {  	_ =	shalt  }
0x6b: {  	_ =	shalt  }
0x6c: {  	_ =	shalt  }
0x6d: {  	_ =	shalt  }
0x6e: {  	_ =	shalt  }
0x6f: {  	_ =	shalt  }
0x70: {  	_ =	shalt  }
0x71: {  	_ =	shalt  }
0x72: {  	_ =	shalt  }
0x73: {  	_ =	shalt  }
0x74: {  	_ =	shalt  }
0x75: {  	_ =	shalt  }
0x76: {  	_ =	shalt  }
0x77: {  	_ =	shalt  }
0x78: {  	_ =	shalt  }
0x79: {  	_ =	shalt  }
0x7a: {  	_ =	shalt  }
0x7b: {  	_ =	shalt  }
0x7c: {  	_ =	shalt  }
0x7d: {  	_ =	shalt  }
0x7e: {  	_ =	shalt  }
0x7f: {  	_ =	shalt  }
0x80: {  	_ =	shalt  }
0x81: {  	_ =	shalt  }
0x82: {  	_ =	shalt  }
0x83: {  	_ =	shalt  }
0x84: {  	_ =	shalt  }
0x85: {  	_ =	shalt  }
0x86: {  	_ =	shalt  }
0x87: {  	_ =	shalt  }
.Lfunc_end0:
.L_simem_size_0:
called_computation_lowered:
.L_overlay_start_0:
0x88: {  	s2 =	sld [smem:$0x3FD9]  }
0x89: {  	s3 =	sld [smem:$0x3FFE];
	_ =	sdelay $0x1  }
0x8a: {  	s1 =	srdreg.scid  }
0x8b: {  	s0 =	sand.u32 $0x1, s1  }
0x8c: {  	s17 =	sshll.u32 s0, $0xA;
	s2 =	sadd.s32 s3, s2  }
0x8d: {  	s2 =	sadd.s32 s2, s17  }
0x8e: {  	[smem:$0x3FB8] =	sst s2  }
0x8f: {  	_ = 	snop  }
0x90: {  	s2 =	sld [smem:$0x3FD0];
	(tm) =	ssettm $0x1  }
0x91: {  	s18 =	sld [smem:$0x3FFB];
	_ =	sdelay $0x3  }
0x92: {  	_ =	strace s18  }
0x93: {  	s3 =	sld [smem:$0x3FFC];
	_ =	sdelay $0x3  }
0x94: {  	_ =	strace s3  }
0x95: {  	s3 =	sld [smem:$0x3FFD];
	_ =	sdelay $0x3  }
0x96: {  	_ =	strace s3  }
0x97: {  	_ =	strace $0x8FFFFFFF  }
0x98: {  	s19 =	sld [smem:$0x3FDB];
	_ =	sdelay $0x1  }
0x99: {  	s4 =	simm.s32 $_scs_section_size  }
0x9a: {  	s5 =	simm.s32 $_size__tile_overlayer_lowered;
	s6 =	simm.s32 $_tile_overlayer_lowered  }
0x9b: {  	s22 =	simm.s32 $0x1BFF;
	s21 =	sshll.u32 s6, $0x1;
	s3 =	sadd.s32 s4, s19  }
0x9c: {  	s7 =	simm.s32 $0x0;
	s20 =	sshll.u32 s5, $0x1;
	s5 =	sadd.s32 s21, s3  }
0x9d: {  	[timem:s7], [sflag:s22] =	dma.local [hbm:s5], s20  }
0x9e: {  	_ =	swait.ge [sflag:s22], s20  }
0x9f: {  	s4 =	ssub.s32 $0x0, s20;
	[sflag:s22] =	ssyncset.done $0x0  }
0xa0: {  	[sflag:s22] =	ssyncadd.s32 s4;
	_ =	sdelay $0x1  }
0xa1: {  	s23 =	simm.s32 $0x1B8B  }
0xa2: {  	_ =	swait.ge [sflag:s23], $0x1  }
0xa3: {  	[sflag:s23] =	ssyncset.done $0x0  }
0xa4: {  	s25 =	simm.s32 $0x1B8E;
	s24 =	sld [smem:$0x3FFE];
	[sflag:s23] =	ssyncadd.s32 $0xFFFFFFFF  }
0xa5: {  	s26 =	simm.s32 $execute0_lowered;
	[smem:$0x3FD2] =	sst s25  }
0xa6: {  	s5 =	sshll.u32 s26, $0x1;
	_ =	strace $0x80000046;
	[dreg:$0x1] =	wrdreg $0xFFFFFFFF  }
0xa7: {  	s28 =	simm.s32 $_size_execute0_lowered;
	s3 =	sadd.s32 s3, s5;
	[dreg:$0x0] =	wrdreg $0x0  }
0xa8: {  	s5 =	sshll.u32 s28, $0x1;
	[dreg:$0x2] =	wrdreg s3  }
0xa9: {  	[dreg:$0x3] =	wrdreg s5  }
0xaa: {  	[dreg:$0x4] =	wrdreg $0xC0  }
0xab: {  	_ =	task [dreg:s7], $0x5FFFF  }
0xac: {  	[dreg:$0x1] =	wrdreg $0xFFFFFFFF  }
0xad: {  	[dreg:$0x0] =	wrdreg $0x60  }
0xae: {  	[dreg:$0x2] =	wrdreg s24  }
0xaf: {  	[dreg:$0x3] =	wrdreg s2  }
0xb0: {  	[dreg:$0x4] =	wrdreg $0x62F00  }
0xb1: {  	[dreg:$0x5] =	wrdreg $0x9  }
0xb2: {  	_ =	task.clear_ibuf [dreg:s7], $0x6FFFF;
	_ =	strace $0x90000046  }
0xb3: {  	s29 =	simm.s32 $0x9;
	_ =	strace $0x80000048  }
0xb4: {  	_ =	swait.ge [sflag:s29], $0x1  }
0xb5: {  	[sflag:s29] =	ssyncadd.s32 $0xFFFFFFFF  }
0xb6: {  	_ =	strace $0x90000048  }
0xb7: {  	_ =	sfence  }
0xb8: {  	s30 =	sld [smem:$0x0];
	_ =	sdelay $0x2  }
0xb9: {  	s31 =	sshll.u32 s1, $0xD;
	s1 =	sshrl.u32 s1, $0x2  }
0xba: {  	s3 =	sand.u32 $0x4000, s31;
	s1 =	sadd.s32 s1, s30  }
0xbb: {  	s0 =	sor.u32 s3, s0;
	s1 =	sshll.u32 s1, $0x11  }
0xbc: {  	s0 =	sor.u32 s1, s0  }
0xbd: {  	s0 =	sadd.s32 $0x8F2B, s0  }
0xbe: {  	[sflag:s0] =	ssyncadd.remote.s32 $0x1  }
0xbf: {  	_ =	sfence.sel $0xFFFF  }
0xc0: {  	[dreg:$0x0] =	wrdreg $0xFFFFFFFF;
	(pc) =	sbr.abs _section_cstart, $3  }
0xc1: {  	[dreg:$0x1] =	wrdreg $0xFFFFFFFF  }
0xc2: {  	_ =	task.clear_ibuf [dreg:s7], $0x2FFFF;
	_ =	strace $0x9FFFFFFF  }
0xc3: {  	(tm) =	ssettm $0x7FFFFFFF  }
tec
execute0_lowered:
.L_overlay_start_1:
0x0: {  	(tag) =	ssettag $0x1  }
0x1: {  	s1 =	rddreg [dreg:$0x0]  }
0x2: {  	s17 =	rddreg [dreg:$0x1];
	s3 =	srdreg.scid  }
0x3: {  	s0 =	stileid.u32;
	s2 =	rddreg [dreg:$0x2]  }
0x4: {  	s20 =	simm.s32 $0x2;
	s21 =	simm.s32 $0x2EE0;
	s22 =	simm.s32 $0x5AF0  }
0x5: {  	s23 =	simm.s32 $0x50;
	s24 =	simm.s32 $0x55F0;
	s30 =	simm.s32 $0x1  }
0x6: {  	s31 =	simm.s32 $0x0;
	s9 =	sand.u32 $0x1, s3;
	s6 =	smul.u32 $0xA000, s0  }
0x7: {  	s4 =	sshll.u32 s0, $0x1;
	s3 =	simm.s32 $0x0;
	s14 =	smul.u32 $0x2800, s0  }
0x8: {  	s4 =	sor.u32 s9, s4;
	[smem:$0x7FF] =	sst s3;
	s15 =	smul.u32 $0x28000, s9  }
0x9: {  	s5 =	ssub.s32 $0x2, s9;
	s4 =	smul.u32 $0x2710, s4;
	_ =	strace $0x80000047  }
0xa: {  	s29 =	sshrl.u32 s5, $0x1;
	s7 =	sshrl.u32 s6, $0x2;
	s6 =	sadd.s32 s14, s2  }
0xb: {  	s18 =	ssub.s32 s5, s29;
	s10 =	sadd.s32 s7, s2;
	s16 =	sadd.s32 s14, s15  }
0xc: {  	s4 =	sshrl.u32 s4, $0x3;
	s7 =	sadd.s32 $0x800, s10;
	s8 =	sadd.s32 $0x1000, s10  }
0xd: {  	s9 =	sadd.s32 $0x1800, s10;
	s10 =	sadd.s32 $0x2000, s10;
	s19 =	sshrl.u32 s16, $0x3  }
0xe: {  	s18 =	smax.u32 s18, $0x1;
	s1 =	sadd.s32 s4, s1;
	s17 =	sadd.s32 s17, s19  }
0xf: {  	s19 =	simm.s32 $0x7D0;
	s4 =	sadd.s32 $0xD000, s1;
	s5 =	sadd.s32 $0x16E00, s1  }
0x10: {  	s11 =	sadd.s32 $0x3200, s1;
	s12 =	sadd.s32 $0x32FA, s1;
	s13 =	sadd.s32 $0x33F4, s1  }
0x11: {  	v0 =	vimm.f32 $0.0e+00;
	v1 =	vimm.f32 $1.000000000e+00;
	s14 =	sadd.s32 $0x34EE, s1;
	s15 =	sadd.s32 $0x35E8, s1;
	s16 =	sadd.s32 $0x20C00, s1  }
.LBB2_1:
0x12: {  	[tilespmem:s19], [sflag:$0x2] =	stream.linear.gather [hbm4b:s4+s3], $0x2710, $0x38;
	[tilespmem:$0x8AF0] =	vst v63  }
0x13: {  	_ =	swait.ge [sflag:s20], $0x2710  }
0x14: {  	[sflag:s20] =	ssyncset.done $0x0  }
0x15: {  	[sflag:s20] =	ssyncadd.s32 $0xFFFFD8F0  }
0x16: {  	[tilespmem:s21], [sflag:$0x2] =	stream.linear.gather [hbm4b:s5+s3], $0x2710, $0x38;
	[tilespmem:$0x8AF0] =	vst v63  }
0x17: {  	_ =	swait.ge [sflag:s20], $0x2710  }
0x18: {  	[sflag:s20] =	ssyncset.done $0x0  }
0x19: {  	s1 =	simm.s32 $0x0;
	[sflag:s20] =	ssyncadd.s32 $0xFFFFD8F0  }
.LBB2_2:
0x1a: {  	p0 =	sne.s32 s1, $0x1FC0  }
.Ltmp0:
0x1b: {  	_ = 	snop;
	(pc) =	sbr.rel @p0 .LBB2_2-.Ltmp0, $3  }
0x1c: {  	_ =	sdelay $0x1  }
0x1d: {  	s25 =	sshra.s32 s1, $0x2  }
0x1e: {  	s1 =	sadd.s32 $0x40, s1;
	[tilespmem:s25+$0x5AF0] =	vst v0  }
0x1f: {  	s1 =	simm.s32 $0x40;
	s25 =	simm.s32 $0x0  }
.LBB2_4:
0x20: {  	p0 =	sne.s32 s1, $0x13C0;
	[tilespmem:s25+$0x55F0] =	vst v1;
	s25 =	smov.u32 s1;
	s1 =	sadd.s32 $0x40, s1  }
.Ltmp1:
0x21: {  	(pc) =	sbr.rel @p0 .LBB2_4-.Ltmp1, $2  }
0x22: {  	_ =	sdelay $0x2  }
0x23: {  	s25 =	sshra.s32 s25, $0x2  }
0x24: {  	[tilespmem:s25+$0x55F0] =	vst v1  }
0x25: {  	[spmem:s6] =	stream.linear.scatter [tilespmem:s22], [sflag:$0x2], $0x800, $0x38;
	[tilespmem:$0x8AF0] =	vst v63  }
0x26: {  	_ =	swait.ge [sflag:s20], $0x800  }
0x27: {  	[sflag:s20] =	ssyncset.done $0x0  }
0x28: {  	[sflag:s20] =	ssyncadd.s32 $0xFFFFF800  }
0x29: {  	[spmem:s7] =	stream.linear.scatter [tilespmem:s22], [sflag:$0x2], $0x800, $0x38;
	[tilespmem:$0x8AF0] =	vst v63  }
0x2a: {  	_ =	swait.ge [sflag:s20], $0x800  }
0x2b: {  	[sflag:s20] =	ssyncset.done $0x0  }
0x2c: {  	[sflag:s20] =	ssyncadd.s32 $0xFFFFF800  }
0x2d: {  	[spmem:s8] =	stream.linear.scatter [tilespmem:s22], [sflag:$0x2], $0x800, $0x38;
	[tilespmem:$0x8AF0] =	vst v63  }
0x2e: {  	_ =	swait.ge [sflag:s20], $0x800  }
0x2f: {  	[sflag:s20] =	ssyncset.done $0x0  }
0x30: {  	[sflag:s20] =	ssyncadd.s32 $0xFFFFF800  }
0x31: {  	[spmem:s9] =	stream.linear.scatter [tilespmem:s22], [sflag:$0x2], $0x800, $0x38;
	[tilespmem:$0x8AF0] =	vst v63  }
0x32: {  	_ =	swait.ge [sflag:s20], $0x800  }
0x33: {  	[sflag:s20] =	ssyncset.done $0x0  }
0x34: {  	[sflag:s20] =	ssyncadd.s32 $0xFFFFF800  }
0x35: {  	[spmem:s10] =	stream.linear.scatter [tilespmem:s22], [sflag:$0x2], $0x800, $0x38;
	[tilespmem:$0x8AF0] =	vst v63  }
0x36: {  	_ =	swait.ge [sflag:s20], $0x800  }
0x37: {  	[sflag:s20] =	ssyncset.done $0x0  }
0x38: {  	s1 =	simm.s32 $0x0;
	[sflag:s20] =	ssyncadd.s32 $0xFFFFF800  }
0x39: {  	[tilespmem:s1], [sflag:$0x2] =	stream.linear.gather [hbm4b:s11+s1], $0x7D0, $0x38;
	[tilespmem:$0x8AF0] =	vst v63  }
0x3a: {  	_ =	swait.ge [sflag:s20], $0x7D0  }
0x3b: {  	[sflag:s20] =	ssyncset.done $0x0  }
0x3c: {  	s25 =	simm.s32 $0x0;
	[sflag:s20] =	ssyncadd.s32 $0xFFFFF830  }
0x3d: {  	v2 =	vld [tilespmem:s25+$0x30]  }
0x3e: {  	v3 =	vld [tilespmem:s25+$0x20]  }
0x3f: {  	v4 =	vld [tilespmem:s25+$0x7F0]  }
0x40: {  	v6 =	vld [tilespmem:s25+$0x40]  }
0x41: {  	v7 =	vld [tilespmem:s25+$0x800]  }
0x42: {  	v9 =	vld [tilespmem:s25+$0x0]  }
0x43: {  	v8 =	vld [tilespmem:s25+$0x7D0];
	v5 =	vshrl.u32 v3, $0x1  }
0x44: {  	v10 =	vld [tilespmem:s25+$0x10];
	v13 =	vshrl.u32 v2, $0x1;
	v11 =	vmul.u32 $0x4E20, v5  }
0x45: {  	s1 =	simm.s32 $0x50;
	v12 =	vld [tilespmem:s25+$0x7E0];
	v4 =	vshll.u32 v4, $0x1;
	v3 =	vand.u32 $0x1, v3;
	v13 =	vmul.u32 $0x4E20, v13  }
0x46: {  	v7 =	vshll.u32 v7, $0x1;
	v2 =	vand.u32 $0x1, v2;
	v5 =	vld [tilespmem:s1+$0x30];
	v4 =	vadd.s32 v4, v11  }
0x47: {  	v14 =	vand.u32 $0x1, v6;
	v11 =	vld [tilespmem:s25+$0x810];
	v7 =	vadd.s32 v7, v13;
	v3 =	vor.u32 v3, v4  }
0x48: {  	v15 =	vshll.u32 v8, $0x1;
	v4 =	vld [tilespmem:s1+$0x20];
	v2 =	vor.u32 v2, v7;
	[tilespmem:s25+$0x7F0] =	vst v3;
	v3 =	vshrl.u32 v9, $0x1  }
0x49: {  	v6 =	vshrl.u32 v6, $0x1;
	v13 =	vshrl.u32 v10, $0x1;
	v7 =	vld [tilespmem:s1+$0x7F0];
	[tilespmem:s25+$0x800] =	vst v2;
	v3 =	vmul.u32 $0x4E20, v3  }
0x4a: {  	v12 =	vshll.u32 v12, $0x1;
	v16 =	vmul.u32 $0x4E20, v6;
	v13 =	vmul.u32 $0x4E20, v13;
	v2 =	vld [tilespmem:s1+$0x40]  }
0x4b: {  	v10 =	vand.u32 $0x1, v10;
	v9 =	vand.u32 $0x1, v9;
	v8 =	vld [tilespmem:s1+$0x800];
	v15 =	vadd.s32 v15, v3  }
0x4c: {  	v12 =	vadd.s32 v12, v13;
	v6 =	vld [tilespmem:s1+$0x10];
	v11 =	vshll.u32 v11, $0x1;
	v9 =	vor.u32 v9, v15  }
0x4d: {  	v12 =	vor.u32 v10, v12;
	v3 =	vld [tilespmem:s1+$0x0];
	v13 =	vshrl.u32 v4, $0x1;
	v15 =	vadd.s32 v11, v16;
	[tilespmem:s25+$0x7D0] =	vst v9  }
0x4e: {  	s26 =	simm.s32 $0x280;
	v11 =	vshrl.u32 v5, $0x1;
	v10 =	vmul.u32 $0x4E20, v13;
	v9 =	vld [tilespmem:s1+$0x7D0];
	[tilespmem:s25+$0x7E0] =	vst v12;
	v12 =	vor.u32 v14, v15  }
.LBB2_6:
0x4f: {  	s28 =	sshra.s32 s26, $0x2;
	p0 =	sne.s32 s26, $0x1E00;
	s26 =	sadd.s32 $0x140, s26;
	v13 =	vld [tilespmem:s1+$0x7E0];
	v7 =	vshll.u32 v7, $0x1;
	v11 =	vmul.u32 $0x4E20, v11;
	v14 =	vand.u32 $0x1, v2;
	[tilespmem:s25+$0x810] =	vst v12  }
0x50: {  	v4 =	vand.u32 $0x1, v4;
	s25 =	smov.u32 s1;
	v12 =	vld [tilespmem:s28+$0x30];
	v7 =	vadd.s32 v7, v10;
	v8 =	vshll.u32 v8, $0x1;
	s1 =	smov.u32 s28  }
0x51: {  	v5 =	vand.u32 $0x1, v5;
	v7 =	vor.u32 v4, v7;
	v8 =	vadd.s32 v8, v11;
	v10 =	vld [tilespmem:s25+$0x810]  }
0x52: {  	v11 =	vshrl.u32 v3, $0x1;
	v4 =	vld [tilespmem:s1+$0x20];
	v15 =	vshrl.u32 v6, $0x1;
	[tilespmem:s25+$0x7F0] =	vst v7;
	v5 =	vor.u32 v5, v8  }
0x53: {  	v11 =	vmul.u32 $0x4E20, v11;
	v7 =	vld [tilespmem:s1+$0x7F0];
	v9 =	vshll.u32 v9, $0x1;
	v15 =	vmul.u32 $0x4E20, v15;
	[tilespmem:s25+$0x800] =	vst v5  }
.Ltmp2:
0x54: {  	v17 =	vshrl.u32 v2, $0x1;
	v16 =	vand.u32 $0x1, v6;
	v13 =	vshll.u32 v13, $0x1;
	v2 =	vld [tilespmem:s1+$0x40];
	(pc) =	sbr.rel @p0 .LBB2_6-.Ltmp2, $4  }
0x55: {  	v6 =	vadd.s32 v9, v11;
	v9 =	vand.u32 $0x1, v3;
	v11 =	vmul.u32 $0x4E20, v17;
	v8 =	vld [tilespmem:s1+$0x800];
	v5 =	vmovc v12  }
0x56: {  	v9 =	vor.u32 v9, v6;
	v12 =	vadd.s32 v13, v15;
	v3 =	vld [tilespmem:s1+$0x0];
	v10 =	vshll.u32 v10, $0x1  }
0x57: {  	v12 =	vor.u32 v16, v12;
	v6 =	vld [tilespmem:s1+$0x10];
	v13 =	vshrl.u32 v4, $0x1;
	[tilespmem:s25+$0x7D0] =	vst v9;
	v15 =	vadd.s32 v10, v11  }
0x58: {  	v11 =	vshrl.u32 v5, $0x1;
	v9 =	vld [tilespmem:s1+$0x7D0];
	v10 =	vmul.u32 $0x4E20, v13;
	[tilespmem:s25+$0x7E0] =	vst v12;
	v12 =	vor.u32 v14, v15  }
0x59: {  	v7 =	vshll.u32 v7, $0x1;
	v11 =	vmul.u32 $0x4E20, v11  }
0x5a: {  	v13 =	vld [tilespmem:s1+$0x7E0];
	[tilespmem:s25+$0x810] =	vst v12;
	v4 =	vand.u32 $0x1, v4;
	v7 =	vadd.s32 v7, v10;
	v8 =	vshll.u32 v8, $0x1  }
0x5b: {  	v5 =	vand.u32 $0x1, v5;
	v4 =	vor.u32 v4, v7;
	v7 =	vadd.s32 v8, v11;
	v8 =	vld [tilespmem:s1+$0x810]  }
0x5c: {  	v12 =	vshrl.u32 v2, $0x1;
	v10 =	vshrl.u32 v3, $0x1;
	v3 =	vand.u32 $0x1, v3  }
0x5d: {  	v11 =	vshrl.u32 v6, $0x1;
	v5 =	vor.u32 v5, v7;
	v7 =	vmul.u32 $0x4E20, v10  }
0x5e: {  	v6 =	vand.u32 $0x1, v6;
	v9 =	vshll.u32 v9, $0x1;
	v10 =	vmul.u32 $0x4E20, v11  }
0x5f: {  	[tilespmem:s1+$0x7F0] =	vst v4;
	v11 =	vshll.u32 v13, $0x1;
	v4 =	vadd.s32 v9, v7;
	v7 =	vmul.u32 $0x4E20, v12  }
0x60: {  	[tilespmem:s1+$0x800] =	vst v5;
	v3 =	vor.u32 v3, v4;
	v4 =	vadd.s32 v11, v10;
	v5 =	vshll.u32 v8, $0x1  }
0x61: {  	v2 =	vand.u32 $0x1, v2;
	[tilespmem:s1+$0x7D0] =	vst v3;
	v3 =	vor.u32 v6, v4;
	v4 =	vadd.s32 v5, v7  }
0x62: {  	[tilespmem:s1+$0x7E0] =	vst v3;
	v2 =	vor.u32 v2, v4  }
0x63: {  	s29 =	simm.s32 $0x0;
	[tilespmem:s1+$0x810] =	vst v2  }
0x64: {  	[tilespmem:s29], [sflag:$0x2] =	stream.linear.gather [hbm4b:s12+s29], $0x7D0, $0x38;
	[tilespmem:$0x8AF0] =	vst v63  }
0x65: {  	_ =	swait.ge [sflag:s20], $0x7D0  }
0x66: {  	[sflag:s20] =	ssyncset.done $0x0  }
0x67: {  	s25 =	simm.s32 $0x0;
	[sflag:s20] =	ssyncadd.s32 $0xFFFFF830  }
0x68: {  	v2 =	vld [tilespmem:s25+$0x30]  }
0x69: {  	v3 =	vld [tilespmem:s25+$0x20]  }
0x6a: {  	v4 =	vld [tilespmem:s25+$0xFC0]  }
0x6b: {  	v6 =	vld [tilespmem:s25+$0x40]  }
0x6c: {  	v7 =	vld [tilespmem:s25+$0xFD0]  }
0x6d: {  	v9 =	vld [tilespmem:s25+$0x0]  }
0x6e: {  	v8 =	vld [tilespmem:s25+$0xFA0];
	v5 =	vshrl.u32 v3, $0x1  }
0x6f: {  	v10 =	vld [tilespmem:s25+$0x10];
	v13 =	vshrl.u32 v2, $0x1;
	v11 =	vmul.u32 $0x4E20, v5  }
0x70: {  	s1 =	simm.s32 $0x50;
	v12 =	vld [tilespmem:s25+$0xFB0];
	v4 =	vshll.u32 v4, $0x1;
	v3 =	vand.u32 $0x1, v3;
	v13 =	vmul.u32 $0x4E20, v13  }
0x71: {  	v7 =	vshll.u32 v7, $0x1;
	v2 =	vand.u32 $0x1, v2;
	v5 =	vld [tilespmem:s1+$0x30];
	v4 =	vadd.s32 v4, v11  }
0x72: {  	v14 =	vand.u32 $0x1, v6;
	v11 =	vld [tilespmem:s25+$0xFE0];
	v7 =	vadd.s32 v7, v13;
	v3 =	vor.u32 v3, v4  }
0x73: {  	v15 =	vshll.u32 v8, $0x1;
	v4 =	vld [tilespmem:s1+$0x20];
	v2 =	vor.u32 v2, v7;
	[tilespmem:s25+$0xFC0] =	vst v3;
	v3 =	vshrl.u32 v9, $0x1  }
0x74: {  	v6 =	vshrl.u32 v6, $0x1;
	v13 =	vshrl.u32 v10, $0x1;
	v7 =	vld [tilespmem:s1+$0xFC0];
	[tilespmem:s25+$0xFD0] =	vst v2;
	v3 =	vmul.u32 $0x4E20, v3  }
0x75: {  	v12 =	vshll.u32 v12, $0x1;
	v16 =	vmul.u32 $0x4E20, v6;
	v13 =	vmul.u32 $0x4E20, v13;
	v2 =	vld [tilespmem:s1+$0x40]  }
0x76: {  	v10 =	vand.u32 $0x1, v10;
	v9 =	vand.u32 $0x1, v9;
	v8 =	vld [tilespmem:s1+$0xFD0];
	v15 =	vadd.s32 v15, v3  }
0x77: {  	v12 =	vadd.s32 v12, v13;
	v6 =	vld [tilespmem:s1+$0x10];
	v11 =	vshll.u32 v11, $0x1;
	v9 =	vor.u32 v9, v15  }
0x78: {  	v12 =	vor.u32 v10, v12;
	v3 =	vld [tilespmem:s1+$0x0];
	v13 =	vshrl.u32 v4, $0x1;
	v15 =	vadd.s32 v11, v16;
	[tilespmem:s25+$0xFA0] =	vst v9  }
0x79: {  	s26 =	simm.s32 $0x280;
	v11 =	vshrl.u32 v5, $0x1;
	v10 =	vmul.u32 $0x4E20, v13;
	v9 =	vld [tilespmem:s1+$0xFA0];
	[tilespmem:s25+$0xFB0] =	vst v12;
	v12 =	vor.u32 v14, v15  }
.LBB2_8:
0x7a: {  	s28 =	sshra.s32 s26, $0x2;
	p0 =	sne.s32 s26, $0x1E00;
	s26 =	sadd.s32 $0x140, s26;
	v13 =	vld [tilespmem:s1+$0xFB0];
	v7 =	vshll.u32 v7, $0x1;
	v11 =	vmul.u32 $0x4E20, v11;
	v14 =	vand.u32 $0x1, v2;
	[tilespmem:s25+$0xFE0] =	vst v12  }
0x7b: {  	v4 =	vand.u32 $0x1, v4;
	s25 =	smov.u32 s1;
	v12 =	vld [tilespmem:s28+$0x30];
	v7 =	vadd.s32 v7, v10;
	v8 =	vshll.u32 v8, $0x1;
	s1 =	smov.u32 s28  }
0x7c: {  	v5 =	vand.u32 $0x1, v5;
	v7 =	vor.u32 v4, v7;
	v8 =	vadd.s32 v8, v11;
	v10 =	vld [tilespmem:s25+$0xFE0]  }
0x7d: {  	v11 =	vshrl.u32 v3, $0x1;
	v4 =	vld [tilespmem:s1+$0x20];
	v15 =	vshrl.u32 v6, $0x1;
	[tilespmem:s25+$0xFC0] =	vst v7;
	v5 =	vor.u32 v5, v8  }
0x7e: {  	v11 =	vmul.u32 $0x4E20, v11;
	v7 =	vld [tilespmem:s1+$0xFC0];
	v9 =	vshll.u32 v9, $0x1;
	v15 =	vmul.u32 $0x4E20, v15;
	[tilespmem:s25+$0xFD0] =	vst v5  }
.Ltmp3:
0x7f: {  	v17 =	vshrl.u32 v2, $0x1;
	v16 =	vand.u32 $0x1, v6;
	v13 =	vshll.u32 v13, $0x1;
	v2 =	vld [tilespmem:s1+$0x40];
	(pc) =	sbr.rel @p0 .LBB2_8-.Ltmp3, $4  }
0x80: {  	v6 =	vadd.s32 v9, v11;
	v9 =	vand.u32 $0x1, v3;
	v11 =	vmul.u32 $0x4E20, v17;
	v8 =	vld [tilespmem:s1+$0xFD0];
	v5 =	vmovc v12  }
0x81: {  	v9 =	vor.u32 v9, v6;
	v12 =	vadd.s32 v13, v15;
	v3 =	vld [tilespmem:s1+$0x0];
	v10 =	vshll.u32 v10, $0x1  }
0x82: {  	v12 =	vor.u32 v16, v12;
	v6 =	vld [tilespmem:s1+$0x10];
	v13 =	vshrl.u32 v4, $0x1;
	[tilespmem:s25+$0xFA0] =	vst v9;
	v15 =	vadd.s32 v10, v11  }
0x83: {  	v11 =	vshrl.u32 v5, $0x1;
	v9 =	vld [tilespmem:s1+$0xFA0];
	v10 =	vmul.u32 $0x4E20, v13;
	[tilespmem:s25+$0xFB0] =	vst v12;
	v12 =	vor.u32 v14, v15  }
0x84: {  	v7 =	vshll.u32 v7, $0x1;
	v11 =	vmul.u32 $0x4E20, v11  }
0x85: {  	v13 =	vld [tilespmem:s1+$0xFB0];
	[tilespmem:s25+$0xFE0] =	vst v12;
	v4 =	vand.u32 $0x1, v4;
	v7 =	vadd.s32 v7, v10;
	v8 =	vshll.u32 v8, $0x1  }
0x86: {  	v5 =	vand.u32 $0x1, v5;
	v4 =	vor.u32 v4, v7;
	v7 =	vadd.s32 v8, v11;
	v8 =	vld [tilespmem:s1+$0xFE0]  }
0x87: {  	v12 =	vshrl.u32 v2, $0x1;
	v10 =	vshrl.u32 v3, $0x1;
	v3 =	vand.u32 $0x1, v3  }
0x88: {  	v11 =	vshrl.u32 v6, $0x1;
	v5 =	vor.u32 v5, v7;
	v7 =	vmul.u32 $0x4E20, v10  }
0x89: {  	v6 =	vand.u32 $0x1, v6;
	v9 =	vshll.u32 v9, $0x1;
	v10 =	vmul.u32 $0x4E20, v11  }
0x8a: {  	[tilespmem:s1+$0xFC0] =	vst v4;
	v11 =	vshll.u32 v13, $0x1;
	v4 =	vadd.s32 v9, v7;
	v7 =	vmul.u32 $0x4E20, v12  }
0x8b: {  	[tilespmem:s1+$0xFD0] =	vst v5;
	v3 =	vor.u32 v3, v4;
	v4 =	vadd.s32 v11, v10;
	v5 =	vshll.u32 v8, $0x1  }
0x8c: {  	v2 =	vand.u32 $0x1, v2;
	[tilespmem:s1+$0xFA0] =	vst v3;
	v3 =	vor.u32 v6, v4;
	v4 =	vadd.s32 v5, v7  }
0x8d: {  	[tilespmem:s1+$0xFB0] =	vst v3;
	v2 =	vor.u32 v2, v4  }
0x8e: {  	s29 =	simm.s32 $0x0;
	[tilespmem:s1+$0xFE0] =	vst v2  }
0x8f: {  	[tilespmem:s29], [sflag:$0x2] =	stream.linear.gather [hbm4b:s13+s29], $0x7D0, $0x38;
	[tilespmem:$0x8AF0] =	vst v63  }
0x90: {  	_ =	swait.ge [sflag:s20], $0x7D0  }
0x91: {  	[sflag:s20] =	ssyncset.done $0x0  }
0x92: {  	s25 =	simm.s32 $0x0;
	[sflag:s20] =	ssyncadd.s32 $0xFFFFF830  }
0x93: {  	v2 =	vld [tilespmem:s25+$0x30]  }
0x94: {  	v3 =	vld [tilespmem:s25+$0x20]  }
0x95: {  	v4 =	vld [tilespmem:s25+$0x1790]  }
0x96: {  	v6 =	vld [tilespmem:s25+$0x40]  }
0x97: {  	v7 =	vld [tilespmem:s25+$0x17A0]  }
0x98: {  	v9 =	vld [tilespmem:s25+$0x0]  }
0x99: {  	v8 =	vld [tilespmem:s25+$0x1770];
	v5 =	vshrl.u32 v3, $0x1  }
0x9a: {  	v10 =	vld [tilespmem:s25+$0x10];
	v13 =	vshrl.u32 v2, $0x1;
	v11 =	vmul.u32 $0x4E20, v5  }
0x9b: {  	s1 =	simm.s32 $0x50;
	v12 =	vld [tilespmem:s25+$0x1780];
	v4 =	vshll.u32 v4, $0x1;
	v3 =	vand.u32 $0x1, v3;
	v13 =	vmul.u32 $0x4E20, v13  }
0x9c: {  	v7 =	vshll.u32 v7, $0x1;
	v2 =	vand.u32 $0x1, v2;
	v5 =	vld [tilespmem:s1+$0x30];
	v4 =	vadd.s32 v4, v11  }
0x9d: {  	v14 =	vand.u32 $0x1, v6;
	v11 =	vld [tilespmem:s25+$0x17B0];
	v7 =	vadd.s32 v7, v13;
	v3 =	vor.u32 v3, v4  }
0x9e: {  	v15 =	vshll.u32 v8, $0x1;
	v4 =	vld [tilespmem:s1+$0x20];
	v2 =	vor.u32 v2, v7;
	[tilespmem:s25+$0x1790] =	vst v3;
	v3 =	vshrl.u32 v9, $0x1  }
0x9f: {  	v6 =	vshrl.u32 v6, $0x1;
	v13 =	vshrl.u32 v10, $0x1;
	v7 =	vld [tilespmem:s1+$0x1790];
	[tilespmem:s25+$0x17A0] =	vst v2;
	v3 =	vmul.u32 $0x4E20, v3  }
0xa0: {  	v12 =	vshll.u32 v12, $0x1;
	v16 =	vmul.u32 $0x4E20, v6;
	v13 =	vmul.u32 $0x4E20, v13;
	v2 =	vld [tilespmem:s1+$0x40]  }
0xa1: {  	v10 =	vand.u32 $0x1, v10;
	v9 =	vand.u32 $0x1, v9;
	v8 =	vld [tilespmem:s1+$0x17A0];
	v15 =	vadd.s32 v15, v3  }
0xa2: {  	v12 =	vadd.s32 v12, v13;
	v6 =	vld [tilespmem:s1+$0x10];
	v11 =	vshll.u32 v11, $0x1;
	v9 =	vor.u32 v9, v15  }
0xa3: {  	v12 =	vor.u32 v10, v12;
	v3 =	vld [tilespmem:s1+$0x0];
	v13 =	vshrl.u32 v4, $0x1;
	v15 =	vadd.s32 v11, v16;
	[tilespmem:s25+$0x1770] =	vst v9  }
0xa4: {  	s26 =	simm.s32 $0x280;
	v11 =	vshrl.u32 v5, $0x1;
	v10 =	vmul.u32 $0x4E20, v13;
	v9 =	vld [tilespmem:s1+$0x1770];
	[tilespmem:s25+$0x1780] =	vst v12;
	v12 =	vor.u32 v14, v15  }
.LBB2_10:
0xa5: {  	s28 =	sshra.s32 s26, $0x2;
	p0 =	sne.s32 s26, $0x1E00;
	s26 =	sadd.s32 $0x140, s26;
	v13 =	vld [tilespmem:s1+$0x1780];
	v7 =	vshll.u32 v7, $0x1;
	v11 =	vmul.u32 $0x4E20, v11;
	v14 =	vand.u32 $0x1, v2;
	[tilespmem:s25+$0x17B0] =	vst v12  }
0xa6: {  	v4 =	vand.u32 $0x1, v4;
	s25 =	smov.u32 s1;
	v12 =	vld [tilespmem:s28+$0x30];
	v7 =	vadd.s32 v7, v10;
	v8 =	vshll.u32 v8, $0x1;
	s1 =	smov.u32 s28  }
0xa7: {  	v5 =	vand.u32 $0x1, v5;
	v7 =	vor.u32 v4, v7;
	v8 =	vadd.s32 v8, v11;
	v10 =	vld [tilespmem:s25+$0x17B0]  }
0xa8: {  	v11 =	vshrl.u32 v3, $0x1;
	v4 =	vld [tilespmem:s1+$0x20];
	v15 =	vshrl.u32 v6, $0x1;
	[tilespmem:s25+$0x1790] =	vst v7;
	v5 =	vor.u32 v5, v8  }
0xa9: {  	v11 =	vmul.u32 $0x4E20, v11;
	v7 =	vld [tilespmem:s1+$0x1790];
	v9 =	vshll.u32 v9, $0x1;
	v15 =	vmul.u32 $0x4E20, v15;
	[tilespmem:s25+$0x17A0] =	vst v5  }
.Ltmp4:
0xaa: {  	v17 =	vshrl.u32 v2, $0x1;
	v16 =	vand.u32 $0x1, v6;
	v13 =	vshll.u32 v13, $0x1;
	v2 =	vld [tilespmem:s1+$0x40];
	(pc) =	sbr.rel @p0 .LBB2_10-.Ltmp4, $4  }
0xab: {  	v6 =	vadd.s32 v9, v11;
	v9 =	vand.u32 $0x1, v3;
	v11 =	vmul.u32 $0x4E20, v17;
	v8 =	vld [tilespmem:s1+$0x17A0];
	v5 =	vmovc v12  }
0xac: {  	v9 =	vor.u32 v9, v6;
	v12 =	vadd.s32 v13, v15;
	v3 =	vld [tilespmem:s1+$0x0];
	v10 =	vshll.u32 v10, $0x1  }
0xad: {  	v12 =	vor.u32 v16, v12;
	v6 =	vld [tilespmem:s1+$0x10];
	v13 =	vshrl.u32 v4, $0x1;
	[tilespmem:s25+$0x1770] =	vst v9;
	v15 =	vadd.s32 v10, v11  }
0xae: {  	v11 =	vshrl.u32 v5, $0x1;
	v9 =	vld [tilespmem:s1+$0x1770];
	v10 =	vmul.u32 $0x4E20, v13;
	[tilespmem:s25+$0x1780] =	vst v12;
	v12 =	vor.u32 v14, v15  }
0xaf: {  	v7 =	vshll.u32 v7, $0x1;
	v11 =	vmul.u32 $0x4E20, v11  }
0xb0: {  	v13 =	vld [tilespmem:s1+$0x1780];
	[tilespmem:s25+$0x17B0] =	vst v12;
	v4 =	vand.u32 $0x1, v4;
	v7 =	vadd.s32 v7, v10;
	v8 =	vshll.u32 v8, $0x1  }
0xb1: {  	v5 =	vand.u32 $0x1, v5;
	v4 =	vor.u32 v4, v7;
	v7 =	vadd.s32 v8, v11;
	v8 =	vld [tilespmem:s1+$0x17B0]  }
0xb2: {  	v12 =	vshrl.u32 v2, $0x1;
	v10 =	vshrl.u32 v3, $0x1;
	v3 =	vand.u32 $0x1, v3  }
0xb3: {  	v11 =	vshrl.u32 v6, $0x1;
	v5 =	vor.u32 v5, v7;
	v7 =	vmul.u32 $0x4E20, v10  }
0xb4: {  	v6 =	vand.u32 $0x1, v6;
	v9 =	vshll.u32 v9, $0x1;
	v10 =	vmul.u32 $0x4E20, v11  }
0xb5: {  	[tilespmem:s1+$0x1790] =	vst v4;
	v11 =	vshll.u32 v13, $0x1;
	v4 =	vadd.s32 v9, v7;
	v7 =	vmul.u32 $0x4E20, v12  }
0xb6: {  	[tilespmem:s1+$0x17A0] =	vst v5;
	v3 =	vor.u32 v3, v4;
	v4 =	vadd.s32 v11, v10;
	v5 =	vshll.u32 v8, $0x1  }
0xb7: {  	v2 =	vand.u32 $0x1, v2;
	[tilespmem:s1+$0x1770] =	vst v3;
	v3 =	vor.u32 v6, v4;
	v4 =	vadd.s32 v5, v7  }
0xb8: {  	[tilespmem:s1+$0x1780] =	vst v3;
	v2 =	vor.u32 v2, v4  }
0xb9: {  	s29 =	simm.s32 $0x0;
	[tilespmem:s1+$0x17B0] =	vst v2  }
0xba: {  	[tilespmem:s29], [sflag:$0x2] =	stream.linear.gather [hbm4b:s14+s29], $0x7D0, $0x38;
	[tilespmem:$0x8AF0] =	vst v63  }
0xbb: {  	_ =	swait.ge [sflag:s20], $0x7D0  }
0xbc: {  	[sflag:s20] =	ssyncset.done $0x0  }
0xbd: {  	s25 =	simm.s32 $0x0;
	[sflag:s20] =	ssyncadd.s32 $0xFFFFF830  }
0xbe: {  	v2 =	vld [tilespmem:s25+$0x30]  }
0xbf: {  	v3 =	vld [tilespmem:s25+$0x20]  }
0xc0: {  	v4 =	vld [tilespmem:s25+$0x1F60]  }
0xc1: {  	v6 =	vld [tilespmem:s25+$0x40]  }
0xc2: {  	v7 =	vld [tilespmem:s25+$0x1F70]  }
0xc3: {  	v9 =	vld [tilespmem:s25+$0x0]  }
0xc4: {  	v8 =	vld [tilespmem:s25+$0x1F40];
	v5 =	vshrl.u32 v3, $0x1  }
0xc5: {  	v10 =	vld [tilespmem:s25+$0x10];
	v13 =	vshrl.u32 v2, $0x1;
	v11 =	vmul.u32 $0x4E20, v5  }
0xc6: {  	s1 =	simm.s32 $0x50;
	v12 =	vld [tilespmem:s25+$0x1F50];
	v4 =	vshll.u32 v4, $0x1;
	v3 =	vand.u32 $0x1, v3;
	v13 =	vmul.u32 $0x4E20, v13  }
0xc7: {  	v7 =	vshll.u32 v7, $0x1;
	v2 =	vand.u32 $0x1, v2;
	v5 =	vld [tilespmem:s1+$0x30];
	v4 =	vadd.s32 v4, v11  }
0xc8: {  	v14 =	vand.u32 $0x1, v6;
	v11 =	vld [tilespmem:s25+$0x1F80];
	v7 =	vadd.s32 v7, v13;
	v3 =	vor.u32 v3, v4  }
0xc9: {  	v15 =	vshll.u32 v8, $0x1;
	v4 =	vld [tilespmem:s1+$0x20];
	v2 =	vor.u32 v2, v7;
	[tilespmem:s25+$0x1F60] =	vst v3;
	v3 =	vshrl.u32 v9, $0x1  }
0xca: {  	v6 =	vshrl.u32 v6, $0x1;
	v13 =	vshrl.u32 v10, $0x1;
	v7 =	vld [tilespmem:s1+$0x1F60];
	[tilespmem:s25+$0x1F70] =	vst v2;
	v3 =	vmul.u32 $0x4E20, v3  }
0xcb: {  	v12 =	vshll.u32 v12, $0x1;
	v16 =	vmul.u32 $0x4E20, v6;
	v13 =	vmul.u32 $0x4E20, v13;
	v2 =	vld [tilespmem:s1+$0x40]  }
0xcc: {  	v10 =	vand.u32 $0x1, v10;
	v9 =	vand.u32 $0x1, v9;
	v8 =	vld [tilespmem:s1+$0x1F70];
	v15 =	vadd.s32 v15, v3  }
0xcd: {  	v12 =	vadd.s32 v12, v13;
	v6 =	vld [tilespmem:s1+$0x10];
	v11 =	vshll.u32 v11, $0x1;
	v9 =	vor.u32 v9, v15  }
0xce: {  	v12 =	vor.u32 v10, v12;
	v3 =	vld [tilespmem:s1+$0x0];
	v13 =	vshrl.u32 v4, $0x1;
	v15 =	vadd.s32 v11, v16;
	[tilespmem:s25+$0x1F40] =	vst v9  }
0xcf: {  	s26 =	simm.s32 $0x280;
	v11 =	vshrl.u32 v5, $0x1;
	v10 =	vmul.u32 $0x4E20, v13;
	v9 =	vld [tilespmem:s1+$0x1F40];
	[tilespmem:s25+$0x1F50] =	vst v12;
	v12 =	vor.u32 v14, v15  }
.LBB2_12:
0xd0: {  	s28 =	sshra.s32 s26, $0x2;
	p0 =	sne.s32 s26, $0x1E00;
	s26 =	sadd.s32 $0x140, s26;
	v13 =	vld [tilespmem:s1+$0x1F50];
	v7 =	vshll.u32 v7, $0x1;
	v11 =	vmul.u32 $0x4E20, v11;
	v14 =	vand.u32 $0x1, v2;
	[tilespmem:s25+$0x1F80] =	vst v12  }
0xd1: {  	v4 =	vand.u32 $0x1, v4;
	s25 =	smov.u32 s1;
	v12 =	vld [tilespmem:s28+$0x30];
	v7 =	vadd.s32 v7, v10;
	v8 =	vshll.u32 v8, $0x1;
	s1 =	smov.u32 s28  }
0xd2: {  	v5 =	vand.u32 $0x1, v5;
	v7 =	vor.u32 v4, v7;
	v8 =	vadd.s32 v8, v11;
	v10 =	vld [tilespmem:s25+$0x1F80]  }
0xd3: {  	v11 =	vshrl.u32 v3, $0x1;
	v4 =	vld [tilespmem:s1+$0x20];
	v15 =	vshrl.u32 v6, $0x1;
	[tilespmem:s25+$0x1F60] =	vst v7;
	v5 =	vor.u32 v5, v8  }
0xd4: {  	v11 =	vmul.u32 $0x4E20, v11;
	v7 =	vld [tilespmem:s1+$0x1F60];
	v9 =	vshll.u32 v9, $0x1;
	v15 =	vmul.u32 $0x4E20, v15;
	[tilespmem:s25+$0x1F70] =	vst v5  }
.Ltmp5:
0xd5: {  	v17 =	vshrl.u32 v2, $0x1;
	v16 =	vand.u32 $0x1, v6;
	v13 =	vshll.u32 v13, $0x1;
	v2 =	vld [tilespmem:s1+$0x40];
	(pc) =	sbr.rel @p0 .LBB2_12-.Ltmp5, $4  }
0xd6: {  	v6 =	vadd.s32 v9, v11;
	v9 =	vand.u32 $0x1, v3;
	v11 =	vmul.u32 $0x4E20, v17;
	v8 =	vld [tilespmem:s1+$0x1F70];
	v5 =	vmovc v12  }
0xd7: {  	v9 =	vor.u32 v9, v6;
	v12 =	vadd.s32 v13, v15;
	v3 =	vld [tilespmem:s1+$0x0];
	v10 =	vshll.u32 v10, $0x1  }
0xd8: {  	v12 =	vor.u32 v16, v12;
	v6 =	vld [tilespmem:s1+$0x10];
	v13 =	vshrl.u32 v4, $0x1;
	[tilespmem:s25+$0x1F40] =	vst v9;
	v15 =	vadd.s32 v10, v11  }
0xd9: {  	v11 =	vshrl.u32 v5, $0x1;
	v9 =	vld [tilespmem:s1+$0x1F40];
	v10 =	vmul.u32 $0x4E20, v13;
	[tilespmem:s25+$0x1F50] =	vst v12;
	v12 =	vor.u32 v14, v15  }
0xda: {  	v7 =	vshll.u32 v7, $0x1;
	v11 =	vmul.u32 $0x4E20, v11  }
0xdb: {  	v13 =	vld [tilespmem:s1+$0x1F50];
	[tilespmem:s25+$0x1F80] =	vst v12;
	v4 =	vand.u32 $0x1, v4;
	v7 =	vadd.s32 v7, v10;
	v8 =	vshll.u32 v8, $0x1  }
0xdc: {  	v5 =	vand.u32 $0x1, v5;
	v4 =	vor.u32 v4, v7;
	v7 =	vadd.s32 v8, v11;
	v8 =	vld [tilespmem:s1+$0x1F80]  }
0xdd: {  	v12 =	vshrl.u32 v2, $0x1;
	v10 =	vshrl.u32 v3, $0x1;
	v3 =	vand.u32 $0x1, v3  }
0xde: {  	v11 =	vshrl.u32 v6, $0x1;
	v5 =	vor.u32 v5, v7;
	v7 =	vmul.u32 $0x4E20, v10  }
0xdf: {  	v6 =	vand.u32 $0x1, v6;
	v9 =	vshll.u32 v9, $0x1;
	v10 =	vmul.u32 $0x4E20, v11  }
0xe0: {  	[tilespmem:s1+$0x1F60] =	vst v4;
	v11 =	vshll.u32 v13, $0x1;
	v4 =	vadd.s32 v9, v7;
	v7 =	vmul.u32 $0x4E20, v12  }
0xe1: {  	[tilespmem:s1+$0x1F70] =	vst v5;
	v3 =	vor.u32 v3, v4;
	v4 =	vadd.s32 v11, v10;
	v5 =	vshll.u32 v8, $0x1  }
0xe2: {  	v2 =	vand.u32 $0x1, v2;
	[tilespmem:s1+$0x1F40] =	vst v3;
	v3 =	vor.u32 v6, v4;
	v4 =	vadd.s32 v5, v7  }
0xe3: {  	[tilespmem:s1+$0x1F50] =	vst v3;
	v2 =	vor.u32 v2, v4  }
0xe4: {  	s29 =	simm.s32 $0x0;
	[tilespmem:s1+$0x1F80] =	vst v2  }
0xe5: {  	[tilespmem:s29], [sflag:$0x2] =	stream.linear.gather [hbm4b:s15+s29], $0x7D0, $0x38;
	[tilespmem:$0x8AF0] =	vst v63  }
0xe6: {  	_ =	swait.ge [sflag:s20], $0x7D0  }
0xe7: {  	[sflag:s20] =	ssyncset.done $0x0  }
0xe8: {  	s25 =	simm.s32 $0x0;
	[sflag:s20] =	ssyncadd.s32 $0xFFFFF830  }
0xe9: {  	v2 =	vld [tilespmem:s25+$0x30]  }
0xea: {  	v3 =	vld [tilespmem:s25+$0x20]  }
0xeb: {  	v4 =	vld [tilespmem:s25+$0x2730]  }
0xec: {  	v6 =	vld [tilespmem:s25+$0x40]  }
0xed: {  	v7 =	vld [tilespmem:s25+$0x2740]  }
0xee: {  	v9 =	vld [tilespmem:s25+$0x0]  }
0xef: {  	v8 =	vld [tilespmem:s25+$0x2710];
	v5 =	vshrl.u32 v3, $0x1  }
0xf0: {  	v10 =	vld [tilespmem:s25+$0x10];
	v13 =	vshrl.u32 v2, $0x1;
	v11 =	vmul.u32 $0x4E20, v5  }
0xf1: {  	s1 =	simm.s32 $0x50;
	v12 =	vld [tilespmem:s25+$0x2720];
	v4 =	vshll.u32 v4, $0x1;
	v3 =	vand.u32 $0x1, v3;
	v13 =	vmul.u32 $0x4E20, v13  }
0xf2: {  	v7 =	vshll.u32 v7, $0x1;
	v2 =	vand.u32 $0x1, v2;
	v5 =	vld [tilespmem:s1+$0x30];
	v4 =	vadd.s32 v4, v11  }
0xf3: {  	v14 =	vand.u32 $0x1, v6;
	v11 =	vld [tilespmem:s25+$0x2750];
	v7 =	vadd.s32 v7, v13;
	v3 =	vor.u32 v3, v4  }
0xf4: {  	v15 =	vshll.u32 v8, $0x1;
	v4 =	vld [tilespmem:s1+$0x20];
	v2 =	vor.u32 v2, v7;
	[tilespmem:s25+$0x2730] =	vst v3;
	v3 =	vshrl.u32 v9, $0x1  }
0xf5: {  	v6 =	vshrl.u32 v6, $0x1;
	v13 =	vshrl.u32 v10, $0x1;
	v7 =	vld [tilespmem:s1+$0x2730];
	[tilespmem:s25+$0x2740] =	vst v2;
	v3 =	vmul.u32 $0x4E20, v3  }
0xf6: {  	v12 =	vshll.u32 v12, $0x1;
	v16 =	vmul.u32 $0x4E20, v6;
	v13 =	vmul.u32 $0x4E20, v13;
	v2 =	vld [tilespmem:s1+$0x40]  }
0xf7: {  	v10 =	vand.u32 $0x1, v10;
	v9 =	vand.u32 $0x1, v9;
	v8 =	vld [tilespmem:s1+$0x2740];
	v15 =	vadd.s32 v15, v3  }
0xf8: {  	v12 =	vadd.s32 v12, v13;
	v6 =	vld [tilespmem:s1+$0x10];
	v11 =	vshll.u32 v11, $0x1;
	v9 =	vor.u32 v9, v15  }
0xf9: {  	v12 =	vor.u32 v10, v12;
	v3 =	vld [tilespmem:s1+$0x0];
	v13 =	vshrl.u32 v4, $0x1;
	v15 =	vadd.s32 v11, v16;
	[tilespmem:s25+$0x2710] =	vst v9  }
0xfa: {  	s26 =	simm.s32 $0x280;
	v11 =	vshrl.u32 v5, $0x1;
	v10 =	vmul.u32 $0x4E20, v13;
	v9 =	vld [tilespmem:s1+$0x2710];
	[tilespmem:s25+$0x2720] =	vst v12;
	v12 =	vor.u32 v14, v15  }
.LBB2_14:
0xfb: {  	s28 =	sshra.s32 s26, $0x2;
	p0 =	sne.s32 s26, $0x1E00;
	s26 =	sadd.s32 $0x140, s26;
	v13 =	vld [tilespmem:s1+$0x2720];
	v7 =	vshll.u32 v7, $0x1;
	v11 =	vmul.u32 $0x4E20, v11;
	v14 =	vand.u32 $0x1, v2;
	[tilespmem:s25+$0x2750] =	vst v12  }
0xfc: {  	v4 =	vand.u32 $0x1, v4;
	s25 =	smov.u32 s1;
	v12 =	vld [tilespmem:s28+$0x30];
	v7 =	vadd.s32 v7, v10;
	v8 =	vshll.u32 v8, $0x1;
	s1 =	smov.u32 s28  }
0xfd: {  	v5 =	vand.u32 $0x1, v5;
	v7 =	vor.u32 v4, v7;
	v8 =	vadd.s32 v8, v11;
	v10 =	vld [tilespmem:s25+$0x2750]  }
0xfe: {  	v11 =	vshrl.u32 v3, $0x1;
	v4 =	vld [tilespmem:s1+$0x20];
	v15 =	vshrl.u32 v6, $0x1;
	[tilespmem:s25+$0x2730] =	vst v7;
	v5 =	vor.u32 v5, v8  }
0xff: {  	v11 =	vmul.u32 $0x4E20, v11;
	v7 =	vld [tilespmem:s1+$0x2730];
	v9 =	vshll.u32 v9, $0x1;
	v15 =	vmul.u32 $0x4E20, v15;
	[tilespmem:s25+$0x2740] =	vst v5  }
.Ltmp6:
0x100: {  	v17 =	vshrl.u32 v2, $0x1;
	v16 =	vand.u32 $0x1, v6;
	v13 =	vshll.u32 v13, $0x1;
	v2 =	vld [tilespmem:s1+$0x40];
	(pc) =	sbr.rel @p0 .LBB2_14-.Ltmp6, $4  }
0x101: {  	v6 =	vadd.s32 v9, v11;
	v9 =	vand.u32 $0x1, v3;
	v11 =	vmul.u32 $0x4E20, v17;
	v8 =	vld [tilespmem:s1+$0x2740];
	v5 =	vmovc v12  }
0x102: {  	v9 =	vor.u32 v9, v6;
	v12 =	vadd.s32 v13, v15;
	v3 =	vld [tilespmem:s1+$0x0];
	v10 =	vshll.u32 v10, $0x1  }
0x103: {  	v12 =	vor.u32 v16, v12;
	v6 =	vld [tilespmem:s1+$0x10];
	v13 =	vshrl.u32 v4, $0x1;
	[tilespmem:s25+$0x2710] =	vst v9;
	v15 =	vadd.s32 v10, v11  }
0x104: {  	v11 =	vshrl.u32 v5, $0x1;
	v9 =	vld [tilespmem:s1+$0x2710];
	v10 =	vmul.u32 $0x4E20, v13;
	[tilespmem:s25+$0x2720] =	vst v12;
	v12 =	vor.u32 v14, v15  }
0x105: {  	v7 =	vshll.u32 v7, $0x1;
	v11 =	vmul.u32 $0x4E20, v11  }
0x106: {  	v13 =	vld [tilespmem:s1+$0x2720];
	[tilespmem:s25+$0x2750] =	vst v12;
	v4 =	vand.u32 $0x1, v4;
	v5 =	vand.u32 $0x1, v5;
	v58 =	vshrl.u32 v2, $0x1  }
0x107: {  	v7 =	vadd.s32 v7, v10;
	v8 =	vshll.u32 v8, $0x1;
	v51 =	vld [tilespmem:s1+$0x2750];
	v60 =	vmul.u32 $0x4E20, v58  }
0x108: {  	v4 =	vor.u32 v4, v7;
	v50 =	vadd.s32 v8, v11;
	v52 =	vshrl.u32 v3, $0x1  }
0x109: {  	v3 =	vand.u32 $0x1, v3;
	v53 =	vshrl.u32 v6, $0x1;
	v54 =	vmul.u32 $0x4E20, v52  }
0x10a: {  	v5 =	vor.u32 v5, v50;
	v9 =	vshll.u32 v9, $0x1;
	v55 =	vmul.u32 $0x4E20, v53  }
0x10b: {  	v57 =	vand.u32 $0x1, v6;
	[tilespmem:s1+$0x2730] =	vst v4;
	v56 =	vshll.u32 v13, $0x1;
	v59 =	vadd.s32 v9, v54  }
0x10c: {  	[tilespmem:s1+$0x2740] =	vst v5;
	v3 =	vor.u32 v3, v59;
	v61 =	vadd.s32 v56, v55;
	v62 =	vshll.u32 v51, $0x1  }
0x10d: {  	v2 =	vand.u32 $0x1, v2;
	[tilespmem:s1+$0x2710] =	vst v3;
	v3 =	vor.u32 v57, v61;
	v63 =	vadd.s32 v62, v60  }
0x10e: {  	[tilespmem:s1+$0x2720] =	vst v3;
	v2 =	vor.u32 v2, v63  }
0x10f: {  	[tilespmem:s1+$0x2750] =	vst v2  }
0x110: {  	[hbm4b:s16+s3] =	stream.linear.scatter [tilespmem:s19], [sflag:$0x2], $0x2710, $0x38;
	[tilespmem:$0x8AF0] =	vst v63  }
0x111: {  	_ =	swait.ge [sflag:s20], $0x2710  }
0x112: {  	[sflag:s20] =	ssyncset.done $0x0  }
0x113: {  	[sflag:s20] =	ssyncadd.s32 $0xFFFFD8F0  }
0x114: {  	[bflag:$0x0] =	sbarrier.arrive $0xFFFF  }
0x115: {  	[spmem:s2] =	stream.indirect.scatter.add.f32 [tilespmem:s24], [sflag:$0x1], $0x10, s21, s23, $0xb8;
	[tilespmem:$0x8AF0] =	vst v63  }
0x116: {  	s29 =	simm.s32 $0x2F30  }
0x117: {  	[spmem:s2] =	stream.indirect.scatter.add.f32 [tilespmem:s24], [sflag:$0x1], $0x10, s29, s23, $0xb8;
	[tilespmem:$0x8AF0] =	vst v63  }
0x118: {  	s25 =	simm.s32 $0x2F80  }
0x119: {  	[spmem:s2] =	stream.indirect.scatter.add.f32 [tilespmem:s24], [sflag:$0x1], $0x10, s25, s23, $0xb8;
	[tilespmem:$0x8AF0] =	vst v63  }
0x11a: {  	s26 =	simm.s32 $0x2FD0  }
0x11b: {  	[spmem:s2] =	stream.indirect.scatter.add.f32 [tilespmem:s24], [sflag:$0x1], $0x10, s26, s23, $0xb8;
	[tilespmem:$0x8AF0] =	vst v63  }
0x11c: {  	s28 =	simm.s32 $0x3020  }
0x11d: {  	[spmem:s2] =	stream.indirect.scatter.add.f32 [tilespmem:s24], [sflag:$0x1], $0x10, s28, s23, $0xb8;
	[tilespmem:$0x8AF0] =	vst v63  }
0x11e: {  	s29 =	simm.s32 $0x3070  }
0x11f: {  	[spmem:s2] =	stream.indirect.scatter.add.f32 [tilespmem:s24], [sflag:$0x1], $0x10, s29, s23, $0xb8;
	[tilespmem:$0x8AF0] =	vst v63  }
0x120: {  	s25 =	simm.s32 $0x30C0  }
0x121: {  	[spmem:s2] =	stream.indirect.scatter.add.f32 [tilespmem:s24], [sflag:$0x1], $0x10, s25, s23, $0xb8;
	[tilespmem:$0x8AF0] =	vst v63  }
0x122: {  	s26 =	simm.s32 $0x3110  }
0x123: {  	[spmem:s2] =	stream.indirect.scatter.add.f32 [tilespmem:s24], [sflag:$0x1], $0x10, s26, s23, $0xb8;
	[tilespmem:$0x8AF0] =	vst v63  }
0x124: {  	s28 =	simm.s32 $0x3160  }
0x125: {  	[spmem:s2] =	stream.indirect.scatter.add.f32 [tilespmem:s24], [sflag:$0x1], $0x10, s28, s23, $0xb8;
	[tilespmem:$0x8AF0] =	vst v63  }
0x126: {  	s29 =	simm.s32 $0x31B0  }
0x127: {  	[spmem:s2] =	stream.indirect.scatter.add.f32 [tilespmem:s24], [sflag:$0x1], $0x10, s29, s23, $0xb8;
	[tilespmem:$0x8AF0] =	vst v63  }
0x128: {  	_ =	swait.ge [sflag:s30], $0x500  }
0x129: {  	[sflag:s30] =	ssyncset.done $0x0  }
0x12a: {  	[sflag:s30] =	ssyncadd.s32 $0xFFFFFB00  }
0x12b: {  	_ =	swait.ge [sflag:s30], $0x500  }
0x12c: {  	[sflag:s30] =	ssyncset.done $0x0  }
0x12d: {  	[sflag:s30] =	ssyncadd.s32 $0xFFFFFB00  }
0x12e: {  	_ =	swait.ge [sflag:s30], $0x500  }
0x12f: {  	[sflag:s30] =	ssyncset.done $0x0  }
0x130: {  	[sflag:s30] =	ssyncadd.s32 $0xFFFFFB00  }
0x131: {  	_ =	swait.ge [sflag:s30], $0x500  }
0x132: {  	[sflag:s30] =	ssyncset.done $0x0  }
0x133: {  	[sflag:s30] =	ssyncadd.s32 $0xFFFFFB00  }
0x134: {  	_ =	swait.ge [sflag:s30], $0x500  }
0x135: {  	s1 =	simm.s32 $0xFFFFDC10;
	s25 =	simm.s32 $0xFFFF7680;
	[sflag:s30] =	ssyncset.done $0x0  }
.LBB2_16:
0x136: {  	s26 =	sadd.s32 $0x55F0, s1  }
0x137: {  	[sflag:s30] =	ssyncadd.s32 $0xFFFFFB00;
	s28 =	smov.u32 s25;
	s29 =	sadd.s32 $0x640, s25  }
0x138: {  	[spmem:s2] =	stream.indirect.scatter.add.f32 [tilespmem:s24], [sflag:$0x1], $0x10, s26, s23, $0xb8;
	[tilespmem:$0x8AF0] =	vst v63  }
0x139: {  	p0 =	sne.s32 s25, $0xFFFFF9C0;
	s25 =	sadd.s32 $0x5640, s1  }
0x13a: {  	[spmem:s2] =	stream.indirect.scatter.add.f32 [tilespmem:s24], [sflag:$0x1], $0x10, s25, s23, $0xb8;
	[tilespmem:$0x8AF0] =	vst v63  }
0x13b: {  	s25 =	sadd.s32 $0x5690, s1  }
0x13c: {  	[spmem:s2] =	stream.indirect.scatter.add.f32 [tilespmem:s24], [sflag:$0x1], $0x10, s25, s23, $0xb8;
	[tilespmem:$0x8AF0] =	vst v63  }
0x13d: {  	s25 =	sadd.s32 $0x56E0, s1  }
0x13e: {  	[spmem:s2] =	stream.indirect.scatter.add.f32 [tilespmem:s24], [sflag:$0x1], $0x10, s25, s23, $0xb8;
	[tilespmem:$0x8AF0] =	vst v63  }
0x13f: {  	s1 =	sadd.s32 $0x5730, s1  }
0x140: {  	[spmem:s2] =	stream.indirect.scatter.add.f32 [tilespmem:s24], [sflag:$0x1], $0x10, s1, s23, $0xb8;
	[tilespmem:$0x8AF0] =	vst v63  }
0x141: {  	_ =	swait.ge [sflag:s30], $0x500  }
0x142: {  	[sflag:s30] =	ssyncset.done $0x0  }
0x143: {  	[sflag:s30] =	ssyncadd.s32 $0xFFFFFB00  }
0x144: {  	_ =	swait.ge [sflag:s30], $0x500  }
0x145: {  	[sflag:s30] =	ssyncset.done $0x0  }
0x146: {  	[sflag:s30] =	ssyncadd.s32 $0xFFFFFB00  }
0x147: {  	_ =	swait.ge [sflag:s30], $0x500  }
0x148: {  	[sflag:s30] =	ssyncset.done $0x0  }
0x149: {  	[sflag:s30] =	ssyncadd.s32 $0xFFFFFB00  }
.Ltmp7:
0x14a: {  	_ =	swait.ge [sflag:s30], $0x500;
	(pc) =	sbr.rel @p0 .LBB2_16-.Ltmp7, $4  }
0x14b: {  	[sflag:s30] =	ssyncset.done $0x0  }
0x14c: {  	[sflag:s30] =	ssyncadd.s32 $0xFFFFFB00  }
0x14d: {  	_ =	swait.ge [sflag:s30], $0x500  }
0x14e: {  	s25 =	smov.u32 s29;
	s1 =	sshra.s32 s28, $0x2;
	[sflag:s30] =	ssyncset.done $0x0  }
0x14f: {  	s25 =	sadd.s32 $0x55F0, s1;
	[sflag:s30] =	ssyncadd.s32 $0xFFFFFB00  }
0x150: {  	[spmem:s2] =	stream.indirect.scatter.add.f32 [tilespmem:s24], [sflag:$0x1], $0x10, s25, s23, $0xb8;
	[tilespmem:$0x8AF0] =	vst v63  }
0x151: {  	s26 =	sadd.s32 $0x5640, s1  }
0x152: {  	[spmem:s2] =	stream.indirect.scatter.add.f32 [tilespmem:s24], [sflag:$0x1], $0x10, s26, s23, $0xb8;
	[tilespmem:$0x8AF0] =	vst v63  }
0x153: {  	s28 =	sadd.s32 $0x5690, s1  }
0x154: {  	[spmem:s2] =	stream.indirect.scatter.add.f32 [tilespmem:s24], [sflag:$0x1], $0x10, s28, s23, $0xb8;
	[tilespmem:$0x8AF0] =	vst v63  }
0x155: {  	s29 =	sadd.s32 $0x56E0, s1  }
0x156: {  	[spmem:s2] =	stream.indirect.scatter.add.f32 [tilespmem:s24], [sflag:$0x1], $0x10, s29, s23, $0xb8;
	[tilespmem:$0x8AF0] =	vst v63  }
0x157: {  	s26 =	sadd.s32 $0x5730, s1  }
0x158: {  	[spmem:s2] =	stream.indirect.scatter.add.f32 [tilespmem:s24], [sflag:$0x1], $0x10, s26, s23, $0xb8;
	[tilespmem:$0x8AF0] =	vst v63  }
0x159: {  	_ =	swait.ge [sflag:s30], $0x500  }
0x15a: {  	[sflag:s30] =	ssyncset.done $0x0  }
0x15b: {  	[sflag:s30] =	ssyncadd.s32 $0xFFFFFB00  }
0x15c: {  	_ =	swait.ge [sflag:s30], $0x500  }
0x15d: {  	[sflag:s30] =	ssyncset.done $0x0  }
0x15e: {  	[sflag:s30] =	ssyncadd.s32 $0xFFFFFB00  }
0x15f: {  	_ =	swait.ge [sflag:s30], $0x500  }
0x160: {  	[sflag:s30] =	ssyncset.done $0x0  }
0x161: {  	[sflag:s30] =	ssyncadd.s32 $0xFFFFFB00  }
0x162: {  	_ =	swait.ge [sflag:s30], $0x500  }
0x163: {  	[sflag:s30] =	ssyncset.done $0x0  }
0x164: {  	[sflag:s30] =	ssyncadd.s32 $0xFFFFFB00  }
0x165: {  	_ =	swait.ge [sflag:s30], $0x500  }
0x166: {  	[sflag:s30] =	ssyncset.done $0x0  }
0x167: {  	[sflag:s30] =	ssyncadd.s32 $0xFFFFFB00  }
0x168: {  	_ =	swait.ge [sflag:s30], $0x500  }
0x169: {  	[sflag:s30] =	ssyncset.done $0x0  }
0x16a: {  	[sflag:s30] =	ssyncadd.s32 $0xFFFFFB00  }
0x16b: {  	_ =	swait.ge [sflag:s30], $0x500  }
0x16c: {  	[sflag:s30] =	ssyncset.done $0x0  }
0x16d: {  	[sflag:s30] =	ssyncadd.s32 $0xFFFFFB00  }
0x16e: {  	_ =	swait.ge [sflag:s30], $0x500  }
0x16f: {  	[sflag:s30] =	ssyncset.done $0x0  }
0x170: {  	[sflag:s30] =	ssyncadd.s32 $0xFFFFFB00  }
0x171: {  	_ =	swait.ge [sflag:s30], $0x500  }
0x172: {  	[sflag:s30] =	ssyncset.done $0x0  }
0x173: {  	[sflag:s30] =	ssyncadd.s32 $0xFFFFFB00  }
0x174: {  	_ =	swait.ge [sflag:s30], $0x500  }
0x175: {  	s31 =	sadd.s32 $0x1, s31;
	s28 =	sshll.u32 s0, $0x6;
	[sflag:s30] =	ssyncset.done $0x0  }
0x176: {  	p0 =	sne.s32 s31, s18;
	s1 =	sor.u32 $0x1C02, s28;
	[sflag:s30] =	ssyncadd.s32 $0xFFFFFB00  }
.Ltmp8:
0x177: {  	s29 =	sshrl.u32 s6, $0x3;
	[bflag:$0x0] =	sbarrier.arrive $0xFFFF;
	(pc) =	sbr.rel @p0 .LBB2_1-.Ltmp8, $4  }
0x178: {  	[hbm:s17], [sflag:s1] =	dma.local [spmem:s29], $0x500  }
0x179: {  	_ =	swait.ge [sflag:s20], $0x500  }
0x17a: {  	[sflag:s20] =	ssyncset.done $0x0  }
0x17b: {  	[sflag:s20] =	ssyncadd.s32 $0xFFFFFB00  }
0x17c: {  	_ =	sfence.sel $0x180000  }
0x17d: {  	[bflag:$0x0] =	sbarrier.arrive $0xFFFF  }
0x17e: {  	_ =	strace $0x90000047  }
0x17f: {  	[bflag:$0x2] =	sbarrier.arrive $0xFFFF  }
0x180: {  	p0 =	sne.s32 s0, $0x0;
	s0 =	rddreg [dreg:$0x3]  }
0x181: {  	s0 =	sadd.s32 @!p0 $0x100000, s0  }
0x182: {  	[sflag:s0] =	ssyncadd.tile.s32 @!p0 $0x1;
	_ =	shalt  }
.Lfunc_end2:
_tile_overlayer_lowered:
.L_overlay_start_2:
0x183: {  	(tag) =	ssettag $0x2  }
0x184: {  	s0 =	rddreg [dreg:$0x0];
	s2 =	stileid.u32  }
0x185: {  	s1 =	rddreg [dreg:$0x1];
	p0 =	sne.s32 s2, $0x0  }
0x186: {  	s3 =	rddreg [dreg:$0x2];
	[bflag:$0x3] =	sbarrier.arrive $0xFFFF;
	s2 =	simm.s32 @!p0 $0x1C02  }
0x187: {  	[timem:s3], [sflag:s2] =	dma.local @!p0 [hbm:s0], s1  }
0x188: {  	s0 =	simm.s32 @!p0 $0x2  }
0x189: {  	_ =	swait.ge @!p0 [sflag:s0], s1  }
0x18a: {  	s1 =	ssub.s32 @!p0 $0x0, s1;
	[sflag:s0] =	ssyncset.done @!p0 $0x0  }
0x18b: {  	[sflag:s0] =	ssyncadd.s32 @!p0 s1  }
0x18c: {  	[bflag:$0x3] =	sbarrier.arrive $0xFFFF  }
0x18d: {  	_ =	shalt  }

</sc_bundles>
